<compile_context>
chip_gen: v7x
topology: tpu7x:2x2x1
jax: 0.10.2.dev20260603
libtpu: 0.0.44.dev20260713+nightly
codegen_flags: <defaults>
</compile_context>

<pallas_src>
import functools

import jax
import jax.numpy as jnp
from jax import lax
from jax.experimental import pallas as pl
from jax.experimental.pallas import tpu as pltpu
from jax.experimental.pallas import tpu_sc as plsc

INV_SQRT_2 = 0.5 ** 0.5

_N_TILES = 16
_CHUNK = 512
_NB = _CHUNK // 128
_TRASH = 8


def _make_sc_scatter(n_edges, n_nodes, feat):
    half = n_nodes // 2
    acc_rows = -(-(half + _TRASH) // (_N_TILES * 8)) * (_N_TILES * 8)
    rows_per_tile = acc_rows // _N_TILES
    n_chunks = n_edges // _CHUNK
    iters = -(-n_chunks // _N_TILES)

    mesh = plsc.VectorSubcoreMesh(core_axis_name="c", subcore_axis_name="s")

    @functools.partial(
        pl.kernel,
        out_type=jax.ShapeDtypeStruct((2, 2, acc_rows, feat), jnp.float32),
        mesh=mesh,
        compiler_params=pltpu.CompilerParams(use_tc_tiling_on_sc=False),
        scratch_types=[
            pltpu.VMEM_SHARED((acc_rows, feat), jnp.float32),
            pltpu.VMEM((2, _CHUNK, feat), jnp.float32),
            pltpu.VMEM((2, _NB, 128), jnp.int32),
            pltpu.SemaphoreType.DMA,
            pltpu.SemaphoreType.DMA,
            pltpu.SemaphoreType.DMA,
            pltpu.SemaphoreType.DMA,
        ],
    )
    def sc_kernel(x_hbm, src_hbm, dst_hbm, zeros_hbm, out_hbm,
                  acc, rows_v, idx_v, sem0, sem1, ssem0, ssem1):
        c = lax.axis_index("c")
        t = lax.axis_index("s")
        row0 = t * rows_per_tile
        half_base = c * half
        trash = half + lax.rem(t, _TRASH)
        sems = (sem0, sem1)
        ssems = (ssem0, ssem1)

        def start_dma(g, p, role_idx_hbm):
            @pl.when(g < n_chunks)
            def _():
                pltpu.async_copy(x_hbm.at[pl.ds(g * _CHUNK, _CHUNK),
                                          pl.ds(0, feat)],
                                 rows_v.at[p], sems[p])
                pltpu.async_copy(role_idx_hbm.at[pl.ds(g * _NB, _NB)],
                                 idx_v.at[p], sems[p])

        def drain_scatters(g, p):
            @pl.when((g >= 0) & (g < n_chunks))
            def _():
                for j in range(_NB):
                    pltpu.make_async_copy(rows_v.at[p, pl.ds(j * 128, 128)],
                                          acc.at[idx_v.at[p, j]],
                                          ssems[p]).wait()

        def process(g, p):
            @pl.when(g < n_chunks)
            def _():
                pltpu.make_async_copy(x_hbm.at[pl.ds(0, _CHUNK),
                                               pl.ds(0, feat)],
                                      rows_v.at[p], sems[p]).wait()
                pltpu.make_async_copy(src_hbm.at[pl.ds(0, _NB)],
                                      idx_v.at[p], sems[p]).wait()
                for j in range(_NB):
                    for q in range(128 // 16):
                        v = idx_v[p, j, pl.ds(q * 16, 16)]
                        loc = v - half_base
                        ok = (loc >= 0) & (loc < half)
                        idx_v[p, j, pl.ds(q * 16, 16)] = jnp.where(ok, loc,
                                                                   trash)
                for j in range(_NB):
                    pltpu.async_copy(rows_v.at[p, pl.ds(j * 128, 128)],
                                     acc.at[idx_v.at[p, j]], ssems[p],
                                     add=True)

        for role, role_idx_hbm in ((0, src_hbm), (1, dst_hbm)):
            pltpu.sync_copy(zeros_hbm, acc.at[pl.ds(row0, rows_per_tile)])
            plsc.subcore_barrier()

            start_dma(t, 0, role_idx_hbm)

            def chunk_pair(i2, _):
                for p in (0, 1):
                    i = 2 * i2 + p
                    g = t + _N_TILES * i
                    drain_scatters(g - _N_TILES, 1 - p)
                    start_dma(g + _N_TILES, 1 - p, role_idx_hbm)
                    process(g, p)

            lax.fori_loop(0, (iters + 1) // 2, chunk_pair, None)
            g_last = t + _N_TILES * (iters - 1)
            drain_scatters(g_last, (iters - 1) % 2)
            plsc.subcore_barrier()
            pltpu.sync_copy(acc.at[pl.ds(row0, rows_per_tile)],
                            out_hbm.at[role, c, pl.ds(row0, rows_per_tile)])

    return sc_kernel


def _tc_transpose(x48, n_edges, feat):
    blk_e = 6400
    grid = (n_edges // blk_e,)
    eye_pad = jnp.eye(feat, 128, dtype=jnp.float32)

    def body(x_ref, eye_ref, o_ref):
        o_ref[...] = lax.dot_general(x_ref[...], eye_ref[...],
                                     (((0,), (0,)), ((), ())),
                                     preferred_element_type=jnp.float32)

    return pl.pallas_call(
        body,
        grid=grid,
        in_specs=[pl.BlockSpec((feat, blk_e), lambda i: (0, i)),
                  pl.BlockSpec((feat, 128), lambda i: (0, 0))],
        out_specs=pl.BlockSpec((blk_e, 128), lambda i: (i, 0)),
        out_shape=jax.ShapeDtypeStruct((n_edges, 128), jnp.float32),
    )(x48, eye_pad)


def _tc_transform(acc, k_src, k_dst, coeff, n_nodes):
    blk = 1000
    per_half = (n_nodes // 2) // blk
    grid = (n_nodes // blk,)

    def body(acc_ref, ks_ref, kd_ref, co_ref, out_ref):
        a = acc_ref[...]
        res = jnp.dot(a[0, 0], ks_ref[...],
                      preferred_element_type=jnp.float32)
        res += jnp.dot(a[1, 0], kd_ref[...],
                       preferred_element_type=jnp.float32)
        out_ref[...] = res * co_ref[...]

    return pl.pallas_call(
        body,
        grid=grid,
        in_specs=[
            pl.BlockSpec((2, 1, blk, 48),
                         lambda i: (0, i // per_half, i % per_half, 0)),
            pl.BlockSpec((48, 48), lambda i: (0, 0)),
            pl.BlockSpec((48, 48), lambda i: (0, 0)),
            pl.BlockSpec((blk, 1), lambda i: (i, 0)),
        ],
        out_specs=pl.BlockSpec((blk, 48), lambda i: (i, 0)),
        out_shape=jax.ShapeDtypeStruct((n_nodes, 48), jnp.float32),
    )(acc, k_src, k_dst, coeff)


def kernel(x, src, dst, norm_coeff, n_nodes, W_src, W_dst):
    batch, n_edges, dim_in, dim_k = x.shape
    n_nodes_static = norm_coeff.shape[0]
    feat_total = dim_in * dim_k

    x48 = jnp.transpose(x, (0, 3, 2, 1)).reshape(feat_total, n_edges)
    x2d = _tc_transpose(x48, n_edges, feat_total)
    src2d = src.reshape(n_edges // 128, 128)
    dst2d = dst.reshape(n_edges // 128, 128)

    half = n_nodes_static // 2
    rows_per_tile = (-(-(half + _TRASH) // (_N_TILES * 8)) * (_N_TILES * 8)
                     // _N_TILES)

    sc = _make_sc_scatter(n_edges, n_nodes_static, feat_total)
    acc = sc(x2d, src2d, dst2d,
             jnp.zeros((rows_per_tile, feat_total), jnp.float32))

    eye3 = jnp.eye(dim_k, dtype=x.dtype)
    k_src = jnp.einsum('oi,kc->kioc', W_src, eye3).reshape(feat_total,
                                                           feat_total)
    k_dst = jnp.einsum('oi,kc->kioc', W_dst, eye3).reshape(feat_total,
                                                           feat_total)
    scale = jnp.asarray(n_nodes, jnp.float32) / jnp.float32(n_nodes_static)
    coeff = (norm_coeff * (INV_SQRT_2 * scale)).reshape(n_nodes_static, 1)

    out48 = _tc_transform(acc, k_src, k_dst, coeff, n_nodes_static)
    return out48.reshape(batch, n_nodes_static, dim_in, dim_k)

# --- scband reference (transcript-rebuilt; emitter-appended) ---
"""Pipeline reference for scband-vec-edges-write-22651657519349 (READ-ONLY COPY).

The authoritative reference and input builder live on the scoring server;
editing this copy changes nothing except your own understanding.
"""

import jax, jax.numpy as jnp
import numpy as np

BATCH = 1
N_NODES = 50000
N_EDGES = 1600000
DIM_IN = 16
DIM_OUT = 16
INV_SQRT_2 = 0.5 ** 0.5


def setup_inputs(seed: int = 0) -> dict:
    key = jax.random.key(seed)
    k1, k2, k3, k4, k5, k6 = jax.random.split(key, 6)
    x = jax.random.normal(k1, (BATCH, N_EDGES, DIM_IN, 3), dtype=jnp.float32)
    src = jax.random.randint(k2, (N_EDGES,), 0, N_NODES, dtype=jnp.int32)
    dst = jax.random.randint(k3, (N_EDGES,), 0, N_NODES, dtype=jnp.int32)
    norm_coeff = jax.random.uniform(k4, (N_NODES,), dtype=jnp.float32)
    # learned parameters (VecLinear weights), per init_kwargs dim_in=16, dim_out=16
    W_src = jax.random.normal(k5, (DIM_OUT, DIM_IN), dtype=jnp.float32)
    W_dst = jax.random.normal(k6, (DIM_OUT, DIM_IN), dtype=jnp.float32)
    return {
        "x": x,
        "src": src,
        "dst": dst,
        "norm_coeff": norm_coeff,
        "n_nodes": N_NODES,
        "W_src": W_src,
        "W_dst": W_dst,
    }


def reference(x, src, dst, norm_coeff, n_nodes, W_src, W_dst):
    # VecLinear: einsum('oi, ...ik -> ...ok', W, v)
    vs = jnp.einsum('oi,beik->beok', W_src, x)
    vd = jnp.einsum('oi,beik->beok', W_dst, x)
    batch = x.shape[0]
    dim_out = W_src.shape[0]
    n_nodes_static = norm_coeff.shape[0]
    out = jnp.zeros((batch, n_nodes_static, dim_out, 3), dtype=x.dtype)
    # scatter-add edges into nodes along dim=1
    out = out.at[:, src].add(vs)
    out = out.at[:, dst].add(vd)
    scale = jnp.asarray(n_nodes, dtype=x.dtype) / n_nodes_static
    # ans * INV_SQRT_2 * norm_coeff[:, None, None]
    return out * (INV_SQRT_2 * scale) * norm_coeff[:, None, None]

if __name__ == "__main__":
    import jax
    _d = setup_inputs()
    print(jax.jit(kernel)(*tuple(_d.values())))

</pallas_src>

<mosaic_0001>
#map = affine_map<(d0, d1) -> (0, 0)>
#map1 = affine_map<(d0, d1) -> (0, 0, 0, 0)>
module attributes {stable_mosaic.version = 14 : i64} {
  func.func @sc_kernel(%arg0: i32, %arg1: i32, %arg2: memref<1600000x128xf32, #tpu.memory_space<hbm>>, %arg3: memref<12500x128xi32, #tpu.memory_space<hbm>>, %arg4: memref<12500x128xi32, #tpu.memory_space<hbm>>, %arg5: memref<1568x48xf32, #tpu.memory_space<hbm>>, %arg6: memref<2x2x25088x48xf32, #tpu.memory_space<hbm>>, %arg7: memref<25088x48xf32, #tpu.memory_space<vmem_shared>>, %arg8: memref<2x512x48xf32, #tpu.memory_space<vmem>>, %arg9: memref<2x4x128xi32, #tpu.memory_space<vmem>>, %arg10: memref<!tpu.dma_semaphore, #tpu.memory_space<semaphore_mem>>, %arg11: memref<!tpu.dma_semaphore, #tpu.memory_space<semaphore_mem>>, %arg12: memref<!tpu.dma_semaphore, #tpu.memory_space<semaphore_mem>>, %arg13: memref<!tpu.dma_semaphore, #tpu.memory_space<semaphore_mem>>) attributes {dimension_semantics = [#tpu.dimension_semantics<core_parallel>, #tpu.dimension_semantics<subcore_parallel>], iteration_bounds = array<i64: 2, 16>, scalar_prefetch = 0 : i64, scratch_operands = 7 : i64, tpu.core_type = #tpu.core_type<sc_vector_subcore>, window_params = [{transform_indices = #map}, {transform_indices = #map}, {transform_indices = #map}, {transform_indices = #map}, {transform_indices = #map1}]} {
    %mul3A = arith.constant 1568 : i32
    %mul3A_0 = arith.muli %arg1, %mul3A : i32
    %mul3A_1 = arith.constant 25000 : i32
    %mul3A_2 = arith.muli %arg0, %mul3A_1 : i32
    %rem3A = arith.constant 8 : i32
    %rem3A_3 = arith.remsi %arg1, %rem3A : i32
    %add3A = arith.constant 25000 : i32
    %add3A_4 = arith.addi %add3A, %rem3A_3 : i32
    "tpu.region"() ({
      %run_scoped3A_43 = tpu.sem_alloc : memref<!tpu.dma_semaphore, #tpu.memory_space<semaphore_mem>>
      %dma_start3A = arith.constant 0 : i32
      %dma_start3A_44 = tpu.memref_slice %arg7[%mul3A_0, %dma_start3A] : memref<25088x48xf32, #tpu.memory_space<vmem_shared>> -> memref<1568x48xf32, #tpu.memory_space<vmem_shared>>
      tpu.enqueue_dma source(%arg5 : memref<1568x48xf32, #tpu.memory_space<hbm>>) target(%dma_start3A_44 : memref<1568x48xf32, #tpu.memory_space<vmem_shared>>) target_semaphore(%run_scoped3A_43 : memref<!tpu.dma_semaphore, #tpu.memory_space<semaphore_mem>>)
      %dma_wait3A = arith.constant 0 : i32
      %dma_wait3A_45 = tpu.memref_slice %arg7[%mul3A_0, %dma_wait3A] : memref<25088x48xf32, #tpu.memory_space<vmem_shared>> -> memref<1568x48xf32, #tpu.memory_space<vmem_shared>>
      tpu.wait_dma2 semaphore(%run_scoped3A_43 : memref<!tpu.dma_semaphore, #tpu.memory_space<semaphore_mem>>) src(%arg5 : memref<1568x48xf32, #tpu.memory_space<hbm>>) dst(%dma_wait3A_45 : memref<1568x48xf32, #tpu.memory_space<vmem_shared>>)
      tpu.yield
    }) : () -> ()
    %barrier3A = arith.constant 0 : index
    tpu.barrier barrier_id(%barrier3A)
    %lt3A = arith.constant 3125 : i32
    %lt3A_5 = arith.cmpi slt, %arg1, %lt3A : i32
    %convert_element_type3A = arith.extui %lt3A_5 : i1 to i32
    %cond3A = arith.constant 0 : i32
    %cond3A_6 = arith.cmpi ne, %convert_element_type3A, %cond3A : i32
    scf.if %cond3A_6 {
      %mul3A_43 = arith.constant 512 : i32
      %mul3A_44 = arith.muli %arg1, %mul3A_43 : i32
      %dma_start3A = arith.constant 0 : i32
      %dma_start3A_45 = arith.constant 0 : i32
      %dma_start3A_46 = arith.constant 0 : i32
      %dma_start3A_47 = tpu.memref_slice %arg8[%dma_start3A, %dma_start3A_45, %dma_start3A_46] : memref<2x512x48xf32, #tpu.memory_space<vmem>> -> memref<1x512x48xf32, #tpu.memory_space<vmem>>
      %dma_start3A_48 = tpu.memref_squeeze %dma_start3A_47 : memref<1x512x48xf32, #tpu.memory_space<vmem>> -> memref<512x48xf32, #tpu.memory_space<vmem>>
      %dma_start3A_49 = arith.constant 0 : i32
      %dma_start3A_50 = tpu.memref_slice %arg2[%mul3A_44, %dma_start3A_49] : memref<1600000x128xf32, #tpu.memory_space<hbm>> -> memref<512x48xf32, #tpu.memory_space<hbm>>
      %dma_start3A_51 = arith.constant 0 : i32
      %dma_start3A_52 = arith.constant 0 : i32
      %dma_start3A_53 = tpu.memref_slice %arg8[%dma_start3A, %dma_start3A_51, %dma_start3A_52] : memref<2x512x48xf32, #tpu.memory_space<vmem>> -> memref<1x512x48xf32, #tpu.memory_space<vmem>>
      %dma_start3A_54 = tpu.memref_squeeze %dma_start3A_53 : memref<1x512x48xf32, #tpu.memory_space<vmem>> -> memref<512x48xf32, #tpu.memory_space<vmem>>
      %dma_start3A_55 = arith.constant 0 : i32
      %dma_start3A_56 = tpu.memref_slice %arg2[%mul3A_44, %dma_start3A_55] : memref<1600000x128xf32, #tpu.memory_space<hbm>> -> memref<512x48xf32, #tpu.memory_space<hbm>>
      tpu.enqueue_dma source(%dma_start3A_56 : memref<512x48xf32, #tpu.memory_space<hbm>>) target(%dma_start3A_54 : memref<512x48xf32, #tpu.memory_space<vmem>>) target_semaphore(%arg10 : memref<!tpu.dma_semaphore, #tpu.memory_space<semaphore_mem>>)
      %mul3A_57 = arith.constant 4 : i32
      %mul3A_58 = arith.muli %arg1, %mul3A_57 : i32
      %dma_start3A_59 = arith.constant 0 : i32
      %dma_start3A_60 = arith.constant 0 : i32
      %dma_start3A_61 = arith.constant 0 : i32
      %dma_start3A_62 = tpu.memref_slice %arg9[%dma_start3A_59, %dma_start3A_60, %dma_start3A_61] : memref<2x4x128xi32, #tpu.memory_space<vmem>> -> memref<1x4x128xi32, #tpu.memory_space<vmem>>
      %dma_start3A_63 = tpu.memref_squeeze %dma_start3A_62 : memref<1x4x128xi32, #tpu.memory_space<vmem>> -> memref<4x128xi32, #tpu.memory_space<vmem>>
      %dma_start3A_64 = arith.constant 0 : i32
      %dma_start3A_65 = tpu.memref_slice %arg3[%mul3A_58, %dma_start3A_64] : memref<12500x128xi32, #tpu.memory_space<hbm>> -> memref<4x128xi32, #tpu.memory_space<hbm>>
      %dma_start3A_66 = arith.constant 0 : i32
      %dma_start3A_67 = arith.constant 0 : i32
      %dma_start3A_68 = tpu.memref_slice %arg9[%dma_start3A_59, %dma_start3A_66, %dma_start3A_67] : memref<2x4x128xi32, #tpu.memory_space<vmem>> -> memref<1x4x128xi32, #tpu.memory_space<vmem>>
      %dma_start3A_69 = tpu.memref_squeeze %dma_start3A_68 : memref<1x4x128xi32, #tpu.memory_space<vmem>> -> memref<4x128xi32, #tpu.memory_space<vmem>>
      %dma_start3A_70 = arith.constant 0 : i32
      %dma_start3A_71 = tpu.memref_slice %arg3[%mul3A_58, %dma_start3A_70] : memref<12500x128xi32, #tpu.memory_space<hbm>> -> memref<4x128xi32, #tpu.memory_space<hbm>>
      tpu.enqueue_dma source(%dma_start3A_71 : memref<4x128xi32, #tpu.memory_space<hbm>>) target(%dma_start3A_69 : memref<4x128xi32, #tpu.memory_space<vmem>>) target_semaphore(%arg10 : memref<!tpu.dma_semaphore, #tpu.memory_space<semaphore_mem>>)
    } else {
    }
    %scan3A = arith.constant 0 : i32
    %scan3A_7 = arith.constant 98 : i32
    %scan3A_8 = arith.addi %scan3A, %scan3A_7 : i32
    %scan3A_9 = arith.constant 1 : i32
    scf.for %scan3A_43 = %scan3A to %scan3A_8 step %scan3A_9  : i32 {
      %mul3A_44 = arith.constant 2 : i32
      %mul3A_45 = arith.muli %mul3A_44, %scan3A_43 : i32
      %add3A_46 = arith.constant 0 : i32
      %add3A_47 = arith.addi %mul3A_45, %add3A_46 : i32
      %mul3A_48 = arith.constant 16 : i32
      %mul3A_49 = arith.muli %mul3A_48, %add3A_47 : i32
      %add3A_50 = arith.addi %arg1, %mul3A_49 : i32
      %sub3A = arith.constant 16 : i32
      %sub3A_51 = arith.subi %add3A_50, %sub3A : i32
      %ge3A_52 = arith.constant 0 : i32
      %ge3A_53 = arith.cmpi sge, %sub3A_51, %ge3A_52 : i32
      %lt3A_54 = arith.constant 3125 : i32
      %lt3A_55 = arith.cmpi slt, %sub3A_51, %lt3A_54 : i32
      %and3A_56 = arith.andi %ge3A_53, %lt3A_55 : i1
      %convert_element_type3A_57 = arith.extui %and3A_56 : i1 to i32
      %cond3A_58 = arith.constant 0 : i32
      %cond3A_59 = arith.cmpi ne, %convert_element_type3A_57, %cond3A_58 : i32
      scf.if %cond3A_59 {
        %dma_wait3A = arith.constant 1 : i32
        %dma_wait3A_101 = arith.constant 1 : i32
        %dma_wait3A_102 = arith.constant 0 : i32
        %dma_wait3A_103 = arith.constant 0 : i32
        %dma_wait3A_104 = arith.constant 0 : i32
        %dma_wait3A_105 = tpu.memref_slice %arg8[%dma_wait3A, %dma_wait3A_103, %dma_wait3A_104] : memref<2x512x48xf32, #tpu.memory_space<vmem>> -> memref<1x128x48xf32, #tpu.memory_space<vmem>>
        %dma_wait3A_106 = tpu.memref_squeeze %dma_wait3A_105 : memref<1x128x48xf32, #tpu.memory_space<vmem>> -> memref<128x48xf32, #tpu.memory_space<vmem>>
        %dma_wait3A_107 = arith.constant 0 : i32
        %dma_wait3A_108 = tpu.memref_slice %arg9[%dma_wait3A_101, %dma_wait3A_102, %dma_wait3A_107] : memref<2x4x128xi32, #tpu.memory_space<vmem>> -> memref<1x1x128xi32, #tpu.memory_space<vmem>>
        %dma_wait3A_109 = tpu.memref_squeeze %dma_wait3A_108 : memref<1x1x128xi32, #tpu.memory_space<vmem>> -> memref<128xi32, #tpu.memory_space<vmem>>
        %dma_wait3A_110 = arith.constant 0 : i32
        %dma_wait3A_111 = arith.constant 0 : i32
        %dma_wait3A_112 = tpu.memref_slice %arg7[%dma_wait3A_110, %dma_wait3A_111] : memref<25088x48xf32, #tpu.memory_space<vmem_shared>> -> memref<25088x48xf32, #tpu.memory_space<vmem_shared>>
        tpu.wait_indirect_dma semaphore(%arg13 : memref<!tpu.dma_semaphore, #tpu.memory_space<semaphore_mem>>) src(%dma_wait3A_106 : memref<128x48xf32, #tpu.memory_space<vmem>>) dst(%dma_wait3A_112 : memref<25088x48xf32, #tpu.memory_space<vmem_shared>>)
        %dma_wait3A_113 = arith.constant 1 : i32
        %dma_wait3A_114 = arith.constant 1 : i32
        %dma_wait3A_115 = arith.constant 1 : i32
        %dma_wait3A_116 = arith.constant 128 : i32
        %dma_wait3A_117 = arith.constant 0 : i32
        %dma_wait3A_118 = tpu.memref_slice %arg8[%dma_wait3A_113, %dma_wait3A_116, %dma_wait3A_117] : memref<2x512x48xf32, #tpu.memory_space<vmem>> -> memref<1x128x48xf32, #tpu.memory_space<vmem>>
        %dma_wait3A_119 = tpu.memref_squeeze %dma_wait3A_118 : memref<1x128x48xf32, #tpu.memory_space<vmem>> -> memref<128x48xf32, #tpu.memory_space<vmem>>
        %dma_wait3A_120 = arith.constant 0 : i32
        %dma_wait3A_121 = tpu.memref_slice %arg9[%dma_wait3A_114, %dma_wait3A_115, %dma_wait3A_120] : memref<2x4x128xi32, #tpu.memory_space<vmem>> -> memref<1x1x128xi32, #tpu.memory_space<vmem>>
        %dma_wait3A_122 = tpu.memref_squeeze %dma_wait3A_121 : memref<1x1x128xi32, #tpu.memory_space<vmem>> -> memref<128xi32, #tpu.memory_space<vmem>>
        %dma_wait3A_123 = arith.constant 0 : i32
        %dma_wait3A_124 = arith.constant 0 : i32
        %dma_wait3A_125 = tpu.memref_slice %arg7[%dma_wait3A_123, %dma_wait3A_124] : memref<25088x48xf32, #tpu.memory_space<vmem_shared>> -> memref<25088x48xf32, #tpu.memory_space<vmem_shared>>
        tpu.wait_indirect_dma semaphore(%arg13 : memref<!tpu.dma_semaphore, #tpu.memory_space<semaphore_mem>>) src(%dma_wait3A_119 : memref<128x48xf32, #tpu.memory_space<vmem>>) dst(%dma_wait3A_125 : memref<25088x48xf32, #tpu.memory_space<vmem_shared>>)
        %dma_wait3A_126 = arith.constant 1 : i32
        %dma_wait3A_127 = arith.constant 1 : i32
        %dma_wait3A_128 = arith.constant 2 : i32
        %dma_wait3A_129 = arith.constant 256 : i32
        %dma_wait3A_130 = arith.constant 0 : i32
        %dma_wait3A_131 = tpu.memref_slice %arg8[%dma_wait3A_126, %dma_wait3A_129, %dma_wait3A_130] : memref<2x512x48xf32, #tpu.memory_space<vmem>> -> memref<1x128x48xf32, #tpu.memory_space<vmem>>
        %dma_wait3A_132 = tpu.memref_squeeze %dma_wait3A_131 : memref<1x128x48xf32, #tpu.memory_space<vmem>> -> memref<128x48xf32, #tpu.memory_space<vmem>>
        %dma_wait3A_133 = arith.constant 0 : i32
        %dma_wait3A_134 = tpu.memref_slice %arg9[%dma_wait3A_127, %dma_wait3A_128, %dma_wait3A_133] : memref<2x4x128xi32, #tpu.memory_space<vmem>> -> memref<1x1x128xi32, #tpu.memory_space<vmem>>
        %dma_wait3A_135 = tpu.memref_squeeze %dma_wait3A_134 : memref<1x1x128xi32, #tpu.memory_space<vmem>> -> memref<128xi32, #tpu.memory_space<vmem>>
        %dma_wait3A_136 = arith.constant 0 : i32
        %dma_wait3A_137 = arith.constant 0 : i32
        %dma_wait3A_138 = tpu.memref_slice %arg7[%dma_wait3A_136, %dma_wait3A_137] : memref<25088x48xf32, #tpu.memory_space<vmem_shared>> -> memref<25088x48xf32, #tpu.memory_space<vmem_shared>>
        tpu.wait_indirect_dma semaphore(%arg13 : memref<!tpu.dma_semaphore, #tpu.memory_space<semaphore_mem>>) src(%dma_wait3A_132 : memref<128x48xf32, #tpu.memory_space<vmem>>) dst(%dma_wait3A_138 : memref<25088x48xf32, #tpu.memory_space<vmem_shared>>)
        %dma_wait3A_139 = arith.constant 1 : i32
        %dma_wait3A_140 = arith.constant 1 : i32
        %dma_wait3A_141 = arith.constant 3 : i32
        %dma_wait3A_142 = arith.constant 384 : i32
        %dma_wait3A_143 = arith.constant 0 : i32
        %dma_wait3A_144 = tpu.memref_slice %arg8[%dma_wait3A_139, %dma_wait3A_142, %dma_wait3A_143] : memref<2x512x48xf32, #tpu.memory_space<vmem>> -> memref<1x128x48xf32, #tpu.memory_space<vmem>>
        %dma_wait3A_145 = tpu.memref_squeeze %dma_wait3A_144 : memref<1x128x48xf32, #tpu.memory_space<vmem>> -> memref<128x48xf32, #tpu.memory_space<vmem>>
        %dma_wait3A_146 = arith.constant 0 : i32
        %dma_wait3A_147 = tpu.memref_slice %arg9[%dma_wait3A_140, %dma_wait3A_141, %dma_wait3A_146] : memref<2x4x128xi32, #tpu.memory_space<vmem>> -> memref<1x1x128xi32, #tpu.memory_space<vmem>>
        %dma_wait3A_148 = tpu.memref_squeeze %dma_wait3A_147 : memref<1x1x128xi32, #tpu.memory_space<vmem>> -> memref<128xi32, #tpu.memory_space<vmem>>
        %dma_wait3A_149 = arith.constant 0 : i32
        %dma_wait3A_150 = arith.constant 0 : i32
        %dma_wait3A_151 = tpu.memref_slice %arg7[%dma_wait3A_149, %dma_wait3A_150] : memref<25088x48xf32, #tpu.memory_space<vmem_shared>> -> memref<25088x48xf32, #tpu.memory_space<vmem_shared>>
        tpu.wait_indirect_dma semaphore(%arg13 : memref<!tpu.dma_semaphore, #tpu.memory_space<semaphore_mem>>) src(%dma_wait3A_145 : memref<128x48xf32, #tpu.memory_space<vmem>>) dst(%dma_wait3A_151 : memref<25088x48xf32, #tpu.memory_space<vmem_shared>>)
      } else {
      }
      %add3A_60 = arith.constant 16 : i32
      %add3A_61 = arith.addi %add3A_50, %add3A_60 : i32
      %lt3A_62 = arith.constant 3125 : i32
      %lt3A_63 = arith.cmpi slt, %add3A_61, %lt3A_62 : i32
      %convert_element_type3A_64 = arith.extui %lt3A_63 : i1 to i32
      %cond3A_65 = arith.constant 0 : i32
      %cond3A_66 = arith.cmpi ne, %convert_element_type3A_64, %cond3A_65 : i32
      scf.if %cond3A_66 {
        %mul3A_101 = arith.constant 512 : i32
        %mul3A_102 = arith.muli %add3A_61, %mul3A_101 : i32
        %dma_start3A = arith.constant 1 : i32
        %dma_start3A_103 = arith.constant 0 : i32
        %dma_start3A_104 = arith.constant 0 : i32
        %dma_start3A_105 = tpu.memref_slice %arg8[%dma_start3A, %dma_start3A_103, %dma_start3A_104] : memref<2x512x48xf32, #tpu.memory_space<vmem>> -> memref<1x512x48xf32, #tpu.memory_space<vmem>>
        %dma_start3A_106 = tpu.memref_squeeze %dma_start3A_105 : memref<1x512x48xf32, #tpu.memory_space<vmem>> -> memref<512x48xf32, #tpu.memory_space<vmem>>
        %dma_start3A_107 = arith.constant 0 : i32
        %dma_start3A_108 = tpu.memref_slice %arg2[%mul3A_102, %dma_start3A_107] : memref<1600000x128xf32, #tpu.memory_space<hbm>> -> memref<512x48xf32, #tpu.memory_space<hbm>>
        %dma_start3A_109 = arith.constant 0 : i32
        %dma_start3A_110 = arith.constant 0 : i32
        %dma_start3A_111 = tpu.memref_slice %arg8[%dma_start3A, %dma_start3A_109, %dma_start3A_110] : memref<2x512x48xf32, #tpu.memory_space<vmem>> -> memref<1x512x48xf32, #tpu.memory_space<vmem>>
        %dma_start3A_112 = tpu.memref_squeeze %dma_start3A_111 : memref<1x512x48xf32, #tpu.memory_space<vmem>> -> memref<512x48xf32, #tpu.memory_space<vmem>>
        %dma_start3A_113 = arith.constant 0 : i32
        %dma_start3A_114 = tpu.memref_slice %arg2[%mul3A_102, %dma_start3A_113] : memref<1600000x128xf32, #tpu.memory_space<hbm>> -> memref<512x48xf32, #tpu.memory_space<hbm>>
        tpu.enqueue_dma source(%dma_start3A_114 : memref<512x48xf32, #tpu.memory_space<hbm>>) target(%dma_start3A_112 : memref<512x48xf32, #tpu.memory_space<vmem>>) target_semaphore(%arg11 : memref<!tpu.dma_semaphore, #tpu.memory_space<semaphore_mem>>)
        %mul3A_115 = arith.constant 4 : i32
        %mul3A_116 = arith.muli %add3A_61, %mul3A_115 : i32
        %dma_start3A_117 = arith.constant 1 : i32
        %dma_start3A_118 = arith.constant 0 : i32
        %dma_start3A_119 = arith.constant 0 : i32
        %dma_start3A_120 = tpu.memref_slice %arg9[%dma_start3A_117, %dma_start3A_118, %dma_start3A_119] : memref<2x4x128xi32, #tpu.memory_space<vmem>> -> memref<1x4x128xi32, #tpu.memory_space<vmem>>
        %dma_start3A_121 = tpu.memref_squeeze %dma_start3A_120 : memref<1x4x128xi32, #tpu.memory_space<vmem>> -> memref<4x128xi32, #tpu.memory_space<vmem>>
        %dma_start3A_122 = arith.constant 0 : i32
        %dma_start3A_123 = tpu.memref_slice %arg3[%mul3A_116, %dma_start3A_122] : memref<12500x128xi32, #tpu.memory_space<hbm>> -> memref<4x128xi32, #tpu.memory_space<hbm>>
        %dma_start3A_124 = arith.constant 0 : i32
        %dma_start3A_125 = arith.constant 0 : i32
        %dma_start3A_126 = tpu.memref_slice %arg9[%dma_start3A_117, %dma_start3A_124, %dma_start3A_125] : memref<2x4x128xi32, #tpu.memory_space<vmem>> -> memref<1x4x128xi32, #tpu.memory_space<vmem>>
        %dma_start3A_127 = tpu.memref_squeeze %dma_start3A_126 : memref<1x4x128xi32, #tpu.memory_space<vmem>> -> memref<4x128xi32, #tpu.memory_space<vmem>>
        %dma_start3A_128 = arith.constant 0 : i32
        %dma_start3A_129 = tpu.memref_slice %arg3[%mul3A_116, %dma_start3A_128] : memref<12500x128xi32, #tpu.memory_space<hbm>> -> memref<4x128xi32, #tpu.memory_space<hbm>>
        tpu.enqueue_dma source(%dma_start3A_129 : memref<4x128xi32, #tpu.memory_space<hbm>>) target(%dma_start3A_127 : memref<4x128xi32, #tpu.memory_space<vmem>>) target_semaphore(%arg11 : memref<!tpu.dma_semaphore, #tpu.memory_space<semaphore_mem>>)
      } else {
      }
      %lt3A_67 = arith.constant 3125 : i32
      %lt3A_68 = arith.cmpi slt, %add3A_50, %lt3A_67 : i32
      %convert_element_type3A_69 = arith.extui %lt3A_68 : i1 to i32
      %cond3A_70 = arith.constant 0 : i32
      %cond3A_71 = arith.cmpi ne, %convert_element_type3A_69, %cond3A_70 : i32
      scf.if %cond3A_71 {
        %dma_wait3A = arith.constant 0 : i32
        %dma_wait3A_101 = arith.constant 0 : i32
        %dma_wait3A_102 = arith.constant 0 : i32
        %dma_wait3A_103 = tpu.memref_slice %arg8[%dma_wait3A, %dma_wait3A_101, %dma_wait3A_102] : memref<2x512x48xf32, #tpu.memory_space<vmem>> -> memref<1x512x48xf32, #tpu.memory_space<vmem>>
        %dma_wait3A_104 = tpu.memref_squeeze %dma_wait3A_103 : memref<1x512x48xf32, #tpu.memory_space<vmem>> -> memref<512x48xf32, #tpu.memory_space<vmem>>
        %dma_wait3A_105 = arith.constant 0 : i32
        %dma_wait3A_106 = arith.constant 0 : i32
        %dma_wait3A_107 = tpu.memref_slice %arg2[%dma_wait3A_105, %dma_wait3A_106] : memref<1600000x128xf32, #tpu.memory_space<hbm>> -> memref<512x48xf32, #tpu.memory_space<hbm>>
        %dma_wait3A_108 = arith.constant 0 : i32
        %dma_wait3A_109 = arith.constant 0 : i32
        %dma_wait3A_110 = tpu.memref_slice %arg8[%dma_wait3A, %dma_wait3A_108, %dma_wait3A_109] : memref<2x512x48xf32, #tpu.memory_space<vmem>> -> memref<1x512x48xf32, #tpu.memory_space<vmem>>
        %dma_wait3A_111 = tpu.memref_squeeze %dma_wait3A_110 : memref<1x512x48xf32, #tpu.memory_space<vmem>> -> memref<512x48xf32, #tpu.memory_space<vmem>>
        %dma_wait3A_112 = arith.constant 0 : i32
        %dma_wait3A_113 = arith.constant 0 : i32
        %dma_wait3A_114 = tpu.memref_slice %arg2[%dma_wait3A_112, %dma_wait3A_113] : memref<1600000x128xf32, #tpu.memory_space<hbm>> -> memref<512x48xf32, #tpu.memory_space<hbm>>
        tpu.wait_dma2 semaphore(%arg10 : memref<!tpu.dma_semaphore, #tpu.memory_space<semaphore_mem>>) src(%dma_wait3A_114 : memref<512x48xf32, #tpu.memory_space<hbm>>) dst(%dma_wait3A_111 : memref<512x48xf32, #tpu.memory_space<vmem>>)
        %dma_wait3A_115 = arith.constant 0 : i32
        %dma_wait3A_116 = arith.constant 0 : i32
        %dma_wait3A_117 = arith.constant 0 : i32
        %dma_wait3A_118 = tpu.memref_slice %arg9[%dma_wait3A_115, %dma_wait3A_116, %dma_wait3A_117] : memref<2x4x128xi32, #tpu.memory_space<vmem>> -> memref<1x4x128xi32, #tpu.memory_space<vmem>>
        %dma_wait3A_119 = tpu.memref_squeeze %dma_wait3A_118 : memref<1x4x128xi32, #tpu.memory_space<vmem>> -> memref<4x128xi32, #tpu.memory_space<vmem>>
        %dma_wait3A_120 = arith.constant 0 : i32
        %dma_wait3A_121 = arith.constant 0 : i32
        %dma_wait3A_122 = tpu.memref_slice %arg3[%dma_wait3A_120, %dma_wait3A_121] : memref<12500x128xi32, #tpu.memory_space<hbm>> -> memref<4x128xi32, #tpu.memory_space<hbm>>
        %dma_wait3A_123 = arith.constant 0 : i32
        %dma_wait3A_124 = arith.constant 0 : i32
        %dma_wait3A_125 = tpu.memref_slice %arg9[%dma_wait3A_115, %dma_wait3A_123, %dma_wait3A_124] : memref<2x4x128xi32, #tpu.memory_space<vmem>> -> memref<1x4x128xi32, #tpu.memory_space<vmem>>
        %dma_wait3A_126 = tpu.memref_squeeze %dma_wait3A_125 : memref<1x4x128xi32, #tpu.memory_space<vmem>> -> memref<4x128xi32, #tpu.memory_space<vmem>>
        %dma_wait3A_127 = arith.constant 0 : i32
        %dma_wait3A_128 = arith.constant 0 : i32
        %dma_wait3A_129 = tpu.memref_slice %arg3[%dma_wait3A_127, %dma_wait3A_128] : memref<12500x128xi32, #tpu.memory_space<hbm>> -> memref<4x128xi32, #tpu.memory_space<hbm>>
        tpu.wait_dma2 semaphore(%arg10 : memref<!tpu.dma_semaphore, #tpu.memory_space<semaphore_mem>>) src(%dma_wait3A_129 : memref<4x128xi32, #tpu.memory_space<hbm>>) dst(%dma_wait3A_126 : memref<4x128xi32, #tpu.memory_space<vmem>>)
        %get3A = arith.constant 0 : i32
        %get3A_130 = arith.constant 0 : i32
        %get3A_131 = arith.index_cast %get3A : i32 to index
        %get3A_132 = arith.index_cast %get3A_130 : i32 to index
        %get3A_133 = arith.constant 0 : index
        %get3A_134 = tpu.vector_load %arg9[%get3A_131, %get3A_132, %get3A_133] {strides = array<i32>} : memref<2x4x128xi32, #tpu.memory_space<vmem>>, vector<1x1x16xi32>,
        %get3A_135 = vector.shape_cast %get3A_134 : vector<1x1x16xi32> to vector<16xi32>
        %sub3A_136 = vector.broadcast %mul3A_2 : i32 to vector<16xi32>
        %sub3A_137 = arith.subi %get3A_135, %sub3A_136 : vector<16xi32>
        %ge3A_138 = arith.constant 0 : i32
        %ge3A_139 = vector.broadcast %ge3A_138 : i32 to vector<16xi32>
        %ge3A_140 = arith.cmpi sge, %sub3A_137, %ge3A_139 : vector<16xi32>
        %lt3A_141 = arith.constant 25000 : i32
        %lt3A_142 = vector.broadcast %lt3A_141 : i32 to vector<16xi32>
        %lt3A_143 = arith.cmpi slt, %sub3A_137, %lt3A_142 : vector<16xi32>
        %and3A_144 = arith.andi %ge3A_140, %lt3A_143 : vector<16xi1>
        %broadcast_in_dim3A = vector.broadcast %add3A_4 : i32 to vector<16xi32>
        %select_n3A = arith.select %and3A_144, %sub3A_137, %broadcast_in_dim3A : vector<16xi1>, vector<16xi32>
        %swap3A = arith.constant 0 : i32
        %swap3A_145 = arith.constant 0 : i32
        %swap3A_146 = arith.index_cast %swap3A : i32 to index
        %swap3A_147 = arith.index_cast %swap3A_145 : i32 to index
        %swap3A_148 = arith.constant 0 : index
        %swap3A_149 = tpu.vector_load %arg9[%swap3A_146, %swap3A_147, %swap3A_148] {strides = array<i32>} : memref<2x4x128xi32, #tpu.memory_space<vmem>>, vector<1x1x16xi32>,
        %swap3A_150 = vector.shape_cast %swap3A_149 : vector<1x1x16xi32> to vector<16xi32>
        %swap3A_151 = vector.shape_cast %select_n3A : vector<16xi32> to vector<1x1x16xi32>
        tpu.vector_store %arg9[%swap3A_146, %swap3A_147, %swap3A_148], %swap3A_151 {strides = array<i32>} : memref<2x4x128xi32, #tpu.memory_space<vmem>>, vector<1x1x16xi32>,
        %get3A_152 = arith.constant 0 : i32
        %get3A_153 = arith.constant 0 : i32
        %get3A_154 = arith.index_cast %get3A_152 : i32 to index
        %get3A_155 = arith.index_cast %get3A_153 : i32 to index
        %get3A_156 = arith.constant 16 : index
        %get3A_157 = tpu.vector_load %arg9[%get3A_154, %get3A_155, %get3A_156] {strides = array<i32>} : memref<2x4x128xi32, #tpu.memory_space<vmem>>, vector<1x1x16xi32>,
        %get3A_158 = vector.shape_cast %get3A_157 : vector<1x1x16xi32> to vector<16xi32>
        %sub3A_159 = vector.broadcast %mul3A_2 : i32 to vector<16xi32>
        %sub3A_160 = arith.subi %get3A_158, %sub3A_159 : vector<16xi32>
        %ge3A_161 = arith.constant 0 : i32
        %ge3A_162 = vector.broadcast %ge3A_161 : i32 to vector<16xi32>
        %ge3A_163 = arith.cmpi sge, %sub3A_160, %ge3A_162 : vector<16xi32>
        %lt3A_164 = arith.constant 25000 : i32
        %lt3A_165 = vector.broadcast %lt3A_164 : i32 to vector<16xi32>
        %lt3A_166 = arith.cmpi slt, %sub3A_160, %lt3A_165 : vector<16xi32>
        %and3A_167 = arith.andi %ge3A_163, %lt3A_166 : vector<16xi1>
        %broadcast_in_dim3A_168 = vector.broadcast %add3A_4 : i32 to vector<16xi32>
        %select_n3A_169 = arith.select %and3A_167, %sub3A_160, %broadcast_in_dim3A_168 : vector<16xi1>, vector<16xi32>
        %swap3A_170 = arith.constant 0 : i32
        %swap3A_171 = arith.constant 0 : i32
        %swap3A_172 = arith.index_cast %swap3A_170 : i32 to index
        %swap3A_173 = arith.index_cast %swap3A_171 : i32 to index
        %swap3A_174 = arith.constant 16 : index
        %swap3A_175 = tpu.vector_load %arg9[%swap3A_172, %swap3A_173, %swap3A_174] {strides = array<i32>} : memref<2x4x128xi32, #tpu.memory_space<vmem>>, vector<1x1x16xi32>,
        %swap3A_176 = vector.shape_cast %swap3A_175 : vector<1x1x16xi32> to vector<16xi32>
        %swap3A_177 = vector.shape_cast %select_n3A_169 : vector<16xi32> to vector<1x1x16xi32>
        tpu.vector_store %arg9[%swap3A_172, %swap3A_173, %swap3A_174], %swap3A_177 {strides = array<i32>} : memref<2x4x128xi32, #tpu.memory_space<vmem>>, vector<1x1x16xi32>,
        %get3A_178 = arith.constant 0 : i32
        %get3A_179 = arith.constant 0 : i32
        %get3A_180 = arith.index_cast %get3A_178 : i32 to index
        %get3A_181 = arith.index_cast %get3A_179 : i32 to index
        %get3A_182 = arith.constant 32 : index
        %get3A_183 = tpu.vector_load %arg9[%get3A_180, %get3A_181, %get3A_182] {strides = array<i32>} : memref<2x4x128xi32, #tpu.memory_space<vmem>>, vector<1x1x16xi32>,
        %get3A_184 = vector.shape_cast %get3A_183 : vector<1x1x16xi32> to vector<16xi32>
        %sub3A_185 = vector.broadcast %mul3A_2 : i32 to vector<16xi32>
        %sub3A_186 = arith.subi %get3A_184, %sub3A_185 : vector<16xi32>
        %ge3A_187 = arith.constant 0 : i32
        %ge3A_188 = vector.broadcast %ge3A_187 : i32 to vector<16xi32>
        %ge3A_189 = arith.cmpi sge, %sub3A_186, %ge3A_188 : vector<16xi32>
        %lt3A_190 = arith.constant 25000 : i32
        %lt3A_191 = vector.broadcast %lt3A_190 : i32 to vector<16xi32>
        %lt3A_192 = arith.cmpi slt, %sub3A_186, %lt3A_191 : vector<16xi32>
        %and3A_193 = arith.andi %ge3A_189, %lt3A_192 : vector<16xi1>
        %broadcast_in_dim3A_194 = vector.broadcast %add3A_4 : i32 to vector<16xi32>
        %select_n3A_195 = arith.select %and3A_193, %sub3A_186, %broadcast_in_dim3A_194 : vector<16xi1>, vector<16xi32>
        %swap3A_196 = arith.constant 0 : i32
        %swap3A_197 = arith.constant 0 : i32
        %swap3A_198 = arith.index_cast %swap3A_196 : i32 to index
        %swap3A_199 = arith.index_cast %swap3A_197 : i32 to index
        %swap3A_200 = arith.constant 32 : index
        %swap3A_201 = tpu.vector_load %arg9[%swap3A_198, %swap3A_199, %swap3A_200] {strides = array<i32>} : memref<2x4x128xi32, #tpu.memory_space<vmem>>, vector<1x1x16xi32>,
        %swap3A_202 = vector.shape_cast %swap3A_201 : vector<1x1x16xi32> to vector<16xi32>
        %swap3A_203 = vector.shape_cast %select_n3A_195 : vector<16xi32> to vector<1x1x16xi32>
        tpu.vector_store %arg9[%swap3A_198, %swap3A_199, %swap3A_200], %swap3A_203 {strides = array<i32>} : memref<2x4x128xi32, #tpu.memory_space<vmem>>, vector<1x1x16xi32>,
        %get3A_204 = arith.constant 0 : i32
        %get3A_205 = arith.constant 0 : i32
        %get3A_206 = arith.index_cast %get3A_204 : i32 to index
        %get3A_207 = arith.index_cast %get3A_205 : i32 to index
        %get3A_208 = arith.constant 48 : index
        %get3A_209 = tpu.vector_load %arg9[%get3A_206, %get3A_207, %get3A_208] {strides = array<i32>} : memref<2x4x128xi32, #tpu.memory_space<vmem>>, vector<1x1x16xi32>,
        %get3A_210 = vector.shape_cast %get3A_209 : vector<1x1x16xi32> to vector<16xi32>
        %sub3A_211 = vector.broadcast %mul3A_2 : i32 to vector<16xi32>
        %sub3A_212 = arith.subi %get3A_210, %sub3A_211 : vector<16xi32>
        %ge3A_213 = arith.constant 0 : i32
        %ge3A_214 = vector.broadcast %ge3A_213 : i32 to vector<16xi32>
        %ge3A_215 = arith.cmpi sge, %sub3A_212, %ge3A_214 : vector<16xi32>
        %lt3A_216 = arith.constant 25000 : i32
        %lt3A_217 = vector.broadcast %lt3A_216 : i32 to vector<16xi32>
        %lt3A_218 = arith.cmpi slt, %sub3A_212, %lt3A_217 : vector<16xi32>
        %and3A_219 = arith.andi %ge3A_215, %lt3A_218 : vector<16xi1>
        %broadcast_in_dim3A_220 = vector.broadcast %add3A_4 : i32 to vector<16xi32>
        %select_n3A_221 = arith.select %and3A_219, %sub3A_212, %broadcast_in_dim3A_220 : vector<16xi1>, vector<16xi32>
        %swap3A_222 = arith.constant 0 : i32
        %swap3A_223 = arith.constant 0 : i32
        %swap3A_224 = arith.index_cast %swap3A_222 : i32 to index
        %swap3A_225 = arith.index_cast %swap3A_223 : i32 to index
        %swap3A_226 = arith.constant 48 : index
        %swap3A_227 = tpu.vector_load %arg9[%swap3A_224, %swap3A_225, %swap3A_226] {strides = array<i32>} : memref<2x4x128xi32, #tpu.memory_space<vmem>>, vector<1x1x16xi32>,
        %swap3A_228 = vector.shape_cast %swap3A_227 : vector<1x1x16xi32> to vector<16xi32>
        %swap3A_229 = vector.shape_cast %select_n3A_221 : vector<16xi32> to vector<1x1x16xi32>
        tpu.vector_store %arg9[%swap3A_224, %swap3A_225, %swap3A_226], %swap3A_229 {strides = array<i32>} : memref<2x4x128xi32, #tpu.memory_space<vmem>>, vector<1x1x16xi32>,
        %get3A_230 = arith.constant 0 : i32
        %get3A_231 = arith.constant 0 : i32
        %get3A_232 = arith.index_cast %get3A_230 : i32 to index
        %get3A_233 = arith.index_cast %get3A_231 : i32 to index
        %get3A_234 = arith.constant 64 : index
        %get3A_235 = tpu.vector_load %arg9[%get3A_232, %get3A_233, %get3A_234] {strides = array<i32>} : memref<2x4x128xi32, #tpu.memory_space<vmem>>, vector<1x1x16xi32>,
        %get3A_236 = vector.shape_cast %get3A_235 : vector<1x1x16xi32> to vector<16xi32>
        %sub3A_237 = vector.broadcast %mul3A_2 : i32 to vector<16xi32>
        %sub3A_238 = arith.subi %get3A_236, %sub3A_237 : vector<16xi32>
        %ge3A_239 = arith.constant 0 : i32
        %ge3A_240 = vector.broadcast %ge3A_239 : i32 to vector<16xi32>
        %ge3A_241 = arith.cmpi sge, %sub3A_238, %ge3A_240 : vector<16xi32>
        %lt3A_242 = arith.constant 25000 : i32
        %lt3A_243 = vector.broadcast %lt3A_242 : i32 to vector<16xi32>
        %lt3A_244 = arith.cmpi slt, %sub3A_238, %lt3A_243 : vector<16xi32>
        %and3A_245 = arith.andi %ge3A_241, %lt3A_244 : vector<16xi1>
        %broadcast_in_dim3A_246 = vector.broadcast %add3A_4 : i32 to vector<16xi32>
        %select_n3A_247 = arith.select %and3A_245, %sub3A_238, %broadcast_in_dim3A_246 : vector<16xi1>, vector<16xi32>
        %swap3A_248 = arith.constant 0 : i32
        %swap3A_249 = arith.constant 0 : i32
        %swap3A_250 = arith.index_cast %swap3A_248 : i32 to index
        %swap3A_251 = arith.index_cast %swap3A_249 : i32 to index
        %swap3A_252 = arith.constant 64 : index
        %swap3A_253 = tpu.vector_load %arg9[%swap3A_250, %swap3A_251, %swap3A_252] {strides = array<i32>} : memref<2x4x128xi32, #tpu.memory_space<vmem>>, vector<1x1x16xi32>,
        %swap3A_254 = vector.shape_cast %swap3A_253 : vector<1x1x16xi32> to vector<16xi32>
        %swap3A_255 = vector.shape_cast %select_n3A_247 : vector<16xi32> to vector<1x1x16xi32>
        tpu.vector_store %arg9[%swap3A_250, %swap3A_251, %swap3A_252], %swap3A_255 {strides = array<i32>} : memref<2x4x128xi32, #tpu.memory_space<vmem>>, vector<1x1x16xi32>,
        %get3A_256 = arith.constant 0 : i32
        %get3A_257 = arith.constant 0 : i32
        %get3A_258 = arith.index_cast %get3A_256 : i32 to index
        %get3A_259 = arith.index_cast %get3A_257 : i32 to index
        %get3A_260 = arith.constant 80 : index
        %get3A_261 = tpu.vector_load %arg9[%get3A_258, %get3A_259, %get3A_260] {strides = array<i32>} : memref<2x4x128xi32, #tpu.memory_space<vmem>>, vector<1x1x16xi32>,
        %get3A_262 = vector.shape_cast %get3A_261 : vector<1x1x16xi32> to vector<16xi32>
        %sub3A_263 = vector.broadcast %mul3A_2 : i32 to vector<16xi32>
        %sub3A_264 = arith.subi %get3A_262, %sub3A_263 : vector<16xi32>
        %ge3A_265 = arith.constant 0 : i32
        %ge3A_266 = vector.broadcast %ge3A_265 : i32 to vector<16xi32>
        %ge3A_267 = arith.cmpi sge, %sub3A_264, %ge3A_266 : vector<16xi32>
        %lt3A_268 = arith.constant 25000 : i32
        %lt3A_269 = vector.broadcast %lt3A_268 : i32 to vector<16xi32>
        %lt3A_270 = arith.cmpi slt, %sub3A_264, %lt3A_269 : vector<16xi32>
        %and3A_271 = arith.andi %ge3A_267, %lt3A_270 : vector<16xi1>
        %broadcast_in_dim3A_272 = vector.broadcast %add3A_4 : i32 to vector<16xi32>
        %select_n3A_273 = arith.select %and3A_271, %sub3A_264, %broadcast_in_dim3A_272 : vector<16xi1>, vector<16xi32>
        %swap3A_274 = arith.constant 0 : i32
        %swap3A_275 = arith.constant 0 : i32
        %swap3A_276 = arith.index_cast %swap3A_274 : i32 to index
        %swap3A_277 = arith.index_cast %swap3A_275 : i32 to index
        %swap3A_278 = arith.constant 80 : index
        %swap3A_279 = tpu.vector_load %arg9[%swap3A_276, %swap3A_277, %swap3A_278] {strides = array<i32>} : memref<2x4x128xi32, #tpu.memory_space<vmem>>, vector<1x1x16xi32>,
        %swap3A_280 = vector.shape_cast %swap3A_279 : vector<1x1x16xi32> to vector<16xi32>
        %swap3A_281 = vector.shape_cast %select_n3A_273 : vector<16xi32> to vector<1x1x16xi32>
        tpu.vector_store %arg9[%swap3A_276, %swap3A_277, %swap3A_278], %swap3A_281 {strides = array<i32>} : memref<2x4x128xi32, #tpu.memory_space<vmem>>, vector<1x1x16xi32>,
        %get3A_282 = arith.constant 0 : i32
        %get3A_283 = arith.constant 0 : i32
        %get3A_284 = arith.index_cast %get3A_282 : i32 to index
        %get3A_285 = arith.index_cast %get3A_283 : i32 to index
        %get3A_286 = arith.constant 96 : index
        %get3A_287 = tpu.vector_load %arg9[%get3A_284, %get3A_285, %get3A_286] {strides = array<i32>} : memref<2x4x128xi32, #tpu.memory_space<vmem>>, vector<1x1x16xi32>,
        %get3A_288 = vector.shape_cast %get3A_287 : vector<1x1x16xi32> to vector<16xi32>
        %sub3A_289 = vector.broadcast %mul3A_2 : i32 to vector<16xi32>
        %sub3A_290 = arith.subi %get3A_288, %sub3A_289 : vector<16xi32>
        %ge3A_291 = arith.constant 0 : i32
        %ge3A_292 = vector.broadcast %ge3A_291 : i32 to vector<16xi32>
        %ge3A_293 = arith.cmpi sge, %sub3A_290, %ge3A_292 : vector<16xi32>
        %lt3A_294 = arith.constant 25000 : i32
        %lt3A_295 = vector.broadcast %lt3A_294 : i32 to vector<16xi32>
        %lt3A_296 = arith.cmpi slt, %sub3A_290, %lt3A_295 : vector<16xi32>
        %and3A_297 = arith.andi %ge3A_293, %lt3A_296 : vector<16xi1>
        %broadcast_in_dim3A_298 = vector.broadcast %add3A_4 : i32 to vector<16xi32>
        %select_n3A_299 = arith.select %and3A_297, %sub3A_290, %broadcast_in_dim3A_298 : vector<16xi1>, vector<16xi32>
        %swap3A_300 = arith.constant 0 : i32
        %swap3A_301 = arith.constant 0 : i32
        %swap3A_302 = arith.index_cast %swap3A_300 : i32 to index
        %swap3A_303 = arith.index_cast %swap3A_301 : i32 to index
        %swap3A_304 = arith.constant 96 : index
        %swap3A_305 = tpu.vector_load %arg9[%swap3A_302, %swap3A_303, %swap3A_304] {strides = array<i32>} : memref<2x4x128xi32, #tpu.memory_space<vmem>>, vector<1x1x16xi32>,
        %swap3A_306 = vector.shape_cast %swap3A_305 : vector<1x1x16xi32> to vector<16xi32>
        %swap3A_307 = vector.shape_cast %select_n3A_299 : vector<16xi32> to vector<1x1x16xi32>
        tpu.vector_store %arg9[%swap3A_302, %swap3A_303, %swap3A_304], %swap3A_307 {strides = array<i32>} : memref<2x4x128xi32, #tpu.memory_space<vmem>>, vector<1x1x16xi32>,
        %get3A_308 = arith.constant 0 : i32
        %get3A_309 = arith.constant 0 : i32
        %get3A_310 = arith.index_cast %get3A_308 : i32 to index
        %get3A_311 = arith.index_cast %get3A_309 : i32 to index
        %get3A_312 = arith.constant 112 : index
        %get3A_313 = tpu.vector_load %arg9[%get3A_310, %get3A_311, %get3A_312] {strides = array<i32>} : memref<2x4x128xi32, #tpu.memory_space<vmem>>, vector<1x1x16xi32>,
        %get3A_314 = vector.shape_cast %get3A_313 : vector<1x1x16xi32> to vector<16xi32>
        %sub3A_315 = vector.broadcast %mul3A_2 : i32 to vector<16xi32>
        %sub3A_316 = arith.subi %get3A_314, %sub3A_315 : vector<16xi32>
        %ge3A_317 = arith.constant 0 : i32
        %ge3A_318 = vector.broadcast %ge3A_317 : i32 to vector<16xi32>
        %ge3A_319 = arith.cmpi sge, %sub3A_316, %ge3A_318 : vector<16xi32>
        %lt3A_320 = arith.constant 25000 : i32
        %lt3A_321 = vector.broadcast %lt3A_320 : i32 to vector<16xi32>
        %lt3A_322 = arith.cmpi slt, %sub3A_316, %lt3A_321 : vector<16xi32>
        %and3A_323 = arith.andi %ge3A_319, %lt3A_322 : vector<16xi1>
        %broadcast_in_dim3A_324 = vector.broadcast %add3A_4 : i32 to vector<16xi32>
        %select_n3A_325 = arith.select %and3A_323, %sub3A_316, %broadcast_in_dim3A_324 : vector<16xi1>, vector<16xi32>
        %swap3A_326 = arith.constant 0 : i32
        %swap3A_327 = arith.constant 0 : i32
        %swap3A_328 = arith.index_cast %swap3A_326 : i32 to index
        %swap3A_329 = arith.index_cast %swap3A_327 : i32 to index
        %swap3A_330 = arith.constant 112 : index
        %swap3A_331 = tpu.vector_load %arg9[%swap3A_328, %swap3A_329, %swap3A_330] {strides = array<i32>} : memref<2x4x128xi32, #tpu.memory_space<vmem>>, vector<1x1x16xi32>,
        %swap3A_332 = vector.shape_cast %swap3A_331 : vector<1x1x16xi32> to vector<16xi32>
        %swap3A_333 = vector.shape_cast %select_n3A_325 : vector<16xi32> to vector<1x1x16xi32>
        tpu.vector_store %arg9[%swap3A_328, %swap3A_329, %swap3A_330], %swap3A_333 {strides = array<i32>} : memref<2x4x128xi32, #tpu.memory_space<vmem>>, vector<1x1x16xi32>,
        %get3A_334 = arith.constant 0 : i32
        %get3A_335 = arith.constant 1 : i32
        %get3A_336 = arith.index_cast %get3A_334 : i32 to index
        %get3A_337 = arith.index_cast %get3A_335 : i32 to index
        %get3A_338 = arith.constant 0 : index
        %get3A_339 = tpu.vector_load %arg9[%get3A_336, %get3A_337, %get3A_338] {strides = array<i32>} : memref<2x4x128xi32, #tpu.memory_space<vmem>>, vector<1x1x16xi32>,
        %get3A_340 = vector.shape_cast %get3A_339 : vector<1x1x16xi32> to vector<16xi32>
        %sub3A_341 = vector.broadcast %mul3A_2 : i32 to vector<16xi32>
        %sub3A_342 = arith.subi %get3A_340, %sub3A_341 : vector<16xi32>
        %ge3A_343 = arith.constant 0 : i32
        %ge3A_344 = vector.broadcast %ge3A_343 : i32 to vector<16xi32>
        %ge3A_345 = arith.cmpi sge, %sub3A_342, %ge3A_344 : vector<16xi32>
        %lt3A_346 = arith.constant 25000 : i32
        %lt3A_347 = vector.broadcast %lt3A_346 : i32 to vector<16xi32>
        %lt3A_348 = arith.cmpi slt, %sub3A_342, %lt3A_347 : vector<16xi32>
        %and3A_349 = arith.andi %ge3A_345, %lt3A_348 : vector<16xi1>
        %broadcast_in_dim3A_350 = vector.broadcast %add3A_4 : i32 to vector<16xi32>
        %select_n3A_351 = arith.select %and3A_349, %sub3A_342, %broadcast_in_dim3A_350 : vector<16xi1>, vector<16xi32>
        %swap3A_352 = arith.constant 0 : i32
        %swap3A_353 = arith.constant 1 : i32
        %swap3A_354 = arith.index_cast %swap3A_352 : i32 to index
        %swap3A_355 = arith.index_cast %swap3A_353 : i32 to index
        %swap3A_356 = arith.constant 0 : index
        %swap3A_357 = tpu.vector_load %arg9[%swap3A_354, %swap3A_355, %swap3A_356] {strides = array<i32>} : memref<2x4x128xi32, #tpu.memory_space<vmem>>, vector<1x1x16xi32>,
        %swap3A_358 = vector.shape_cast %swap3A_357 : vector<1x1x16xi32> to vector<16xi32>
        %swap3A_359 = vector.shape_cast %select_n3A_351 : vector<16xi32> to vector<1x1x16xi32>
        tpu.vector_store %arg9[%swap3A_354, %swap3A_355, %swap3A_356], %swap3A_359 {strides = array<i32>} : memref<2x4x128xi32, #tpu.memory_space<vmem>>, vector<1x1x16xi32>,
        %get3A_360 = arith.constant 0 : i32
        %get3A_361 = arith.constant 1 : i32
        %get3A_362 = arith.index_cast %get3A_360 : i32 to index
        %get3A_363 = arith.index_cast %get3A_361 : i32 to index
        %get3A_364 = arith.constant 16 : index
        %get3A_365 = tpu.vector_load %arg9[%get3A_362, %get3A_363, %get3A_364] {strides = array<i32>} : memref<2x4x128xi32, #tpu.memory_space<vmem>>, vector<1x1x16xi32>,
        %get3A_366 = vector.shape_cast %get3A_365 : vector<1x1x16xi32> to vector<16xi32>
        %sub3A_367 = vector.broadcast %mul3A_2 : i32 to vector<16xi32>
        %sub3A_368 = arith.subi %get3A_366, %sub3A_367 : vector<16xi32>
        %ge3A_369 = arith.constant 0 : i32
        %ge3A_370 = vector.broadcast %ge3A_369 : i32 to vector<16xi32>
        %ge3A_371 = arith.cmpi sge, %sub3A_368, %ge3A_370 : vector<16xi32>
        %lt3A_372 = arith.constant 25000 : i32
        %lt3A_373 = vector.broadcast %lt3A_372 : i32 to vector<16xi32>
        %lt3A_374 = arith.cmpi slt, %sub3A_368, %lt3A_373 : vector<16xi32>
        %and3A_375 = arith.andi %ge3A_371, %lt3A_374 : vector<16xi1>
        %broadcast_in_dim3A_376 = vector.broadcast %add3A_4 : i32 to vector<16xi32>
        %select_n3A_377 = arith.select %and3A_375, %sub3A_368, %broadcast_in_dim3A_376 : vector<16xi1>, vector<16xi32>
        %swap3A_378 = arith.constant 0 : i32
        %swap3A_379 = arith.constant 1 : i32
        %swap3A_380 = arith.index_cast %swap3A_378 : i32 to index
        %swap3A_381 = arith.index_cast %swap3A_379 : i32 to index
        %swap3A_382 = arith.constant 16 : index
        %swap3A_383 = tpu.vector_load %arg9[%swap3A_380, %swap3A_381, %swap3A_382] {strides = array<i32>} : memref<2x4x128xi32, #tpu.memory_space<vmem>>, vector<1x1x16xi32>,
        %swap3A_384 = vector.shape_cast %swap3A_383 : vector<1x1x16xi32> to vector<16xi32>
        %swap3A_385 = vector.shape_cast %select_n3A_377 : vector<16xi32> to vector<1x1x16xi32>
        tpu.vector_store %arg9[%swap3A_380, %swap3A_381, %swap3A_382], %swap3A_385 {strides = array<i32>} : memref<2x4x128xi32, #tpu.memory_space<vmem>>, vector<1x1x16xi32>,
        %get3A_386 = arith.constant 0 : i32
        %get3A_387 = arith.constant 1 : i32
        %get3A_388 = arith.index_cast %get3A_386 : i32 to index
        %get3A_389 = arith.index_cast %get3A_387 : i32 to index
        %get3A_390 = arith.constant 32 : index
        %get3A_391 = tpu.vector_load %arg9[%get3A_388, %get3A_389, %get3A_390] {strides = array<i32>} : memref<2x4x128xi32, #tpu.memory_space<vmem>>, vector<1x1x16xi32>,
        %get3A_392 = vector.shape_cast %get3A_391 : vector<1x1x16xi32> to vector<16xi32>
        %sub3A_393 = vector.broadcast %mul3A_2 : i32 to vector<16xi32>
        %sub3A_394 = arith.subi %get3A_392, %sub3A_393 : vector<16xi32>
        %ge3A_395 = arith.constant 0 : i32
        %ge3A_396 = vector.broadcast %ge3A_395 : i32 to vector<16xi32>
        %ge3A_397 = arith.cmpi sge, %sub3A_394, %ge3A_396 : vector<16xi32>
        %lt3A_398 = arith.constant 25000 : i32
        %lt3A_399 = vector.broadcast %lt3A_398 : i32 to vector<16xi32>
        %lt3A_400 = arith.cmpi slt, %sub3A_394, %lt3A_399 : vector<16xi32>
        %and3A_401 = arith.andi %ge3A_397, %lt3A_400 : vector<16xi1>
        %broadcast_in_dim3A_402 = vector.broadcast %add3A_4 : i32 to vector<16xi32>
        %select_n3A_403 = arith.select %and3A_401, %sub3A_394, %broadcast_in_dim3A_402 : vector<16xi1>, vector<16xi32>
        %swap3A_404 = arith.constant 0 : i32
        %swap3A_405 = arith.constant 1 : i32
        %swap3A_406 = arith.index_cast %swap3A_404 : i32 to index
        %swap3A_407 = arith.index_cast %swap3A_405 : i32 to index
        %swap3A_408 = arith.constant 32 : index
        %swap3A_409 = tpu.vector_load %arg9[%swap3A_406, %swap3A_407, %swap3A_408] {strides = array<i32>} : memref<2x4x128xi32, #tpu.memory_space<vmem>>, vector<1x1x16xi32>,
        %swap3A_410 = vector.shape_cast %swap3A_409 : vector<1x1x16xi32> to vector<16xi32>
        %swap3A_411 = vector.shape_cast %select_n3A_403 : vector<16xi32> to vector<1x1x16xi32>
        tpu.vector_store %arg9[%swap3A_406, %swap3A_407, %swap3A_408], %swap3A_411 {strides = array<i32>} : memref<2x4x128xi32, #tpu.memory_space<vmem>>, vector<1x1x16xi32>,
        %get3A_412 = arith.constant 0 : i32
        %get3A_413 = arith.constant 1 : i32
        %get3A_414 = arith.index_cast %get3A_412 : i32 to index
        %get3A_415 = arith.index_cast %get3A_413 : i32 to index
        %get3A_416 = arith.constant 48 : index
        %get3A_417 = tpu.vector_load %arg9[%get3A_414, %get3A_415, %get3A_416] {strides = array<i32>} : memref<2x4x128xi32, #tpu.memory_space<vmem>>, vector<1x1x16xi32>,
        %get3A_418 = vector.shape_cast %get3A_417 : vector<1x1x16xi32> to vector<16xi32>
        %sub3A_419 = vector.broadcast %mul3A_2 : i32 to vector<16xi32>
        %sub3A_420 = arith.subi %get3A_418, %sub3A_419 : vector<16xi32>
        %ge3A_421 = arith.constant 0 : i32
        %ge3A_422 = vector.broadcast %ge3A_421 : i32 to vector<16xi32>
        %ge3A_423 = arith.cmpi sge, %sub3A_420, %ge3A_422 : vector<16xi32>
        %lt3A_424 = arith.constant 25000 : i32
        %lt3A_425 = vector.broadcast %lt3A_424 : i32 to vector<16xi32>
        %lt3A_426 = arith.cmpi slt, %sub3A_420, %lt3A_425 : vector<16xi32>
        %and3A_427 = arith.andi %ge3A_423, %lt3A_426 : vector<16xi1>
        %broadcast_in_dim3A_428 = vector.broadcast %add3A_4 : i32 to vector<16xi32>
        %select_n3A_429 = arith.select %and3A_427, %sub3A_420, %broadcast_in_dim3A_428 : vector<16xi1>, vector<16xi32>
        %swap3A_430 = arith.constant 0 : i32
        %swap3A_431 = arith.constant 1 : i32
        %swap3A_432 = arith.index_cast %swap3A_430 : i32 to index
        %swap3A_433 = arith.index_cast %swap3A_431 : i32 to index
        %swap3A_434 = arith.constant 48 : index
        %swap3A_435 = tpu.vector_load %arg9[%swap3A_432, %swap3A_433, %swap3A_434] {strides = array<i32>} : memref<2x4x128xi32, #tpu.memory_space<vmem>>, vector<1x1x16xi32>,
        %swap3A_436 = vector.shape_cast %swap3A_435 : vector<1x1x16xi32> to vector<16xi32>
        %swap3A_437 = vector.shape_cast %select_n3A_429 : vector<16xi32> to vector<1x1x16xi32>
        tpu.vector_store %arg9[%swap3A_432, %swap3A_433, %swap3A_434], %swap3A_437 {strides = array<i32>} : memref<2x4x128xi32, #tpu.memory_space<vmem>>, vector<1x1x16xi32>,
        %get3A_438 = arith.constant 0 : i32
        %get3A_439 = arith.constant 1 : i32
        %get3A_440 = arith.index_cast %get3A_438 : i32 to index
        %get3A_441 = arith.index_cast %get3A_439 : i32 to index
        %get3A_442 = arith.constant 64 : index
        %get3A_443 = tpu.vector_load %arg9[%get3A_440, %get3A_441, %get3A_442] {strides = array<i32>} : memref<2x4x128xi32, #tpu.memory_space<vmem>>, vector<1x1x16xi32>,
        %get3A_444 = vector.shape_cast %get3A_443 : vector<1x1x16xi32> to vector<16xi32>
        %sub3A_445 = vector.broadcast %mul3A_2 : i32 to vector<16xi32>
        %sub3A_446 = arith.subi %get3A_444, %sub3A_445 : vector<16xi32>
        %ge3A_447 = arith.constant 0 : i32
        %ge3A_448 = vector.broadcast %ge3A_447 : i32 to vector<16xi32>
        %ge3A_449 = arith.cmpi sge, %sub3A_446, %ge3A_448 : vector<16xi32>
        %lt3A_450 = arith.constant 25000 : i32
        %lt3A_451 = vector.broadcast %lt3A_450 : i32 to vector<16xi32>
        %lt3A_452 = arith.cmpi slt, %sub3A_446, %lt3A_451 : vector<16xi32>
        %and3A_453 = arith.andi %ge3A_449, %lt3A_452 : vector<16xi1>
        %broadcast_in_dim3A_454 = vector.broadcast %add3A_4 : i32 to vector<16xi32>
        %select_n3A_455 = arith.select %and3A_453, %sub3A_446, %broadcast_in_dim3A_454 : vector<16xi1>, vector<16xi32>
        %swap3A_456 = arith.constant 0 : i32
        %swap3A_457 = arith.constant 1 : i32
        %swap3A_458 = arith.index_cast %swap3A_456 : i32 to index
        %swap3A_459 = arith.index_cast %swap3A_457 : i32 to index
        %swap3A_460 = arith.constant 64 : index
        %swap3A_461 = tpu.vector_load %arg9[%swap3A_458, %swap3A_459, %swap3A_460] {strides = array<i32>} : memref<2x4x128xi32, #tpu.memory_space<vmem>>, vector<1x1x16xi32>,
        %swap3A_462 = vector.shape_cast %swap3A_461 : vector<1x1x16xi32> to vector<16xi32>
        %swap3A_463 = vector.shape_cast %select_n3A_455 : vector<16xi32> to vector<1x1x16xi32>
        tpu.vector_store %arg9[%swap3A_458, %swap3A_459, %swap3A_460], %swap3A_463 {strides = array<i32>} : memref<2x4x128xi32, #tpu.memory_space<vmem>>, vector<1x1x16xi32>,
        %get3A_464 = arith.constant 0 : i32
        %get3A_465 = arith.constant 1 : i32
        %get3A_466 = arith.index_cast %get3A_464 : i32 to index
        %get3A_467 = arith.index_cast %get3A_465 : i32 to index
        %get3A_468 = arith.constant 80 : index
        %get3A_469 = tpu.vector_load %arg9[%get3A_466, %get3A_467, %get3A_468] {strides = array<i32>} : memref<2x4x128xi32, #tpu.memory_space<vmem>>, vector<1x1x16xi32>,
        %get3A_470 = vector.shape_cast %get3A_469 : vector<1x1x16xi32> to vector<16xi32>
        %sub3A_471 = vector.broadcast %mul3A_2 : i32 to vector<16xi32>
        %sub3A_472 = arith.subi %get3A_470, %sub3A_471 : vector<16xi32>
        %ge3A_473 = arith.constant 0 : i32
        %ge3A_474 = vector.broadcast %ge3A_473 : i32 to vector<16xi32>
        %ge3A_475 = arith.cmpi sge, %sub3A_472, %ge3A_474 : vector<16xi32>
        %lt3A_476 = arith.constant 25000 : i32
        %lt3A_477 = vector.broadcast %lt3A_476 : i32 to vector<16xi32>
        %lt3A_478 = arith.cmpi slt, %sub3A_472, %lt3A_477 : vector<16xi32>
        %and3A_479 = arith.andi %ge3A_475, %lt3A_478 : vector<16xi1>
        %broadcast_in_dim3A_480 = vector.broadcast %add3A_4 : i32 to vector<16xi32>
        %select_n3A_481 = arith.select %and3A_479, %sub3A_472, %broadcast_in_dim3A_480 : vector<16xi1>, vector<16xi32>
        %swap3A_482 = arith.constant 0 : i32
        %swap3A_483 = arith.constant 1 : i32
        %swap3A_484 = arith.index_cast %swap3A_482 : i32 to index
        %swap3A_485 = arith.index_cast %swap3A_483 : i32 to index
        %swap3A_486 = arith.constant 80 : index
        %swap3A_487 = tpu.vector_load %arg9[%swap3A_484, %swap3A_485, %swap3A_486] {strides = array<i32>} : memref<2x4x128xi32, #tpu.memory_space<vmem>>, vector<1x1x16xi32>,
        %swap3A_488 = vector.shape_cast %swap3A_487 : vector<1x1x16xi32> to vector<16xi32>
        %swap3A_489 = vector.shape_cast %select_n3A_481 : vector<16xi32> to vector<1x1x16xi32>
        tpu.vector_store %arg9[%swap3A_484, %swap3A_485, %swap3A_486], %swap3A_489 {strides = array<i32>} : memref<2x4x128xi32, #tpu.memory_space<vmem>>, vector<1x1x16xi32>,
        %get3A_490 = arith.constant 0 : i32
        %get3A_491 = arith.constant 1 : i32
        %get3A_492 = arith.index_cast %get3A_490 : i32 to index
        %get3A_493 = arith.index_cast %get3A_491 : i32 to index
        %get3A_494 = arith.constant 96 : index
        %get3A_495 = tpu.vector_load %arg9[%get3A_492, %get3A_493, %get3A_494] {strides = array<i32>} : memref<2x4x128xi32, #tpu.memory_space<vmem>>, vector<1x1x16xi32>,
        %get3A_496 = vector.shape_cast %get3A_495 : vector<1x1x16xi32> to vector<16xi32>
        %sub3A_497 = vector.broadcast %mul3A_2 : i32 to vector<16xi32>
        %sub3A_498 = arith.subi %get3A_496, %sub3A_497 : vector<16xi32>
        %ge3A_499 = arith.constant 0 : i32
        %ge3A_500 = vector.broadcast %ge3A_499 : i32 to vector<16xi32>
        %ge3A_501 = arith.cmpi sge, %sub3A_498, %ge3A_500 : vector<16xi32>
        %lt3A_502 = arith.constant 25000 : i32
        %lt3A_503 = vector.broadcast %lt3A_502 : i32 to vector<16xi32>
        %lt3A_504 = arith.cmpi slt, %sub3A_498, %lt3A_503 : vector<16xi32>
        %and3A_505 = arith.andi %ge3A_501, %lt3A_504 : vector<16xi1>
        %broadcast_in_dim3A_506 = vector.broadcast %add3A_4 : i32 to vector<16xi32>
        %select_n3A_507 = arith.select %and3A_505, %sub3A_498, %broadcast_in_dim3A_506 : vector<16xi1>, vector<16xi32>
        %swap3A_508 = arith.constant 0 : i32
        %swap3A_509 = arith.constant 1 : i32
        %swap3A_510 = arith.index_cast %swap3A_508 : i32 to index
        %swap3A_511 = arith.index_cast %swap3A_509 : i32 to index
        %swap3A_512 = arith.constant 96 : index
        %swap3A_513 = tpu.vector_load %arg9[%swap3A_510, %swap3A_511, %swap3A_512] {strides = array<i32>} : memref<2x4x128xi32, #tpu.memory_space<vmem>>, vector<1x1x16xi32>,
        %swap3A_514 = vector.shape_cast %swap3A_513 : vector<1x1x16xi32> to vector<16xi32>
        %swap3A_515 = vector.shape_cast %select_n3A_507 : vector<16xi32> to vector<1x1x16xi32>
        tpu.vector_store %arg9[%swap3A_510, %swap3A_511, %swap3A_512], %swap3A_515 {strides = array<i32>} : memref<2x4x128xi32, #tpu.memory_space<vmem>>, vector<1x1x16xi32>,
        %get3A_516 = arith.constant 0 : i32
        %get3A_517 = arith.constant 1 : i32
        %get3A_518 = arith.index_cast %get3A_516 : i32 to index
        %get3A_519 = arith.index_cast %get3A_517 : i32 to index
        %get3A_520 = arith.constant 112 : index
        %get3A_521 = tpu.vector_load %arg9[%get3A_518, %get3A_519, %get3A_520] {strides = array<i32>} : memref<2x4x128xi32, #tpu.memory_space<vmem>>, vector<1x1x16xi32>,
        %get3A_522 = vector.shape_cast %get3A_521 : vector<1x1x16xi32> to vector<16xi32>
        %sub3A_523 = vector.broadcast %mul3A_2 : i32 to vector<16xi32>
        %sub3A_524 = arith.subi %get3A_522, %sub3A_523 : vector<16xi32>
        %ge3A_525 = arith.constant 0 : i32
        %ge3A_526 = vector.broadcast %ge3A_525 : i32 to vector<16xi32>
        %ge3A_527 = arith.cmpi sge, %sub3A_524, %ge3A_526 : vector<16xi32>
        %lt3A_528 = arith.constant 25000 : i32
        %lt3A_529 = vector.broadcast %lt3A_528 : i32 to vector<16xi32>
        %lt3A_530 = arith.cmpi slt, %sub3A_524, %lt3A_529 : vector<16xi32>
        %and3A_531 = arith.andi %ge3A_527, %lt3A_530 : vector<16xi1>
        %broadcast_in_dim3A_532 = vector.broadcast %add3A_4 : i32 to vector<16xi32>
        %select_n3A_533 = arith.select %and3A_531, %sub3A_524, %broadcast_in_dim3A_532 : vector<16xi1>, vector<16xi32>
        %swap3A_534 = arith.constant 0 : i32
        %swap3A_535 = arith.constant 1 : i32
        %swap3A_536 = arith.index_cast %swap3A_534 : i32 to index
        %swap3A_537 = arith.index_cast %swap3A_535 : i32 to index
        %swap3A_538 = arith.constant 112 : index
        %swap3A_539 = tpu.vector_load %arg9[%swap3A_536, %swap3A_537, %swap3A_538] {strides = array<i32>} : memref<2x4x128xi32, #tpu.memory_space<vmem>>, vector<1x1x16xi32>,
        %swap3A_540 = vector.shape_cast %swap3A_539 : vector<1x1x16xi32> to vector<16xi32>
        %swap3A_541 = vector.shape_cast %select_n3A_533 : vector<16xi32> to vector<1x1x16xi32>
        tpu.vector_store %arg9[%swap3A_536, %swap3A_537, %swap3A_538], %swap3A_541 {strides = array<i32>} : memref<2x4x128xi32, #tpu.memory_space<vmem>>, vector<1x1x16xi32>,
        %get3A_542 = arith.constant 0 : i32
        %get3A_543 = arith.constant 2 : i32
        %get3A_544 = arith.index_cast %get3A_542 : i32 to index
        %get3A_545 = arith.index_cast %get3A_543 : i32 to index
        %get3A_546 = arith.constant 0 : index
        %get3A_547 = tpu.vector_load %arg9[%get3A_544, %get3A_545, %get3A_546] {strides = array<i32>} : memref<2x4x128xi32, #tpu.memory_space<vmem>>, vector<1x1x16xi32>,
        %get3A_548 = vector.shape_cast %get3A_547 : vector<1x1x16xi32> to vector<16xi32>
        %sub3A_549 = vector.broadcast %mul3A_2 : i32 to vector<16xi32>
        %sub3A_550 = arith.subi %get3A_548, %sub3A_549 : vector<16xi32>
        %ge3A_551 = arith.constant 0 : i32
        %ge3A_552 = vector.broadcast %ge3A_551 : i32 to vector<16xi32>
        %ge3A_553 = arith.cmpi sge, %sub3A_550, %ge3A_552 : vector<16xi32>
        %lt3A_554 = arith.constant 25000 : i32
        %lt3A_555 = vector.broadcast %lt3A_554 : i32 to vector<16xi32>
        %lt3A_556 = arith.cmpi slt, %sub3A_550, %lt3A_555 : vector<16xi32>
        %and3A_557 = arith.andi %ge3A_553, %lt3A_556 : vector<16xi1>
        %broadcast_in_dim3A_558 = vector.broadcast %add3A_4 : i32 to vector<16xi32>
        %select_n3A_559 = arith.select %and3A_557, %sub3A_550, %broadcast_in_dim3A_558 : vector<16xi1>, vector<16xi32>
        %swap3A_560 = arith.constant 0 : i32
        %swap3A_561 = arith.constant 2 : i32
        %swap3A_562 = arith.index_cast %swap3A_560 : i32 to index
        %swap3A_563 = arith.index_cast %swap3A_561 : i32 to index
        %swap3A_564 = arith.constant 0 : index
        %swap3A_565 = tpu.vector_load %arg9[%swap3A_562, %swap3A_563, %swap3A_564] {strides = array<i32>} : memref<2x4x128xi32, #tpu.memory_space<vmem>>, vector<1x1x16xi32>,
        %swap3A_566 = vector.shape_cast %swap3A_565 : vector<1x1x16xi32> to vector<16xi32>
        %swap3A_567 = vector.shape_cast %select_n3A_559 : vector<16xi32> to vector<1x1x16xi32>
        tpu.vector_store %arg9[%swap3A_562, %swap3A_563, %swap3A_564], %swap3A_567 {strides = array<i32>} : memref<2x4x128xi32, #tpu.memory_space<vmem>>, vector<1x1x16xi32>,
        %get3A_568 = arith.constant 0 : i32
        %get3A_569 = arith.constant 2 : i32
        %get3A_570 = arith.index_cast %get3A_568 : i32 to index
        %get3A_571 = arith.index_cast %get3A_569 : i32 to index
        %get3A_572 = arith.constant 16 : index
        %get3A_573 = tpu.vector_load %arg9[%get3A_570, %get3A_571, %get3A_572] {strides = array<i32>} : memref<2x4x128xi32, #tpu.memory_space<vmem>>, vector<1x1x16xi32>,
        %get3A_574 = vector.shape_cast %get3A_573 : vector<1x1x16xi32> to vector<16xi32>
        %sub3A_575 = vector.broadcast %mul3A_2 : i32 to vector<16xi32>
        %sub3A_576 = arith.subi %get3A_574, %sub3A_575 : vector<16xi32>
        %ge3A_577 = arith.constant 0 : i32
        %ge3A_578 = vector.broadcast %ge3A_577 : i32 to vector<16xi32>
        %ge3A_579 = arith.cmpi sge, %sub3A_576, %ge3A_578 : vector<16xi32>
        %lt3A_580 = arith.constant 25000 : i32
        %lt3A_581 = vector.broadcast %lt3A_580 : i32 to vector<16xi32>
        %lt3A_582 = arith.cmpi slt, %sub3A_576, %lt3A_581 : vector<16xi32>
        %and3A_583 = arith.andi %ge3A_579, %lt3A_582 : vector<16xi1>
        %broadcast_in_dim3A_584 = vector.broadcast %add3A_4 : i32 to vector<16xi32>
        %select_n3A_585 = arith.select %and3A_583, %sub3A_576, %broadcast_in_dim3A_584 : vector<16xi1>, vector<16xi32>
        %swap3A_586 = arith.constant 0 : i32
        %swap3A_587 = arith.constant 2 : i32
        %swap3A_588 = arith.index_cast %swap3A_586 : i32 to index
        %swap3A_589 = arith.index_cast %swap3A_587 : i32 to index
        %swap3A_590 = arith.constant 16 : index
        %swap3A_591 = tpu.vector_load %arg9[%swap3A_588, %swap3A_589, %swap3A_590] {strides = array<i32>} : memref<2x4x128xi32, #tpu.memory_space<vmem>>, vector<1x1x16xi32>,
        %swap3A_592 = vector.shape_cast %swap3A_591 : vector<1x1x16xi32> to vector<16xi32>
        %swap3A_593 = vector.shape_cast %select_n3A_585 : vector<16xi32> to vector<1x1x16xi32>
        tpu.vector_store %arg9[%swap3A_588, %swap3A_589, %swap3A_590], %swap3A_593 {strides = array<i32>} : memref<2x4x128xi32, #tpu.memory_space<vmem>>, vector<1x1x16xi32>,
        %get3A_594 = arith.constant 0 : i32
        %get3A_595 = arith.constant 2 : i32
        %get3A_596 = arith.index_cast %get3A_594 : i32 to index
        %get3A_597 = arith.index_cast %get3A_595 : i32 to index
        %get3A_598 = arith.constant 32 : index
        %get3A_599 = tpu.vector_load %arg9[%get3A_596, %get3A_597, %get3A_598] {strides = array<i32>} : memref<2x4x128xi32, #tpu.memory_space<vmem>>, vector<1x1x16xi32>,
        %get3A_600 = vector.shape_cast %get3A_599 : vector<1x1x16xi32> to vector<16xi32>
        %sub3A_601 = vector.broadcast %mul3A_2 : i32 to vector<16xi32>
        %sub3A_602 = arith.subi %get3A_600, %sub3A_601 : vector<16xi32>
        %ge3A_603 = arith.constant 0 : i32
        %ge3A_604 = vector.broadcast %ge3A_603 : i32 to vector<16xi32>
        %ge3A_605 = arith.cmpi sge, %sub3A_602, %ge3A_604 : vector<16xi32>
        %lt3A_606 = arith.constant 25000 : i32
        %lt3A_607 = vector.broadcast %lt3A_606 : i32 to vector<16xi32>
        %lt3A_608 = arith.cmpi slt, %sub3A_602, %lt3A_607 : vector<16xi32>
        %and3A_609 = arith.andi %ge3A_605, %lt3A_608 : vector<16xi1>
        %broadcast_in_dim3A_610 = vector.broadcast %add3A_4 : i32 to vector<16xi32>
        %select_n3A_611 = arith.select %and3A_609, %sub3A_602, %broadcast_in_dim3A_610 : vector<16xi1>, vector<16xi32>
        %swap3A_612 = arith.constant 0 : i32
        %swap3A_613 = arith.constant 2 : i32
        %swap3A_614 = arith.index_cast %swap3A_612 : i32 to index
        %swap3A_615 = arith.index_cast %swap3A_613 : i32 to index
        %swap3A_616 = arith.constant 32 : index
        %swap3A_617 = tpu.vector_load %arg9[%swap3A_614, %swap3A_615, %swap3A_616] {strides = array<i32>} : memref<2x4x128xi32, #tpu.memory_space<vmem>>, vector<1x1x16xi32>,
        %swap3A_618 = vector.shape_cast %swap3A_617 : vector<1x1x16xi32> to vector<16xi32>
        %swap3A_619 = vector.shape_cast %select_n3A_611 : vector<16xi32> to vector<1x1x16xi32>
        tpu.vector_store %arg9[%swap3A_614, %swap3A_615, %swap3A_616], %swap3A_619 {strides = array<i32>} : memref<2x4x128xi32, #tpu.memory_space<vmem>>, vector<1x1x16xi32>,
        %get3A_620 = arith.constant 0 : i32
        %get3A_621 = arith.constant 2 : i32
        %get3A_622 = arith.index_cast %get3A_620 : i32 to index
        %get3A_623 = arith.index_cast %get3A_621 : i32 to index
        %get3A_624 = arith.constant 48 : index
        %get3A_625 = tpu.vector_load %arg9[%get3A_622, %get3A_623, %get3A_624] {strides = array<i32>} : memref<2x4x128xi32, #tpu.memory_space<vmem>>, vector<1x1x16xi32>,
        %get3A_626 = vector.shape_cast %get3A_625 : vector<1x1x16xi32> to vector<16xi32>
        %sub3A_627 = vector.broadcast %mul3A_2 : i32 to vector<16xi32>
        %sub3A_628 = arith.subi %get3A_626, %sub3A_627 : vector<16xi32>
        %ge3A_629 = arith.constant 0 : i32
        %ge3A_630 = vector.broadcast %ge3A_629 : i32 to vector<16xi32>
        %ge3A_631 = arith.cmpi sge, %sub3A_628, %ge3A_630 : vector<16xi32>
        %lt3A_632 = arith.constant 25000 : i32
        %lt3A_633 = vector.broadcast %lt3A_632 : i32 to vector<16xi32>
        %lt3A_634 = arith.cmpi slt, %sub3A_628, %lt3A_633 : vector<16xi32>
        %and3A_635 = arith.andi %ge3A_631, %lt3A_634 : vector<16xi1>
        %broadcast_in_dim3A_636 = vector.broadcast %add3A_4 : i32 to vector<16xi32>
        %select_n3A_637 = arith.select %and3A_635, %sub3A_628, %broadcast_in_dim3A_636 : vector<16xi1>, vector<16xi32>
        %swap3A_638 = arith.constant 0 : i32
        %swap3A_639 = arith.constant 2 : i32
        %swap3A_640 = arith.index_cast %swap3A_638 : i32 to index
        %swap3A_641 = arith.index_cast %swap3A_639 : i32 to index
        %swap3A_642 = arith.constant 48 : index
        %swap3A_643 = tpu.vector_load %arg9[%swap3A_640, %swap3A_641, %swap3A_642] {strides = array<i32>} : memref<2x4x128xi32, #tpu.memory_space<vmem>>, vector<1x1x16xi32>,
        %swap3A_644 = vector.shape_cast %swap3A_643 : vector<1x1x16xi32> to vector<16xi32>
        %swap3A_645 = vector.shape_cast %select_n3A_637 : vector<16xi32> to vector<1x1x16xi32>
        tpu.vector_store %arg9[%swap3A_640, %swap3A_641, %swap3A_642], %swap3A_645 {strides = array<i32>} : memref<2x4x128xi32, #tpu.memory_space<vmem>>, vector<1x1x16xi32>,
        %get3A_646 = arith.constant 0 : i32
        %get3A_647 = arith.constant 2 : i32
        %get3A_648 = arith.index_cast %get3A_646 : i32 to index
        %get3A_649 = arith.index_cast %get3A_647 : i32 to index
        %get3A_650 = arith.constant 64 : index
        %get3A_651 = tpu.vector_load %arg9[%get3A_648, %get3A_649, %get3A_650] {strides = array<i32>} : memref<2x4x128xi32, #tpu.memory_space<vmem>>, vector<1x1x16xi32>,
        %get3A_652 = vector.shape_cast %get3A_651 : vector<1x1x16xi32> to vector<16xi32>
        %sub3A_653 = vector.broadcast %mul3A_2 : i32 to vector<16xi32>
        %sub3A_654 = arith.subi %get3A_652, %sub3A_653 : vector<16xi32>
        %ge3A_655 = arith.constant 0 : i32
        %ge3A_656 = vector.broadcast %ge3A_655 : i32 to vector<16xi32>
        %ge3A_657 = arith.cmpi sge, %sub3A_654, %ge3A_656 : vector<16xi32>
        %lt3A_658 = arith.constant 25000 : i32
        %lt3A_659 = vector.broadcast %lt3A_658 : i32 to vector<16xi32>
        %lt3A_660 = arith.cmpi slt, %sub3A_654, %lt3A_659 : vector<16xi32>
        %and3A_661 = arith.andi %ge3A_657, %lt3A_660 : vector<16xi1>
        %broadcast_in_dim3A_662 = vector.broadcast %add3A_4 : i32 to vector<16xi32>
        %select_n3A_663 = arith.select %and3A_661, %sub3A_654, %broadcast_in_dim3A_662 : vector<16xi1>, vector<16xi32>
        %swap3A_664 = arith.constant 0 : i32
        %swap3A_665 = arith.constant 2 : i32
        %swap3A_666 = arith.index_cast %swap3A_664 : i32 to index
        %swap3A_667 = arith.index_cast %swap3A_665 : i32 to index
        %swap3A_668 = arith.constant 64 : index
        %swap3A_669 = tpu.vector_load %arg9[%swap3A_666, %swap3A_667, %swap3A_668] {strides = array<i32>} : memref<2x4x128xi32, #tpu.memory_space<vmem>>, vector<1x1x16xi32>,
        %swap3A_670 = vector.shape_cast %swap3A_669 : vector<1x1x16xi32> to vector<16xi32>
        %swap3A_671 = vector.shape_cast %select_n3A_663 : vector<16xi32> to vector<1x1x16xi32>
        tpu.vector_store %arg9[%swap3A_666, %swap3A_667, %swap3A_668], %swap3A_671 {strides = array<i32>} : memref<2x4x128xi32, #tpu.memory_space<vmem>>, vector<1x1x16xi32>,
        %get3A_672 = arith.constant 0 : i32
        %get3A_673 = arith.constant 2 : i32
        %get3A_674 = arith.index_cast %get3A_672 : i32 to index
        %get3A_675 = arith.index_cast %get3A_673 : i32 to index
        %get3A_676 = arith.constant 80 : index
        %get3A_677 = tpu.vector_load %arg9[%get3A_674, %get3A_675, %get3A_676] {strides = array<i32>} : memref<2x4x128xi32, #tpu.memory_space<vmem>>, vector<1x1x16xi32>,
        %get3A_678 = vector.shape_cast %get3A_677 : vector<1x1x16xi32> to vector<16xi32>
        %sub3A_679 = vector.broadcast %mul3A_2 : i32 to vector<16xi32>
        %sub3A_680 = arith.subi %get3A_678, %sub3A_679 : vector<16xi32>
        %ge3A_681 = arith.constant 0 : i32
        %ge3A_682 = vector.broadcast %ge3A_681 : i32 to vector<16xi32>
        %ge3A_683 = arith.cmpi sge, %sub3A_680, %ge3A_682 : vector<16xi32>
        %lt3A_684 = arith.constant 25000 : i32
        %lt3A_685 = vector.broadcast %lt3A_684 : i32 to vector<16xi32>
        %lt3A_686 = arith.cmpi slt, %sub3A_680, %lt3A_685 : vector<16xi32>
        %and3A_687 = arith.andi %ge3A_683, %lt3A_686 : vector<16xi1>
        %broadcast_in_dim3A_688 = vector.broadcast %add3A_4 : i32 to vector<16xi32>
        %select_n3A_689 = arith.select %and3A_687, %sub3A_680, %broadcast_in_dim3A_688 : vector<16xi1>, vector<16xi32>
        %swap3A_690 = arith.constant 0 : i32
        %swap3A_691 = arith.constant 2 : i32
        %swap3A_692 = arith.index_cast %swap3A_690 : i32 to index
        %swap3A_693 = arith.index_cast %swap3A_691 : i32 to index
        %swap3A_694 = arith.constant 80 : index
        %swap3A_695 = tpu.vector_load %arg9[%swap3A_692, %swap3A_693, %swap3A_694] {strides = array<i32>} : memref<2x4x128xi32, #tpu.memory_space<vmem>>, vector<1x1x16xi32>,
        %swap3A_696 = vector.shape_cast %swap3A_695 : vector<1x1x16xi32> to vector<16xi32>
        %swap3A_697 = vector.shape_cast %select_n3A_689 : vector<16xi32> to vector<1x1x16xi32>
        tpu.vector_store %arg9[%swap3A_692, %swap3A_693, %swap3A_694], %swap3A_697 {strides = array<i32>} : memref<2x4x128xi32, #tpu.memory_space<vmem>>, vector<1x1x16xi32>,
        %get3A_698 = arith.constant 0 : i32
        %get3A_699 = arith.constant 2 : i32
        %get3A_700 = arith.index_cast %get3A_698 : i32 to index
        %get3A_701 = arith.index_cast %get3A_699 : i32 to index
        %get3A_702 = arith.constant 96 : index
        %get3A_703 = tpu.vector_load %arg9[%get3A_700, %get3A_701, %get3A_702] {strides = array<i32>} : memref<2x4x128xi32, #tpu.memory_space<vmem>>, vector<1x1x16xi32>,
        %get3A_704 = vector.shape_cast %get3A_703 : vector<1x1x16xi32> to vector<16xi32>
        %sub3A_705 = vector.broadcast %mul3A_2 : i32 to vector<16xi32>
        %sub3A_706 = arith.subi %get3A_704, %sub3A_705 : vector<16xi32>
        %ge3A_707 = arith.constant 0 : i32
        %ge3A_708 = vector.broadcast %ge3A_707 : i32 to vector<16xi32>
        %ge3A_709 = arith.cmpi sge, %sub3A_706, %ge3A_708 : vector<16xi32>
        %lt3A_710 = arith.constant 25000 : i32
        %lt3A_711 = vector.broadcast %lt3A_710 : i32 to vector<16xi32>
        %lt3A_712 = arith.cmpi slt, %sub3A_706, %lt3A_711 : vector<16xi32>
        %and3A_713 = arith.andi %ge3A_709, %lt3A_712 : vector<16xi1>
        %broadcast_in_dim3A_714 = vector.broadcast %add3A_4 : i32 to vector<16xi32>
        %select_n3A_715 = arith.select %and3A_713, %sub3A_706, %broadcast_in_dim3A_714 : vector<16xi1>, vector<16xi32>
        %swap3A_716 = arith.constant 0 : i32
        %swap3A_717 = arith.constant 2 : i32
        %swap3A_718 = arith.index_cast %swap3A_716 : i32 to index
        %swap3A_719 = arith.index_cast %swap3A_717 : i32 to index
        %swap3A_720 = arith.constant 96 : index
        %swap3A_721 = tpu.vector_load %arg9[%swap3A_718, %swap3A_719, %swap3A_720] {strides = array<i32>} : memref<2x4x128xi32, #tpu.memory_space<vmem>>, vector<1x1x16xi32>,
        %swap3A_722 = vector.shape_cast %swap3A_721 : vector<1x1x16xi32> to vector<16xi32>
        %swap3A_723 = vector.shape_cast %select_n3A_715 : vector<16xi32> to vector<1x1x16xi32>
        tpu.vector_store %arg9[%swap3A_718, %swap3A_719, %swap3A_720], %swap3A_723 {strides = array<i32>} : memref<2x4x128xi32, #tpu.memory_space<vmem>>, vector<1x1x16xi32>,
        %get3A_724 = arith.constant 0 : i32
        %get3A_725 = arith.constant 2 : i32
        %get3A_726 = arith.index_cast %get3A_724 : i32 to index
        %get3A_727 = arith.index_cast %get3A_725 : i32 to index
        %get3A_728 = arith.constant 112 : index
        %get3A_729 = tpu.vector_load %arg9[%get3A_726, %get3A_727, %get3A_728] {strides = array<i32>} : memref<2x4x128xi32, #tpu.memory_space<vmem>>, vector<1x1x16xi32>,
        %get3A_730 = vector.shape_cast %get3A_729 : vector<1x1x16xi32> to vector<16xi32>
        %sub3A_731 = vector.broadcast %mul3A_2 : i32 to vector<16xi32>
        %sub3A_732 = arith.subi %get3A_730, %sub3A_731 : vector<16xi32>
        %ge3A_733 = arith.constant 0 : i32
        %ge3A_734 = vector.broadcast %ge3A_733 : i32 to vector<16xi32>
        %ge3A_735 = arith.cmpi sge, %sub3A_732, %ge3A_734 : vector<16xi32>
        %lt3A_736 = arith.constant 25000 : i32
        %lt3A_737 = vector.broadcast %lt3A_736 : i32 to vector<16xi32>
        %lt3A_738 = arith.cmpi slt, %sub3A_732, %lt3A_737 : vector<16xi32>
        %and3A_739 = arith.andi %ge3A_735, %lt3A_738 : vector<16xi1>
        %broadcast_in_dim3A_740 = vector.broadcast %add3A_4 : i32 to vector<16xi32>
        %select_n3A_741 = arith.select %and3A_739, %sub3A_732, %broadcast_in_dim3A_740 : vector<16xi1>, vector<16xi32>
        %swap3A_742 = arith.constant 0 : i32
        %swap3A_743 = arith.constant 2 : i32
        %swap3A_744 = arith.index_cast %swap3A_742 : i32 to index
        %swap3A_745 = arith.index_cast %swap3A_743 : i32 to index
        %swap3A_746 = arith.constant 112 : index
        %swap3A_747 = tpu.vector_load %arg9[%swap3A_744, %swap3A_745, %swap3A_746] {strides = array<i32>} : memref<2x4x128xi32, #tpu.memory_space<vmem>>, vector<1x1x16xi32>,
        %swap3A_748 = vector.shape_cast %swap3A_747 : vector<1x1x16xi32> to vector<16xi32>
        %swap3A_749 = vector.shape_cast %select_n3A_741 : vector<16xi32> to vector<1x1x16xi32>
        tpu.vector_store %arg9[%swap3A_744, %swap3A_745, %swap3A_746], %swap3A_749 {strides = array<i32>} : memref<2x4x128xi32, #tpu.memory_space<vmem>>, vector<1x1x16xi32>,
        %get3A_750 = arith.constant 0 : i32
        %get3A_751 = arith.constant 3 : i32
        %get3A_752 = arith.index_cast %get3A_750 : i32 to index
        %get3A_753 = arith.index_cast %get3A_751 : i32 to index
        %get3A_754 = arith.constant 0 : index
        %get3A_755 = tpu.vector_load %arg9[%get3A_752, %get3A_753, %get3A_754] {strides = array<i32>} : memref<2x4x128xi32, #tpu.memory_space<vmem>>, vector<1x1x16xi32>,
        %get3A_756 = vector.shape_cast %get3A_755 : vector<1x1x16xi32> to vector<16xi32>
        %sub3A_757 = vector.broadcast %mul3A_2 : i32 to vector<16xi32>
        %sub3A_758 = arith.subi %get3A_756, %sub3A_757 : vector<16xi32>
        %ge3A_759 = arith.constant 0 : i32
        %ge3A_760 = vector.broadcast %ge3A_759 : i32 to vector<16xi32>
        %ge3A_761 = arith.cmpi sge, %sub3A_758, %ge3A_760 : vector<16xi32>
        %lt3A_762 = arith.constant 25000 : i32
        %lt3A_763 = vector.broadcast %lt3A_762 : i32 to vector<16xi32>
        %lt3A_764 = arith.cmpi slt, %sub3A_758, %lt3A_763 : vector<16xi32>
        %and3A_765 = arith.andi %ge3A_761, %lt3A_764 : vector<16xi1>
        %broadcast_in_dim3A_766 = vector.broadcast %add3A_4 : i32 to vector<16xi32>
        %select_n3A_767 = arith.select %and3A_765, %sub3A_758, %broadcast_in_dim3A_766 : vector<16xi1>, vector<16xi32>
        %swap3A_768 = arith.constant 0 : i32
        %swap3A_769 = arith.constant 3 : i32
        %swap3A_770 = arith.index_cast %swap3A_768 : i32 to index
        %swap3A_771 = arith.index_cast %swap3A_769 : i32 to index
        %swap3A_772 = arith.constant 0 : index
        %swap3A_773 = tpu.vector_load %arg9[%swap3A_770, %swap3A_771, %swap3A_772] {strides = array<i32>} : memref<2x4x128xi32, #tpu.memory_space<vmem>>, vector<1x1x16xi32>,
        %swap3A_774 = vector.shape_cast %swap3A_773 : vector<1x1x16xi32> to vector<16xi32>
        %swap3A_775 = vector.shape_cast %select_n3A_767 : vector<16xi32> to vector<1x1x16xi32>
        tpu.vector_store %arg9[%swap3A_770, %swap3A_771, %swap3A_772], %swap3A_775 {strides = array<i32>} : memref<2x4x128xi32, #tpu.memory_space<vmem>>, vector<1x1x16xi32>,
        %get3A_776 = arith.constant 0 : i32
        %get3A_777 = arith.constant 3 : i32
        %get3A_778 = arith.index_cast %get3A_776 : i32 to index
        %get3A_779 = arith.index_cast %get3A_777 : i32 to index
        %get3A_780 = arith.constant 16 : index
        %get3A_781 = tpu.vector_load %arg9[%get3A_778, %get3A_779, %get3A_780] {strides = array<i32>} : memref<2x4x128xi32, #tpu.memory_space<vmem>>, vector<1x1x16xi32>,
        %get3A_782 = vector.shape_cast %get3A_781 : vector<1x1x16xi32> to vector<16xi32>
        %sub3A_783 = vector.broadcast %mul3A_2 : i32 to vector<16xi32>
        %sub3A_784 = arith.subi %get3A_782, %sub3A_783 : vector<16xi32>
        %ge3A_785 = arith.constant 0 : i32
        %ge3A_786 = vector.broadcast %ge3A_785 : i32 to vector<16xi32>
        %ge3A_787 = arith.cmpi sge, %sub3A_784, %ge3A_786 : vector<16xi32>
        %lt3A_788 = arith.constant 25000 : i32
        %lt3A_789 = vector.broadcast %lt3A_788 : i32 to vector<16xi32>
        %lt3A_790 = arith.cmpi slt, %sub3A_784, %lt3A_789 : vector<16xi32>
        %and3A_791 = arith.andi %ge3A_787, %lt3A_790 : vector<16xi1>
        %broadcast_in_dim3A_792 = vector.broadcast %add3A_4 : i32 to vector<16xi32>
        %select_n3A_793 = arith.select %and3A_791, %sub3A_784, %broadcast_in_dim3A_792 : vector<16xi1>, vector<16xi32>
        %swap3A_794 = arith.constant 0 : i32
        %swap3A_795 = arith.constant 3 : i32
        %swap3A_796 = arith.index_cast %swap3A_794 : i32 to index
        %swap3A_797 = arith.index_cast %swap3A_795 : i32 to index
        %swap3A_798 = arith.constant 16 : index
        %swap3A_799 = tpu.vector_load %arg9[%swap3A_796, %swap3A_797, %swap3A_798] {strides = array<i32>} : memref<2x4x128xi32, #tpu.memory_space<vmem>>, vector<1x1x16xi32>,
        %swap3A_800 = vector.shape_cast %swap3A_799 : vector<1x1x16xi32> to vector<16xi32>
        %swap3A_801 = vector.shape_cast %select_n3A_793 : vector<16xi32> to vector<1x1x16xi32>
        tpu.vector_store %arg9[%swap3A_796, %swap3A_797, %swap3A_798], %swap3A_801 {strides = array<i32>} : memref<2x4x128xi32, #tpu.memory_space<vmem>>, vector<1x1x16xi32>,
        %get3A_802 = arith.constant 0 : i32
        %get3A_803 = arith.constant 3 : i32
        %get3A_804 = arith.index_cast %get3A_802 : i32 to index
        %get3A_805 = arith.index_cast %get3A_803 : i32 to index
        %get3A_806 = arith.constant 32 : index
        %get3A_807 = tpu.vector_load %arg9[%get3A_804, %get3A_805, %get3A_806] {strides = array<i32>} : memref<2x4x128xi32, #tpu.memory_space<vmem>>, vector<1x1x16xi32>,
        %get3A_808 = vector.shape_cast %get3A_807 : vector<1x1x16xi32> to vector<16xi32>
        %sub3A_809 = vector.broadcast %mul3A_2 : i32 to vector<16xi32>
        %sub3A_810 = arith.subi %get3A_808, %sub3A_809 : vector<16xi32>
        %ge3A_811 = arith.constant 0 : i32
        %ge3A_812 = vector.broadcast %ge3A_811 : i32 to vector<16xi32>
        %ge3A_813 = arith.cmpi sge, %sub3A_810, %ge3A_812 : vector<16xi32>
        %lt3A_814 = arith.constant 25000 : i32
        %lt3A_815 = vector.broadcast %lt3A_814 : i32 to vector<16xi32>
        %lt3A_816 = arith.cmpi slt, %sub3A_810, %lt3A_815 : vector<16xi32>
        %and3A_817 = arith.andi %ge3A_813, %lt3A_816 : vector<16xi1>
        %broadcast_in_dim3A_818 = vector.broadcast %add3A_4 : i32 to vector<16xi32>
        %select_n3A_819 = arith.select %and3A_817, %sub3A_810, %broadcast_in_dim3A_818 : vector<16xi1>, vector<16xi32>
        %swap3A_820 = arith.constant 0 : i32
        %swap3A_821 = arith.constant 3 : i32
        %swap3A_822 = arith.index_cast %swap3A_820 : i32 to index
        %swap3A_823 = arith.index_cast %swap3A_821 : i32 to index
        %swap3A_824 = arith.constant 32 : index
        %swap3A_825 = tpu.vector_load %arg9[%swap3A_822, %swap3A_823, %swap3A_824] {strides = array<i32>} : memref<2x4x128xi32, #tpu.memory_space<vmem>>, vector<1x1x16xi32>,
        %swap3A_826 = vector.shape_cast %swap3A_825 : vector<1x1x16xi32> to vector<16xi32>
        %swap3A_827 = vector.shape_cast %select_n3A_819 : vector<16xi32> to vector<1x1x16xi32>
        tpu.vector_store %arg9[%swap3A_822, %swap3A_823, %swap3A_824], %swap3A_827 {strides = array<i32>} : memref<2x4x128xi32, #tpu.memory_space<vmem>>, vector<1x1x16xi32>,
        %get3A_828 = arith.constant 0 : i32
        %get3A_829 = arith.constant 3 : i32
        %get3A_830 = arith.index_cast %get3A_828 : i32 to index
        %get3A_831 = arith.index_cast %get3A_829 : i32 to index
        %get3A_832 = arith.constant 48 : index
        %get3A_833 = tpu.vector_load %arg9[%get3A_830, %get3A_831, %get3A_832] {strides = array<i32>} : memref<2x4x128xi32, #tpu.memory_space<vmem>>, vector<1x1x16xi32>,
        %get3A_834 = vector.shape_cast %get3A_833 : vector<1x1x16xi32> to vector<16xi32>
        %sub3A_835 = vector.broadcast %mul3A_2 : i32 to vector<16xi32>
        %sub3A_836 = arith.subi %get3A_834, %sub3A_835 : vector<16xi32>
        %ge3A_837 = arith.constant 0 : i32
        %ge3A_838 = vector.broadcast %ge3A_837 : i32 to vector<16xi32>
        %ge3A_839 = arith.cmpi sge, %sub3A_836, %ge3A_838 : vector<16xi32>
        %lt3A_840 = arith.constant 25000 : i32
        %lt3A_841 = vector.broadcast %lt3A_840 : i32 to vector<16xi32>
        %lt3A_842 = arith.cmpi slt, %sub3A_836, %lt3A_841 : vector<16xi32>
        %and3A_843 = arith.andi %ge3A_839, %lt3A_842 : vector<16xi1>
        %broadcast_in_dim3A_844 = vector.broadcast %add3A_4 : i32 to vector<16xi32>
        %select_n3A_845 = arith.select %and3A_843, %sub3A_836, %broadcast_in_dim3A_844 : vector<16xi1>, vector<16xi32>
        %swap3A_846 = arith.constant 0 : i32
        %swap3A_847 = arith.constant 3 : i32
        %swap3A_848 = arith.index_cast %swap3A_846 : i32 to index
        %swap3A_849 = arith.index_cast %swap3A_847 : i32 to index
        %swap3A_850 = arith.constant 48 : index
        %swap3A_851 = tpu.vector_load %arg9[%swap3A_848, %swap3A_849, %swap3A_850] {strides = array<i32>} : memref<2x4x128xi32, #tpu.memory_space<vmem>>, vector<1x1x16xi32>,
        %swap3A_852 = vector.shape_cast %swap3A_851 : vector<1x1x16xi32> to vector<16xi32>
        %swap3A_853 = vector.shape_cast %select_n3A_845 : vector<16xi32> to vector<1x1x16xi32>
        tpu.vector_store %arg9[%swap3A_848, %swap3A_849, %swap3A_850], %swap3A_853 {strides = array<i32>} : memref<2x4x128xi32, #tpu.memory_space<vmem>>, vector<1x1x16xi32>,
        %get3A_854 = arith.constant 0 : i32
        %get3A_855 = arith.constant 3 : i32
        %get3A_856 = arith.index_cast %get3A_854 : i32 to index
        %get3A_857 = arith.index_cast %get3A_855 : i32 to index
        %get3A_858 = arith.constant 64 : index
        %get3A_859 = tpu.vector_load %arg9[%get3A_856, %get3A_857, %get3A_858] {strides = array<i32>} : memref<2x4x128xi32, #tpu.memory_space<vmem>>, vector<1x1x16xi32>,
        %get3A_860 = vector.shape_cast %get3A_859 : vector<1x1x16xi32> to vector<16xi32>
        %sub3A_861 = vector.broadcast %mul3A_2 : i32 to vector<16xi32>
        %sub3A_862 = arith.subi %get3A_860, %sub3A_861 : vector<16xi32>
        %ge3A_863 = arith.constant 0 : i32
        %ge3A_864 = vector.broadcast %ge3A_863 : i32 to vector<16xi32>
        %ge3A_865 = arith.cmpi sge, %sub3A_862, %ge3A_864 : vector<16xi32>
        %lt3A_866 = arith.constant 25000 : i32
        %lt3A_867 = vector.broadcast %lt3A_866 : i32 to vector<16xi32>
        %lt3A_868 = arith.cmpi slt, %sub3A_862, %lt3A_867 : vector<16xi32>
        %and3A_869 = arith.andi %ge3A_865, %lt3A_868 : vector<16xi1>
        %broadcast_in_dim3A_870 = vector.broadcast %add3A_4 : i32 to vector<16xi32>
        %select_n3A_871 = arith.select %and3A_869, %sub3A_862, %broadcast_in_dim3A_870 : vector<16xi1>, vector<16xi32>
        %swap3A_872 = arith.constant 0 : i32
        %swap3A_873 = arith.constant 3 : i32
        %swap3A_874 = arith.index_cast %swap3A_872 : i32 to index
        %swap3A_875 = arith.index_cast %swap3A_873 : i32 to index
        %swap3A_876 = arith.constant 64 : index
        %swap3A_877 = tpu.vector_load %arg9[%swap3A_874, %swap3A_875, %swap3A_876] {strides = array<i32>} : memref<2x4x128xi32, #tpu.memory_space<vmem>>, vector<1x1x16xi32>,
        %swap3A_878 = vector.shape_cast %swap3A_877 : vector<1x1x16xi32> to vector<16xi32>
        %swap3A_879 = vector.shape_cast %select_n3A_871 : vector<16xi32> to vector<1x1x16xi32>
        tpu.vector_store %arg9[%swap3A_874, %swap3A_875, %swap3A_876], %swap3A_879 {strides = array<i32>} : memref<2x4x128xi32, #tpu.memory_space<vmem>>, vector<1x1x16xi32>,
        %get3A_880 = arith.constant 0 : i32
        %get3A_881 = arith.constant 3 : i32
        %get3A_882 = arith.index_cast %get3A_880 : i32 to index
        %get3A_883 = arith.index_cast %get3A_881 : i32 to index
        %get3A_884 = arith.constant 80 : index
        %get3A_885 = tpu.vector_load %arg9[%get3A_882, %get3A_883, %get3A_884] {strides = array<i32>} : memref<2x4x128xi32, #tpu.memory_space<vmem>>, vector<1x1x16xi32>,
        %get3A_886 = vector.shape_cast %get3A_885 : vector<1x1x16xi32> to vector<16xi32>
        %sub3A_887 = vector.broadcast %mul3A_2 : i32 to vector<16xi32>
        %sub3A_888 = arith.subi %get3A_886, %sub3A_887 : vector<16xi32>
        %ge3A_889 = arith.constant 0 : i32
        %ge3A_890 = vector.broadcast %ge3A_889 : i32 to vector<16xi32>
        %ge3A_891 = arith.cmpi sge, %sub3A_888, %ge3A_890 : vector<16xi32>
        %lt3A_892 = arith.constant 25000 : i32
        %lt3A_893 = vector.broadcast %lt3A_892 : i32 to vector<16xi32>
        %lt3A_894 = arith.cmpi slt, %sub3A_888, %lt3A_893 : vector<16xi32>
        %and3A_895 = arith.andi %ge3A_891, %lt3A_894 : vector<16xi1>
        %broadcast_in_dim3A_896 = vector.broadcast %add3A_4 : i32 to vector<16xi32>
        %select_n3A_897 = arith.select %and3A_895, %sub3A_888, %broadcast_in_dim3A_896 : vector<16xi1>, vector<16xi32>
        %swap3A_898 = arith.constant 0 : i32
        %swap3A_899 = arith.constant 3 : i32
        %swap3A_900 = arith.index_cast %swap3A_898 : i32 to index
        %swap3A_901 = arith.index_cast %swap3A_899 : i32 to index
        %swap3A_902 = arith.constant 80 : index
        %swap3A_903 = tpu.vector_load %arg9[%swap3A_900, %swap3A_901, %swap3A_902] {strides = array<i32>} : memref<2x4x128xi32, #tpu.memory_space<vmem>>, vector<1x1x16xi32>,
        %swap3A_904 = vector.shape_cast %swap3A_903 : vector<1x1x16xi32> to vector<16xi32>
        %swap3A_905 = vector.shape_cast %select_n3A_897 : vector<16xi32> to vector<1x1x16xi32>
        tpu.vector_store %arg9[%swap3A_900, %swap3A_901, %swap3A_902], %swap3A_905 {strides = array<i32>} : memref<2x4x128xi32, #tpu.memory_space<vmem>>, vector<1x1x16xi32>,
        %get3A_906 = arith.constant 0 : i32
        %get3A_907 = arith.constant 3 : i32
        %get3A_908 = arith.index_cast %get3A_906 : i32 to index
        %get3A_909 = arith.index_cast %get3A_907 : i32 to index
        %get3A_910 = arith.constant 96 : index
        %get3A_911 = tpu.vector_load %arg9[%get3A_908, %get3A_909, %get3A_910] {strides = array<i32>} : memref<2x4x128xi32, #tpu.memory_space<vmem>>, vector<1x1x16xi32>,
        %get3A_912 = vector.shape_cast %get3A_911 : vector<1x1x16xi32> to vector<16xi32>
        %sub3A_913 = vector.broadcast %mul3A_2 : i32 to vector<16xi32>
        %sub3A_914 = arith.subi %get3A_912, %sub3A_913 : vector<16xi32>
        %ge3A_915 = arith.constant 0 : i32
        %ge3A_916 = vector.broadcast %ge3A_915 : i32 to vector<16xi32>
        %ge3A_917 = arith.cmpi sge, %sub3A_914, %ge3A_916 : vector<16xi32>
        %lt3A_918 = arith.constant 25000 : i32
        %lt3A_919 = vector.broadcast %lt3A_918 : i32 to vector<16xi32>
        %lt3A_920 = arith.cmpi slt, %sub3A_914, %lt3A_919 : vector<16xi32>
        %and3A_921 = arith.andi %ge3A_917, %lt3A_920 : vector<16xi1>
        %broadcast_in_dim3A_922 = vector.broadcast %add3A_4 : i32 to vector<16xi32>
        %select_n3A_923 = arith.select %and3A_921, %sub3A_914, %broadcast_in_dim3A_922 : vector<16xi1>, vector<16xi32>
        %swap3A_924 = arith.constant 0 : i32
        %swap3A_925 = arith.constant 3 : i32
        %swap3A_926 = arith.index_cast %swap3A_924 : i32 to index
        %swap3A_927 = arith.index_cast %swap3A_925 : i32 to index
        %swap3A_928 = arith.constant 96 : index
        %swap3A_929 = tpu.vector_load %arg9[%swap3A_926, %swap3A_927, %swap3A_928] {strides = array<i32>} : memref<2x4x128xi32, #tpu.memory_space<vmem>>, vector<1x1x16xi32>,
        %swap3A_930 = vector.shape_cast %swap3A_929 : vector<1x1x16xi32> to vector<16xi32>
        %swap3A_931 = vector.shape_cast %select_n3A_923 : vector<16xi32> to vector<1x1x16xi32>
        tpu.vector_store %arg9[%swap3A_926, %swap3A_927, %swap3A_928], %swap3A_931 {strides = array<i32>} : memref<2x4x128xi32, #tpu.memory_space<vmem>>, vector<1x1x16xi32>,
        %get3A_932 = arith.constant 0 : i32
        %get3A_933 = arith.constant 3 : i32
        %get3A_934 = arith.index_cast %get3A_932 : i32 to index
        %get3A_935 = arith.index_cast %get3A_933 : i32 to index
        %get3A_936 = arith.constant 112 : index
        %get3A_937 = tpu.vector_load %arg9[%get3A_934, %get3A_935, %get3A_936] {strides = array<i32>} : memref<2x4x128xi32, #tpu.memory_space<vmem>>, vector<1x1x16xi32>,
        %get3A_938 = vector.shape_cast %get3A_937 : vector<1x1x16xi32> to vector<16xi32>
        %sub3A_939 = vector.broadcast %mul3A_2 : i32 to vector<16xi32>
        %sub3A_940 = arith.subi %get3A_938, %sub3A_939 : vector<16xi32>
        %ge3A_941 = arith.constant 0 : i32
        %ge3A_942 = vector.broadcast %ge3A_941 : i32 to vector<16xi32>
        %ge3A_943 = arith.cmpi sge, %sub3A_940, %ge3A_942 : vector<16xi32>
        %lt3A_944 = arith.constant 25000 : i32
        %lt3A_945 = vector.broadcast %lt3A_944 : i32 to vector<16xi32>
        %lt3A_946 = arith.cmpi slt, %sub3A_940, %lt3A_945 : vector<16xi32>
        %and3A_947 = arith.andi %ge3A_943, %lt3A_946 : vector<16xi1>
        %broadcast_in_dim3A_948 = vector.broadcast %add3A_4 : i32 to vector<16xi32>
        %select_n3A_949 = arith.select %and3A_947, %sub3A_940, %broadcast_in_dim3A_948 : vector<16xi1>, vector<16xi32>
        %swap3A_950 = arith.constant 0 : i32
        %swap3A_951 = arith.constant 3 : i32
        %swap3A_952 = arith.index_cast %swap3A_950 : i32 to index
        %swap3A_953 = arith.index_cast %swap3A_951 : i32 to index
        %swap3A_954 = arith.constant 112 : index
        %swap3A_955 = tpu.vector_load %arg9[%swap3A_952, %swap3A_953, %swap3A_954] {strides = array<i32>} : memref<2x4x128xi32, #tpu.memory_space<vmem>>, vector<1x1x16xi32>,
        %swap3A_956 = vector.shape_cast %swap3A_955 : vector<1x1x16xi32> to vector<16xi32>
        %swap3A_957 = vector.shape_cast %select_n3A_949 : vector<16xi32> to vector<1x1x16xi32>
        tpu.vector_store %arg9[%swap3A_952, %swap3A_953, %swap3A_954], %swap3A_957 {strides = array<i32>} : memref<2x4x128xi32, #tpu.memory_space<vmem>>, vector<1x1x16xi32>,
        %dma_start3A = arith.constant 0 : i32
        %dma_start3A_958 = arith.constant 0 : i32
        %dma_start3A_959 = arith.constant 0 : i32
        %dma_start3A_960 = arith.constant 0 : i32
        %dma_start3A_961 = arith.constant 0 : i32
        %dma_start3A_962 = tpu.memref_slice %arg8[%dma_start3A, %dma_start3A_960, %dma_start3A_961] : memref<2x512x48xf32, #tpu.memory_space<vmem>> -> memref<1x128x48xf32, #tpu.memory_space<vmem>>
        %dma_start3A_963 = tpu.memref_squeeze %dma_start3A_962 : memref<1x128x48xf32, #tpu.memory_space<vmem>> -> memref<128x48xf32, #tpu.memory_space<vmem>>
        %dma_start3A_964 = arith.constant 0 : i32
        %dma_start3A_965 = tpu.memref_slice %arg9[%dma_start3A_958, %dma_start3A_959, %dma_start3A_964] : memref<2x4x128xi32, #tpu.memory_space<vmem>> -> memref<1x1x128xi32, #tpu.memory_space<vmem>>
        %dma_start3A_966 = tpu.memref_squeeze %dma_start3A_965 : memref<1x1x128xi32, #tpu.memory_space<vmem>> -> memref<128xi32, #tpu.memory_space<vmem>>
        %dma_start3A_967 = arith.constant 0 : i32
        %dma_start3A_968 = arith.constant 0 : i32
        %dma_start3A_969 = tpu.memref_slice %arg7[%dma_start3A_967, %dma_start3A_968] : memref<25088x48xf32, #tpu.memory_space<vmem_shared>> -> memref<25088x48xf32, #tpu.memory_space<vmem_shared>>
        tpu.enqueue_indirect_dma source(%dma_start3A_963 : memref<128x48xf32, #tpu.memory_space<vmem>>) target(%dma_start3A_969 : memref<25088x48xf32, #tpu.memory_space<vmem_shared>>) offsets(%dma_start3A_966 : memref<128xi32, #tpu.memory_space<vmem>>) semaphore(%arg12 : memref<!tpu.dma_semaphore, #tpu.memory_space<semaphore_mem>>) {add = true}
        %dma_start3A_970 = arith.constant 0 : i32
        %dma_start3A_971 = arith.constant 0 : i32
        %dma_start3A_972 = arith.constant 1 : i32
        %dma_start3A_973 = arith.constant 128 : i32
        %dma_start3A_974 = arith.constant 0 : i32
        %dma_start3A_975 = tpu.memref_slice %arg8[%dma_start3A_970, %dma_start3A_973, %dma_start3A_974] : memref<2x512x48xf32, #tpu.memory_space<vmem>> -> memref<1x128x48xf32, #tpu.memory_space<vmem>>
        %dma_start3A_976 = tpu.memref_squeeze %dma_start3A_975 : memref<1x128x48xf32, #tpu.memory_space<vmem>> -> memref<128x48xf32, #tpu.memory_space<vmem>>
        %dma_start3A_977 = arith.constant 0 : i32
        %dma_start3A_978 = tpu.memref_slice %arg9[%dma_start3A_971, %dma_start3A_972, %dma_start3A_977] : memref<2x4x128xi32, #tpu.memory_space<vmem>> -> memref<1x1x128xi32, #tpu.memory_space<vmem>>
        %dma_start3A_979 = tpu.memref_squeeze %dma_start3A_978 : memref<1x1x128xi32, #tpu.memory_space<vmem>> -> memref<128xi32, #tpu.memory_space<vmem>>
        %dma_start3A_980 = arith.constant 0 : i32
        %dma_start3A_981 = arith.constant 0 : i32
        %dma_start3A_982 = tpu.memref_slice %arg7[%dma_start3A_980, %dma_start3A_981] : memref<25088x48xf32, #tpu.memory_space<vmem_shared>> -> memref<25088x48xf32, #tpu.memory_space<vmem_shared>>
        tpu.enqueue_indirect_dma source(%dma_start3A_976 : memref<128x48xf32, #tpu.memory_space<vmem>>) target(%dma_start3A_982 : memref<25088x48xf32, #tpu.memory_space<vmem_shared>>) offsets(%dma_start3A_979 : memref<128xi32, #tpu.memory_space<vmem>>) semaphore(%arg12 : memref<!tpu.dma_semaphore, #tpu.memory_space<semaphore_mem>>) {add = true}
        %dma_start3A_983 = arith.constant 0 : i32
        %dma_start3A_984 = arith.constant 0 : i32
        %dma_start3A_985 = arith.constant 2 : i32
        %dma_start3A_986 = arith.constant 256 : i32
        %dma_start3A_987 = arith.constant 0 : i32
        %dma_start3A_988 = tpu.memref_slice %arg8[%dma_start3A_983, %dma_start3A_986, %dma_start3A_987] : memref<2x512x48xf32, #tpu.memory_space<vmem>> -> memref<1x128x48xf32, #tpu.memory_space<vmem>>
        %dma_start3A_989 = tpu.memref_squeeze %dma_start3A_988 : memref<1x128x48xf32, #tpu.memory_space<vmem>> -> memref<128x48xf32, #tpu.memory_space<vmem>>
        %dma_start3A_990 = arith.constant 0 : i32
        %dma_start3A_991 = tpu.memref_slice %arg9[%dma_start3A_984, %dma_start3A_985, %dma_start3A_990] : memref<2x4x128xi32, #tpu.memory_space<vmem>> -> memref<1x1x128xi32, #tpu.memory_space<vmem>>
        %dma_start3A_992 = tpu.memref_squeeze %dma_start3A_991 : memref<1x1x128xi32, #tpu.memory_space<vmem>> -> memref<128xi32, #tpu.memory_space<vmem>>
        %dma_start3A_993 = arith.constant 0 : i32
        %dma_start3A_994 = arith.constant 0 : i32
        %dma_start3A_995 = tpu.memref_slice %arg7[%dma_start3A_993, %dma_start3A_994] : memref<25088x48xf32, #tpu.memory_space<vmem_shared>> -> memref<25088x48xf32, #tpu.memory_space<vmem_shared>>
        tpu.enqueue_indirect_dma source(%dma_start3A_989 : memref<128x48xf32, #tpu.memory_space<vmem>>) target(%dma_start3A_995 : memref<25088x48xf32, #tpu.memory_space<vmem_shared>>) offsets(%dma_start3A_992 : memref<128xi32, #tpu.memory_space<vmem>>) semaphore(%arg12 : memref<!tpu.dma_semaphore, #tpu.memory_space<semaphore_mem>>) {add = true}
        %dma_start3A_996 = arith.constant 0 : i32
        %dma_start3A_997 = arith.constant 0 : i32
        %dma_start3A_998 = arith.constant 3 : i32
        %dma_start3A_999 = arith.constant 384 : i32
        %dma_start3A_1000 = arith.constant 0 : i32
        %dma_start3A_1001 = tpu.memref_slice %arg8[%dma_start3A_996, %dma_start3A_999, %dma_start3A_1000] : memref<2x512x48xf32, #tpu.memory_space<vmem>> -> memref<1x128x48xf32, #tpu.memory_space<vmem>>
        %dma_start3A_1002 = tpu.memref_squeeze %dma_start3A_1001 : memref<1x128x48xf32, #tpu.memory_space<vmem>> -> memref<128x48xf32, #tpu.memory_space<vmem>>
        %dma_start3A_1003 = arith.constant 0 : i32
        %dma_start3A_1004 = tpu.memref_slice %arg9[%dma_start3A_997, %dma_start3A_998, %dma_start3A_1003] : memref<2x4x128xi32, #tpu.memory_space<vmem>> -> memref<1x1x128xi32, #tpu.memory_space<vmem>>
        %dma_start3A_1005 = tpu.memref_squeeze %dma_start3A_1004 : memref<1x1x128xi32, #tpu.memory_space<vmem>> -> memref<128xi32, #tpu.memory_space<vmem>>
        %dma_start3A_1006 = arith.constant 0 : i32
        %dma_start3A_1007 = arith.constant 0 : i32
        %dma_start3A_1008 = tpu.memref_slice %arg7[%dma_start3A_1006, %dma_start3A_1007] : memref<25088x48xf32, #tpu.memory_space<vmem_shared>> -> memref<25088x48xf32, #tpu.memory_space<vmem_shared>>
        tpu.enqueue_indirect_dma source(%dma_start3A_1002 : memref<128x48xf32, #tpu.memory_space<vmem>>) target(%dma_start3A_1008 : memref<25088x48xf32, #tpu.memory_space<vmem_shared>>) offsets(%dma_start3A_1005 : memref<128xi32, #tpu.memory_space<vmem>>) semaphore(%arg12 : memref<!tpu.dma_semaphore, #tpu.memory_space<semaphore_mem>>) {add = true}
      } else {
      }
      %mul3A_72 = arith.constant 2 : i32
      %mul3A_73 = arith.muli %mul3A_72, %scan3A_43 : i32
      %add3A_74 = arith.constant 1 : i32
      %add3A_75 = arith.addi %mul3A_73, %add3A_74 : i32
      %mul3A_76 = arith.constant 16 : i32
      %mul3A_77 = arith.muli %mul3A_76, %add3A_75 : i32
      %add3A_78 = arith.addi %arg1, %mul3A_77 : i32
      %sub3A_79 = arith.constant 16 : i32
      %sub3A_80 = arith.subi %add3A_78, %sub3A_79 : i32
      %ge3A_81 = arith.constant 0 : i32
      %ge3A_82 = arith.cmpi sge, %sub3A_80, %ge3A_81 : i32
      %lt3A_83 = arith.constant 3125 : i32
      %lt3A_84 = arith.cmpi slt, %sub3A_80, %lt3A_83 : i32
      %and3A_85 = arith.andi %ge3A_82, %lt3A_84 : i1
      %convert_element_type3A_86 = arith.extui %and3A_85 : i1 to i32
      %cond3A_87 = arith.constant 0 : i32
      %cond3A_88 = arith.cmpi ne, %convert_element_type3A_86, %cond3A_87 : i32
      scf.if %cond3A_88 {
        %dma_wait3A = arith.constant 0 : i32
        %dma_wait3A_101 = arith.constant 0 : i32
        %dma_wait3A_102 = arith.constant 0 : i32
        %dma_wait3A_103 = arith.constant 0 : i32
        %dma_wait3A_104 = arith.constant 0 : i32
        %dma_wait3A_105 = tpu.memref_slice %arg8[%dma_wait3A, %dma_wait3A_103, %dma_wait3A_104] : memref<2x512x48xf32, #tpu.memory_space<vmem>> -> memref<1x128x48xf32, #tpu.memory_space<vmem>>
        %dma_wait3A_106 = tpu.memref_squeeze %dma_wait3A_105 : memref<1x128x48xf32, #tpu.memory_space<vmem>> -> memref<128x48xf32, #tpu.memory_space<vmem>>
        %dma_wait3A_107 = arith.constant 0 : i32
        %dma_wait3A_108 = tpu.memref_slice %arg9[%dma_wait3A_101, %dma_wait3A_102, %dma_wait3A_107] : memref<2x4x128xi32, #tpu.memory_space<vmem>> -> memref<1x1x128xi32, #tpu.memory_space<vmem>>
        %dma_wait3A_109 = tpu.memref_squeeze %dma_wait3A_108 : memref<1x1x128xi32, #tpu.memory_space<vmem>> -> memref<128xi32, #tpu.memory_space<vmem>>
        %dma_wait3A_110 = arith.constant 0 : i32
        %dma_wait3A_111 = arith.constant 0 : i32
        %dma_wait3A_112 = tpu.memref_slice %arg7[%dma_wait3A_110, %dma_wait3A_111] : memref<25088x48xf32, #tpu.memory_space<vmem_shared>> -> memref<25088x48xf32, #tpu.memory_space<vmem_shared>>
        tpu.wait_indirect_dma semaphore(%arg12 : memref<!tpu.dma_semaphore, #tpu.memory_space<semaphore_mem>>) src(%dma_wait3A_106 : memref<128x48xf32, #tpu.memory_space<vmem>>) dst(%dma_wait3A_112 : memref<25088x48xf32, #tpu.memory_space<vmem_shared>>)
        %dma_wait3A_113 = arith.constant 0 : i32
        %dma_wait3A_114 = arith.constant 0 : i32
        %dma_wait3A_115 = arith.constant 1 : i32
        %dma_wait3A_116 = arith.constant 128 : i32
        %dma_wait3A_117 = arith.constant 0 : i32
        %dma_wait3A_118 = tpu.memref_slice %arg8[%dma_wait3A_113, %dma_wait3A_116, %dma_wait3A_117] : memref<2x512x48xf32, #tpu.memory_space<vmem>> -> memref<1x128x48xf32, #tpu.memory_space<vmem>>
        %dma_wait3A_119 = tpu.memref_squeeze %dma_wait3A_118 : memref<1x128x48xf32, #tpu.memory_space<vmem>> -> memref<128x48xf32, #tpu.memory_space<vmem>>
        %dma_wait3A_120 = arith.constant 0 : i32
        %dma_wait3A_121 = tpu.memref_slice %arg9[%dma_wait3A_114, %dma_wait3A_115, %dma_wait3A_120] : memref<2x4x128xi32, #tpu.memory_space<vmem>> -> memref<1x1x128xi32, #tpu.memory_space<vmem>>
        %dma_wait3A_122 = tpu.memref_squeeze %dma_wait3A_121 : memref<1x1x128xi32, #tpu.memory_space<vmem>> -> memref<128xi32, #tpu.memory_space<vmem>>
        %dma_wait3A_123 = arith.constant 0 : i32
        %dma_wait3A_124 = arith.constant 0 : i32
        %dma_wait3A_125 = tpu.memref_slice %arg7[%dma_wait3A_123, %dma_wait3A_124] : memref<25088x48xf32, #tpu.memory_space<vmem_shared>> -> memref<25088x48xf32, #tpu.memory_space<vmem_shared>>
        tpu.wait_indirect_dma semaphore(%arg12 : memref<!tpu.dma_semaphore, #tpu.memory_space<semaphore_mem>>) src(%dma_wait3A_119 : memref<128x48xf32, #tpu.memory_space<vmem>>) dst(%dma_wait3A_125 : memref<25088x48xf32, #tpu.memory_space<vmem_shared>>)
        %dma_wait3A_126 = arith.constant 0 : i32
        %dma_wait3A_127 = arith.constant 0 : i32
        %dma_wait3A_128 = arith.constant 2 : i32
        %dma_wait3A_129 = arith.constant 256 : i32
        %dma_wait3A_130 = arith.constant 0 : i32
        %dma_wait3A_131 = tpu.memref_slice %arg8[%dma_wait3A_126, %dma_wait3A_129, %dma_wait3A_130] : memref<2x512x48xf32, #tpu.memory_space<vmem>> -> memref<1x128x48xf32, #tpu.memory_space<vmem>>
        %dma_wait3A_132 = tpu.memref_squeeze %dma_wait3A_131 : memref<1x128x48xf32, #tpu.memory_space<vmem>> -> memref<128x48xf32, #tpu.memory_space<vmem>>
        %dma_wait3A_133 = arith.constant 0 : i32
        %dma_wait3A_134 = tpu.memref_slice %arg9[%dma_wait3A_127, %dma_wait3A_128, %dma_wait3A_133] : memref<2x4x128xi32, #tpu.memory_space<vmem>> -> memref<1x1x128xi32, #tpu.memory_space<vmem>>
        %dma_wait3A_135 = tpu.memref_squeeze %dma_wait3A_134 : memref<1x1x128xi32, #tpu.memory_space<vmem>> -> memref<128xi32, #tpu.memory_space<vmem>>
        %dma_wait3A_136 = arith.constant 0 : i32
        %dma_wait3A_137 = arith.constant 0 : i32
        %dma_wait3A_138 = tpu.memref_slice %arg7[%dma_wait3A_136, %dma_wait3A_137] : memref<25088x48xf32, #tpu.memory_space<vmem_shared>> -> memref<25088x48xf32, #tpu.memory_space<vmem_shared>>
        tpu.wait_indirect_dma semaphore(%arg12 : memref<!tpu.dma_semaphore, #tpu.memory_space<semaphore_mem>>) src(%dma_wait3A_132 : memref<128x48xf32, #tpu.memory_space<vmem>>) dst(%dma_wait3A_138 : memref<25088x48xf32, #tpu.memory_space<vmem_shared>>)
        %dma_wait3A_139 = arith.constant 0 : i32
        %dma_wait3A_140 = arith.constant 0 : i32
        %dma_wait3A_141 = arith.constant 3 : i32
        %dma_wait3A_142 = arith.constant 384 : i32
        %dma_wait3A_143 = arith.constant 0 : i32
        %dma_wait3A_144 = tpu.memref_slice %arg8[%dma_wait3A_139, %dma_wait3A_142, %dma_wait3A_143] : memref<2x512x48xf32, #tpu.memory_space<vmem>> -> memref<1x128x48xf32, #tpu.memory_space<vmem>>
        %dma_wait3A_145 = tpu.memref_squeeze %dma_wait3A_144 : memref<1x128x48xf32, #tpu.memory_space<vmem>> -> memref<128x48xf32, #tpu.memory_space<vmem>>
        %dma_wait3A_146 = arith.constant 0 : i32
        %dma_wait3A_147 = tpu.memref_slice %arg9[%dma_wait3A_140, %dma_wait3A_141, %dma_wait3A_146] : memref<2x4x128xi32, #tpu.memory_space<vmem>> -> memref<1x1x128xi32, #tpu.memory_space<vmem>>
        %dma_wait3A_148 = tpu.memref_squeeze %dma_wait3A_147 : memref<1x1x128xi32, #tpu.memory_space<vmem>> -> memref<128xi32, #tpu.memory_space<vmem>>
        %dma_wait3A_149 = arith.constant 0 : i32
        %dma_wait3A_150 = arith.constant 0 : i32
        %dma_wait3A_151 = tpu.memref_slice %arg7[%dma_wait3A_149, %dma_wait3A_150] : memref<25088x48xf32, #tpu.memory_space<vmem_shared>> -> memref<25088x48xf32, #tpu.memory_space<vmem_shared>>
        tpu.wait_indirect_dma semaphore(%arg12 : memref<!tpu.dma_semaphore, #tpu.memory_space<semaphore_mem>>) src(%dma_wait3A_145 : memref<128x48xf32, #tpu.memory_space<vmem>>) dst(%dma_wait3A_151 : memref<25088x48xf32, #tpu.memory_space<vmem_shared>>)
      } else {
      }
      %add3A_89 = arith.constant 16 : i32
      %add3A_90 = arith.addi %add3A_78, %add3A_89 : i32
      %lt3A_91 = arith.constant 3125 : i32
      %lt3A_92 = arith.cmpi slt, %add3A_90, %lt3A_91 : i32
      %convert_element_type3A_93 = arith.extui %lt3A_92 : i1 to i32
      %cond3A_94 = arith.constant 0 : i32
      %cond3A_95 = arith.cmpi ne, %convert_element_type3A_93, %cond3A_94 : i32
      scf.if %cond3A_95 {
        %mul3A_101 = arith.constant 512 : i32
        %mul3A_102 = arith.muli %add3A_90, %mul3A_101 : i32
        %dma_start3A = arith.constant 0 : i32
        %dma_start3A_103 = arith.constant 0 : i32
        %dma_start3A_104 = arith.constant 0 : i32
        %dma_start3A_105 = tpu.memref_slice %arg8[%dma_start3A, %dma_start3A_103, %dma_start3A_104] : memref<2x512x48xf32, #tpu.memory_space<vmem>> -> memref<1x512x48xf32, #tpu.memory_space<vmem>>
        %dma_start3A_106 = tpu.memref_squeeze %dma_start3A_105 : memref<1x512x48xf32, #tpu.memory_space<vmem>> -> memref<512x48xf32, #tpu.memory_space<vmem>>
        %dma_start3A_107 = arith.constant 0 : i32
        %dma_start3A_108 = tpu.memref_slice %arg2[%mul3A_102, %dma_start3A_107] : memref<1600000x128xf32, #tpu.memory_space<hbm>> -> memref<512x48xf32, #tpu.memory_space<hbm>>
        %dma_start3A_109 = arith.constant 0 : i32
        %dma_start3A_110 = arith.constant 0 : i32
        %dma_start3A_111 = tpu.memref_slice %arg8[%dma_start3A, %dma_start3A_109, %dma_start3A_110] : memref<2x512x48xf32, #tpu.memory_space<vmem>> -> memref<1x512x48xf32, #tpu.memory_space<vmem>>
        %dma_start3A_112 = tpu.memref_squeeze %dma_start3A_111 : memref<1x512x48xf32, #tpu.memory_space<vmem>> -> memref<512x48xf32, #tpu.memory_space<vmem>>
        %dma_start3A_113 = arith.constant 0 : i32
        %dma_start3A_114 = tpu.memref_slice %arg2[%mul3A_102, %dma_start3A_113] : memref<1600000x128xf32, #tpu.memory_space<hbm>> -> memref<512x48xf32, #tpu.memory_space<hbm>>
        tpu.enqueue_dma source(%dma_start3A_114 : memref<512x48xf32, #tpu.memory_space<hbm>>) target(%dma_start3A_112 : memref<512x48xf32, #tpu.memory_space<vmem>>) target_semaphore(%arg10 : memref<!tpu.dma_semaphore, #tpu.memory_space<semaphore_mem>>)
        %mul3A_115 = arith.constant 4 : i32
        %mul3A_116 = arith.muli %add3A_90, %mul3A_115 : i32
        %dma_start3A_117 = arith.constant 0 : i32
        %dma_start3A_118 = arith.constant 0 : i32
        %dma_start3A_119 = arith.constant 0 : i32
        %dma_start3A_120 = tpu.memref_slice %arg9[%dma_start3A_117, %dma_start3A_118, %dma_start3A_119] : memref<2x4x128xi32, #tpu.memory_space<vmem>> -> memref<1x4x128xi32, #tpu.memory_space<vmem>>
        %dma_start3A_121 = tpu.memref_squeeze %dma_start3A_120 : memref<1x4x128xi32, #tpu.memory_space<vmem>> -> memref<4x128xi32, #tpu.memory_space<vmem>>
        %dma_start3A_122 = arith.constant 0 : i32
        %dma_start3A_123 = tpu.memref_slice %arg3[%mul3A_116, %dma_start3A_122] : memref<12500x128xi32, #tpu.memory_space<hbm>> -> memref<4x128xi32, #tpu.memory_space<hbm>>
        %dma_start3A_124 = arith.constant 0 : i32
        %dma_start3A_125 = arith.constant 0 : i32
        %dma_start3A_126 = tpu.memref_slice %arg9[%dma_start3A_117, %dma_start3A_124, %dma_start3A_125] : memref<2x4x128xi32, #tpu.memory_space<vmem>> -> memref<1x4x128xi32, #tpu.memory_space<vmem>>
        %dma_start3A_127 = tpu.memref_squeeze %dma_start3A_126 : memref<1x4x128xi32, #tpu.memory_space<vmem>> -> memref<4x128xi32, #tpu.memory_space<vmem>>
        %dma_start3A_128 = arith.constant 0 : i32
        %dma_start3A_129 = tpu.memref_slice %arg3[%mul3A_116, %dma_start3A_128] : memref<12500x128xi32, #tpu.memory_space<hbm>> -> memref<4x128xi32, #tpu.memory_space<hbm>>
        tpu.enqueue_dma source(%dma_start3A_129 : memref<4x128xi32, #tpu.memory_space<hbm>>) target(%dma_start3A_127 : memref<4x128xi32, #tpu.memory_space<vmem>>) target_semaphore(%arg10 : memref<!tpu.dma_semaphore, #tpu.memory_space<semaphore_mem>>)
      } else {
      }
      %lt3A_96 = arith.constant 3125 : i32
      %lt3A_97 = arith.cmpi slt, %add3A_78, %lt3A_96 : i32
      %convert_element_type3A_98 = arith.extui %lt3A_97 : i1 to i32
      %cond3A_99 = arith.constant 0 : i32
      %cond3A_100 = arith.cmpi ne, %convert_element_type3A_98, %cond3A_99 : i32
      scf.if %cond3A_100 {
        %dma_wait3A = arith.constant 1 : i32
        %dma_wait3A_101 = arith.constant 0 : i32
        %dma_wait3A_102 = arith.constant 0 : i32
        %dma_wait3A_103 = tpu.memref_slice %arg8[%dma_wait3A, %dma_wait3A_101, %dma_wait3A_102] : memref<2x512x48xf32, #tpu.memory_space<vmem>> -> memref<1x512x48xf32, #tpu.memory_space<vmem>>
        %dma_wait3A_104 = tpu.memref_squeeze %dma_wait3A_103 : memref<1x512x48xf32, #tpu.memory_space<vmem>> -> memref<512x48xf32, #tpu.memory_space<vmem>>
        %dma_wait3A_105 = arith.constant 0 : i32
        %dma_wait3A_106 = arith.constant 0 : i32
        %dma_wait3A_107 = tpu.memref_slice %arg2[%dma_wait3A_105, %dma_wait3A_106] : memref<1600000x128xf32, #tpu.memory_space<hbm>> -> memref<512x48xf32, #tpu.memory_space<hbm>>
        %dma_wait3A_108 = arith.constant 0 : i32
        %dma_wait3A_109 = arith.constant 0 : i32
        %dma_wait3A_110 = tpu.memref_slice %arg8[%dma_wait3A, %dma_wait3A_108, %dma_wait3A_109] : memref<2x512x48xf32, #tpu.memory_space<vmem>> -> memref<1x512x48xf32, #tpu.memory_space<vmem>>
        %dma_wait3A_111 = tpu.memref_squeeze %dma_wait3A_110 : memref<1x512x48xf32, #tpu.memory_space<vmem>> -> memref<512x48xf32, #tpu.memory_space<vmem>>
        %dma_wait3A_112 = arith.constant 0 : i32
        %dma_wait3A_113 = arith.constant 0 : i32
        %dma_wait3A_114 = tpu.memref_slice %arg2[%dma_wait3A_112, %dma_wait3A_113] : memref<1600000x128xf32, #tpu.memory_space<hbm>> -> memref<512x48xf32, #tpu.memory_space<hbm>>
        tpu.wait_dma2 semaphore(%arg11 : memref<!tpu.dma_semaphore, #tpu.memory_space<semaphore_mem>>) src(%dma_wait3A_114 : memref<512x48xf32, #tpu.memory_space<hbm>>) dst(%dma_wait3A_111 : memref<512x48xf32, #tpu.memory_space<vmem>>)
        %dma_wait3A_115 = arith.constant 1 : i32
        %dma_wait3A_116 = arith.constant 0 : i32
        %dma_wait3A_117 = arith.constant 0 : i32
        %dma_wait3A_118 = tpu.memref_slice %arg9[%dma_wait3A_115, %dma_wait3A_116, %dma_wait3A_117] : memref<2x4x128xi32, #tpu.memory_space<vmem>> -> memref<1x4x128xi32, #tpu.memory_space<vmem>>
        %dma_wait3A_119 = tpu.memref_squeeze %dma_wait3A_118 : memref<1x4x128xi32, #tpu.memory_space<vmem>> -> memref<4x128xi32, #tpu.memory_space<vmem>>
        %dma_wait3A_120 = arith.constant 0 : i32
        %dma_wait3A_121 = arith.constant 0 : i32
        %dma_wait3A_122 = tpu.memref_slice %arg3[%dma_wait3A_120, %dma_wait3A_121] : memref<12500x128xi32, #tpu.memory_space<hbm>> -> memref<4x128xi32, #tpu.memory_space<hbm>>
        %dma_wait3A_123 = arith.constant 0 : i32
        %dma_wait3A_124 = arith.constant 0 : i32
        %dma_wait3A_125 = tpu.memref_slice %arg9[%dma_wait3A_115, %dma_wait3A_123, %dma_wait3A_124] : memref<2x4x128xi32, #tpu.memory_space<vmem>> -> memref<1x4x128xi32, #tpu.memory_space<vmem>>
        %dma_wait3A_126 = tpu.memref_squeeze %dma_wait3A_125 : memref<1x4x128xi32, #tpu.memory_space<vmem>> -> memref<4x128xi32, #tpu.memory_space<vmem>>
        %dma_wait3A_127 = arith.constant 0 : i32
        %dma_wait3A_128 = arith.constant 0 : i32
        %dma_wait3A_129 = tpu.memref_slice %arg3[%dma_wait3A_127, %dma_wait3A_128] : memref<12500x128xi32, #tpu.memory_space<hbm>> -> memref<4x128xi32, #tpu.memory_space<hbm>>
        tpu.wait_dma2 semaphore(%arg11 : memref<!tpu.dma_semaphore, #tpu.memory_space<semaphore_mem>>) src(%dma_wait3A_129 : memref<4x128xi32, #tpu.memory_space<hbm>>) dst(%dma_wait3A_126 : memref<4x128xi32, #tpu.memory_space<vmem>>)
        %get3A = arith.constant 1 : i32
        %get3A_130 = arith.constant 0 : i32
        %get3A_131 = arith.index_cast %get3A : i32 to index
        %get3A_132 = arith.index_cast %get3A_130 : i32 to index
        %get3A_133 = arith.constant 0 : index
        %get3A_134 = tpu.vector_load %arg9[%get3A_131, %get3A_132, %get3A_133] {strides = array<i32>} : memref<2x4x128xi32, #tpu.memory_space<vmem>>, vector<1x1x16xi32>,
        %get3A_135 = vector.shape_cast %get3A_134 : vector<1x1x16xi32> to vector<16xi32>
        %sub3A_136 = vector.broadcast %mul3A_2 : i32 to vector<16xi32>
        %sub3A_137 = arith.subi %get3A_135, %sub3A_136 : vector<16xi32>
        %ge3A_138 = arith.constant 0 : i32
        %ge3A_139 = vector.broadcast %ge3A_138 : i32 to vector<16xi32>
        %ge3A_140 = arith.cmpi sge, %sub3A_137, %ge3A_139 : vector<16xi32>
        %lt3A_141 = arith.constant 25000 : i32
        %lt3A_142 = vector.broadcast %lt3A_141 : i32 to vector<16xi32>
        %lt3A_143 = arith.cmpi slt, %sub3A_137, %lt3A_142 : vector<16xi32>
        %and3A_144 = arith.andi %ge3A_140, %lt3A_143 : vector<16xi1>
        %broadcast_in_dim3A = vector.broadcast %add3A_4 : i32 to vector<16xi32>
        %select_n3A = arith.select %and3A_144, %sub3A_137, %broadcast_in_dim3A : vector<16xi1>, vector<16xi32>
        %swap3A = arith.constant 1 : i32
        %swap3A_145 = arith.constant 0 : i32
        %swap3A_146 = arith.index_cast %swap3A : i32 to index
        %swap3A_147 = arith.index_cast %swap3A_145 : i32 to index
        %swap3A_148 = arith.constant 0 : index
        %swap3A_149 = tpu.vector_load %arg9[%swap3A_146, %swap3A_147, %swap3A_148] {strides = array<i32>} : memref<2x4x128xi32, #tpu.memory_space<vmem>>, vector<1x1x16xi32>,
        %swap3A_150 = vector.shape_cast %swap3A_149 : vector<1x1x16xi32> to vector<16xi32>
        %swap3A_151 = vector.shape_cast %select_n3A : vector<16xi32> to vector<1x1x16xi32>
        tpu.vector_store %arg9[%swap3A_146, %swap3A_147, %swap3A_148], %swap3A_151 {strides = array<i32>} : memref<2x4x128xi32, #tpu.memory_space<vmem>>, vector<1x1x16xi32>,
        %get3A_152 = arith.constant 1 : i32
        %get3A_153 = arith.constant 0 : i32
        %get3A_154 = arith.index_cast %get3A_152 : i32 to index
        %get3A_155 = arith.index_cast %get3A_153 : i32 to index
        %get3A_156 = arith.constant 16 : index
        %get3A_157 = tpu.vector_load %arg9[%get3A_154, %get3A_155, %get3A_156] {strides = array<i32>} : memref<2x4x128xi32, #tpu.memory_space<vmem>>, vector<1x1x16xi32>,
        %get3A_158 = vector.shape_cast %get3A_157 : vector<1x1x16xi32> to vector<16xi32>
        %sub3A_159 = vector.broadcast %mul3A_2 : i32 to vector<16xi32>
        %sub3A_160 = arith.subi %get3A_158, %sub3A_159 : vector<16xi32>
        %ge3A_161 = arith.constant 0 : i32
        %ge3A_162 = vector.broadcast %ge3A_161 : i32 to vector<16xi32>
        %ge3A_163 = arith.cmpi sge, %sub3A_160, %ge3A_162 : vector<16xi32>
        %lt3A_164 = arith.constant 25000 : i32
        %lt3A_165 = vector.broadcast %lt3A_164 : i32 to vector<16xi32>
        %lt3A_166 = arith.cmpi slt, %sub3A_160, %lt3A_165 : vector<16xi32>
        %and3A_167 = arith.andi %ge3A_163, %lt3A_166 : vector<16xi1>
        %broadcast_in_dim3A_168 = vector.broadcast %add3A_4 : i32 to vector<16xi32>
        %select_n3A_169 = arith.select %and3A_167, %sub3A_160, %broadcast_in_dim3A_168 : vector<16xi1>, vector<16xi32>
        %swap3A_170 = arith.constant 1 : i32
        %swap3A_171 = arith.constant 0 : i32
        %swap3A_172 = arith.index_cast %swap3A_170 : i32 to index
        %swap3A_173 = arith.index_cast %swap3A_171 : i32 to index
        %swap3A_174 = arith.constant 16 : index
        %swap3A_175 = tpu.vector_load %arg9[%swap3A_172, %swap3A_173, %swap3A_174] {strides = array<i32>} : memref<2x4x128xi32, #tpu.memory_space<vmem>>, vector<1x1x16xi32>,
        %swap3A_176 = vector.shape_cast %swap3A_175 : vector<1x1x16xi32> to vector<16xi32>
        %swap3A_177 = vector.shape_cast %select_n3A_169 : vector<16xi32> to vector<1x1x16xi32>
        tpu.vector_store %arg9[%swap3A_172, %swap3A_173, %swap3A_174], %swap3A_177 {strides = array<i32>} : memref<2x4x128xi32, #tpu.memory_space<vmem>>, vector<1x1x16xi32>,
        %get3A_178 = arith.constant 1 : i32
        %get3A_179 = arith.constant 0 : i32
        %get3A_180 = arith.index_cast %get3A_178 : i32 to index
        %get3A_181 = arith.index_cast %get3A_179 : i32 to index
        %get3A_182 = arith.constant 32 : index
        %get3A_183 = tpu.vector_load %arg9[%get3A_180, %get3A_181, %get3A_182] {strides = array<i32>} : memref<2x4x128xi32, #tpu.memory_space<vmem>>, vector<1x1x16xi32>,
        %get3A_184 = vector.shape_cast %get3A_183 : vector<1x1x16xi32> to vector<16xi32>
        %sub3A_185 = vector.broadcast %mul3A_2 : i32 to vector<16xi32>
        %sub3A_186 = arith.subi %get3A_184, %sub3A_185 : vector<16xi32>
        %ge3A_187 = arith.constant 0 : i32
        %ge3A_188 = vector.broadcast %ge3A_187 : i32 to vector<16xi32>
        %ge3A_189 = arith.cmpi sge, %sub3A_186, %ge3A_188 : vector<16xi32>
        %lt3A_190 = arith.constant 25000 : i32
        %lt3A_191 = vector.broadcast %lt3A_190 : i32 to vector<16xi32>
        %lt3A_192 = arith.cmpi slt, %sub3A_186, %lt3A_191 : vector<16xi32>
        %and3A_193 = arith.andi %ge3A_189, %lt3A_192 : vector<16xi1>
        %broadcast_in_dim3A_194 = vector.broadcast %add3A_4 : i32 to vector<16xi32>
        %select_n3A_195 = arith.select %and3A_193, %sub3A_186, %broadcast_in_dim3A_194 : vector<16xi1>, vector<16xi32>
        %swap3A_196 = arith.constant 1 : i32
        %swap3A_197 = arith.constant 0 : i32
        %swap3A_198 = arith.index_cast %swap3A_196 : i32 to index
        %swap3A_199 = arith.index_cast %swap3A_197 : i32 to index
        %swap3A_200 = arith.constant 32 : index
        %swap3A_201 = tpu.vector_load %arg9[%swap3A_198, %swap3A_199, %swap3A_200] {strides = array<i32>} : memref<2x4x128xi32, #tpu.memory_space<vmem>>, vector<1x1x16xi32>,
        %swap3A_202 = vector.shape_cast %swap3A_201 : vector<1x1x16xi32> to vector<16xi32>
        %swap3A_203 = vector.shape_cast %select_n3A_195 : vector<16xi32> to vector<1x1x16xi32>
        tpu.vector_store %arg9[%swap3A_198, %swap3A_199, %swap3A_200], %swap3A_203 {strides = array<i32>} : memref<2x4x128xi32, #tpu.memory_space<vmem>>, vector<1x1x16xi32>,
        %get3A_204 = arith.constant 1 : i32
        %get3A_205 = arith.constant 0 : i32
        %get3A_206 = arith.index_cast %get3A_204 : i32 to index
        %get3A_207 = arith.index_cast %get3A_205 : i32 to index
        %get3A_208 = arith.constant 48 : index
        %get3A_209 = tpu.vector_load %arg9[%get3A_206, %get3A_207, %get3A_208] {strides = array<i32>} : memref<2x4x128xi32, #tpu.memory_space<vmem>>, vector<1x1x16xi32>,
        %get3A_210 = vector.shape_cast %get3A_209 : vector<1x1x16xi32> to vector<16xi32>
        %sub3A_211 = vector.broadcast %mul3A_2 : i32 to vector<16xi32>
        %sub3A_212 = arith.subi %get3A_210, %sub3A_211 : vector<16xi32>
        %ge3A_213 = arith.constant 0 : i32
        %ge3A_214 = vector.broadcast %ge3A_213 : i32 to vector<16xi32>
        %ge3A_215 = arith.cmpi sge, %sub3A_212, %ge3A_214 : vector<16xi32>
        %lt3A_216 = arith.constant 25000 : i32
        %lt3A_217 = vector.broadcast %lt3A_216 : i32 to vector<16xi32>
        %lt3A_218 = arith.cmpi slt, %sub3A_212, %lt3A_217 : vector<16xi32>
        %and3A_219 = arith.andi %ge3A_215, %lt3A_218 : vector<16xi1>
        %broadcast_in_dim3A_220 = vector.broadcast %add3A_4 : i32 to vector<16xi32>
        %select_n3A_221 = arith.select %and3A_219, %sub3A_212, %broadcast_in_dim3A_220 : vector<16xi1>, vector<16xi32>
        %swap3A_222 = arith.constant 1 : i32
        %swap3A_223 = arith.constant 0 : i32
        %swap3A_224 = arith.index_cast %swap3A_222 : i32 to index
        %swap3A_225 = arith.index_cast %swap3A_223 : i32 to index
        %swap3A_226 = arith.constant 48 : index
        %swap3A_227 = tpu.vector_load %arg9[%swap3A_224, %swap3A_225, %swap3A_226] {strides = array<i32>} : memref<2x4x128xi32, #tpu.memory_space<vmem>>, vector<1x1x16xi32>,
        %swap3A_228 = vector.shape_cast %swap3A_227 : vector<1x1x16xi32> to vector<16xi32>
        %swap3A_229 = vector.shape_cast %select_n3A_221 : vector<16xi32> to vector<1x1x16xi32>
        tpu.vector_store %arg9[%swap3A_224, %swap3A_225, %swap3A_226], %swap3A_229 {strides = array<i32>} : memref<2x4x128xi32, #tpu.memory_space<vmem>>, vector<1x1x16xi32>,
        %get3A_230 = arith.constant 1 : i32
        %get3A_231 = arith.constant 0 : i32
        %get3A_232 = arith.index_cast %get3A_230 : i32 to index
        %get3A_233 = arith.index_cast %get3A_231 : i32 to index
        %get3A_234 = arith.constant 64 : index
        %get3A_235 = tpu.vector_load %arg9[%get3A_232, %get3A_233, %get3A_234] {strides = array<i32>} : memref<2x4x128xi32, #tpu.memory_space<vmem>>, vector<1x1x16xi32>,
        %get3A_236 = vector.shape_cast %get3A_235 : vector<1x1x16xi32> to vector<16xi32>
        %sub3A_237 = vector.broadcast %mul3A_2 : i32 to vector<16xi32>
        %sub3A_238 = arith.subi %get3A_236, %sub3A_237 : vector<16xi32>
        %ge3A_239 = arith.constant 0 : i32
        %ge3A_240 = vector.broadcast %ge3A_239 : i32 to vector<16xi32>
        %ge3A_241 = arith.cmpi sge, %sub3A_238, %ge3A_240 : vector<16xi32>
        %lt3A_242 = arith.constant 25000 : i32
        %lt3A_243 = vector.broadcast %lt3A_242 : i32 to vector<16xi32>
        %lt3A_244 = arith.cmpi slt, %sub3A_238, %lt3A_243 : vector<16xi32>
        %and3A_245 = arith.andi %ge3A_241, %lt3A_244 : vector<16xi1>
        %broadcast_in_dim3A_246 = vector.broadcast %add3A_4 : i32 to vector<16xi32>
        %select_n3A_247 = arith.select %and3A_245, %sub3A_238, %broadcast_in_dim3A_246 : vector<16xi1>, vector<16xi32>
        %swap3A_248 = arith.constant 1 : i32
        %swap3A_249 = arith.constant 0 : i32
        %swap3A_250 = arith.index_cast %swap3A_248 : i32 to index
        %swap3A_251 = arith.index_cast %swap3A_249 : i32 to index
        %swap3A_252 = arith.constant 64 : index
        %swap3A_253 = tpu.vector_load %arg9[%swap3A_250, %swap3A_251, %swap3A_252] {strides = array<i32>} : memref<2x4x128xi32, #tpu.memory_space<vmem>>, vector<1x1x16xi32>,
        %swap3A_254 = vector.shape_cast %swap3A_253 : vector<1x1x16xi32> to vector<16xi32>
        %swap3A_255 = vector.shape_cast %select_n3A_247 : vector<16xi32> to vector<1x1x16xi32>
        tpu.vector_store %arg9[%swap3A_250, %swap3A_251, %swap3A_252], %swap3A_255 {strides = array<i32>} : memref<2x4x128xi32, #tpu.memory_space<vmem>>, vector<1x1x16xi32>,
        %get3A_256 = arith.constant 1 : i32
        %get3A_257 = arith.constant 0 : i32
        %get3A_258 = arith.index_cast %get3A_256 : i32 to index
        %get3A_259 = arith.index_cast %get3A_257 : i32 to index
        %get3A_260 = arith.constant 80 : index
        %get3A_261 = tpu.vector_load %arg9[%get3A_258, %get3A_259, %get3A_260] {strides = array<i32>} : memref<2x4x128xi32, #tpu.memory_space<vmem>>, vector<1x1x16xi32>,
        %get3A_262 = vector.shape_cast %get3A_261 : vector<1x1x16xi32> to vector<16xi32>
        %sub3A_263 = vector.broadcast %mul3A_2 : i32 to vector<16xi32>
        %sub3A_264 = arith.subi %get3A_262, %sub3A_263 : vector<16xi32>
        %ge3A_265 = arith.constant 0 : i32
        %ge3A_266 = vector.broadcast %ge3A_265 : i32 to vector<16xi32>
        %ge3A_267 = arith.cmpi sge, %sub3A_264, %ge3A_266 : vector<16xi32>
        %lt3A_268 = arith.constant 25000 : i32
        %lt3A_269 = vector.broadcast %lt3A_268 : i32 to vector<16xi32>
        %lt3A_270 = arith.cmpi slt, %sub3A_264, %lt3A_269 : vector<16xi32>
        %and3A_271 = arith.andi %ge3A_267, %lt3A_270 : vector<16xi1>
        %broadcast_in_dim3A_272 = vector.broadcast %add3A_4 : i32 to vector<16xi32>
        %select_n3A_273 = arith.select %and3A_271, %sub3A_264, %broadcast_in_dim3A_272 : vector<16xi1>, vector<16xi32>
        %swap3A_274 = arith.constant 1 : i32
        %swap3A_275 = arith.constant 0 : i32
        %swap3A_276 = arith.index_cast %swap3A_274 : i32 to index
        %swap3A_277 = arith.index_cast %swap3A_275 : i32 to index
        %swap3A_278 = arith.constant 80 : index
        %swap3A_279 = tpu.vector_load %arg9[%swap3A_276, %swap3A_277, %swap3A_278] {strides = array<i32>} : memref<2x4x128xi32, #tpu.memory_space<vmem>>, vector<1x1x16xi32>,
        %swap3A_280 = vector.shape_cast %swap3A_279 : vector<1x1x16xi32> to vector<16xi32>
        %swap3A_281 = vector.shape_cast %select_n3A_273 : vector<16xi32> to vector<1x1x16xi32>
        tpu.vector_store %arg9[%swap3A_276, %swap3A_277, %swap3A_278], %swap3A_281 {strides = array<i32>} : memref<2x4x128xi32, #tpu.memory_space<vmem>>, vector<1x1x16xi32>,
        %get3A_282 = arith.constant 1 : i32
        %get3A_283 = arith.constant 0 : i32
        %get3A_284 = arith.index_cast %get3A_282 : i32 to index
        %get3A_285 = arith.index_cast %get3A_283 : i32 to index
        %get3A_286 = arith.constant 96 : index
        %get3A_287 = tpu.vector_load %arg9[%get3A_284, %get3A_285, %get3A_286] {strides = array<i32>} : memref<2x4x128xi32, #tpu.memory_space<vmem>>, vector<1x1x16xi32>,
        %get3A_288 = vector.shape_cast %get3A_287 : vector<1x1x16xi32> to vector<16xi32>
        %sub3A_289 = vector.broadcast %mul3A_2 : i32 to vector<16xi32>
        %sub3A_290 = arith.subi %get3A_288, %sub3A_289 : vector<16xi32>
        %ge3A_291 = arith.constant 0 : i32
        %ge3A_292 = vector.broadcast %ge3A_291 : i32 to vector<16xi32>
        %ge3A_293 = arith.cmpi sge, %sub3A_290, %ge3A_292 : vector<16xi32>
        %lt3A_294 = arith.constant 25000 : i32
        %lt3A_295 = vector.broadcast %lt3A_294 : i32 to vector<16xi32>
        %lt3A_296 = arith.cmpi slt, %sub3A_290, %lt3A_295 : vector<16xi32>
        %and3A_297 = arith.andi %ge3A_293, %lt3A_296 : vector<16xi1>
        %broadcast_in_dim3A_298 = vector.broadcast %add3A_4 : i32 to vector<16xi32>
        %select_n3A_299 = arith.select %and3A_297, %sub3A_290, %broadcast_in_dim3A_298 : vector<16xi1>, vector<16xi32>
        %swap3A_300 = arith.constant 1 : i32
        %swap3A_301 = arith.constant 0 : i32
        %swap3A_302 = arith.index_cast %swap3A_300 : i32 to index
        %swap3A_303 = arith.index_cast %swap3A_301 : i32 to index
        %swap3A_304 = arith.constant 96 : index
        %swap3A_305 = tpu.vector_load %arg9[%swap3A_302, %swap3A_303, %swap3A_304] {strides = array<i32>} : memref<2x4x128xi32, #tpu.memory_space<vmem>>, vector<1x1x16xi32>,
        %swap3A_306 = vector.shape_cast %swap3A_305 : vector<1x1x16xi32> to vector<16xi32>
        %swap3A_307 = vector.shape_cast %select_n3A_299 : vector<16xi32> to vector<1x1x16xi32>
        tpu.vector_store %arg9[%swap3A_302, %swap3A_303, %swap3A_304], %swap3A_307 {strides = array<i32>} : memref<2x4x128xi32, #tpu.memory_space<vmem>>, vector<1x1x16xi32>,
        %get3A_308 = arith.constant 1 : i32
        %get3A_309 = arith.constant 0 : i32
        %get3A_310 = arith.index_cast %get3A_308 : i32 to index
        %get3A_311 = arith.index_cast %get3A_309 : i32 to index
        %get3A_312 = arith.constant 112 : index
        %get3A_313 = tpu.vector_load %arg9[%get3A_310, %get3A_311, %get3A_312] {strides = array<i32>} : memref<2x4x128xi32, #tpu.memory_space<vmem>>, vector<1x1x16xi32>,
        %get3A_314 = vector.shape_cast %get3A_313 : vector<1x1x16xi32> to vector<16xi32>
        %sub3A_315 = vector.broadcast %mul3A_2 : i32 to vector<16xi32>
        %sub3A_316 = arith.subi %get3A_314, %sub3A_315 : vector<16xi32>
        %ge3A_317 = arith.constant 0 : i32
        %ge3A_318 = vector.broadcast %ge3A_317 : i32 to vector<16xi32>
        %ge3A_319 = arith.cmpi sge, %sub3A_316, %ge3A_318 : vector<16xi32>
        %lt3A_320 = arith.constant 25000 : i32
        %lt3A_321 = vector.broadcast %lt3A_320 : i32 to vector<16xi32>
        %lt3A_322 = arith.cmpi slt, %sub3A_316, %lt3A_321 : vector<16xi32>
        %and3A_323 = arith.andi %ge3A_319, %lt3A_322 : vector<16xi1>
        %broadcast_in_dim3A_324 = vector.broadcast %add3A_4 : i32 to vector<16xi32>
        %select_n3A_325 = arith.select %and3A_323, %sub3A_316, %broadcast_in_dim3A_324 : vector<16xi1>, vector<16xi32>
        %swap3A_326 = arith.constant 1 : i32
        %swap3A_327 = arith.constant 0 : i32
        %swap3A_328 = arith.index_cast %swap3A_326 : i32 to index
        %swap3A_329 = arith.index_cast %swap3A_327 : i32 to index
        %swap3A_330 = arith.constant 112 : index
        %swap3A_331 = tpu.vector_load %arg9[%swap3A_328, %swap3A_329, %swap3A_330] {strides = array<i32>} : memref<2x4x128xi32, #tpu.memory_space<vmem>>, vector<1x1x16xi32>,
        %swap3A_332 = vector.shape_cast %swap3A_331 : vector<1x1x16xi32> to vector<16xi32>
        %swap3A_333 = vector.shape_cast %select_n3A_325 : vector<16xi32> to vector<1x1x16xi32>
        tpu.vector_store %arg9[%swap3A_328, %swap3A_329, %swap3A_330], %swap3A_333 {strides = array<i32>} : memref<2x4x128xi32, #tpu.memory_space<vmem>>, vector<1x1x16xi32>,
        %get3A_334 = arith.constant 1 : i32
        %get3A_335 = arith.constant 1 : i32
        %get3A_336 = arith.index_cast %get3A_334 : i32 to index
        %get3A_337 = arith.index_cast %get3A_335 : i32 to index
        %get3A_338 = arith.constant 0 : index
        %get3A_339 = tpu.vector_load %arg9[%get3A_336, %get3A_337, %get3A_338] {strides = array<i32>} : memref<2x4x128xi32, #tpu.memory_space<vmem>>, vector<1x1x16xi32>,
        %get3A_340 = vector.shape_cast %get3A_339 : vector<1x1x16xi32> to vector<16xi32>
        %sub3A_341 = vector.broadcast %mul3A_2 : i32 to vector<16xi32>
        %sub3A_342 = arith.subi %get3A_340, %sub3A_341 : vector<16xi32>
        %ge3A_343 = arith.constant 0 : i32
        %ge3A_344 = vector.broadcast %ge3A_343 : i32 to vector<16xi32>
        %ge3A_345 = arith.cmpi sge, %sub3A_342, %ge3A_344 : vector<16xi32>
        %lt3A_346 = arith.constant 25000 : i32
        %lt3A_347 = vector.broadcast %lt3A_346 : i32 to vector<16xi32>
        %lt3A_348 = arith.cmpi slt, %sub3A_342, %lt3A_347 : vector<16xi32>
        %and3A_349 = arith.andi %ge3A_345, %lt3A_348 : vector<16xi1>
        %broadcast_in_dim3A_350 = vector.broadcast %add3A_4 : i32 to vector<16xi32>
        %select_n3A_351 = arith.select %and3A_349, %sub3A_342, %broadcast_in_dim3A_350 : vector<16xi1>, vector<16xi32>
        %swap3A_352 = arith.constant 1 : i32
        %swap3A_353 = arith.constant 1 : i32
        %swap3A_354 = arith.index_cast %swap3A_352 : i32 to index
        %swap3A_355 = arith.index_cast %swap3A_353 : i32 to index
        %swap3A_356 = arith.constant 0 : index
        %swap3A_357 = tpu.vector_load %arg9[%swap3A_354, %swap3A_355, %swap3A_356] {strides = array<i32>} : memref<2x4x128xi32, #tpu.memory_space<vmem>>, vector<1x1x16xi32>,
        %swap3A_358 = vector.shape_cast %swap3A_357 : vector<1x1x16xi32> to vector<16xi32>
        %swap3A_359 = vector.shape_cast %select_n3A_351 : vector<16xi32> to vector<1x1x16xi32>
        tpu.vector_store %arg9[%swap3A_354, %swap3A_355, %swap3A_356], %swap3A_359 {strides = array<i32>} : memref<2x4x128xi32, #tpu.memory_space<vmem>>, vector<1x1x16xi32>,
        %get3A_360 = arith.constant 1 : i32
        %get3A_361 = arith.constant 1 : i32
        %get3A_362 = arith.index_cast %get3A_360 : i32 to index
        %get3A_363 = arith.index_cast %get3A_361 : i32 to index
        %get3A_364 = arith.constant 16 : index
        %get3A_365 = tpu.vector_load %arg9[%get3A_362, %get3A_363, %get3A_364] {strides = array<i32>} : memref<2x4x128xi32, #tpu.memory_space<vmem>>, vector<1x1x16xi32>,
        %get3A_366 = vector.shape_cast %get3A_365 : vector<1x1x16xi32> to vector<16xi32>
        %sub3A_367 = vector.broadcast %mul3A_2 : i32 to vector<16xi32>
        %sub3A_368 = arith.subi %get3A_366, %sub3A_367 : vector<16xi32>
        %ge3A_369 = arith.constant 0 : i32
        %ge3A_370 = vector.broadcast %ge3A_369 : i32 to vector<16xi32>
        %ge3A_371 = arith.cmpi sge, %sub3A_368, %ge3A_370 : vector<16xi32>
        %lt3A_372 = arith.constant 25000 : i32
        %lt3A_373 = vector.broadcast %lt3A_372 : i32 to vector<16xi32>
        %lt3A_374 = arith.cmpi slt, %sub3A_368, %lt3A_373 : vector<16xi32>
        %and3A_375 = arith.andi %ge3A_371, %lt3A_374 : vector<16xi1>
        %broadcast_in_dim3A_376 = vector.broadcast %add3A_4 : i32 to vector<16xi32>
        %select_n3A_377 = arith.select %and3A_375, %sub3A_368, %broadcast_in_dim3A_376 : vector<16xi1>, vector<16xi32>
        %swap3A_378 = arith.constant 1 : i32
        %swap3A_379 = arith.constant 1 : i32
        %swap3A_380 = arith.index_cast %swap3A_378 : i32 to index
        %swap3A_381 = arith.index_cast %swap3A_379 : i32 to index
        %swap3A_382 = arith.constant 16 : index
        %swap3A_383 = tpu.vector_load %arg9[%swap3A_380, %swap3A_381, %swap3A_382] {strides = array<i32>} : memref<2x4x128xi32, #tpu.memory_space<vmem>>, vector<1x1x16xi32>,
        %swap3A_384 = vector.shape_cast %swap3A_383 : vector<1x1x16xi32> to vector<16xi32>
        %swap3A_385 = vector.shape_cast %select_n3A_377 : vector<16xi32> to vector<1x1x16xi32>
        tpu.vector_store %arg9[%swap3A_380, %swap3A_381, %swap3A_382], %swap3A_385 {strides = array<i32>} : memref<2x4x128xi32, #tpu.memory_space<vmem>>, vector<1x1x16xi32>,
        %get3A_386 = arith.constant 1 : i32
        %get3A_387 = arith.constant 1 : i32
        %get3A_388 = arith.index_cast %get3A_386 : i32 to index
        %get3A_389 = arith.index_cast %get3A_387 : i32 to index
        %get3A_390 = arith.constant 32 : index
        %get3A_391 = tpu.vector_load %arg9[%get3A_388, %get3A_389, %get3A_390] {strides = array<i32>} : memref<2x4x128xi32, #tpu.memory_space<vmem>>, vector<1x1x16xi32>,
        %get3A_392 = vector.shape_cast %get3A_391 : vector<1x1x16xi32> to vector<16xi32>
        %sub3A_393 = vector.broadcast %mul3A_2 : i32 to vector<16xi32>
        %sub3A_394 = arith.subi %get3A_392, %sub3A_393 : vector<16xi32>
        %ge3A_395 = arith.constant 0 : i32
        %ge3A_396 = vector.broadcast %ge3A_395 : i32 to vector<16xi32>
        %ge3A_397 = arith.cmpi sge, %sub3A_394, %ge3A_396 : vector<16xi32>
        %lt3A_398 = arith.constant 25000 : i32
        %lt3A_399 = vector.broadcast %lt3A_398 : i32 to vector<16xi32>
        %lt3A_400 = arith.cmpi slt, %sub3A_394, %lt3A_399 : vector<16xi32>
        %and3A_401 = arith.andi %ge3A_397, %lt3A_400 : vector<16xi1>
        %broadcast_in_dim3A_402 = vector.broadcast %add3A_4 : i32 to vector<16xi32>
        %select_n3A_403 = arith.select %and3A_401, %sub3A_394, %broadcast_in_dim3A_402 : vector<16xi1>, vector<16xi32>
        %swap3A_404 = arith.constant 1 : i32
        %swap3A_405 = arith.constant 1 : i32
        %swap3A_406 = arith.index_cast %swap3A_404 : i32 to index
        %swap3A_407 = arith.index_cast %swap3A_405 : i32 to index
        %swap3A_408 = arith.constant 32 : index
        %swap3A_409 = tpu.vector_load %arg9[%swap3A_406, %swap3A_407, %swap3A_408] {strides = array<i32>} : memref<2x4x128xi32, #tpu.memory_space<vmem>>, vector<1x1x16xi32>,
        %swap3A_410 = vector.shape_cast %swap3A_409 : vector<1x1x16xi32> to vector<16xi32>
        %swap3A_411 = vector.shape_cast %select_n3A_403 : vector<16xi32> to vector<1x1x16xi32>
        tpu.vector_store %arg9[%swap3A_406, %swap3A_407, %swap3A_408], %swap3A_411 {strides = array<i32>} : memref<2x4x128xi32, #tpu.memory_space<vmem>>, vector<1x1x16xi32>,
        %get3A_412 = arith.constant 1 : i32
        %get3A_413 = arith.constant 1 : i32
        %get3A_414 = arith.index_cast %get3A_412 : i32 to index
        %get3A_415 = arith.index_cast %get3A_413 : i32 to index
        %get3A_416 = arith.constant 48 : index
        %get3A_417 = tpu.vector_load %arg9[%get3A_414, %get3A_415, %get3A_416] {strides = array<i32>} : memref<2x4x128xi32, #tpu.memory_space<vmem>>, vector<1x1x16xi32>,
        %get3A_418 = vector.shape_cast %get3A_417 : vector<1x1x16xi32> to vector<16xi32>
        %sub3A_419 = vector.broadcast %mul3A_2 : i32 to vector<16xi32>
        %sub3A_420 = arith.subi %get3A_418, %sub3A_419 : vector<16xi32>
        %ge3A_421 = arith.constant 0 : i32
        %ge3A_422 = vector.broadcast %ge3A_421 : i32 to vector<16xi32>
        %ge3A_423 = arith.cmpi sge, %sub3A_420, %ge3A_422 : vector<16xi32>
        %lt3A_424 = arith.constant 25000 : i32
        %lt3A_425 = vector.broadcast %lt3A_424 : i32 to vector<16xi32>
        %lt3A_426 = arith.cmpi slt, %sub3A_420, %lt3A_425 : vector<16xi32>
        %and3A_427 = arith.andi %ge3A_423, %lt3A_426 : vector<16xi1>
        %broadcast_in_dim3A_428 = vector.broadcast %add3A_4 : i32 to vector<16xi32>
        %select_n3A_429 = arith.select %and3A_427, %sub3A_420, %broadcast_in_dim3A_428 : vector<16xi1>, vector<16xi32>
        %swap3A_430 = arith.constant 1 : i32
        %swap3A_431 = arith.constant 1 : i32
        %swap3A_432 = arith.index_cast %swap3A_430 : i32 to index
        %swap3A_433 = arith.index_cast %swap3A_431 : i32 to index
        %swap3A_434 = arith.constant 48 : index
        %swap3A_435 = tpu.vector_load %arg9[%swap3A_432, %swap3A_433, %swap3A_434] {strides = array<i32>} : memref<2x4x128xi32, #tpu.memory_space<vmem>>, vector<1x1x16xi32>,
        %swap3A_436 = vector.shape_cast %swap3A_435 : vector<1x1x16xi32> to vector<16xi32>
        %swap3A_437 = vector.shape_cast %select_n3A_429 : vector<16xi32> to vector<1x1x16xi32>
        tpu.vector_store %arg9[%swap3A_432, %swap3A_433, %swap3A_434], %swap3A_437 {strides = array<i32>} : memref<2x4x128xi32, #tpu.memory_space<vmem>>, vector<1x1x16xi32>,
        %get3A_438 = arith.constant 1 : i32
        %get3A_439 = arith.constant 1 : i32
        %get3A_440 = arith.index_cast %get3A_438 : i32 to index
        %get3A_441 = arith.index_cast %get3A_439 : i32 to index
        %get3A_442 = arith.constant 64 : index
        %get3A_443 = tpu.vector_load %arg9[%get3A_440, %get3A_441, %get3A_442] {strides = array<i32>} : memref<2x4x128xi32, #tpu.memory_space<vmem>>, vector<1x1x16xi32>,
        %get3A_444 = vector.shape_cast %get3A_443 : vector<1x1x16xi32> to vector<16xi32>
        %sub3A_445 = vector.broadcast %mul3A_2 : i32 to vector<16xi32>
        %sub3A_446 = arith.subi %get3A_444, %sub3A_445 : vector<16xi32>
        %ge3A_447 = arith.constant 0 : i32
        %ge3A_448 = vector.broadcast %ge3A_447 : i32 to vector<16xi32>
        %ge3A_449 = arith.cmpi sge, %sub3A_446, %ge3A_448 : vector<16xi32>
        %lt3A_450 = arith.constant 25000 : i32
        %lt3A_451 = vector.broadcast %lt3A_450 : i32 to vector<16xi32>
        %lt3A_452 = arith.cmpi slt, %sub3A_446, %lt3A_451 : vector<16xi32>
        %and3A_453 = arith.andi %ge3A_449, %lt3A_452 : vector<16xi1>
        %broadcast_in_dim3A_454 = vector.broadcast %add3A_4 : i32 to vector<16xi32>
        %select_n3A_455 = arith.select %and3A_453, %sub3A_446, %broadcast_in_dim3A_454 : vector<16xi1>, vector<16xi32>
        %swap3A_456 = arith.constant 1 : i32
        %swap3A_457 = arith.constant 1 : i32
        %swap3A_458 = arith.index_cast %swap3A_456 : i32 to index
        %swap3A_459 = arith.index_cast %swap3A_457 : i32 to index
        %swap3A_460 = arith.constant 64 : index
        %swap3A_461 = tpu.vector_load %arg9[%swap3A_458, %swap3A_459, %swap3A_460] {strides = array<i32>} : memref<2x4x128xi32, #tpu.memory_space<vmem>>, vector<1x1x16xi32>,
        %swap3A_462 = vector.shape_cast %swap3A_461 : vector<1x1x16xi32> to vector<16xi32>
        %swap3A_463 = vector.shape_cast %select_n3A_455 : vector<16xi32> to vector<1x1x16xi32>
        tpu.vector_store %arg9[%swap3A_458, %swap3A_459, %swap3A_460], %swap3A_463 {strides = array<i32>} : memref<2x4x128xi32, #tpu.memory_space<vmem>>, vector<1x1x16xi32>,
        %get3A_464 = arith.constant 1 : i32
        %get3A_465 = arith.constant 1 : i32
        %get3A_466 = arith.index_cast %get3A_464 : i32 to index
        %get3A_467 = arith.index_cast %get3A_465 : i32 to index
        %get3A_468 = arith.constant 80 : index
        %get3A_469 = tpu.vector_load %arg9[%get3A_466, %get3A_467, %get3A_468] {strides = array<i32>} : memref<2x4x128xi32, #tpu.memory_space<vmem>>, vector<1x1x16xi32>,
        %get3A_470 = vector.shape_cast %get3A_469 : vector<1x1x16xi32> to vector<16xi32>
        %sub3A_471 = vector.broadcast %mul3A_2 : i32 to vector<16xi32>
        %sub3A_472 = arith.subi %get3A_470, %sub3A_471 : vector<16xi32>
        %ge3A_473 = arith.constant 0 : i32
        %ge3A_474 = vector.broadcast %ge3A_473 : i32 to vector<16xi32>
        %ge3A_475 = arith.cmpi sge, %sub3A_472, %ge3A_474 : vector<16xi32>
        %lt3A_476 = arith.constant 25000 : i32
        %lt3A_477 = vector.broadcast %lt3A_476 : i32 to vector<16xi32>
        %lt3A_478 = arith.cmpi slt, %sub3A_472, %lt3A_477 : vector<16xi32>
        %and3A_479 = arith.andi %ge3A_475, %lt3A_478 : vector<16xi1>
        %broadcast_in_dim3A_480 = vector.broadcast %add3A_4 : i32 to vector<16xi32>
        %select_n3A_481 = arith.select %and3A_479, %sub3A_472, %broadcast_in_dim3A_480 : vector<16xi1>, vector<16xi32>
        %swap3A_482 = arith.constant 1 : i32
        %swap3A_483 = arith.constant 1 : i32
        %swap3A_484 = arith.index_cast %swap3A_482 : i32 to index
        %swap3A_485 = arith.index_cast %swap3A_483 : i32 to index
        %swap3A_486 = arith.constant 80 : index
        %swap3A_487 = tpu.vector_load %arg9[%swap3A_484, %swap3A_485, %swap3A_486] {strides = array<i32>} : memref<2x4x128xi32, #tpu.memory_space<vmem>>, vector<1x1x16xi32>,
        %swap3A_488 = vector.shape_cast %swap3A_487 : vector<1x1x16xi32> to vector<16xi32>
        %swap3A_489 = vector.shape_cast %select_n3A_481 : vector<16xi32> to vector<1x1x16xi32>
        tpu.vector_store %arg9[%swap3A_484, %swap3A_485, %swap3A_486], %swap3A_489 {strides = array<i32>} : memref<2x4x128xi32, #tpu.memory_space<vmem>>, vector<1x1x16xi32>,
        %get3A_490 = arith.constant 1 : i32
        %get3A_491 = arith.constant 1 : i32
        %get3A_492 = arith.index_cast %get3A_490 : i32 to index
        %get3A_493 = arith.index_cast %get3A_491 : i32 to index
        %get3A_494 = arith.constant 96 : index
        %get3A_495 = tpu.vector_load %arg9[%get3A_492, %get3A_493, %get3A_494] {strides = array<i32>} : memref<2x4x128xi32, #tpu.memory_space<vmem>>, vector<1x1x16xi32>,
        %get3A_496 = vector.shape_cast %get3A_495 : vector<1x1x16xi32> to vector<16xi32>
        %sub3A_497 = vector.broadcast %mul3A_2 : i32 to vector<16xi32>
        %sub3A_498 = arith.subi %get3A_496, %sub3A_497 : vector<16xi32>
        %ge3A_499 = arith.constant 0 : i32
        %ge3A_500 = vector.broadcast %ge3A_499 : i32 to vector<16xi32>
        %ge3A_501 = arith.cmpi sge, %sub3A_498, %ge3A_500 : vector<16xi32>
        %lt3A_502 = arith.constant 25000 : i32
        %lt3A_503 = vector.broadcast %lt3A_502 : i32 to vector<16xi32>
        %lt3A_504 = arith.cmpi slt, %sub3A_498, %lt3A_503 : vector<16xi32>
        %and3A_505 = arith.andi %ge3A_501, %lt3A_504 : vector<16xi1>
        %broadcast_in_dim3A_506 = vector.broadcast %add3A_4 : i32 to vector<16xi32>
        %select_n3A_507 = arith.select %and3A_505, %sub3A_498, %broadcast_in_dim3A_506 : vector<16xi1>, vector<16xi32>
        %swap3A_508 = arith.constant 1 : i32
        %swap3A_509 = arith.constant 1 : i32
        %swap3A_510 = arith.index_cast %swap3A_508 : i32 to index
        %swap3A_511 = arith.index_cast %swap3A_509 : i32 to index
        %swap3A_512 = arith.constant 96 : index
        %swap3A_513 = tpu.vector_load %arg9[%swap3A_510, %swap3A_511, %swap3A_512] {strides = array<i32>} : memref<2x4x128xi32, #tpu.memory_space<vmem>>, vector<1x1x16xi32>,
        %swap3A_514 = vector.shape_cast %swap3A_513 : vector<1x1x16xi32> to vector<16xi32>
        %swap3A_515 = vector.shape_cast %select_n3A_507 : vector<16xi32> to vector<1x1x16xi32>
        tpu.vector_store %arg9[%swap3A_510, %swap3A_511, %swap3A_512], %swap3A_515 {strides = array<i32>} : memref<2x4x128xi32, #tpu.memory_space<vmem>>, vector<1x1x16xi32>,
        %get3A_516 = arith.constant 1 : i32
        %get3A_517 = arith.constant 1 : i32
        %get3A_518 = arith.index_cast %get3A_516 : i32 to index
        %get3A_519 = arith.index_cast %get3A_517 : i32 to index
        %get3A_520 = arith.constant 112 : index
        %get3A_521 = tpu.vector_load %arg9[%get3A_518, %get3A_519, %get3A_520] {strides = array<i32>} : memref<2x4x128xi32, #tpu.memory_space<vmem>>, vector<1x1x16xi32>,
        %get3A_522 = vector.shape_cast %get3A_521 : vector<1x1x16xi32> to vector<16xi32>
        %sub3A_523 = vector.broadcast %mul3A_2 : i32 to vector<16xi32>
        %sub3A_524 = arith.subi %get3A_522, %sub3A_523 : vector<16xi32>
        %ge3A_525 = arith.constant 0 : i32
        %ge3A_526 = vector.broadcast %ge3A_525 : i32 to vector<16xi32>
        %ge3A_527 = arith.cmpi sge, %sub3A_524, %ge3A_526 : vector<16xi32>
        %lt3A_528 = arith.constant 25000 : i32
        %lt3A_529 = vector.broadcast %lt3A_528 : i32 to vector<16xi32>
        %lt3A_530 = arith.cmpi slt, %sub3A_524, %lt3A_529 : vector<16xi32>
        %and3A_531 = arith.andi %ge3A_527, %lt3A_530 : vector<16xi1>
        %broadcast_in_dim3A_532 = vector.broadcast %add3A_4 : i32 to vector<16xi32>
        %select_n3A_533 = arith.select %and3A_531, %sub3A_524, %broadcast_in_dim3A_532 : vector<16xi1>, vector<16xi32>
        %swap3A_534 = arith.constant 1 : i32
        %swap3A_535 = arith.constant 1 : i32
        %swap3A_536 = arith.index_cast %swap3A_534 : i32 to index
        %swap3A_537 = arith.index_cast %swap3A_535 : i32 to index
        %swap3A_538 = arith.constant 112 : index
        %swap3A_539 = tpu.vector_load %arg9[%swap3A_536, %swap3A_537, %swap3A_538] {strides = array<i32>} : memref<2x4x128xi32, #tpu.memory_space<vmem>>, vector<1x1x16xi32>,
        %swap3A_540 = vector.shape_cast %swap3A_539 : vector<1x1x16xi32> to vector<16xi32>
        %swap3A_541 = vector.shape_cast %select_n3A_533 : vector<16xi32> to vector<1x1x16xi32>
        tpu.vector_store %arg9[%swap3A_536, %swap3A_537, %swap3A_538], %swap3A_541 {strides = array<i32>} : memref<2x4x128xi32, #tpu.memory_space<vmem>>, vector<1x1x16xi32>,
        %get3A_542 = arith.constant 1 : i32
        %get3A_543 = arith.constant 2 : i32
        %get3A_544 = arith.index_cast %get3A_542 : i32 to index
        %get3A_545 = arith.index_cast %get3A_543 : i32 to index
        %get3A_546 = arith.constant 0 : index
        %get3A_547 = tpu.vector_load %arg9[%get3A_544, %get3A_545, %get3A_546] {strides = array<i32>} : memref<2x4x128xi32, #tpu.memory_space<vmem>>, vector<1x1x16xi32>,
        %get3A_548 = vector.shape_cast %get3A_547 : vector<1x1x16xi32> to vector<16xi32>
        %sub3A_549 = vector.broadcast %mul3A_2 : i32 to vector<16xi32>
        %sub3A_550 = arith.subi %get3A_548, %sub3A_549 : vector<16xi32>
        %ge3A_551 = arith.constant 0 : i32
        %ge3A_552 = vector.broadcast %ge3A_551 : i32 to vector<16xi32>
        %ge3A_553 = arith.cmpi sge, %sub3A_550, %ge3A_552 : vector<16xi32>
        %lt3A_554 = arith.constant 25000 : i32
        %lt3A_555 = vector.broadcast %lt3A_554 : i32 to vector<16xi32>
        %lt3A_556 = arith.cmpi slt, %sub3A_550, %lt3A_555 : vector<16xi32>
        %and3A_557 = arith.andi %ge3A_553, %lt3A_556 : vector<16xi1>
        %broadcast_in_dim3A_558 = vector.broadcast %add3A_4 : i32 to vector<16xi32>
        %select_n3A_559 = arith.select %and3A_557, %sub3A_550, %broadcast_in_dim3A_558 : vector<16xi1>, vector<16xi32>
        %swap3A_560 = arith.constant 1 : i32
        %swap3A_561 = arith.constant 2 : i32
        %swap3A_562 = arith.index_cast %swap3A_560 : i32 to index
        %swap3A_563 = arith.index_cast %swap3A_561 : i32 to index
        %swap3A_564 = arith.constant 0 : index
        %swap3A_565 = tpu.vector_load %arg9[%swap3A_562, %swap3A_563, %swap3A_564] {strides = array<i32>} : memref<2x4x128xi32, #tpu.memory_space<vmem>>, vector<1x1x16xi32>,
        %swap3A_566 = vector.shape_cast %swap3A_565 : vector<1x1x16xi32> to vector<16xi32>
        %swap3A_567 = vector.shape_cast %select_n3A_559 : vector<16xi32> to vector<1x1x16xi32>
        tpu.vector_store %arg9[%swap3A_562, %swap3A_563, %swap3A_564], %swap3A_567 {strides = array<i32>} : memref<2x4x128xi32, #tpu.memory_space<vmem>>, vector<1x1x16xi32>,
        %get3A_568 = arith.constant 1 : i32
        %get3A_569 = arith.constant 2 : i32
        %get3A_570 = arith.index_cast %get3A_568 : i32 to index
        %get3A_571 = arith.index_cast %get3A_569 : i32 to index
        %get3A_572 = arith.constant 16 : index
        %get3A_573 = tpu.vector_load %arg9[%get3A_570, %get3A_571, %get3A_572] {strides = array<i32>} : memref<2x4x128xi32, #tpu.memory_space<vmem>>, vector<1x1x16xi32>,
        %get3A_574 = vector.shape_cast %get3A_573 : vector<1x1x16xi32> to vector<16xi32>
        %sub3A_575 = vector.broadcast %mul3A_2 : i32 to vector<16xi32>
        %sub3A_576 = arith.subi %get3A_574, %sub3A_575 : vector<16xi32>
        %ge3A_577 = arith.constant 0 : i32
        %ge3A_578 = vector.broadcast %ge3A_577 : i32 to vector<16xi32>
        %ge3A_579 = arith.cmpi sge, %sub3A_576, %ge3A_578 : vector<16xi32>
        %lt3A_580 = arith.constant 25000 : i32
        %lt3A_581 = vector.broadcast %lt3A_580 : i32 to vector<16xi32>
        %lt3A_582 = arith.cmpi slt, %sub3A_576, %lt3A_581 : vector<16xi32>
        %and3A_583 = arith.andi %ge3A_579, %lt3A_582 : vector<16xi1>
        %broadcast_in_dim3A_584 = vector.broadcast %add3A_4 : i32 to vector<16xi32>
        %select_n3A_585 = arith.select %and3A_583, %sub3A_576, %broadcast_in_dim3A_584 : vector<16xi1>, vector<16xi32>
        %swap3A_586 = arith.constant 1 : i32
        %swap3A_587 = arith.constant 2 : i32
        %swap3A_588 = arith.index_cast %swap3A_586 : i32 to index
        %swap3A_589 = arith.index_cast %swap3A_587 : i32 to index
        %swap3A_590 = arith.constant 16 : index
        %swap3A_591 = tpu.vector_load %arg9[%swap3A_588, %swap3A_589, %swap3A_590] {strides = array<i32>} : memref<2x4x128xi32, #tpu.memory_space<vmem>>, vector<1x1x16xi32>,
        %swap3A_592 = vector.shape_cast %swap3A_591 : vector<1x1x16xi32> to vector<16xi32>
        %swap3A_593 = vector.shape_cast %select_n3A_585 : vector<16xi32> to vector<1x1x16xi32>
        tpu.vector_store %arg9[%swap3A_588, %swap3A_589, %swap3A_590], %swap3A_593 {strides = array<i32>} : memref<2x4x128xi32, #tpu.memory_space<vmem>>, vector<1x1x16xi32>,
        %get3A_594 = arith.constant 1 : i32
        %get3A_595 = arith.constant 2 : i32
        %get3A_596 = arith.index_cast %get3A_594 : i32 to index
        %get3A_597 = arith.index_cast %get3A_595 : i32 to index
        %get3A_598 = arith.constant 32 : index
        %get3A_599 = tpu.vector_load %arg9[%get3A_596, %get3A_597, %get3A_598] {strides = array<i32>} : memref<2x4x128xi32, #tpu.memory_space<vmem>>, vector<1x1x16xi32>,
        %get3A_600 = vector.shape_cast %get3A_599 : vector<1x1x16xi32> to vector<16xi32>
        %sub3A_601 = vector.broadcast %mul3A_2 : i32 to vector<16xi32>
        %sub3A_602 = arith.subi %get3A_600, %sub3A_601 : vector<16xi32>
        %ge3A_603 = arith.constant 0 : i32
        %ge3A_604 = vector.broadcast %ge3A_603 : i32 to vector<16xi32>
        %ge3A_605 = arith.cmpi sge, %sub3A_602, %ge3A_604 : vector<16xi32>
        %lt3A_606 = arith.constant 25000 : i32
        %lt3A_607 = vector.broadcast %lt3A_606 : i32 to vector<16xi32>
        %lt3A_608 = arith.cmpi slt, %sub3A_602, %lt3A_607 : vector<16xi32>
        %and3A_609 = arith.andi %ge3A_605, %lt3A_608 : vector<16xi1>
        %broadcast_in_dim3A_610 = vector.broadcast %add3A_4 : i32 to vector<16xi32>
        %select_n3A_611 = arith.select %and3A_609, %sub3A_602, %broadcast_in_dim3A_610 : vector<16xi1>, vector<16xi32>
        %swap3A_612 = arith.constant 1 : i32
        %swap3A_613 = arith.constant 2 : i32
        %swap3A_614 = arith.index_cast %swap3A_612 : i32 to index
        %swap3A_615 = arith.index_cast %swap3A_613 : i32 to index
        %swap3A_616 = arith.constant 32 : index
        %swap3A_617 = tpu.vector_load %arg9[%swap3A_614, %swap3A_615, %swap3A_616] {strides = array<i32>} : memref<2x4x128xi32, #tpu.memory_space<vmem>>, vector<1x1x16xi32>,
        %swap3A_618 = vector.shape_cast %swap3A_617 : vector<1x1x16xi32> to vector<16xi32>
        %swap3A_619 = vector.shape_cast %select_n3A_611 : vector<16xi32> to vector<1x1x16xi32>
        tpu.vector_store %arg9[%swap3A_614, %swap3A_615, %swap3A_616], %swap3A_619 {strides = array<i32>} : memref<2x4x128xi32, #tpu.memory_space<vmem>>, vector<1x1x16xi32>,
        %get3A_620 = arith.constant 1 : i32
        %get3A_621 = arith.constant 2 : i32
        %get3A_622 = arith.index_cast %get3A_620 : i32 to index
        %get3A_623 = arith.index_cast %get3A_621 : i32 to index
        %get3A_624 = arith.constant 48 : index
        %get3A_625 = tpu.vector_load %arg9[%get3A_622, %get3A_623, %get3A_624] {strides = array<i32>} : memref<2x4x128xi32, #tpu.memory_space<vmem>>, vector<1x1x16xi32>,
        %get3A_626 = vector.shape_cast %get3A_625 : vector<1x1x16xi32> to vector<16xi32>
        %sub3A_627 = vector.broadcast %mul3A_2 : i32 to vector<16xi32>
        %sub3A_628 = arith.subi %get3A_626, %sub3A_627 : vector<16xi32>
        %ge3A_629 = arith.constant 0 : i32
        %ge3A_630 = vector.broadcast %ge3A_629 : i32 to vector<16xi32>
        %ge3A_631 = arith.cmpi sge, %sub3A_628, %ge3A_630 : vector<16xi32>
        %lt3A_632 = arith.constant 25000 : i32
        %lt3A_633 = vector.broadcast %lt3A_632 : i32 to vector<16xi32>
        %lt3A_634 = arith.cmpi slt, %sub3A_628, %lt3A_633 : vector<16xi32>
        %and3A_635 = arith.andi %ge3A_631, %lt3A_634 : vector<16xi1>
        %broadcast_in_dim3A_636 = vector.broadcast %add3A_4 : i32 to vector<16xi32>
        %select_n3A_637 = arith.select %and3A_635, %sub3A_628, %broadcast_in_dim3A_636 : vector<16xi1>, vector<16xi32>
        %swap3A_638 = arith.constant 1 : i32
        %swap3A_639 = arith.constant 2 : i32
        %swap3A_640 = arith.index_cast %swap3A_638 : i32 to index
        %swap3A_641 = arith.index_cast %swap3A_639 : i32 to index
        %swap3A_642 = arith.constant 48 : index
        %swap3A_643 = tpu.vector_load %arg9[%swap3A_640, %swap3A_641, %swap3A_642] {strides = array<i32>} : memref<2x4x128xi32, #tpu.memory_space<vmem>>, vector<1x1x16xi32>,
        %swap3A_644 = vector.shape_cast %swap3A_643 : vector<1x1x16xi32> to vector<16xi32>
        %swap3A_645 = vector.shape_cast %select_n3A_637 : vector<16xi32> to vector<1x1x16xi32>
        tpu.vector_store %arg9[%swap3A_640, %swap3A_641, %swap3A_642], %swap3A_645 {strides = array<i32>} : memref<2x4x128xi32, #tpu.memory_space<vmem>>, vector<1x1x16xi32>,
        %get3A_646 = arith.constant 1 : i32
        %get3A_647 = arith.constant 2 : i32
        %get3A_648 = arith.index_cast %get3A_646 : i32 to index
        %get3A_649 = arith.index_cast %get3A_647 : i32 to index
        %get3A_650 = arith.constant 64 : index
        %get3A_651 = tpu.vector_load %arg9[%get3A_648, %get3A_649, %get3A_650] {strides = array<i32>} : memref<2x4x128xi32, #tpu.memory_space<vmem>>, vector<1x1x16xi32>,
        %get3A_652 = vector.shape_cast %get3A_651 : vector<1x1x16xi32> to vector<16xi32>
        %sub3A_653 = vector.broadcast %mul3A_2 : i32 to vector<16xi32>
        %sub3A_654 = arith.subi %get3A_652, %sub3A_653 : vector<16xi32>
        %ge3A_655 = arith.constant 0 : i32
        %ge3A_656 = vector.broadcast %ge3A_655 : i32 to vector<16xi32>
        %ge3A_657 = arith.cmpi sge, %sub3A_654, %ge3A_656 : vector<16xi32>
        %lt3A_658 = arith.constant 25000 : i32
        %lt3A_659 = vector.broadcast %lt3A_658 : i32 to vector<16xi32>
        %lt3A_660 = arith.cmpi slt, %sub3A_654, %lt3A_659 : vector<16xi32>
        %and3A_661 = arith.andi %ge3A_657, %lt3A_660 : vector<16xi1>
        %broadcast_in_dim3A_662 = vector.broadcast %add3A_4 : i32 to vector<16xi32>
        %select_n3A_663 = arith.select %and3A_661, %sub3A_654, %broadcast_in_dim3A_662 : vector<16xi1>, vector<16xi32>
        %swap3A_664 = arith.constant 1 : i32
        %swap3A_665 = arith.constant 2 : i32
        %swap3A_666 = arith.index_cast %swap3A_664 : i32 to index
        %swap3A_667 = arith.index_cast %swap3A_665 : i32 to index
        %swap3A_668 = arith.constant 64 : index
        %swap3A_669 = tpu.vector_load %arg9[%swap3A_666, %swap3A_667, %swap3A_668] {strides = array<i32>} : memref<2x4x128xi32, #tpu.memory_space<vmem>>, vector<1x1x16xi32>,
        %swap3A_670 = vector.shape_cast %swap3A_669 : vector<1x1x16xi32> to vector<16xi32>
        %swap3A_671 = vector.shape_cast %select_n3A_663 : vector<16xi32> to vector<1x1x16xi32>
        tpu.vector_store %arg9[%swap3A_666, %swap3A_667, %swap3A_668], %swap3A_671 {strides = array<i32>} : memref<2x4x128xi32, #tpu.memory_space<vmem>>, vector<1x1x16xi32>,
        %get3A_672 = arith.constant 1 : i32
        %get3A_673 = arith.constant 2 : i32
        %get3A_674 = arith.index_cast %get3A_672 : i32 to index
        %get3A_675 = arith.index_cast %get3A_673 : i32 to index
        %get3A_676 = arith.constant 80 : index
        %get3A_677 = tpu.vector_load %arg9[%get3A_674, %get3A_675, %get3A_676] {strides = array<i32>} : memref<2x4x128xi32, #tpu.memory_space<vmem>>, vector<1x1x16xi32>,
        %get3A_678 = vector.shape_cast %get3A_677 : vector<1x1x16xi32> to vector<16xi32>
        %sub3A_679 = vector.broadcast %mul3A_2 : i32 to vector<16xi32>
        %sub3A_680 = arith.subi %get3A_678, %sub3A_679 : vector<16xi32>
        %ge3A_681 = arith.constant 0 : i32
        %ge3A_682 = vector.broadcast %ge3A_681 : i32 to vector<16xi32>
        %ge3A_683 = arith.cmpi sge, %sub3A_680, %ge3A_682 : vector<16xi32>
        %lt3A_684 = arith.constant 25000 : i32
        %lt3A_685 = vector.broadcast %lt3A_684 : i32 to vector<16xi32>
        %lt3A_686 = arith.cmpi slt, %sub3A_680, %lt3A_685 : vector<16xi32>
        %and3A_687 = arith.andi %ge3A_683, %lt3A_686 : vector<16xi1>
        %broadcast_in_dim3A_688 = vector.broadcast %add3A_4 : i32 to vector<16xi32>
        %select_n3A_689 = arith.select %and3A_687, %sub3A_680, %broadcast_in_dim3A_688 : vector<16xi1>, vector<16xi32>
        %swap3A_690 = arith.constant 1 : i32
        %swap3A_691 = arith.constant 2 : i32
        %swap3A_692 = arith.index_cast %swap3A_690 : i32 to index
        %swap3A_693 = arith.index_cast %swap3A_691 : i32 to index
        %swap3A_694 = arith.constant 80 : index
        %swap3A_695 = tpu.vector_load %arg9[%swap3A_692, %swap3A_693, %swap3A_694] {strides = array<i32>} : memref<2x4x128xi32, #tpu.memory_space<vmem>>, vector<1x1x16xi32>,
        %swap3A_696 = vector.shape_cast %swap3A_695 : vector<1x1x16xi32> to vector<16xi32>
        %swap3A_697 = vector.shape_cast %select_n3A_689 : vector<16xi32> to vector<1x1x16xi32>
        tpu.vector_store %arg9[%swap3A_692, %swap3A_693, %swap3A_694], %swap3A_697 {strides = array<i32>} : memref<2x4x128xi32, #tpu.memory_space<vmem>>, vector<1x1x16xi32>,
        %get3A_698 = arith.constant 1 : i32
        %get3A_699 = arith.constant 2 : i32
        %get3A_700 = arith.index_cast %get3A_698 : i32 to index
        %get3A_701 = arith.index_cast %get3A_699 : i32 to index
        %get3A_702 = arith.constant 96 : index
        %get3A_703 = tpu.vector_load %arg9[%get3A_700, %get3A_701, %get3A_702] {strides = array<i32>} : memref<2x4x128xi32, #tpu.memory_space<vmem>>, vector<1x1x16xi32>,
        %get3A_704 = vector.shape_cast %get3A_703 : vector<1x1x16xi32> to vector<16xi32>
        %sub3A_705 = vector.broadcast %mul3A_2 : i32 to vector<16xi32>
        %sub3A_706 = arith.subi %get3A_704, %sub3A_705 : vector<16xi32>
        %ge3A_707 = arith.constant 0 : i32
        %ge3A_708 = vector.broadcast %ge3A_707 : i32 to vector<16xi32>
        %ge3A_709 = arith.cmpi sge, %sub3A_706, %ge3A_708 : vector<16xi32>
        %lt3A_710 = arith.constant 25000 : i32
        %lt3A_711 = vector.broadcast %lt3A_710 : i32 to vector<16xi32>
        %lt3A_712 = arith.cmpi slt, %sub3A_706, %lt3A_711 : vector<16xi32>
        %and3A_713 = arith.andi %ge3A_709, %lt3A_712 : vector<16xi1>
        %broadcast_in_dim3A_714 = vector.broadcast %add3A_4 : i32 to vector<16xi32>
        %select_n3A_715 = arith.select %and3A_713, %sub3A_706, %broadcast_in_dim3A_714 : vector<16xi1>, vector<16xi32>
        %swap3A_716 = arith.constant 1 : i32
        %swap3A_717 = arith.constant 2 : i32
        %swap3A_718 = arith.index_cast %swap3A_716 : i32 to index
        %swap3A_719 = arith.index_cast %swap3A_717 : i32 to index
        %swap3A_720 = arith.constant 96 : index
        %swap3A_721 = tpu.vector_load %arg9[%swap3A_718, %swap3A_719, %swap3A_720] {strides = array<i32>} : memref<2x4x128xi32, #tpu.memory_space<vmem>>, vector<1x1x16xi32>,
        %swap3A_722 = vector.shape_cast %swap3A_721 : vector<1x1x16xi32> to vector<16xi32>
        %swap3A_723 = vector.shape_cast %select_n3A_715 : vector<16xi32> to vector<1x1x16xi32>
        tpu.vector_store %arg9[%swap3A_718, %swap3A_719, %swap3A_720], %swap3A_723 {strides = array<i32>} : memref<2x4x128xi32, #tpu.memory_space<vmem>>, vector<1x1x16xi32>,
        %get3A_724 = arith.constant 1 : i32
        %get3A_725 = arith.constant 2 : i32
        %get3A_726 = arith.index_cast %get3A_724 : i32 to index
        %get3A_727 = arith.index_cast %get3A_725 : i32 to index
        %get3A_728 = arith.constant 112 : index
        %get3A_729 = tpu.vector_load %arg9[%get3A_726, %get3A_727, %get3A_728] {strides = array<i32>} : memref<2x4x128xi32, #tpu.memory_space<vmem>>, vector<1x1x16xi32>,
        %get3A_730 = vector.shape_cast %get3A_729 : vector<1x1x16xi32> to vector<16xi32>
        %sub3A_731 = vector.broadcast %mul3A_2 : i32 to vector<16xi32>
        %sub3A_732 = arith.subi %get3A_730, %sub3A_731 : vector<16xi32>
        %ge3A_733 = arith.constant 0 : i32
        %ge3A_734 = vector.broadcast %ge3A_733 : i32 to vector<16xi32>
        %ge3A_735 = arith.cmpi sge, %sub3A_732, %ge3A_734 : vector<16xi32>
        %lt3A_736 = arith.constant 25000 : i32
        %lt3A_737 = vector.broadcast %lt3A_736 : i32 to vector<16xi32>
        %lt3A_738 = arith.cmpi slt, %sub3A_732, %lt3A_737 : vector<16xi32>
        %and3A_739 = arith.andi %ge3A_735, %lt3A_738 : vector<16xi1>
        %broadcast_in_dim3A_740 = vector.broadcast %add3A_4 : i32 to vector<16xi32>
        %select_n3A_741 = arith.select %and3A_739, %sub3A_732, %broadcast_in_dim3A_740 : vector<16xi1>, vector<16xi32>
        %swap3A_742 = arith.constant 1 : i32
        %swap3A_743 = arith.constant 2 : i32
        %swap3A_744 = arith.index_cast %swap3A_742 : i32 to index
        %swap3A_745 = arith.index_cast %swap3A_743 : i32 to index
        %swap3A_746 = arith.constant 112 : index
        %swap3A_747 = tpu.vector_load %arg9[%swap3A_744, %swap3A_745, %swap3A_746] {strides = array<i32>} : memref<2x4x128xi32, #tpu.memory_space<vmem>>, vector<1x1x16xi32>,
        %swap3A_748 = vector.shape_cast %swap3A_747 : vector<1x1x16xi32> to vector<16xi32>
        %swap3A_749 = vector.shape_cast %select_n3A_741 : vector<16xi32> to vector<1x1x16xi32>
        tpu.vector_store %arg9[%swap3A_744, %swap3A_745, %swap3A_746], %swap3A_749 {strides = array<i32>} : memref<2x4x128xi32, #tpu.memory_space<vmem>>, vector<1x1x16xi32>,
        %get3A_750 = arith.constant 1 : i32
        %get3A_751 = arith.constant 3 : i32
        %get3A_752 = arith.index_cast %get3A_750 : i32 to index
        %get3A_753 = arith.index_cast %get3A_751 : i32 to index
        %get3A_754 = arith.constant 0 : index
        %get3A_755 = tpu.vector_load %arg9[%get3A_752, %get3A_753, %get3A_754] {strides = array<i32>} : memref<2x4x128xi32, #tpu.memory_space<vmem>>, vector<1x1x16xi32>,
        %get3A_756 = vector.shape_cast %get3A_755 : vector<1x1x16xi32> to vector<16xi32>
        %sub3A_757 = vector.broadcast %mul3A_2 : i32 to vector<16xi32>
        %sub3A_758 = arith.subi %get3A_756, %sub3A_757 : vector<16xi32>
        %ge3A_759 = arith.constant 0 : i32
        %ge3A_760 = vector.broadcast %ge3A_759 : i32 to vector<16xi32>
        %ge3A_761 = arith.cmpi sge, %sub3A_758, %ge3A_760 : vector<16xi32>
        %lt3A_762 = arith.constant 25000 : i32
        %lt3A_763 = vector.broadcast %lt3A_762 : i32 to vector<16xi32>
        %lt3A_764 = arith.cmpi slt, %sub3A_758, %lt3A_763 : vector<16xi32>
        %and3A_765 = arith.andi %ge3A_761, %lt3A_764 : vector<16xi1>
        %broadcast_in_dim3A_766 = vector.broadcast %add3A_4 : i32 to vector<16xi32>
        %select_n3A_767 = arith.select %and3A_765, %sub3A_758, %broadcast_in_dim3A_766 : vector<16xi1>, vector<16xi32>
        %swap3A_768 = arith.constant 1 : i32
        %swap3A_769 = arith.constant 3 : i32
        %swap3A_770 = arith.index_cast %swap3A_768 : i32 to index
        %swap3A_771 = arith.index_cast %swap3A_769 : i32 to index
        %swap3A_772 = arith.constant 0 : index
        %swap3A_773 = tpu.vector_load %arg9[%swap3A_770, %swap3A_771, %swap3A_772] {strides = array<i32>} : memref<2x4x128xi32, #tpu.memory_space<vmem>>, vector<1x1x16xi32>,
        %swap3A_774 = vector.shape_cast %swap3A_773 : vector<1x1x16xi32> to vector<16xi32>
        %swap3A_775 = vector.shape_cast %select_n3A_767 : vector<16xi32> to vector<1x1x16xi32>
        tpu.vector_store %arg9[%swap3A_770, %swap3A_771, %swap3A_772], %swap3A_775 {strides = array<i32>} : memref<2x4x128xi32, #tpu.memory_space<vmem>>, vector<1x1x16xi32>,
        %get3A_776 = arith.constant 1 : i32
        %get3A_777 = arith.constant 3 : i32
        %get3A_778 = arith.index_cast %get3A_776 : i32 to index
        %get3A_779 = arith.index_cast %get3A_777 : i32 to index
        %get3A_780 = arith.constant 16 : index
        %get3A_781 = tpu.vector_load %arg9[%get3A_778, %get3A_779, %get3A_780] {strides = array<i32>} : memref<2x4x128xi32, #tpu.memory_space<vmem>>, vector<1x1x16xi32>,
        %get3A_782 = vector.shape_cast %get3A_781 : vector<1x1x16xi32> to vector<16xi32>
        %sub3A_783 = vector.broadcast %mul3A_2 : i32 to vector<16xi32>
        %sub3A_784 = arith.subi %get3A_782, %sub3A_783 : vector<16xi32>
        %ge3A_785 = arith.constant 0 : i32
        %ge3A_786 = vector.broadcast %ge3A_785 : i32 to vector<16xi32>
        %ge3A_787 = arith.cmpi sge, %sub3A_784, %ge3A_786 : vector<16xi32>
        %lt3A_788 = arith.constant 25000 : i32
        %lt3A_789 = vector.broadcast %lt3A_788 : i32 to vector<16xi32>
        %lt3A_790 = arith.cmpi slt, %sub3A_784, %lt3A_789 : vector<16xi32>
        %and3A_791 = arith.andi %ge3A_787, %lt3A_790 : vector<16xi1>
        %broadcast_in_dim3A_792 = vector.broadcast %add3A_4 : i32 to vector<16xi32>
        %select_n3A_793 = arith.select %and3A_791, %sub3A_784, %broadcast_in_dim3A_792 : vector<16xi1>, vector<16xi32>
        %swap3A_794 = arith.constant 1 : i32
        %swap3A_795 = arith.constant 3 : i32
        %swap3A_796 = arith.index_cast %swap3A_794 : i32 to index
        %swap3A_797 = arith.index_cast %swap3A_795 : i32 to index
        %swap3A_798 = arith.constant 16 : index
        %swap3A_799 = tpu.vector_load %arg9[%swap3A_796, %swap3A_797, %swap3A_798] {strides = array<i32>} : memref<2x4x128xi32, #tpu.memory_space<vmem>>, vector<1x1x16xi32>,
        %swap3A_800 = vector.shape_cast %swap3A_799 : vector<1x1x16xi32> to vector<16xi32>
        %swap3A_801 = vector.shape_cast %select_n3A_793 : vector<16xi32> to vector<1x1x16xi32>
        tpu.vector_store %arg9[%swap3A_796, %swap3A_797, %swap3A_798], %swap3A_801 {strides = array<i32>} : memref<2x4x128xi32, #tpu.memory_space<vmem>>, vector<1x1x16xi32>,
        %get3A_802 = arith.constant 1 : i32
        %get3A_803 = arith.constant 3 : i32
        %get3A_804 = arith.index_cast %get3A_802 : i32 to index
        %get3A_805 = arith.index_cast %get3A_803 : i32 to index
        %get3A_806 = arith.constant 32 : index
        %get3A_807 = tpu.vector_load %arg9[%get3A_804, %get3A_805, %get3A_806] {strides = array<i32>} : memref<2x4x128xi32, #tpu.memory_space<vmem>>, vector<1x1x16xi32>,
        %get3A_808 = vector.shape_cast %get3A_807 : vector<1x1x16xi32> to vector<16xi32>
        %sub3A_809 = vector.broadcast %mul3A_2 : i32 to vector<16xi32>
        %sub3A_810 = arith.subi %get3A_808, %sub3A_809 : vector<16xi32>
        %ge3A_811 = arith.constant 0 : i32
        %ge3A_812 = vector.broadcast %ge3A_811 : i32 to vector<16xi32>
        %ge3A_813 = arith.cmpi sge, %sub3A_810, %ge3A_812 : vector<16xi32>
        %lt3A_814 = arith.constant 25000 : i32
        %lt3A_815 = vector.broadcast %lt3A_814 : i32 to vector<16xi32>
        %lt3A_816 = arith.cmpi slt, %sub3A_810, %lt3A_815 : vector<16xi32>
        %and3A_817 = arith.andi %ge3A_813, %lt3A_816 : vector<16xi1>
        %broadcast_in_dim3A_818 = vector.broadcast %add3A_4 : i32 to vector<16xi32>
        %select_n3A_819 = arith.select %and3A_817, %sub3A_810, %broadcast_in_dim3A_818 : vector<16xi1>, vector<16xi32>
        %swap3A_820 = arith.constant 1 : i32
        %swap3A_821 = arith.constant 3 : i32
        %swap3A_822 = arith.index_cast %swap3A_820 : i32 to index
        %swap3A_823 = arith.index_cast %swap3A_821 : i32 to index
        %swap3A_824 = arith.constant 32 : index
        %swap3A_825 = tpu.vector_load %arg9[%swap3A_822, %swap3A_823, %swap3A_824] {strides = array<i32>} : memref<2x4x128xi32, #tpu.memory_space<vmem>>, vector<1x1x16xi32>,
        %swap3A_826 = vector.shape_cast %swap3A_825 : vector<1x1x16xi32> to vector<16xi32>
        %swap3A_827 = vector.shape_cast %select_n3A_819 : vector<16xi32> to vector<1x1x16xi32>
        tpu.vector_store %arg9[%swap3A_822, %swap3A_823, %swap3A_824], %swap3A_827 {strides = array<i32>} : memref<2x4x128xi32, #tpu.memory_space<vmem>>, vector<1x1x16xi32>,
        %get3A_828 = arith.constant 1 : i32
        %get3A_829 = arith.constant 3 : i32
        %get3A_830 = arith.index_cast %get3A_828 : i32 to index
        %get3A_831 = arith.index_cast %get3A_829 : i32 to index
        %get3A_832 = arith.constant 48 : index
        %get3A_833 = tpu.vector_load %arg9[%get3A_830, %get3A_831, %get3A_832] {strides = array<i32>} : memref<2x4x128xi32, #tpu.memory_space<vmem>>, vector<1x1x16xi32>,
        %get3A_834 = vector.shape_cast %get3A_833 : vector<1x1x16xi32> to vector<16xi32>
        %sub3A_835 = vector.broadcast %mul3A_2 : i32 to vector<16xi32>
        %sub3A_836 = arith.subi %get3A_834, %sub3A_835 : vector<16xi32>
        %ge3A_837 = arith.constant 0 : i32
        %ge3A_838 = vector.broadcast %ge3A_837 : i32 to vector<16xi32>
        %ge3A_839 = arith.cmpi sge, %sub3A_836, %ge3A_838 : vector<16xi32>
        %lt3A_840 = arith.constant 25000 : i32
        %lt3A_841 = vector.broadcast %lt3A_840 : i32 to vector<16xi32>
        %lt3A_842 = arith.cmpi slt, %sub3A_836, %lt3A_841 : vector<16xi32>
        %and3A_843 = arith.andi %ge3A_839, %lt3A_842 : vector<16xi1>
        %broadcast_in_dim3A_844 = vector.broadcast %add3A_4 : i32 to vector<16xi32>
        %select_n3A_845 = arith.select %and3A_843, %sub3A_836, %broadcast_in_dim3A_844 : vector<16xi1>, vector<16xi32>
        %swap3A_846 = arith.constant 1 : i32
        %swap3A_847 = arith.constant 3 : i32
        %swap3A_848 = arith.index_cast %swap3A_846 : i32 to index
        %swap3A_849 = arith.index_cast %swap3A_847 : i32 to index
        %swap3A_850 = arith.constant 48 : index
        %swap3A_851 = tpu.vector_load %arg9[%swap3A_848, %swap3A_849, %swap3A_850] {strides = array<i32>} : memref<2x4x128xi32, #tpu.memory_space<vmem>>, vector<1x1x16xi32>,
        %swap3A_852 = vector.shape_cast %swap3A_851 : vector<1x1x16xi32> to vector<16xi32>
        %swap3A_853 = vector.shape_cast %select_n3A_845 : vector<16xi32> to vector<1x1x16xi32>
        tpu.vector_store %arg9[%swap3A_848, %swap3A_849, %swap3A_850], %swap3A_853 {strides = array<i32>} : memref<2x4x128xi32, #tpu.memory_space<vmem>>, vector<1x1x16xi32>,
        %get3A_854 = arith.constant 1 : i32
        %get3A_855 = arith.constant 3 : i32
        %get3A_856 = arith.index_cast %get3A_854 : i32 to index
        %get3A_857 = arith.index_cast %get3A_855 : i32 to index
        %get3A_858 = arith.constant 64 : index
        %get3A_859 = tpu.vector_load %arg9[%get3A_856, %get3A_857, %get3A_858] {strides = array<i32>} : memref<2x4x128xi32, #tpu.memory_space<vmem>>, vector<1x1x16xi32>,
        %get3A_860 = vector.shape_cast %get3A_859 : vector<1x1x16xi32> to vector<16xi32>
        %sub3A_861 = vector.broadcast %mul3A_2 : i32 to vector<16xi32>
        %sub3A_862 = arith.subi %get3A_860, %sub3A_861 : vector<16xi32>
        %ge3A_863 = arith.constant 0 : i32
        %ge3A_864 = vector.broadcast %ge3A_863 : i32 to vector<16xi32>
        %ge3A_865 = arith.cmpi sge, %sub3A_862, %ge3A_864 : vector<16xi32>
        %lt3A_866 = arith.constant 25000 : i32
        %lt3A_867 = vector.broadcast %lt3A_866 : i32 to vector<16xi32>
        %lt3A_868 = arith.cmpi slt, %sub3A_862, %lt3A_867 : vector<16xi32>
        %and3A_869 = arith.andi %ge3A_865, %lt3A_868 : vector<16xi1>
        %broadcast_in_dim3A_870 = vector.broadcast %add3A_4 : i32 to vector<16xi32>
        %select_n3A_871 = arith.select %and3A_869, %sub3A_862, %broadcast_in_dim3A_870 : vector<16xi1>, vector<16xi32>
        %swap3A_872 = arith.constant 1 : i32
        %swap3A_873 = arith.constant 3 : i32
        %swap3A_874 = arith.index_cast %swap3A_872 : i32 to index
        %swap3A_875 = arith.index_cast %swap3A_873 : i32 to index
        %swap3A_876 = arith.constant 64 : index
        %swap3A_877 = tpu.vector_load %arg9[%swap3A_874, %swap3A_875, %swap3A_876] {strides = array<i32>} : memref<2x4x128xi32, #tpu.memory_space<vmem>>, vector<1x1x16xi32>,
        %swap3A_878 = vector.shape_cast %swap3A_877 : vector<1x1x16xi32> to vector<16xi32>
        %swap3A_879 = vector.shape_cast %select_n3A_871 : vector<16xi32> to vector<1x1x16xi32>
        tpu.vector_store %arg9[%swap3A_874, %swap3A_875, %swap3A_876], %swap3A_879 {strides = array<i32>} : memref<2x4x128xi32, #tpu.memory_space<vmem>>, vector<1x1x16xi32>,
        %get3A_880 = arith.constant 1 : i32
        %get3A_881 = arith.constant 3 : i32
        %get3A_882 = arith.index_cast %get3A_880 : i32 to index
        %get3A_883 = arith.index_cast %get3A_881 : i32 to index
        %get3A_884 = arith.constant 80 : index
        %get3A_885 = tpu.vector_load %arg9[%get3A_882, %get3A_883, %get3A_884] {strides = array<i32>} : memref<2x4x128xi32, #tpu.memory_space<vmem>>, vector<1x1x16xi32>,
        %get3A_886 = vector.shape_cast %get3A_885 : vector<1x1x16xi32> to vector<16xi32>
        %sub3A_887 = vector.broadcast %mul3A_2 : i32 to vector<16xi32>
        %sub3A_888 = arith.subi %get3A_886, %sub3A_887 : vector<16xi32>
        %ge3A_889 = arith.constant 0 : i32
        %ge3A_890 = vector.broadcast %ge3A_889 : i32 to vector<16xi32>
        %ge3A_891 = arith.cmpi sge, %sub3A_888, %ge3A_890 : vector<16xi32>
        %lt3A_892 = arith.constant 25000 : i32
        %lt3A_893 = vector.broadcast %lt3A_892 : i32 to vector<16xi32>
        %lt3A_894 = arith.cmpi slt, %sub3A_888, %lt3A_893 : vector<16xi32>
        %and3A_895 = arith.andi %ge3A_891, %lt3A_894 : vector<16xi1>
        %broadcast_in_dim3A_896 = vector.broadcast %add3A_4 : i32 to vector<16xi32>
        %select_n3A_897 = arith.select %and3A_895, %sub3A_888, %broadcast_in_dim3A_896 : vector<16xi1>, vector<16xi32>
        %swap3A_898 = arith.constant 1 : i32
        %swap3A_899 = arith.constant 3 : i32
        %swap3A_900 = arith.index_cast %swap3A_898 : i32 to index
        %swap3A_901 = arith.index_cast %swap3A_899 : i32 to index
        %swap3A_902 = arith.constant 80 : index
        %swap3A_903 = tpu.vector_load %arg9[%swap3A_900, %swap3A_901, %swap3A_902] {strides = array<i32>} : memref<2x4x128xi32, #tpu.memory_space<vmem>>, vector<1x1x16xi32>,
        %swap3A_904 = vector.shape_cast %swap3A_903 : vector<1x1x16xi32> to vector<16xi32>
        %swap3A_905 = vector.shape_cast %select_n3A_897 : vector<16xi32> to vector<1x1x16xi32>
        tpu.vector_store %arg9[%swap3A_900, %swap3A_901, %swap3A_902], %swap3A_905 {strides = array<i32>} : memref<2x4x128xi32, #tpu.memory_space<vmem>>, vector<1x1x16xi32>,
        %get3A_906 = arith.constant 1 : i32
        %get3A_907 = arith.constant 3 : i32
        %get3A_908 = arith.index_cast %get3A_906 : i32 to index
        %get3A_909 = arith.index_cast %get3A_907 : i32 to index
        %get3A_910 = arith.constant 96 : index
        %get3A_911 = tpu.vector_load %arg9[%get3A_908, %get3A_909, %get3A_910] {strides = array<i32>} : memref<2x4x128xi32, #tpu.memory_space<vmem>>, vector<1x1x16xi32>,
        %get3A_912 = vector.shape_cast %get3A_911 : vector<1x1x16xi32> to vector<16xi32>
        %sub3A_913 = vector.broadcast %mul3A_2 : i32 to vector<16xi32>
        %sub3A_914 = arith.subi %get3A_912, %sub3A_913 : vector<16xi32>
        %ge3A_915 = arith.constant 0 : i32
        %ge3A_916 = vector.broadcast %ge3A_915 : i32 to vector<16xi32>
        %ge3A_917 = arith.cmpi sge, %sub3A_914, %ge3A_916 : vector<16xi32>
        %lt3A_918 = arith.constant 25000 : i32
        %lt3A_919 = vector.broadcast %lt3A_918 : i32 to vector<16xi32>
        %lt3A_920 = arith.cmpi slt, %sub3A_914, %lt3A_919 : vector<16xi32>
        %and3A_921 = arith.andi %ge3A_917, %lt3A_920 : vector<16xi1>
        %broadcast_in_dim3A_922 = vector.broadcast %add3A_4 : i32 to vector<16xi32>
        %select_n3A_923 = arith.select %and3A_921, %sub3A_914, %broadcast_in_dim3A_922 : vector<16xi1>, vector<16xi32>
        %swap3A_924 = arith.constant 1 : i32
        %swap3A_925 = arith.constant 3 : i32
        %swap3A_926 = arith.index_cast %swap3A_924 : i32 to index
        %swap3A_927 = arith.index_cast %swap3A_925 : i32 to index
        %swap3A_928 = arith.constant 96 : index
        %swap3A_929 = tpu.vector_load %arg9[%swap3A_926, %swap3A_927, %swap3A_928] {strides = array<i32>} : memref<2x4x128xi32, #tpu.memory_space<vmem>>, vector<1x1x16xi32>,
        %swap3A_930 = vector.shape_cast %swap3A_929 : vector<1x1x16xi32> to vector<16xi32>
        %swap3A_931 = vector.shape_cast %select_n3A_923 : vector<16xi32> to vector<1x1x16xi32>
        tpu.vector_store %arg9[%swap3A_926, %swap3A_927, %swap3A_928], %swap3A_931 {strides = array<i32>} : memref<2x4x128xi32, #tpu.memory_space<vmem>>, vector<1x1x16xi32>,
        %get3A_932 = arith.constant 1 : i32
        %get3A_933 = arith.constant 3 : i32
        %get3A_934 = arith.index_cast %get3A_932 : i32 to index
        %get3A_935 = arith.index_cast %get3A_933 : i32 to index
        %get3A_936 = arith.constant 112 : index
        %get3A_937 = tpu.vector_load %arg9[%get3A_934, %get3A_935, %get3A_936] {strides = array<i32>} : memref<2x4x128xi32, #tpu.memory_space<vmem>>, vector<1x1x16xi32>,
        %get3A_938 = vector.shape_cast %get3A_937 : vector<1x1x16xi32> to vector<16xi32>
        %sub3A_939 = vector.broadcast %mul3A_2 : i32 to vector<16xi32>
        %sub3A_940 = arith.subi %get3A_938, %sub3A_939 : vector<16xi32>
        %ge3A_941 = arith.constant 0 : i32
        %ge3A_942 = vector.broadcast %ge3A_941 : i32 to vector<16xi32>
        %ge3A_943 = arith.cmpi sge, %sub3A_940, %ge3A_942 : vector<16xi32>
        %lt3A_944 = arith.constant 25000 : i32
        %lt3A_945 = vector.broadcast %lt3A_944 : i32 to vector<16xi32>
        %lt3A_946 = arith.cmpi slt, %sub3A_940, %lt3A_945 : vector<16xi32>
        %and3A_947 = arith.andi %ge3A_943, %lt3A_946 : vector<16xi1>
        %broadcast_in_dim3A_948 = vector.broadcast %add3A_4 : i32 to vector<16xi32>
        %select_n3A_949 = arith.select %and3A_947, %sub3A_940, %broadcast_in_dim3A_948 : vector<16xi1>, vector<16xi32>
        %swap3A_950 = arith.constant 1 : i32
        %swap3A_951 = arith.constant 3 : i32
        %swap3A_952 = arith.index_cast %swap3A_950 : i32 to index
        %swap3A_953 = arith.index_cast %swap3A_951 : i32 to index
        %swap3A_954 = arith.constant 112 : index
        %swap3A_955 = tpu.vector_load %arg9[%swap3A_952, %swap3A_953, %swap3A_954] {strides = array<i32>} : memref<2x4x128xi32, #tpu.memory_space<vmem>>, vector<1x1x16xi32>,
        %swap3A_956 = vector.shape_cast %swap3A_955 : vector<1x1x16xi32> to vector<16xi32>
        %swap3A_957 = vector.shape_cast %select_n3A_949 : vector<16xi32> to vector<1x1x16xi32>
        tpu.vector_store %arg9[%swap3A_952, %swap3A_953, %swap3A_954], %swap3A_957 {strides = array<i32>} : memref<2x4x128xi32, #tpu.memory_space<vmem>>, vector<1x1x16xi32>,
        %dma_start3A = arith.constant 1 : i32
        %dma_start3A_958 = arith.constant 1 : i32
        %dma_start3A_959 = arith.constant 0 : i32
        %dma_start3A_960 = arith.constant 0 : i32
        %dma_start3A_961 = arith.constant 0 : i32
        %dma_start3A_962 = tpu.memref_slice %arg8[%dma_start3A, %dma_start3A_960, %dma_start3A_961] : memref<2x512x48xf32, #tpu.memory_space<vmem>> -> memref<1x128x48xf32, #tpu.memory_space<vmem>>
        %dma_start3A_963 = tpu.memref_squeeze %dma_start3A_962 : memref<1x128x48xf32, #tpu.memory_space<vmem>> -> memref<128x48xf32, #tpu.memory_space<vmem>>
        %dma_start3A_964 = arith.constant 0 : i32
        %dma_start3A_965 = tpu.memref_slice %arg9[%dma_start3A_958, %dma_start3A_959, %dma_start3A_964] : memref<2x4x128xi32, #tpu.memory_space<vmem>> -> memref<1x1x128xi32, #tpu.memory_space<vmem>>
        %dma_start3A_966 = tpu.memref_squeeze %dma_start3A_965 : memref<1x1x128xi32, #tpu.memory_space<vmem>> -> memref<128xi32, #tpu.memory_space<vmem>>
        %dma_start3A_967 = arith.constant 0 : i32
        %dma_start3A_968 = arith.constant 0 : i32
        %dma_start3A_969 = tpu.memref_slice %arg7[%dma_start3A_967, %dma_start3A_968] : memref<25088x48xf32, #tpu.memory_space<vmem_shared>> -> memref<25088x48xf32, #tpu.memory_space<vmem_shared>>
        tpu.enqueue_indirect_dma source(%dma_start3A_963 : memref<128x48xf32, #tpu.memory_space<vmem>>) target(%dma_start3A_969 : memref<25088x48xf32, #tpu.memory_space<vmem_shared>>) offsets(%dma_start3A_966 : memref<128xi32, #tpu.memory_space<vmem>>) semaphore(%arg13 : memref<!tpu.dma_semaphore, #tpu.memory_space<semaphore_mem>>) {add = true}
        %dma_start3A_970 = arith.constant 1 : i32
        %dma_start3A_971 = arith.constant 1 : i32
        %dma_start3A_972 = arith.constant 1 : i32
        %dma_start3A_973 = arith.constant 128 : i32
        %dma_start3A_974 = arith.constant 0 : i32
        %dma_start3A_975 = tpu.memref_slice %arg8[%dma_start3A_970, %dma_start3A_973, %dma_start3A_974] : memref<2x512x48xf32, #tpu.memory_space<vmem>> -> memref<1x128x48xf32, #tpu.memory_space<vmem>>
        %dma_start3A_976 = tpu.memref_squeeze %dma_start3A_975 : memref<1x128x48xf32, #tpu.memory_space<vmem>> -> memref<128x48xf32, #tpu.memory_space<vmem>>
        %dma_start3A_977 = arith.constant 0 : i32
        %dma_start3A_978 = tpu.memref_slice %arg9[%dma_start3A_971, %dma_start3A_972, %dma_start3A_977] : memref<2x4x128xi32, #tpu.memory_space<vmem>> -> memref<1x1x128xi32, #tpu.memory_space<vmem>>
        %dma_start3A_979 = tpu.memref_squeeze %dma_start3A_978 : memref<1x1x128xi32, #tpu.memory_space<vmem>> -> memref<128xi32, #tpu.memory_space<vmem>>
        %dma_start3A_980 = arith.constant 0 : i32
        %dma_start3A_981 = arith.constant 0 : i32
        %dma_start3A_982 = tpu.memref_slice %arg7[%dma_start3A_980, %dma_start3A_981] : memref<25088x48xf32, #tpu.memory_space<vmem_shared>> -> memref<25088x48xf32, #tpu.memory_space<vmem_shared>>
        tpu.enqueue_indirect_dma source(%dma_start3A_976 : memref<128x48xf32, #tpu.memory_space<vmem>>) target(%dma_start3A_982 : memref<25088x48xf32, #tpu.memory_space<vmem_shared>>) offsets(%dma_start3A_979 : memref<128xi32, #tpu.memory_space<vmem>>) semaphore(%arg13 : memref<!tpu.dma_semaphore, #tpu.memory_space<semaphore_mem>>) {add = true}
        %dma_start3A_983 = arith.constant 1 : i32
        %dma_start3A_984 = arith.constant 1 : i32
        %dma_start3A_985 = arith.constant 2 : i32
        %dma_start3A_986 = arith.constant 256 : i32
        %dma_start3A_987 = arith.constant 0 : i32
        %dma_start3A_988 = tpu.memref_slice %arg8[%dma_start3A_983, %dma_start3A_986, %dma_start3A_987] : memref<2x512x48xf32, #tpu.memory_space<vmem>> -> memref<1x128x48xf32, #tpu.memory_space<vmem>>
        %dma_start3A_989 = tpu.memref_squeeze %dma_start3A_988 : memref<1x128x48xf32, #tpu.memory_space<vmem>> -> memref<128x48xf32, #tpu.memory_space<vmem>>
        %dma_start3A_990 = arith.constant 0 : i32
        %dma_start3A_991 = tpu.memref_slice %arg9[%dma_start3A_984, %dma_start3A_985, %dma_start3A_990] : memref<2x4x128xi32, #tpu.memory_space<vmem>> -> memref<1x1x128xi32, #tpu.memory_space<vmem>>
        %dma_start3A_992 = tpu.memref_squeeze %dma_start3A_991 : memref<1x1x128xi32, #tpu.memory_space<vmem>> -> memref<128xi32, #tpu.memory_space<vmem>>
        %dma_start3A_993 = arith.constant 0 : i32
        %dma_start3A_994 = arith.constant 0 : i32
        %dma_start3A_995 = tpu.memref_slice %arg7[%dma_start3A_993, %dma_start3A_994] : memref<25088x48xf32, #tpu.memory_space<vmem_shared>> -> memref<25088x48xf32, #tpu.memory_space<vmem_shared>>
        tpu.enqueue_indirect_dma source(%dma_start3A_989 : memref<128x48xf32, #tpu.memory_space<vmem>>) target(%dma_start3A_995 : memref<25088x48xf32, #tpu.memory_space<vmem_shared>>) offsets(%dma_start3A_992 : memref<128xi32, #tpu.memory_space<vmem>>) semaphore(%arg13 : memref<!tpu.dma_semaphore, #tpu.memory_space<semaphore_mem>>) {add = true}
        %dma_start3A_996 = arith.constant 1 : i32
        %dma_start3A_997 = arith.constant 1 : i32
        %dma_start3A_998 = arith.constant 3 : i32
        %dma_start3A_999 = arith.constant 384 : i32
        %dma_start3A_1000 = arith.constant 0 : i32
        %dma_start3A_1001 = tpu.memref_slice %arg8[%dma_start3A_996, %dma_start3A_999, %dma_start3A_1000] : memref<2x512x48xf32, #tpu.memory_space<vmem>> -> memref<1x128x48xf32, #tpu.memory_space<vmem>>
        %dma_start3A_1002 = tpu.memref_squeeze %dma_start3A_1001 : memref<1x128x48xf32, #tpu.memory_space<vmem>> -> memref<128x48xf32, #tpu.memory_space<vmem>>
        %dma_start3A_1003 = arith.constant 0 : i32
        %dma_start3A_1004 = tpu.memref_slice %arg9[%dma_start3A_997, %dma_start3A_998, %dma_start3A_1003] : memref<2x4x128xi32, #tpu.memory_space<vmem>> -> memref<1x1x128xi32, #tpu.memory_space<vmem>>
        %dma_start3A_1005 = tpu.memref_squeeze %dma_start3A_1004 : memref<1x1x128xi32, #tpu.memory_space<vmem>> -> memref<128xi32, #tpu.memory_space<vmem>>
        %dma_start3A_1006 = arith.constant 0 : i32
        %dma_start3A_1007 = arith.constant 0 : i32
        %dma_start3A_1008 = tpu.memref_slice %arg7[%dma_start3A_1006, %dma_start3A_1007] : memref<25088x48xf32, #tpu.memory_space<vmem_shared>> -> memref<25088x48xf32, #tpu.memory_space<vmem_shared>>
        tpu.enqueue_indirect_dma source(%dma_start3A_1002 : memref<128x48xf32, #tpu.memory_space<vmem>>) target(%dma_start3A_1008 : memref<25088x48xf32, #tpu.memory_space<vmem_shared>>) offsets(%dma_start3A_1005 : memref<128xi32, #tpu.memory_space<vmem>>) semaphore(%arg13 : memref<!tpu.dma_semaphore, #tpu.memory_space<semaphore_mem>>) {add = true}
      } else {
      }
    }
    %scan3A_10 = arith.constant 98 : i32
    %add3A_11 = arith.constant 3120 : i32
    %add3A_12 = arith.addi %arg1, %add3A_11 : i32
    %ge3A = arith.constant 0 : i32
    %ge3A_13 = arith.cmpi sge, %add3A_12, %ge3A : i32
    %lt3A_14 = arith.constant 3125 : i32
    %lt3A_15 = arith.cmpi slt, %add3A_12, %lt3A_14 : i32
    %and3A = arith.andi %ge3A_13, %lt3A_15 : i1
    %convert_element_type3A_16 = arith.extui %and3A : i1 to i32
    %cond3A_17 = arith.constant 0 : i32
    %cond3A_18 = arith.cmpi ne, %convert_element_type3A_16, %cond3A_17 : i32
    scf.if %cond3A_18 {
      %dma_wait3A = arith.constant 1 : i32
      %dma_wait3A_43 = arith.constant 1 : i32
      %dma_wait3A_44 = arith.constant 0 : i32
      %dma_wait3A_45 = arith.constant 0 : i32
      %dma_wait3A_46 = arith.constant 0 : i32
      %dma_wait3A_47 = tpu.memref_slice %arg8[%dma_wait3A, %dma_wait3A_45, %dma_wait3A_46] : memref<2x512x48xf32, #tpu.memory_space<vmem>> -> memref<1x128x48xf32, #tpu.memory_space<vmem>>
      %dma_wait3A_48 = tpu.memref_squeeze %dma_wait3A_47 : memref<1x128x48xf32, #tpu.memory_space<vmem>> -> memref<128x48xf32, #tpu.memory_space<vmem>>
      %dma_wait3A_49 = arith.constant 0 : i32
      %dma_wait3A_50 = tpu.memref_slice %arg9[%dma_wait3A_43, %dma_wait3A_44, %dma_wait3A_49] : memref<2x4x128xi32, #tpu.memory_space<vmem>> -> memref<1x1x128xi32, #tpu.memory_space<vmem>>
      %dma_wait3A_51 = tpu.memref_squeeze %dma_wait3A_50 : memref<1x1x128xi32, #tpu.memory_space<vmem>> -> memref<128xi32, #tpu.memory_space<vmem>>
      %dma_wait3A_52 = arith.constant 0 : i32
      %dma_wait3A_53 = arith.constant 0 : i32
      %dma_wait3A_54 = tpu.memref_slice %arg7[%dma_wait3A_52, %dma_wait3A_53] : memref<25088x48xf32, #tpu.memory_space<vmem_shared>> -> memref<25088x48xf32, #tpu.memory_space<vmem_shared>>
      tpu.wait_indirect_dma semaphore(%arg13 : memref<!tpu.dma_semaphore, #tpu.memory_space<semaphore_mem>>) src(%dma_wait3A_48 : memref<128x48xf32, #tpu.memory_space<vmem>>) dst(%dma_wait3A_54 : memref<25088x48xf32, #tpu.memory_space<vmem_shared>>)
      %dma_wait3A_55 = arith.constant 1 : i32
      %dma_wait3A_56 = arith.constant 1 : i32
      %dma_wait3A_57 = arith.constant 1 : i32
      %dma_wait3A_58 = arith.constant 128 : i32
      %dma_wait3A_59 = arith.constant 0 : i32
      %dma_wait3A_60 = tpu.memref_slice %arg8[%dma_wait3A_55, %dma_wait3A_58, %dma_wait3A_59] : memref<2x512x48xf32, #tpu.memory_space<vmem>> -> memref<1x128x48xf32, #tpu.memory_space<vmem>>
      %dma_wait3A_61 = tpu.memref_squeeze %dma_wait3A_60 : memref<1x128x48xf32, #tpu.memory_space<vmem>> -> memref<128x48xf32, #tpu.memory_space<vmem>>
      %dma_wait3A_62 = arith.constant 0 : i32
      %dma_wait3A_63 = tpu.memref_slice %arg9[%dma_wait3A_56, %dma_wait3A_57, %dma_wait3A_62] : memref<2x4x128xi32, #tpu.memory_space<vmem>> -> memref<1x1x128xi32, #tpu.memory_space<vmem>>
      %dma_wait3A_64 = tpu.memref_squeeze %dma_wait3A_63 : memref<1x1x128xi32, #tpu.memory_space<vmem>> -> memref<128xi32, #tpu.memory_space<vmem>>
      %dma_wait3A_65 = arith.constant 0 : i32
      %dma_wait3A_66 = arith.constant 0 : i32
      %dma_wait3A_67 = tpu.memref_slice %arg7[%dma_wait3A_65, %dma_wait3A_66] : memref<25088x48xf32, #tpu.memory_space<vmem_shared>> -> memref<25088x48xf32, #tpu.memory_space<vmem_shared>>
      tpu.wait_indirect_dma semaphore(%arg13 : memref<!tpu.dma_semaphore, #tpu.memory_space<semaphore_mem>>) src(%dma_wait3A_61 : memref<128x48xf32, #tpu.memory_space<vmem>>) dst(%dma_wait3A_67 : memref<25088x48xf32, #tpu.memory_space<vmem_shared>>)
      %dma_wait3A_68 = arith.constant 1 : i32
      %dma_wait3A_69 = arith.constant 1 : i32
      %dma_wait3A_70 = arith.constant 2 : i32
      %dma_wait3A_71 = arith.constant 256 : i32
      %dma_wait3A_72 = arith.constant 0 : i32
      %dma_wait3A_73 = tpu.memref_slice %arg8[%dma_wait3A_68, %dma_wait3A_71, %dma_wait3A_72] : memref<2x512x48xf32, #tpu.memory_space<vmem>> -> memref<1x128x48xf32, #tpu.memory_space<vmem>>
      %dma_wait3A_74 = tpu.memref_squeeze %dma_wait3A_73 : memref<1x128x48xf32, #tpu.memory_space<vmem>> -> memref<128x48xf32, #tpu.memory_space<vmem>>
      %dma_wait3A_75 = arith.constant 0 : i32
      %dma_wait3A_76 = tpu.memref_slice %arg9[%dma_wait3A_69, %dma_wait3A_70, %dma_wait3A_75] : memref<2x4x128xi32, #tpu.memory_space<vmem>> -> memref<1x1x128xi32, #tpu.memory_space<vmem>>
      %dma_wait3A_77 = tpu.memref_squeeze %dma_wait3A_76 : memref<1x1x128xi32, #tpu.memory_space<vmem>> -> memref<128xi32, #tpu.memory_space<vmem>>
      %dma_wait3A_78 = arith.constant 0 : i32
      %dma_wait3A_79 = arith.constant 0 : i32
      %dma_wait3A_80 = tpu.memref_slice %arg7[%dma_wait3A_78, %dma_wait3A_79] : memref<25088x48xf32, #tpu.memory_space<vmem_shared>> -> memref<25088x48xf32, #tpu.memory_space<vmem_shared>>
      tpu.wait_indirect_dma semaphore(%arg13 : memref<!tpu.dma_semaphore, #tpu.memory_space<semaphore_mem>>) src(%dma_wait3A_74 : memref<128x48xf32, #tpu.memory_space<vmem>>) dst(%dma_wait3A_80 : memref<25088x48xf32, #tpu.memory_space<vmem_shared>>)
      %dma_wait3A_81 = arith.constant 1 : i32
      %dma_wait3A_82 = arith.constant 1 : i32
      %dma_wait3A_83 = arith.constant 3 : i32
      %dma_wait3A_84 = arith.constant 384 : i32
      %dma_wait3A_85 = arith.constant 0 : i32
      %dma_wait3A_86 = tpu.memref_slice %arg8[%dma_wait3A_81, %dma_wait3A_84, %dma_wait3A_85] : memref<2x512x48xf32, #tpu.memory_space<vmem>> -> memref<1x128x48xf32, #tpu.memory_space<vmem>>
      %dma_wait3A_87 = tpu.memref_squeeze %dma_wait3A_86 : memref<1x128x48xf32, #tpu.memory_space<vmem>> -> memref<128x48xf32, #tpu.memory_space<vmem>>
      %dma_wait3A_88 = arith.constant 0 : i32
      %dma_wait3A_89 = tpu.memref_slice %arg9[%dma_wait3A_82, %dma_wait3A_83, %dma_wait3A_88] : memref<2x4x128xi32, #tpu.memory_space<vmem>> -> memref<1x1x128xi32, #tpu.memory_space<vmem>>
      %dma_wait3A_90 = tpu.memref_squeeze %dma_wait3A_89 : memref<1x1x128xi32, #tpu.memory_space<vmem>> -> memref<128xi32, #tpu.memory_space<vmem>>
      %dma_wait3A_91 = arith.constant 0 : i32
      %dma_wait3A_92 = arith.constant 0 : i32
      %dma_wait3A_93 = tpu.memref_slice %arg7[%dma_wait3A_91, %dma_wait3A_92] : memref<25088x48xf32, #tpu.memory_space<vmem_shared>> -> memref<25088x48xf32, #tpu.memory_space<vmem_shared>>
      tpu.wait_indirect_dma semaphore(%arg13 : memref<!tpu.dma_semaphore, #tpu.memory_space<semaphore_mem>>) src(%dma_wait3A_87 : memref<128x48xf32, #tpu.memory_space<vmem>>) dst(%dma_wait3A_93 : memref<25088x48xf32, #tpu.memory_space<vmem_shared>>)
    } else {
    }
    %barrier3A_19 = arith.constant 0 : index
    tpu.barrier barrier_id(%barrier3A_19)
    %run_scoped3A = arith.constant 0 : i32
    "tpu.region"() ({
      %run_scoped3A_43 = tpu.sem_alloc : memref<!tpu.dma_semaphore, #tpu.memory_space<semaphore_mem>>
      %dma_start3A = arith.constant 0 : i32
      %dma_start3A_44 = tpu.memref_slice %arg6[%run_scoped3A, %arg0, %mul3A_0, %dma_start3A] : memref<2x2x25088x48xf32, #tpu.memory_space<hbm>> -> memref<1x1x1568x48xf32, #tpu.memory_space<hbm>>
      %dma_start3A_45 = tpu.memref_squeeze %dma_start3A_44 : memref<1x1x1568x48xf32, #tpu.memory_space<hbm>> -> memref<1568x48xf32, #tpu.memory_space<hbm>>
      %dma_start3A_46 = arith.constant 0 : i32
      %dma_start3A_47 = tpu.memref_slice %arg7[%mul3A_0, %dma_start3A_46] : memref<25088x48xf32, #tpu.memory_space<vmem_shared>> -> memref<1568x48xf32, #tpu.memory_space<vmem_shared>>
      tpu.enqueue_dma source(%dma_start3A_47 : memref<1568x48xf32, #tpu.memory_space<vmem_shared>>) target(%dma_start3A_45 : memref<1568x48xf32, #tpu.memory_space<hbm>>) target_semaphore(%run_scoped3A_43 : memref<!tpu.dma_semaphore, #tpu.memory_space<semaphore_mem>>)
      %dma_wait3A = arith.constant 0 : i32
      %dma_wait3A_48 = tpu.memref_slice %arg6[%run_scoped3A, %arg0, %mul3A_0, %dma_wait3A] : memref<2x2x25088x48xf32, #tpu.memory_space<hbm>> -> memref<1x1x1568x48xf32, #tpu.memory_space<hbm>>
      %dma_wait3A_49 = tpu.memref_squeeze %dma_wait3A_48 : memref<1x1x1568x48xf32, #tpu.memory_space<hbm>> -> memref<1568x48xf32, #tpu.memory_space<hbm>>
      %dma_wait3A_50 = arith.constant 0 : i32
      %dma_wait3A_51 = tpu.memref_slice %arg7[%mul3A_0, %dma_wait3A_50] : memref<25088x48xf32, #tpu.memory_space<vmem_shared>> -> memref<1568x48xf32, #tpu.memory_space<vmem_shared>>
      tpu.wait_dma2 semaphore(%run_scoped3A_43 : memref<!tpu.dma_semaphore, #tpu.memory_space<semaphore_mem>>) src(%dma_wait3A_51 : memref<1568x48xf32, #tpu.memory_space<vmem_shared>>) dst(%dma_wait3A_49 : memref<1568x48xf32, #tpu.memory_space<hbm>>)
      tpu.yield
    }) : () -> ()
    "tpu.region"() ({
      %run_scoped3A_43 = tpu.sem_alloc : memref<!tpu.dma_semaphore, #tpu.memory_space<semaphore_mem>>
      %dma_start3A = arith.constant 0 : i32
      %dma_start3A_44 = tpu.memref_slice %arg7[%mul3A_0, %dma_start3A] : memref<25088x48xf32, #tpu.memory_space<vmem_shared>> -> memref<1568x48xf32, #tpu.memory_space<vmem_shared>>
      tpu.enqueue_dma source(%arg5 : memref<1568x48xf32, #tpu.memory_space<hbm>>) target(%dma_start3A_44 : memref<1568x48xf32, #tpu.memory_space<vmem_shared>>) target_semaphore(%run_scoped3A_43 : memref<!tpu.dma_semaphore, #tpu.memory_space<semaphore_mem>>)
      %dma_wait3A = arith.constant 0 : i32
      %dma_wait3A_45 = tpu.memref_slice %arg7[%mul3A_0, %dma_wait3A] : memref<25088x48xf32, #tpu.memory_space<vmem_shared>> -> memref<1568x48xf32, #tpu.memory_space<vmem_shared>>
      tpu.wait_dma2 semaphore(%run_scoped3A_43 : memref<!tpu.dma_semaphore, #tpu.memory_space<semaphore_mem>>) src(%arg5 : memref<1568x48xf32, #tpu.memory_space<hbm>>) dst(%dma_wait3A_45 : memref<1568x48xf32, #tpu.memory_space<vmem_shared>>)
      tpu.yield
    }) : () -> ()
    %barrier3A_20 = arith.constant 0 : index
    tpu.barrier barrier_id(%barrier3A_20)
    %lt3A_21 = arith.constant 3125 : i32
    %lt3A_22 = arith.cmpi slt, %arg1, %lt3A_21 : i32
    %convert_element_type3A_23 = arith.extui %lt3A_22 : i1 to i32
    %cond3A_24 = arith.constant 0 : i32
    %cond3A_25 = arith.cmpi ne, %convert_element_type3A_23, %cond3A_24 : i32
    scf.if %cond3A_25 {
      %mul3A_43 = arith.constant 512 : i32
      %mul3A_44 = arith.muli %arg1, %mul3A_43 : i32
      %dma_start3A = arith.constant 0 : i32
      %dma_start3A_45 = arith.constant 0 : i32
      %dma_start3A_46 = arith.constant 0 : i32
      %dma_start3A_47 = tpu.memref_slice %arg8[%dma_start3A, %dma_start3A_45, %dma_start3A_46] : memref<2x512x48xf32, #tpu.memory_space<vmem>> -> memref<1x512x48xf32, #tpu.memory_space<vmem>>
      %dma_start3A_48 = tpu.memref_squeeze %dma_start3A_47 : memref<1x512x48xf32, #tpu.memory_space<vmem>> -> memref<512x48xf32, #tpu.memory_space<vmem>>
      %dma_start3A_49 = arith.constant 0 : i32
      %dma_start3A_50 = tpu.memref_slice %arg2[%mul3A_44, %dma_start3A_49] : memref<1600000x128xf32, #tpu.memory_space<hbm>> -> memref<512x48xf32, #tpu.memory_space<hbm>>
      %dma_start3A_51 = arith.constant 0 : i32
      %dma_start3A_52 = arith.constant 0 : i32
      %dma_start3A_53 = tpu.memref_slice %arg8[%dma_start3A, %dma_start3A_51, %dma_start3A_52] : memref<2x512x48xf32, #tpu.memory_space<vmem>> -> memref<1x512x48xf32, #tpu.memory_space<vmem>>
      %dma_start3A_54 = tpu.memref_squeeze %dma_start3A_53 : memref<1x512x48xf32, #tpu.memory_space<vmem>> -> memref<512x48xf32, #tpu.memory_space<vmem>>
      %dma_start3A_55 = arith.constant 0 : i32
      %dma_start3A_56 = tpu.memref_slice %arg2[%mul3A_44, %dma_start3A_55] : memref<1600000x128xf32, #tpu.memory_space<hbm>> -> memref<512x48xf32, #tpu.memory_space<hbm>>
      tpu.enqueue_dma source(%dma_start3A_56 : memref<512x48xf32, #tpu.memory_space<hbm>>) target(%dma_start3A_54 : memref<512x48xf32, #tpu.memory_space<vmem>>) target_semaphore(%arg10 : memref<!tpu.dma_semaphore, #tpu.memory_space<semaphore_mem>>)
      %mul3A_57 = arith.constant 4 : i32
      %mul3A_58 = arith.muli %arg1, %mul3A_57 : i32
      %dma_start3A_59 = arith.constant 0 : i32
      %dma_start3A_60 = arith.constant 0 : i32
      %dma_start3A_61 = arith.constant 0 : i32
      %dma_start3A_62 = tpu.memref_slice %arg9[%dma_start3A_59, %dma_start3A_60, %dma_start3A_61] : memref<2x4x128xi32, #tpu.memory_space<vmem>> -> memref<1x4x128xi32, #tpu.memory_space<vmem>>
      %dma_start3A_63 = tpu.memref_squeeze %dma_start3A_62 : memref<1x4x128xi32, #tpu.memory_space<vmem>> -> memref<4x128xi32, #tpu.memory_space<vmem>>
      %dma_start3A_64 = arith.constant 0 : i32
      %dma_start3A_65 = tpu.memref_slice %arg4[%mul3A_58, %dma_start3A_64] : memref<12500x128xi32, #tpu.memory_space<hbm>> -> memref<4x128xi32, #tpu.memory_space<hbm>>
      %dma_start3A_66 = arith.constant 0 : i32
      %dma_start3A_67 = arith.constant 0 : i32
      %dma_start3A_68 = tpu.memref_slice %arg9[%dma_start3A_59, %dma_start3A_66, %dma_start3A_67] : memref<2x4x128xi32, #tpu.memory_space<vmem>> -> memref<1x4x128xi32, #tpu.memory_space<vmem>>
      %dma_start3A_69 = tpu.memref_squeeze %dma_start3A_68 : memref<1x4x128xi32, #tpu.memory_space<vmem>> -> memref<4x128xi32, #tpu.memory_space<vmem>>
      %dma_start3A_70 = arith.constant 0 : i32
      %dma_start3A_71 = tpu.memref_slice %arg4[%mul3A_58, %dma_start3A_70] : memref<12500x128xi32, #tpu.memory_space<hbm>> -> memref<4x128xi32, #tpu.memory_space<hbm>>
      tpu.enqueue_dma source(%dma_start3A_71 : memref<4x128xi32, #tpu.memory_space<hbm>>) target(%dma_start3A_69 : memref<4x128xi32, #tpu.memory_space<vmem>>) target_semaphore(%arg10 : memref<!tpu.dma_semaphore, #tpu.memory_space<semaphore_mem>>)
    } else {
    }
    %scan3A_26 = arith.constant 0 : i32
    %scan3A_27 = arith.constant 98 : i32
    %scan3A_28 = arith.addi %scan3A_26, %scan3A_27 : i32
    %scan3A_29 = arith.constant 1 : i32
    scf.for %scan3A_43 = %scan3A_26 to %scan3A_28 step %scan3A_29  : i32 {
      %mul3A_44 = arith.constant 2 : i32
      %mul3A_45 = arith.muli %mul3A_44, %scan3A_43 : i32
      %add3A_46 = arith.constant 0 : i32
      %add3A_47 = arith.addi %mul3A_45, %add3A_46 : i32
      %mul3A_48 = arith.constant 16 : i32
      %mul3A_49 = arith.muli %mul3A_48, %add3A_47 : i32
      %add3A_50 = arith.addi %arg1, %mul3A_49 : i32
      %sub3A = arith.constant 16 : i32
      %sub3A_51 = arith.subi %add3A_50, %sub3A : i32
      %ge3A_52 = arith.constant 0 : i32
      %ge3A_53 = arith.cmpi sge, %sub3A_51, %ge3A_52 : i32
      %lt3A_54 = arith.constant 3125 : i32
      %lt3A_55 = arith.cmpi slt, %sub3A_51, %lt3A_54 : i32
      %and3A_56 = arith.andi %ge3A_53, %lt3A_55 : i1
      %convert_element_type3A_57 = arith.extui %and3A_56 : i1 to i32
      %cond3A_58 = arith.constant 0 : i32
      %cond3A_59 = arith.cmpi ne, %convert_element_type3A_57, %cond3A_58 : i32
      scf.if %cond3A_59 {
        %dma_wait3A = arith.constant 1 : i32
        %dma_wait3A_101 = arith.constant 1 : i32
        %dma_wait3A_102 = arith.constant 0 : i32
        %dma_wait3A_103 = arith.constant 0 : i32
        %dma_wait3A_104 = arith.constant 0 : i32
        %dma_wait3A_105 = tpu.memref_slice %arg8[%dma_wait3A, %dma_wait3A_103, %dma_wait3A_104] : memref<2x512x48xf32, #tpu.memory_space<vmem>> -> memref<1x128x48xf32, #tpu.memory_space<vmem>>
        %dma_wait3A_106 = tpu.memref_squeeze %dma_wait3A_105 : memref<1x128x48xf32, #tpu.memory_space<vmem>> -> memref<128x48xf32, #tpu.memory_space<vmem>>
        %dma_wait3A_107 = arith.constant 0 : i32
        %dma_wait3A_108 = tpu.memref_slice %arg9[%dma_wait3A_101, %dma_wait3A_102, %dma_wait3A_107] : memref<2x4x128xi32, #tpu.memory_space<vmem>> -> memref<1x1x128xi32, #tpu.memory_space<vmem>>
        %dma_wait3A_109 = tpu.memref_squeeze %dma_wait3A_108 : memref<1x1x128xi32, #tpu.memory_space<vmem>> -> memref<128xi32, #tpu.memory_space<vmem>>
        %dma_wait3A_110 = arith.constant 0 : i32
        %dma_wait3A_111 = arith.constant 0 : i32
        %dma_wait3A_112 = tpu.memref_slice %arg7[%dma_wait3A_110, %dma_wait3A_111] : memref<25088x48xf32, #tpu.memory_space<vmem_shared>> -> memref<25088x48xf32, #tpu.memory_space<vmem_shared>>
        tpu.wait_indirect_dma semaphore(%arg13 : memref<!tpu.dma_semaphore, #tpu.memory_space<semaphore_mem>>) src(%dma_wait3A_106 : memref<128x48xf32, #tpu.memory_space<vmem>>) dst(%dma_wait3A_112 : memref<25088x48xf32, #tpu.memory_space<vmem_shared>>)
        %dma_wait3A_113 = arith.constant 1 : i32
        %dma_wait3A_114 = arith.constant 1 : i32
        %dma_wait3A_115 = arith.constant 1 : i32
        %dma_wait3A_116 = arith.constant 128 : i32
        %dma_wait3A_117 = arith.constant 0 : i32
        %dma_wait3A_118 = tpu.memref_slice %arg8[%dma_wait3A_113, %dma_wait3A_116, %dma_wait3A_117] : memref<2x512x48xf32, #tpu.memory_space<vmem>> -> memref<1x128x48xf32, #tpu.memory_space<vmem>>
        %dma_wait3A_119 = tpu.memref_squeeze %dma_wait3A_118 : memref<1x128x48xf32, #tpu.memory_space<vmem>> -> memref<128x48xf32, #tpu.memory_space<vmem>>
        %dma_wait3A_120 = arith.constant 0 : i32
        %dma_wait3A_121 = tpu.memref_slice %arg9[%dma_wait3A_114, %dma_wait3A_115, %dma_wait3A_120] : memref<2x4x128xi32, #tpu.memory_space<vmem>> -> memref<1x1x128xi32, #tpu.memory_space<vmem>>
        %dma_wait3A_122 = tpu.memref_squeeze %dma_wait3A_121 : memref<1x1x128xi32, #tpu.memory_space<vmem>> -> memref<128xi32, #tpu.memory_space<vmem>>
        %dma_wait3A_123 = arith.constant 0 : i32
        %dma_wait3A_124 = arith.constant 0 : i32
        %dma_wait3A_125 = tpu.memref_slice %arg7[%dma_wait3A_123, %dma_wait3A_124] : memref<25088x48xf32, #tpu.memory_space<vmem_shared>> -> memref<25088x48xf32, #tpu.memory_space<vmem_shared>>
        tpu.wait_indirect_dma semaphore(%arg13 : memref<!tpu.dma_semaphore, #tpu.memory_space<semaphore_mem>>) src(%dma_wait3A_119 : memref<128x48xf32, #tpu.memory_space<vmem>>) dst(%dma_wait3A_125 : memref<25088x48xf32, #tpu.memory_space<vmem_shared>>)
        %dma_wait3A_126 = arith.constant 1 : i32
        %dma_wait3A_127 = arith.constant 1 : i32
        %dma_wait3A_128 = arith.constant 2 : i32
        %dma_wait3A_129 = arith.constant 256 : i32
        %dma_wait3A_130 = arith.constant 0 : i32
        %dma_wait3A_131 = tpu.memref_slice %arg8[%dma_wait3A_126, %dma_wait3A_129, %dma_wait3A_130] : memref<2x512x48xf32, #tpu.memory_space<vmem>> -> memref<1x128x48xf32, #tpu.memory_space<vmem>>
        %dma_wait3A_132 = tpu.memref_squeeze %dma_wait3A_131 : memref<1x128x48xf32, #tpu.memory_space<vmem>> -> memref<128x48xf32, #tpu.memory_space<vmem>>
        %dma_wait3A_133 = arith.constant 0 : i32
        %dma_wait3A_134 = tpu.memref_slice %arg9[%dma_wait3A_127, %dma_wait3A_128, %dma_wait3A_133] : memref<2x4x128xi32, #tpu.memory_space<vmem>> -> memref<1x1x128xi32, #tpu.memory_space<vmem>>
        %dma_wait3A_135 = tpu.memref_squeeze %dma_wait3A_134 : memref<1x1x128xi32, #tpu.memory_space<vmem>> -> memref<128xi32, #tpu.memory_space<vmem>>
        %dma_wait3A_136 = arith.constant 0 : i32
        %dma_wait3A_137 = arith.constant 0 : i32
        %dma_wait3A_138 = tpu.memref_slice %arg7[%dma_wait3A_136, %dma_wait3A_137] : memref<25088x48xf32, #tpu.memory_space<vmem_shared>> -> memref<25088x48xf32, #tpu.memory_space<vmem_shared>>
        tpu.wait_indirect_dma semaphore(%arg13 : memref<!tpu.dma_semaphore, #tpu.memory_space<semaphore_mem>>) src(%dma_wait3A_132 : memref<128x48xf32, #tpu.memory_space<vmem>>) dst(%dma_wait3A_138 : memref<25088x48xf32, #tpu.memory_space<vmem_shared>>)
        %dma_wait3A_139 = arith.constant 1 : i32
        %dma_wait3A_140 = arith.constant 1 : i32
        %dma_wait3A_141 = arith.constant 3 : i32
        %dma_wait3A_142 = arith.constant 384 : i32
        %dma_wait3A_143 = arith.constant 0 : i32
        %dma_wait3A_144 = tpu.memref_slice %arg8[%dma_wait3A_139, %dma_wait3A_142, %dma_wait3A_143] : memref<2x512x48xf32, #tpu.memory_space<vmem>> -> memref<1x128x48xf32, #tpu.memory_space<vmem>>
        %dma_wait3A_145 = tpu.memref_squeeze %dma_wait3A_144 : memref<1x128x48xf32, #tpu.memory_space<vmem>> -> memref<128x48xf32, #tpu.memory_space<vmem>>
        %dma_wait3A_146 = arith.constant 0 : i32
        %dma_wait3A_147 = tpu.memref_slice %arg9[%dma_wait3A_140, %dma_wait3A_141, %dma_wait3A_146] : memref<2x4x128xi32, #tpu.memory_space<vmem>> -> memref<1x1x128xi32, #tpu.memory_space<vmem>>
        %dma_wait3A_148 = tpu.memref_squeeze %dma_wait3A_147 : memref<1x1x128xi32, #tpu.memory_space<vmem>> -> memref<128xi32, #tpu.memory_space<vmem>>
        %dma_wait3A_149 = arith.constant 0 : i32
        %dma_wait3A_150 = arith.constant 0 : i32
        %dma_wait3A_151 = tpu.memref_slice %arg7[%dma_wait3A_149, %dma_wait3A_150] : memref<25088x48xf32, #tpu.memory_space<vmem_shared>> -> memref<25088x48xf32, #tpu.memory_space<vmem_shared>>
        tpu.wait_indirect_dma semaphore(%arg13 : memref<!tpu.dma_semaphore, #tpu.memory_space<semaphore_mem>>) src(%dma_wait3A_145 : memref<128x48xf32, #tpu.memory_space<vmem>>) dst(%dma_wait3A_151 : memref<25088x48xf32, #tpu.memory_space<vmem_shared>>)
      } else {
      }
      %add3A_60 = arith.constant 16 : i32
      %add3A_61 = arith.addi %add3A_50, %add3A_60 : i32
      %lt3A_62 = arith.constant 3125 : i32
      %lt3A_63 = arith.cmpi slt, %add3A_61, %lt3A_62 : i32
      %convert_element_type3A_64 = arith.extui %lt3A_63 : i1 to i32
      %cond3A_65 = arith.constant 0 : i32
      %cond3A_66 = arith.cmpi ne, %convert_element_type3A_64, %cond3A_65 : i32
      scf.if %cond3A_66 {
        %mul3A_101 = arith.constant 512 : i32
        %mul3A_102 = arith.muli %add3A_61, %mul3A_101 : i32
        %dma_start3A = arith.constant 1 : i32
        %dma_start3A_103 = arith.constant 0 : i32
        %dma_start3A_104 = arith.constant 0 : i32
        %dma_start3A_105 = tpu.memref_slice %arg8[%dma_start3A, %dma_start3A_103, %dma_start3A_104] : memref<2x512x48xf32, #tpu.memory_space<vmem>> -> memref<1x512x48xf32, #tpu.memory_space<vmem>>
        %dma_start3A_106 = tpu.memref_squeeze %dma_start3A_105 : memref<1x512x48xf32, #tpu.memory_space<vmem>> -> memref<512x48xf32, #tpu.memory_space<vmem>>
        %dma_start3A_107 = arith.constant 0 : i32
        %dma_start3A_108 = tpu.memref_slice %arg2[%mul3A_102, %dma_start3A_107] : memref<1600000x128xf32, #tpu.memory_space<hbm>> -> memref<512x48xf32, #tpu.memory_space<hbm>>
        %dma_start3A_109 = arith.constant 0 : i32
        %dma_start3A_110 = arith.constant 0 : i32
        %dma_start3A_111 = tpu.memref_slice %arg8[%dma_start3A, %dma_start3A_109, %dma_start3A_110] : memref<2x512x48xf32, #tpu.memory_space<vmem>> -> memref<1x512x48xf32, #tpu.memory_space<vmem>>
        %dma_start3A_112 = tpu.memref_squeeze %dma_start3A_111 : memref<1x512x48xf32, #tpu.memory_space<vmem>> -> memref<512x48xf32, #tpu.memory_space<vmem>>
        %dma_start3A_113 = arith.constant 0 : i32
        %dma_start3A_114 = tpu.memref_slice %arg2[%mul3A_102, %dma_start3A_113] : memref<1600000x128xf32, #tpu.memory_space<hbm>> -> memref<512x48xf32, #tpu.memory_space<hbm>>
        tpu.enqueue_dma source(%dma_start3A_114 : memref<512x48xf32, #tpu.memory_space<hbm>>) target(%dma_start3A_112 : memref<512x48xf32, #tpu.memory_space<vmem>>) target_semaphore(%arg11 : memref<!tpu.dma_semaphore, #tpu.memory_space<semaphore_mem>>)
        %mul3A_115 = arith.constant 4 : i32
        %mul3A_116 = arith.muli %add3A_61, %mul3A_115 : i32
        %dma_start3A_117 = arith.constant 1 : i32
        %dma_start3A_118 = arith.constant 0 : i32
        %dma_start3A_119 = arith.constant 0 : i32
        %dma_start3A_120 = tpu.memref_slice %arg9[%dma_start3A_117, %dma_start3A_118, %dma_start3A_119] : memref<2x4x128xi32, #tpu.memory_space<vmem>> -> memref<1x4x128xi32, #tpu.memory_space<vmem>>
        %dma_start3A_121 = tpu.memref_squeeze %dma_start3A_120 : memref<1x4x128xi32, #tpu.memory_space<vmem>> -> memref<4x128xi32, #tpu.memory_space<vmem>>
        %dma_start3A_122 = arith.constant 0 : i32
        %dma_start3A_123 = tpu.memref_slice %arg4[%mul3A_116, %dma_start3A_122] : memref<12500x128xi32, #tpu.memory_space<hbm>> -> memref<4x128xi32, #tpu.memory_space<hbm>>
        %dma_start3A_124 = arith.constant 0 : i32
        %dma_start3A_125 = arith.constant 0 : i32
        %dma_start3A_126 = tpu.memref_slice %arg9[%dma_start3A_117, %dma_start3A_124, %dma_start3A_125] : memref<2x4x128xi32, #tpu.memory_space<vmem>> -> memref<1x4x128xi32, #tpu.memory_space<vmem>>
        %dma_start3A_127 = tpu.memref_squeeze %dma_start3A_126 : memref<1x4x128xi32, #tpu.memory_space<vmem>> -> memref<4x128xi32, #tpu.memory_space<vmem>>
        %dma_start3A_128 = arith.constant 0 : i32
        %dma_start3A_129 = tpu.memref_slice %arg4[%mul3A_116, %dma_start3A_128] : memref<12500x128xi32, #tpu.memory_space<hbm>> -> memref<4x128xi32, #tpu.memory_space<hbm>>
        tpu.enqueue_dma source(%dma_start3A_129 : memref<4x128xi32, #tpu.memory_space<hbm>>) target(%dma_start3A_127 : memref<4x128xi32, #tpu.memory_space<vmem>>) target_semaphore(%arg11 : memref<!tpu.dma_semaphore, #tpu.memory_space<semaphore_mem>>)
      } else {
      }
      %lt3A_67 = arith.constant 3125 : i32
      %lt3A_68 = arith.cmpi slt, %add3A_50, %lt3A_67 : i32
      %convert_element_type3A_69 = arith.extui %lt3A_68 : i1 to i32
      %cond3A_70 = arith.constant 0 : i32
      %cond3A_71 = arith.cmpi ne, %convert_element_type3A_69, %cond3A_70 : i32
      scf.if %cond3A_71 {
        %dma_wait3A = arith.constant 0 : i32
        %dma_wait3A_101 = arith.constant 0 : i32
        %dma_wait3A_102 = arith.constant 0 : i32
        %dma_wait3A_103 = tpu.memref_slice %arg8[%dma_wait3A, %dma_wait3A_101, %dma_wait3A_102] : memref<2x512x48xf32, #tpu.memory_space<vmem>> -> memref<1x512x48xf32, #tpu.memory_space<vmem>>
        %dma_wait3A_104 = tpu.memref_squeeze %dma_wait3A_103 : memref<1x512x48xf32, #tpu.memory_space<vmem>> -> memref<512x48xf32, #tpu.memory_space<vmem>>
        %dma_wait3A_105 = arith.constant 0 : i32
        %dma_wait3A_106 = arith.constant 0 : i32
        %dma_wait3A_107 = tpu.memref_slice %arg2[%dma_wait3A_105, %dma_wait3A_106] : memref<1600000x128xf32, #tpu.memory_space<hbm>> -> memref<512x48xf32, #tpu.memory_space<hbm>>
        %dma_wait3A_108 = arith.constant 0 : i32
        %dma_wait3A_109 = arith.constant 0 : i32
        %dma_wait3A_110 = tpu.memref_slice %arg8[%dma_wait3A, %dma_wait3A_108, %dma_wait3A_109] : memref<2x512x48xf32, #tpu.memory_space<vmem>> -> memref<1x512x48xf32, #tpu.memory_space<vmem>>
        %dma_wait3A_111 = tpu.memref_squeeze %dma_wait3A_110 : memref<1x512x48xf32, #tpu.memory_space<vmem>> -> memref<512x48xf32, #tpu.memory_space<vmem>>
        %dma_wait3A_112 = arith.constant 0 : i32
        %dma_wait3A_113 = arith.constant 0 : i32
        %dma_wait3A_114 = tpu.memref_slice %arg2[%dma_wait3A_112, %dma_wait3A_113] : memref<1600000x128xf32, #tpu.memory_space<hbm>> -> memref<512x48xf32, #tpu.memory_space<hbm>>
        tpu.wait_dma2 semaphore(%arg10 : memref<!tpu.dma_semaphore, #tpu.memory_space<semaphore_mem>>) src(%dma_wait3A_114 : memref<512x48xf32, #tpu.memory_space<hbm>>) dst(%dma_wait3A_111 : memref<512x48xf32, #tpu.memory_space<vmem>>)
        %dma_wait3A_115 = arith.constant 0 : i32
        %dma_wait3A_116 = arith.constant 0 : i32
        %dma_wait3A_117 = arith.constant 0 : i32
        %dma_wait3A_118 = tpu.memref_slice %arg9[%dma_wait3A_115, %dma_wait3A_116, %dma_wait3A_117] : memref<2x4x128xi32, #tpu.memory_space<vmem>> -> memref<1x4x128xi32, #tpu.memory_space<vmem>>
        %dma_wait3A_119 = tpu.memref_squeeze %dma_wait3A_118 : memref<1x4x128xi32, #tpu.memory_space<vmem>> -> memref<4x128xi32, #tpu.memory_space<vmem>>
        %dma_wait3A_120 = arith.constant 0 : i32
        %dma_wait3A_121 = arith.constant 0 : i32
        %dma_wait3A_122 = tpu.memref_slice %arg3[%dma_wait3A_120, %dma_wait3A_121] : memref<12500x128xi32, #tpu.memory_space<hbm>> -> memref<4x128xi32, #tpu.memory_space<hbm>>
        %dma_wait3A_123 = arith.constant 0 : i32
        %dma_wait3A_124 = arith.constant 0 : i32
        %dma_wait3A_125 = tpu.memref_slice %arg9[%dma_wait3A_115, %dma_wait3A_123, %dma_wait3A_124] : memref<2x4x128xi32, #tpu.memory_space<vmem>> -> memref<1x4x128xi32, #tpu.memory_space<vmem>>
        %dma_wait3A_126 = tpu.memref_squeeze %dma_wait3A_125 : memref<1x4x128xi32, #tpu.memory_space<vmem>> -> memref<4x128xi32, #tpu.memory_space<vmem>>
        %dma_wait3A_127 = arith.constant 0 : i32
        %dma_wait3A_128 = arith.constant 0 : i32
        %dma_wait3A_129 = tpu.memref_slice %arg3[%dma_wait3A_127, %dma_wait3A_128] : memref<12500x128xi32, #tpu.memory_space<hbm>> -> memref<4x128xi32, #tpu.memory_space<hbm>>
        tpu.wait_dma2 semaphore(%arg10 : memref<!tpu.dma_semaphore, #tpu.memory_space<semaphore_mem>>) src(%dma_wait3A_129 : memref<4x128xi32, #tpu.memory_space<hbm>>) dst(%dma_wait3A_126 : memref<4x128xi32, #tpu.memory_space<vmem>>)
        %get3A = arith.constant 0 : i32
        %get3A_130 = arith.constant 0 : i32
        %get3A_131 = arith.index_cast %get3A : i32 to index
        %get3A_132 = arith.index_cast %get3A_130 : i32 to index
        %get3A_133 = arith.constant 0 : index
        %get3A_134 = tpu.vector_load %arg9[%get3A_131, %get3A_132, %get3A_133] {strides = array<i32>} : memref<2x4x128xi32, #tpu.memory_space<vmem>>, vector<1x1x16xi32>,
        %get3A_135 = vector.shape_cast %get3A_134 : vector<1x1x16xi32> to vector<16xi32>
        %sub3A_136 = vector.broadcast %mul3A_2 : i32 to vector<16xi32>
        %sub3A_137 = arith.subi %get3A_135, %sub3A_136 : vector<16xi32>
        %ge3A_138 = arith.constant 0 : i32
        %ge3A_139 = vector.broadcast %ge3A_138 : i32 to vector<16xi32>
        %ge3A_140 = arith.cmpi sge, %sub3A_137, %ge3A_139 : vector<16xi32>
        %lt3A_141 = arith.constant 25000 : i32
        %lt3A_142 = vector.broadcast %lt3A_141 : i32 to vector<16xi32>
        %lt3A_143 = arith.cmpi slt, %sub3A_137, %lt3A_142 : vector<16xi32>
        %and3A_144 = arith.andi %ge3A_140, %lt3A_143 : vector<16xi1>
        %broadcast_in_dim3A = vector.broadcast %add3A_4 : i32 to vector<16xi32>
        %select_n3A = arith.select %and3A_144, %sub3A_137, %broadcast_in_dim3A : vector<16xi1>, vector<16xi32>
        %swap3A = arith.constant 0 : i32
        %swap3A_145 = arith.constant 0 : i32
        %swap3A_146 = arith.index_cast %swap3A : i32 to index
        %swap3A_147 = arith.index_cast %swap3A_145 : i32 to index
        %swap3A_148 = arith.constant 0 : index
        %swap3A_149 = tpu.vector_load %arg9[%swap3A_146, %swap3A_147, %swap3A_148] {strides = array<i32>} : memref<2x4x128xi32, #tpu.memory_space<vmem>>, vector<1x1x16xi32>,
        %swap3A_150 = vector.shape_cast %swap3A_149 : vector<1x1x16xi32> to vector<16xi32>
        %swap3A_151 = vector.shape_cast %select_n3A : vector<16xi32> to vector<1x1x16xi32>
        tpu.vector_store %arg9[%swap3A_146, %swap3A_147, %swap3A_148], %swap3A_151 {strides = array<i32>} : memref<2x4x128xi32, #tpu.memory_space<vmem>>, vector<1x1x16xi32>,
        %get3A_152 = arith.constant 0 : i32
        %get3A_153 = arith.constant 0 : i32
        %get3A_154 = arith.index_cast %get3A_152 : i32 to index
        %get3A_155 = arith.index_cast %get3A_153 : i32 to index
        %get3A_156 = arith.constant 16 : index
        %get3A_157 = tpu.vector_load %arg9[%get3A_154, %get3A_155, %get3A_156] {strides = array<i32>} : memref<2x4x128xi32, #tpu.memory_space<vmem>>, vector<1x1x16xi32>,
        %get3A_158 = vector.shape_cast %get3A_157 : vector<1x1x16xi32> to vector<16xi32>
        %sub3A_159 = vector.broadcast %mul3A_2 : i32 to vector<16xi32>
        %sub3A_160 = arith.subi %get3A_158, %sub3A_159 : vector<16xi32>
        %ge3A_161 = arith.constant 0 : i32
        %ge3A_162 = vector.broadcast %ge3A_161 : i32 to vector<16xi32>
        %ge3A_163 = arith.cmpi sge, %sub3A_160, %ge3A_162 : vector<16xi32>
        %lt3A_164 = arith.constant 25000 : i32
        %lt3A_165 = vector.broadcast %lt3A_164 : i32 to vector<16xi32>
        %lt3A_166 = arith.cmpi slt, %sub3A_160, %lt3A_165 : vector<16xi32>
        %and3A_167 = arith.andi %ge3A_163, %lt3A_166 : vector<16xi1>
        %broadcast_in_dim3A_168 = vector.broadcast %add3A_4 : i32 to vector<16xi32>
        %select_n3A_169 = arith.select %and3A_167, %sub3A_160, %broadcast_in_dim3A_168 : vector<16xi1>, vector<16xi32>
        %swap3A_170 = arith.constant 0 : i32
        %swap3A_171 = arith.constant 0 : i32
        %swap3A_172 = arith.index_cast %swap3A_170 : i32 to index
        %swap3A_173 = arith.index_cast %swap3A_171 : i32 to index
        %swap3A_174 = arith.constant 16 : index
        %swap3A_175 = tpu.vector_load %arg9[%swap3A_172, %swap3A_173, %swap3A_174] {strides = array<i32>} : memref<2x4x128xi32, #tpu.memory_space<vmem>>, vector<1x1x16xi32>,
        %swap3A_176 = vector.shape_cast %swap3A_175 : vector<1x1x16xi32> to vector<16xi32>
        %swap3A_177 = vector.shape_cast %select_n3A_169 : vector<16xi32> to vector<1x1x16xi32>
        tpu.vector_store %arg9[%swap3A_172, %swap3A_173, %swap3A_174], %swap3A_177 {strides = array<i32>} : memref<2x4x128xi32, #tpu.memory_space<vmem>>, vector<1x1x16xi32>,
        %get3A_178 = arith.constant 0 : i32
        %get3A_179 = arith.constant 0 : i32
        %get3A_180 = arith.index_cast %get3A_178 : i32 to index
        %get3A_181 = arith.index_cast %get3A_179 : i32 to index
        %get3A_182 = arith.constant 32 : index
        %get3A_183 = tpu.vector_load %arg9[%get3A_180, %get3A_181, %get3A_182] {strides = array<i32>} : memref<2x4x128xi32, #tpu.memory_space<vmem>>, vector<1x1x16xi32>,
        %get3A_184 = vector.shape_cast %get3A_183 : vector<1x1x16xi32> to vector<16xi32>
        %sub3A_185 = vector.broadcast %mul3A_2 : i32 to vector<16xi32>
        %sub3A_186 = arith.subi %get3A_184, %sub3A_185 : vector<16xi32>
        %ge3A_187 = arith.constant 0 : i32
        %ge3A_188 = vector.broadcast %ge3A_187 : i32 to vector<16xi32>
        %ge3A_189 = arith.cmpi sge, %sub3A_186, %ge3A_188 : vector<16xi32>
        %lt3A_190 = arith.constant 25000 : i32
        %lt3A_191 = vector.broadcast %lt3A_190 : i32 to vector<16xi32>
        %lt3A_192 = arith.cmpi slt, %sub3A_186, %lt3A_191 : vector<16xi32>
        %and3A_193 = arith.andi %ge3A_189, %lt3A_192 : vector<16xi1>
        %broadcast_in_dim3A_194 = vector.broadcast %add3A_4 : i32 to vector<16xi32>
        %select_n3A_195 = arith.select %and3A_193, %sub3A_186, %broadcast_in_dim3A_194 : vector<16xi1>, vector<16xi32>
        %swap3A_196 = arith.constant 0 : i32
        %swap3A_197 = arith.constant 0 : i32
        %swap3A_198 = arith.index_cast %swap3A_196 : i32 to index
        %swap3A_199 = arith.index_cast %swap3A_197 : i32 to index
        %swap3A_200 = arith.constant 32 : index
        %swap3A_201 = tpu.vector_load %arg9[%swap3A_198, %swap3A_199, %swap3A_200] {strides = array<i32>} : memref<2x4x128xi32, #tpu.memory_space<vmem>>, vector<1x1x16xi32>,
        %swap3A_202 = vector.shape_cast %swap3A_201 : vector<1x1x16xi32> to vector<16xi32>
        %swap3A_203 = vector.shape_cast %select_n3A_195 : vector<16xi32> to vector<1x1x16xi32>
        tpu.vector_store %arg9[%swap3A_198, %swap3A_199, %swap3A_200], %swap3A_203 {strides = array<i32>} : memref<2x4x128xi32, #tpu.memory_space<vmem>>, vector<1x1x16xi32>,
        %get3A_204 = arith.constant 0 : i32
        %get3A_205 = arith.constant 0 : i32
        %get3A_206 = arith.index_cast %get3A_204 : i32 to index
        %get3A_207 = arith.index_cast %get3A_205 : i32 to index
        %get3A_208 = arith.constant 48 : index
        %get3A_209 = tpu.vector_load %arg9[%get3A_206, %get3A_207, %get3A_208] {strides = array<i32>} : memref<2x4x128xi32, #tpu.memory_space<vmem>>, vector<1x1x16xi32>,
        %get3A_210 = vector.shape_cast %get3A_209 : vector<1x1x16xi32> to vector<16xi32>
        %sub3A_211 = vector.broadcast %mul3A_2 : i32 to vector<16xi32>
        %sub3A_212 = arith.subi %get3A_210, %sub3A_211 : vector<16xi32>
        %ge3A_213 = arith.constant 0 : i32
        %ge3A_214 = vector.broadcast %ge3A_213 : i32 to vector<16xi32>
        %ge3A_215 = arith.cmpi sge, %sub3A_212, %ge3A_214 : vector<16xi32>
        %lt3A_216 = arith.constant 25000 : i32
        %lt3A_217 = vector.broadcast %lt3A_216 : i32 to vector<16xi32>
        %lt3A_218 = arith.cmpi slt, %sub3A_212, %lt3A_217 : vector<16xi32>
        %and3A_219 = arith.andi %ge3A_215, %lt3A_218 : vector<16xi1>
        %broadcast_in_dim3A_220 = vector.broadcast %add3A_4 : i32 to vector<16xi32>
        %select_n3A_221 = arith.select %and3A_219, %sub3A_212, %broadcast_in_dim3A_220 : vector<16xi1>, vector<16xi32>
        %swap3A_222 = arith.constant 0 : i32
        %swap3A_223 = arith.constant 0 : i32
        %swap3A_224 = arith.index_cast %swap3A_222 : i32 to index
        %swap3A_225 = arith.index_cast %swap3A_223 : i32 to index
        %swap3A_226 = arith.constant 48 : index
        %swap3A_227 = tpu.vector_load %arg9[%swap3A_224, %swap3A_225, %swap3A_226] {strides = array<i32>} : memref<2x4x128xi32, #tpu.memory_space<vmem>>, vector<1x1x16xi32>,
        %swap3A_228 = vector.shape_cast %swap3A_227 : vector<1x1x16xi32> to vector<16xi32>
        %swap3A_229 = vector.shape_cast %select_n3A_221 : vector<16xi32> to vector<1x1x16xi32>
        tpu.vector_store %arg9[%swap3A_224, %swap3A_225, %swap3A_226], %swap3A_229 {strides = array<i32>} : memref<2x4x128xi32, #tpu.memory_space<vmem>>, vector<1x1x16xi32>,
        %get3A_230 = arith.constant 0 : i32
        %get3A_231 = arith.constant 0 : i32
        %get3A_232 = arith.index_cast %get3A_230 : i32 to index
        %get3A_233 = arith.index_cast %get3A_231 : i32 to index
        %get3A_234 = arith.constant 64 : index
        %get3A_235 = tpu.vector_load %arg9[%get3A_232, %get3A_233, %get3A_234] {strides = array<i32>} : memref<2x4x128xi32, #tpu.memory_space<vmem>>, vector<1x1x16xi32>,
        %get3A_236 = vector.shape_cast %get3A_235 : vector<1x1x16xi32> to vector<16xi32>
        %sub3A_237 = vector.broadcast %mul3A_2 : i32 to vector<16xi32>
        %sub3A_238 = arith.subi %get3A_236, %sub3A_237 : vector<16xi32>
        %ge3A_239 = arith.constant 0 : i32
        %ge3A_240 = vector.broadcast %ge3A_239 : i32 to vector<16xi32>
        %ge3A_241 = arith.cmpi sge, %sub3A_238, %ge3A_240 : vector<16xi32>
        %lt3A_242 = arith.constant 25000 : i32
        %lt3A_243 = vector.broadcast %lt3A_242 : i32 to vector<16xi32>
        %lt3A_244 = arith.cmpi slt, %sub3A_238, %lt3A_243 : vector<16xi32>
        %and3A_245 = arith.andi %ge3A_241, %lt3A_244 : vector<16xi1>
        %broadcast_in_dim3A_246 = vector.broadcast %add3A_4 : i32 to vector<16xi32>
        %select_n3A_247 = arith.select %and3A_245, %sub3A_238, %broadcast_in_dim3A_246 : vector<16xi1>, vector<16xi32>
        %swap3A_248 = arith.constant 0 : i32
        %swap3A_249 = arith.constant 0 : i32
        %swap3A_250 = arith.index_cast %swap3A_248 : i32 to index
        %swap3A_251 = arith.index_cast %swap3A_249 : i32 to index
        %swap3A_252 = arith.constant 64 : index
        %swap3A_253 = tpu.vector_load %arg9[%swap3A_250, %swap3A_251, %swap3A_252] {strides = array<i32>} : memref<2x4x128xi32, #tpu.memory_space<vmem>>, vector<1x1x16xi32>,
        %swap3A_254 = vector.shape_cast %swap3A_253 : vector<1x1x16xi32> to vector<16xi32>
        %swap3A_255 = vector.shape_cast %select_n3A_247 : vector<16xi32> to vector<1x1x16xi32>
        tpu.vector_store %arg9[%swap3A_250, %swap3A_251, %swap3A_252], %swap3A_255 {strides = array<i32>} : memref<2x4x128xi32, #tpu.memory_space<vmem>>, vector<1x1x16xi32>,
        %get3A_256 = arith.constant 0 : i32
        %get3A_257 = arith.constant 0 : i32
        %get3A_258 = arith.index_cast %get3A_256 : i32 to index
        %get3A_259 = arith.index_cast %get3A_257 : i32 to index
        %get3A_260 = arith.constant 80 : index
        %get3A_261 = tpu.vector_load %arg9[%get3A_258, %get3A_259, %get3A_260] {strides = array<i32>} : memref<2x4x128xi32, #tpu.memory_space<vmem>>, vector<1x1x16xi32>,
        %get3A_262 = vector.shape_cast %get3A_261 : vector<1x1x16xi32> to vector<16xi32>
        %sub3A_263 = vector.broadcast %mul3A_2 : i32 to vector<16xi32>
        %sub3A_264 = arith.subi %get3A_262, %sub3A_263 : vector<16xi32>
        %ge3A_265 = arith.constant 0 : i32
        %ge3A_266 = vector.broadcast %ge3A_265 : i32 to vector<16xi32>
        %ge3A_267 = arith.cmpi sge, %sub3A_264, %ge3A_266 : vector<16xi32>
        %lt3A_268 = arith.constant 25000 : i32
        %lt3A_269 = vector.broadcast %lt3A_268 : i32 to vector<16xi32>
        %lt3A_270 = arith.cmpi slt, %sub3A_264, %lt3A_269 : vector<16xi32>
        %and3A_271 = arith.andi %ge3A_267, %lt3A_270 : vector<16xi1>
        %broadcast_in_dim3A_272 = vector.broadcast %add3A_4 : i32 to vector<16xi32>
        %select_n3A_273 = arith.select %and3A_271, %sub3A_264, %broadcast_in_dim3A_272 : vector<16xi1>, vector<16xi32>
        %swap3A_274 = arith.constant 0 : i32
        %swap3A_275 = arith.constant 0 : i32
        %swap3A_276 = arith.index_cast %swap3A_274 : i32 to index
        %swap3A_277 = arith.index_cast %swap3A_275 : i32 to index
        %swap3A_278 = arith.constant 80 : index
        %swap3A_279 = tpu.vector_load %arg9[%swap3A_276, %swap3A_277, %swap3A_278] {strides = array<i32>} : memref<2x4x128xi32, #tpu.memory_space<vmem>>, vector<1x1x16xi32>,
        %swap3A_280 = vector.shape_cast %swap3A_279 : vector<1x1x16xi32> to vector<16xi32>
        %swap3A_281 = vector.shape_cast %select_n3A_273 : vector<16xi32> to vector<1x1x16xi32>
        tpu.vector_store %arg9[%swap3A_276, %swap3A_277, %swap3A_278], %swap3A_281 {strides = array<i32>} : memref<2x4x128xi32, #tpu.memory_space<vmem>>, vector<1x1x16xi32>,
        %get3A_282 = arith.constant 0 : i32
        %get3A_283 = arith.constant 0 : i32
        %get3A_284 = arith.index_cast %get3A_282 : i32 to index
        %get3A_285 = arith.index_cast %get3A_283 : i32 to index
        %get3A_286 = arith.constant 96 : index
        %get3A_287 = tpu.vector_load %arg9[%get3A_284, %get3A_285, %get3A_286] {strides = array<i32>} : memref<2x4x128xi32, #tpu.memory_space<vmem>>, vector<1x1x16xi32>,
        %get3A_288 = vector.shape_cast %get3A_287 : vector<1x1x16xi32> to vector<16xi32>
        %sub3A_289 = vector.broadcast %mul3A_2 : i32 to vector<16xi32>
        %sub3A_290 = arith.subi %get3A_288, %sub3A_289 : vector<16xi32>
        %ge3A_291 = arith.constant 0 : i32
        %ge3A_292 = vector.broadcast %ge3A_291 : i32 to vector<16xi32>
        %ge3A_293 = arith.cmpi sge, %sub3A_290, %ge3A_292 : vector<16xi32>
        %lt3A_294 = arith.constant 25000 : i32
        %lt3A_295 = vector.broadcast %lt3A_294 : i32 to vector<16xi32>
        %lt3A_296 = arith.cmpi slt, %sub3A_290, %lt3A_295 : vector<16xi32>
        %and3A_297 = arith.andi %ge3A_293, %lt3A_296 : vector<16xi1>
        %broadcast_in_dim3A_298 = vector.broadcast %add3A_4 : i32 to vector<16xi32>
        %select_n3A_299 = arith.select %and3A_297, %sub3A_290, %broadcast_in_dim3A_298 : vector<16xi1>, vector<16xi32>
        %swap3A_300 = arith.constant 0 : i32
        %swap3A_301 = arith.constant 0 : i32
        %swap3A_302 = arith.index_cast %swap3A_300 : i32 to index
        %swap3A_303 = arith.index_cast %swap3A_301 : i32 to index
        %swap3A_304 = arith.constant 96 : index
        %swap3A_305 = tpu.vector_load %arg9[%swap3A_302, %swap3A_303, %swap3A_304] {strides = array<i32>} : memref<2x4x128xi32, #tpu.memory_space<vmem>>, vector<1x1x16xi32>,
        %swap3A_306 = vector.shape_cast %swap3A_305 : vector<1x1x16xi32> to vector<16xi32>
        %swap3A_307 = vector.shape_cast %select_n3A_299 : vector<16xi32> to vector<1x1x16xi32>
        tpu.vector_store %arg9[%swap3A_302, %swap3A_303, %swap3A_304], %swap3A_307 {strides = array<i32>} : memref<2x4x128xi32, #tpu.memory_space<vmem>>, vector<1x1x16xi32>,
        %get3A_308 = arith.constant 0 : i32
        %get3A_309 = arith.constant 0 : i32
        %get3A_310 = arith.index_cast %get3A_308 : i32 to index
        %get3A_311 = arith.index_cast %get3A_309 : i32 to index
        %get3A_312 = arith.constant 112 : index
        %get3A_313 = tpu.vector_load %arg9[%get3A_310, %get3A_311, %get3A_312] {strides = array<i32>} : memref<2x4x128xi32, #tpu.memory_space<vmem>>, vector<1x1x16xi32>,
        %get3A_314 = vector.shape_cast %get3A_313 : vector<1x1x16xi32> to vector<16xi32>
        %sub3A_315 = vector.broadcast %mul3A_2 : i32 to vector<16xi32>
        %sub3A_316 = arith.subi %get3A_314, %sub3A_315 : vector<16xi32>
        %ge3A_317 = arith.constant 0 : i32
        %ge3A_318 = vector.broadcast %ge3A_317 : i32 to vector<16xi32>
        %ge3A_319 = arith.cmpi sge, %sub3A_316, %ge3A_318 : vector<16xi32>
        %lt3A_320 = arith.constant 25000 : i32
        %lt3A_321 = vector.broadcast %lt3A_320 : i32 to vector<16xi32>
        %lt3A_322 = arith.cmpi slt, %sub3A_316, %lt3A_321 : vector<16xi32>
        %and3A_323 = arith.andi %ge3A_319, %lt3A_322 : vector<16xi1>
        %broadcast_in_dim3A_324 = vector.broadcast %add3A_4 : i32 to vector<16xi32>
        %select_n3A_325 = arith.select %and3A_323, %sub3A_316, %broadcast_in_dim3A_324 : vector<16xi1>, vector<16xi32>
        %swap3A_326 = arith.constant 0 : i32
        %swap3A_327 = arith.constant 0 : i32
        %swap3A_328 = arith.index_cast %swap3A_326 : i32 to index
        %swap3A_329 = arith.index_cast %swap3A_327 : i32 to index
        %swap3A_330 = arith.constant 112 : index
        %swap3A_331 = tpu.vector_load %arg9[%swap3A_328, %swap3A_329, %swap3A_330] {strides = array<i32>} : memref<2x4x128xi32, #tpu.memory_space<vmem>>, vector<1x1x16xi32>,
        %swap3A_332 = vector.shape_cast %swap3A_331 : vector<1x1x16xi32> to vector<16xi32>
        %swap3A_333 = vector.shape_cast %select_n3A_325 : vector<16xi32> to vector<1x1x16xi32>
        tpu.vector_store %arg9[%swap3A_328, %swap3A_329, %swap3A_330], %swap3A_333 {strides = array<i32>} : memref<2x4x128xi32, #tpu.memory_space<vmem>>, vector<1x1x16xi32>,
        %get3A_334 = arith.constant 0 : i32
        %get3A_335 = arith.constant 1 : i32
        %get3A_336 = arith.index_cast %get3A_334 : i32 to index
        %get3A_337 = arith.index_cast %get3A_335 : i32 to index
        %get3A_338 = arith.constant 0 : index
        %get3A_339 = tpu.vector_load %arg9[%get3A_336, %get3A_337, %get3A_338] {strides = array<i32>} : memref<2x4x128xi32, #tpu.memory_space<vmem>>, vector<1x1x16xi32>,
        %get3A_340 = vector.shape_cast %get3A_339 : vector<1x1x16xi32> to vector<16xi32>
        %sub3A_341 = vector.broadcast %mul3A_2 : i32 to vector<16xi32>
        %sub3A_342 = arith.subi %get3A_340, %sub3A_341 : vector<16xi32>
        %ge3A_343 = arith.constant 0 : i32
        %ge3A_344 = vector.broadcast %ge3A_343 : i32 to vector<16xi32>
        %ge3A_345 = arith.cmpi sge, %sub3A_342, %ge3A_344 : vector<16xi32>
        %lt3A_346 = arith.constant 25000 : i32
        %lt3A_347 = vector.broadcast %lt3A_346 : i32 to vector<16xi32>
        %lt3A_348 = arith.cmpi slt, %sub3A_342, %lt3A_347 : vector<16xi32>
        %and3A_349 = arith.andi %ge3A_345, %lt3A_348 : vector<16xi1>
        %broadcast_in_dim3A_350 = vector.broadcast %add3A_4 : i32 to vector<16xi32>
        %select_n3A_351 = arith.select %and3A_349, %sub3A_342, %broadcast_in_dim3A_350 : vector<16xi1>, vector<16xi32>
        %swap3A_352 = arith.constant 0 : i32
        %swap3A_353 = arith.constant 1 : i32
        %swap3A_354 = arith.index_cast %swap3A_352 : i32 to index
        %swap3A_355 = arith.index_cast %swap3A_353 : i32 to index
        %swap3A_356 = arith.constant 0 : index
        %swap3A_357 = tpu.vector_load %arg9[%swap3A_354, %swap3A_355, %swap3A_356] {strides = array<i32>} : memref<2x4x128xi32, #tpu.memory_space<vmem>>, vector<1x1x16xi32>,
        %swap3A_358 = vector.shape_cast %swap3A_357 : vector<1x1x16xi32> to vector<16xi32>
        %swap3A_359 = vector.shape_cast %select_n3A_351 : vector<16xi32> to vector<1x1x16xi32>
        tpu.vector_store %arg9[%swap3A_354, %swap3A_355, %swap3A_356], %swap3A_359 {strides = array<i32>} : memref<2x4x128xi32, #tpu.memory_space<vmem>>, vector<1x1x16xi32>,
        %get3A_360 = arith.constant 0 : i32
        %get3A_361 = arith.constant 1 : i32
        %get3A_362 = arith.index_cast %get3A_360 : i32 to index
        %get3A_363 = arith.index_cast %get3A_361 : i32 to index
        %get3A_364 = arith.constant 16 : index
        %get3A_365 = tpu.vector_load %arg9[%get3A_362, %get3A_363, %get3A_364] {strides = array<i32>} : memref<2x4x128xi32, #tpu.memory_space<vmem>>, vector<1x1x16xi32>,
        %get3A_366 = vector.shape_cast %get3A_365 : vector<1x1x16xi32> to vector<16xi32>
        %sub3A_367 = vector.broadcast %mul3A_2 : i32 to vector<16xi32>
        %sub3A_368 = arith.subi %get3A_366, %sub3A_367 : vector<16xi32>
        %ge3A_369 = arith.constant 0 : i32
        %ge3A_370 = vector.broadcast %ge3A_369 : i32 to vector<16xi32>
        %ge3A_371 = arith.cmpi sge, %sub3A_368, %ge3A_370 : vector<16xi32>
        %lt3A_372 = arith.constant 25000 : i32
        %lt3A_373 = vector.broadcast %lt3A_372 : i32 to vector<16xi32>
        %lt3A_374 = arith.cmpi slt, %sub3A_368, %lt3A_373 : vector<16xi32>
        %and3A_375 = arith.andi %ge3A_371, %lt3A_374 : vector<16xi1>
        %broadcast_in_dim3A_376 = vector.broadcast %add3A_4 : i32 to vector<16xi32>
        %select_n3A_377 = arith.select %and3A_375, %sub3A_368, %broadcast_in_dim3A_376 : vector<16xi1>, vector<16xi32>
        %swap3A_378 = arith.constant 0 : i32
        %swap3A_379 = arith.constant 1 : i32
        %swap3A_380 = arith.index_cast %swap3A_378 : i32 to index
        %swap3A_381 = arith.index_cast %swap3A_379 : i32 to index
        %swap3A_382 = arith.constant 16 : index
        %swap3A_383 = tpu.vector_load %arg9[%swap3A_380, %swap3A_381, %swap3A_382] {strides = array<i32>} : memref<2x4x128xi32, #tpu.memory_space<vmem>>, vector<1x1x16xi32>,
        %swap3A_384 = vector.shape_cast %swap3A_383 : vector<1x1x16xi32> to vector<16xi32>
        %swap3A_385 = vector.shape_cast %select_n3A_377 : vector<16xi32> to vector<1x1x16xi32>
        tpu.vector_store %arg9[%swap3A_380, %swap3A_381, %swap3A_382], %swap3A_385 {strides = array<i32>} : memref<2x4x128xi32, #tpu.memory_space<vmem>>, vector<1x1x16xi32>,
        %get3A_386 = arith.constant 0 : i32
        %get3A_387 = arith.constant 1 : i32
        %get3A_388 = arith.index_cast %get3A_386 : i32 to index
        %get3A_389 = arith.index_cast %get3A_387 : i32 to index
        %get3A_390 = arith.constant 32 : index
        %get3A_391 = tpu.vector_load %arg9[%get3A_388, %get3A_389, %get3A_390] {strides = array<i32>} : memref<2x4x128xi32, #tpu.memory_space<vmem>>, vector<1x1x16xi32>,
        %get3A_392 = vector.shape_cast %get3A_391 : vector<1x1x16xi32> to vector<16xi32>
        %sub3A_393 = vector.broadcast %mul3A_2 : i32 to vector<16xi32>
        %sub3A_394 = arith.subi %get3A_392, %sub3A_393 : vector<16xi32>
        %ge3A_395 = arith.constant 0 : i32
        %ge3A_396 = vector.broadcast %ge3A_395 : i32 to vector<16xi32>
        %ge3A_397 = arith.cmpi sge, %sub3A_394, %ge3A_396 : vector<16xi32>
        %lt3A_398 = arith.constant 25000 : i32
        %lt3A_399 = vector.broadcast %lt3A_398 : i32 to vector<16xi32>
        %lt3A_400 = arith.cmpi slt, %sub3A_394, %lt3A_399 : vector<16xi32>
        %and3A_401 = arith.andi %ge3A_397, %lt3A_400 : vector<16xi1>
        %broadcast_in_dim3A_402 = vector.broadcast %add3A_4 : i32 to vector<16xi32>
        %select_n3A_403 = arith.select %and3A_401, %sub3A_394, %broadcast_in_dim3A_402 : vector<16xi1>, vector<16xi32>
        %swap3A_404 = arith.constant 0 : i32
        %swap3A_405 = arith.constant 1 : i32
        %swap3A_406 = arith.index_cast %swap3A_404 : i32 to index
        %swap3A_407 = arith.index_cast %swap3A_405 : i32 to index
        %swap3A_408 = arith.constant 32 : index
        %swap3A_409 = tpu.vector_load %arg9[%swap3A_406, %swap3A_407, %swap3A_408] {strides = array<i32>} : memref<2x4x128xi32, #tpu.memory_space<vmem>>, vector<1x1x16xi32>,
        %swap3A_410 = vector.shape_cast %swap3A_409 : vector<1x1x16xi32> to vector<16xi32>
        %swap3A_411 = vector.shape_cast %select_n3A_403 : vector<16xi32> to vector<1x1x16xi32>
        tpu.vector_store %arg9[%swap3A_406, %swap3A_407, %swap3A_408], %swap3A_411 {strides = array<i32>} : memref<2x4x128xi32, #tpu.memory_space<vmem>>, vector<1x1x16xi32>,
        %get3A_412 = arith.constant 0 : i32
        %get3A_413 = arith.constant 1 : i32
        %get3A_414 = arith.index_cast %get3A_412 : i32 to index
        %get3A_415 = arith.index_cast %get3A_413 : i32 to index
        %get3A_416 = arith.constant 48 : index
        %get3A_417 = tpu.vector_load %arg9[%get3A_414, %get3A_415, %get3A_416] {strides = array<i32>} : memref<2x4x128xi32, #tpu.memory_space<vmem>>, vector<1x1x16xi32>,
        %get3A_418 = vector.shape_cast %get3A_417 : vector<1x1x16xi32> to vector<16xi32>
        %sub3A_419 = vector.broadcast %mul3A_2 : i32 to vector<16xi32>
        %sub3A_420 = arith.subi %get3A_418, %sub3A_419 : vector<16xi32>
        %ge3A_421 = arith.constant 0 : i32
        %ge3A_422 = vector.broadcast %ge3A_421 : i32 to vector<16xi32>
        %ge3A_423 = arith.cmpi sge, %sub3A_420, %ge3A_422 : vector<16xi32>
        %lt3A_424 = arith.constant 25000 : i32
        %lt3A_425 = vector.broadcast %lt3A_424 : i32 to vector<16xi32>
        %lt3A_426 = arith.cmpi slt, %sub3A_420, %lt3A_425 : vector<16xi32>
        %and3A_427 = arith.andi %ge3A_423, %lt3A_426 : vector<16xi1>
        %broadcast_in_dim3A_428 = vector.broadcast %add3A_4 : i32 to vector<16xi32>
        %select_n3A_429 = arith.select %and3A_427, %sub3A_420, %broadcast_in_dim3A_428 : vector<16xi1>, vector<16xi32>
        %swap3A_430 = arith.constant 0 : i32
        %swap3A_431 = arith.constant 1 : i32
        %swap3A_432 = arith.index_cast %swap3A_430 : i32 to index
        %swap3A_433 = arith.index_cast %swap3A_431 : i32 to index
        %swap3A_434 = arith.constant 48 : index
        %swap3A_435 = tpu.vector_load %arg9[%swap3A_432, %swap3A_433, %swap3A_434] {strides = array<i32>} : memref<2x4x128xi32, #tpu.memory_space<vmem>>, vector<1x1x16xi32>,
        %swap3A_436 = vector.shape_cast %swap3A_435 : vector<1x1x16xi32> to vector<16xi32>
        %swap3A_437 = vector.shape_cast %select_n3A_429 : vector<16xi32> to vector<1x1x16xi32>
        tpu.vector_store %arg9[%swap3A_432, %swap3A_433, %swap3A_434], %swap3A_437 {strides = array<i32>} : memref<2x4x128xi32, #tpu.memory_space<vmem>>, vector<1x1x16xi32>,
        %get3A_438 = arith.constant 0 : i32
        %get3A_439 = arith.constant 1 : i32
        %get3A_440 = arith.index_cast %get3A_438 : i32 to index
        %get3A_441 = arith.index_cast %get3A_439 : i32 to index
        %get3A_442 = arith.constant 64 : index
        %get3A_443 = tpu.vector_load %arg9[%get3A_440, %get3A_441, %get3A_442] {strides = array<i32>} : memref<2x4x128xi32, #tpu.memory_space<vmem>>, vector<1x1x16xi32>,
        %get3A_444 = vector.shape_cast %get3A_443 : vector<1x1x16xi32> to vector<16xi32>
        %sub3A_445 = vector.broadcast %mul3A_2 : i32 to vector<16xi32>
        %sub3A_446 = arith.subi %get3A_444, %sub3A_445 : vector<16xi32>
        %ge3A_447 = arith.constant 0 : i32
        %ge3A_448 = vector.broadcast %ge3A_447 : i32 to vector<16xi32>
        %ge3A_449 = arith.cmpi sge, %sub3A_446, %ge3A_448 : vector<16xi32>
        %lt3A_450 = arith.constant 25000 : i32
        %lt3A_451 = vector.broadcast %lt3A_450 : i32 to vector<16xi32>
        %lt3A_452 = arith.cmpi slt, %sub3A_446, %lt3A_451 : vector<16xi32>
        %and3A_453 = arith.andi %ge3A_449, %lt3A_452 : vector<16xi1>
        %broadcast_in_dim3A_454 = vector.broadcast %add3A_4 : i32 to vector<16xi32>
        %select_n3A_455 = arith.select %and3A_453, %sub3A_446, %broadcast_in_dim3A_454 : vector<16xi1>, vector<16xi32>
        %swap3A_456 = arith.constant 0 : i32
        %swap3A_457 = arith.constant 1 : i32
        %swap3A_458 = arith.index_cast %swap3A_456 : i32 to index
        %swap3A_459 = arith.index_cast %swap3A_457 : i32 to index
        %swap3A_460 = arith.constant 64 : index
        %swap3A_461 = tpu.vector_load %arg9[%swap3A_458, %swap3A_459, %swap3A_460] {strides = array<i32>} : memref<2x4x128xi32, #tpu.memory_space<vmem>>, vector<1x1x16xi32>,
        %swap3A_462 = vector.shape_cast %swap3A_461 : vector<1x1x16xi32> to vector<16xi32>
        %swap3A_463 = vector.shape_cast %select_n3A_455 : vector<16xi32> to vector<1x1x16xi32>
        tpu.vector_store %arg9[%swap3A_458, %swap3A_459, %swap3A_460], %swap3A_463 {strides = array<i32>} : memref<2x4x128xi32, #tpu.memory_space<vmem>>, vector<1x1x16xi32>,
        %get3A_464 = arith.constant 0 : i32
        %get3A_465 = arith.constant 1 : i32
        %get3A_466 = arith.index_cast %get3A_464 : i32 to index
        %get3A_467 = arith.index_cast %get3A_465 : i32 to index
        %get3A_468 = arith.constant 80 : index
        %get3A_469 = tpu.vector_load %arg9[%get3A_466, %get3A_467, %get3A_468] {strides = array<i32>} : memref<2x4x128xi32, #tpu.memory_space<vmem>>, vector<1x1x16xi32>,
        %get3A_470 = vector.shape_cast %get3A_469 : vector<1x1x16xi32> to vector<16xi32>
        %sub3A_471 = vector.broadcast %mul3A_2 : i32 to vector<16xi32>
        %sub3A_472 = arith.subi %get3A_470, %sub3A_471 : vector<16xi32>
        %ge3A_473 = arith.constant 0 : i32
        %ge3A_474 = vector.broadcast %ge3A_473 : i32 to vector<16xi32>
        %ge3A_475 = arith.cmpi sge, %sub3A_472, %ge3A_474 : vector<16xi32>
        %lt3A_476 = arith.constant 25000 : i32
        %lt3A_477 = vector.broadcast %lt3A_476 : i32 to vector<16xi32>
        %lt3A_478 = arith.cmpi slt, %sub3A_472, %lt3A_477 : vector<16xi32>
        %and3A_479 = arith.andi %ge3A_475, %lt3A_478 : vector<16xi1>
        %broadcast_in_dim3A_480 = vector.broadcast %add3A_4 : i32 to vector<16xi32>
        %select_n3A_481 = arith.select %and3A_479, %sub3A_472, %broadcast_in_dim3A_480 : vector<16xi1>, vector<16xi32>
        %swap3A_482 = arith.constant 0 : i32
        %swap3A_483 = arith.constant 1 : i32
        %swap3A_484 = arith.index_cast %swap3A_482 : i32 to index
        %swap3A_485 = arith.index_cast %swap3A_483 : i32 to index
        %swap3A_486 = arith.constant 80 : index
        %swap3A_487 = tpu.vector_load %arg9[%swap3A_484, %swap3A_485, %swap3A_486] {strides = array<i32>} : memref<2x4x128xi32, #tpu.memory_space<vmem>>, vector<1x1x16xi32>,
        %swap3A_488 = vector.shape_cast %swap3A_487 : vector<1x1x16xi32> to vector<16xi32>
        %swap3A_489 = vector.shape_cast %select_n3A_481 : vector<16xi32> to vector<1x1x16xi32>
        tpu.vector_store %arg9[%swap3A_484, %swap3A_485, %swap3A_486], %swap3A_489 {strides = array<i32>} : memref<2x4x128xi32, #tpu.memory_space<vmem>>, vector<1x1x16xi32>,
        %get3A_490 = arith.constant 0 : i32
        %get3A_491 = arith.constant 1 : i32
        %get3A_492 = arith.index_cast %get3A_490 : i32 to index
        %get3A_493 = arith.index_cast %get3A_491 : i32 to index
        %get3A_494 = arith.constant 96 : index
        %get3A_495 = tpu.vector_load %arg9[%get3A_492, %get3A_493, %get3A_494] {strides = array<i32>} : memref<2x4x128xi32, #tpu.memory_space<vmem>>, vector<1x1x16xi32>,
        %get3A_496 = vector.shape_cast %get3A_495 : vector<1x1x16xi32> to vector<16xi32>
        %sub3A_497 = vector.broadcast %mul3A_2 : i32 to vector<16xi32>
        %sub3A_498 = arith.subi %get3A_496, %sub3A_497 : vector<16xi32>
        %ge3A_499 = arith.constant 0 : i32
        %ge3A_500 = vector.broadcast %ge3A_499 : i32 to vector<16xi32>
        %ge3A_501 = arith.cmpi sge, %sub3A_498, %ge3A_500 : vector<16xi32>
        %lt3A_502 = arith.constant 25000 : i32
        %lt3A_503 = vector.broadcast %lt3A_502 : i32 to vector<16xi32>
        %lt3A_504 = arith.cmpi slt, %sub3A_498, %lt3A_503 : vector<16xi32>
        %and3A_505 = arith.andi %ge3A_501, %lt3A_504 : vector<16xi1>
        %broadcast_in_dim3A_506 = vector.broadcast %add3A_4 : i32 to vector<16xi32>
        %select_n3A_507 = arith.select %and3A_505, %sub3A_498, %broadcast_in_dim3A_506 : vector<16xi1>, vector<16xi32>
        %swap3A_508 = arith.constant 0 : i32
        %swap3A_509 = arith.constant 1 : i32
        %swap3A_510 = arith.index_cast %swap3A_508 : i32 to index
        %swap3A_511 = arith.index_cast %swap3A_509 : i32 to index
        %swap3A_512 = arith.constant 96 : index
        %swap3A_513 = tpu.vector_load %arg9[%swap3A_510, %swap3A_511, %swap3A_512] {strides = array<i32>} : memref<2x4x128xi32, #tpu.memory_space<vmem>>, vector<1x1x16xi32>,
        %swap3A_514 = vector.shape_cast %swap3A_513 : vector<1x1x16xi32> to vector<16xi32>
        %swap3A_515 = vector.shape_cast %select_n3A_507 : vector<16xi32> to vector<1x1x16xi32>
        tpu.vector_store %arg9[%swap3A_510, %swap3A_511, %swap3A_512], %swap3A_515 {strides = array<i32>} : memref<2x4x128xi32, #tpu.memory_space<vmem>>, vector<1x1x16xi32>,
        %get3A_516 = arith.constant 0 : i32
        %get3A_517 = arith.constant 1 : i32
        %get3A_518 = arith.index_cast %get3A_516 : i32 to index
        %get3A_519 = arith.index_cast %get3A_517 : i32 to index
        %get3A_520 = arith.constant 112 : index
        %get3A_521 = tpu.vector_load %arg9[%get3A_518, %get3A_519, %get3A_520] {strides = array<i32>} : memref<2x4x128xi32, #tpu.memory_space<vmem>>, vector<1x1x16xi32>,
        %get3A_522 = vector.shape_cast %get3A_521 : vector<1x1x16xi32> to vector<16xi32>
        %sub3A_523 = vector.broadcast %mul3A_2 : i32 to vector<16xi32>
        %sub3A_524 = arith.subi %get3A_522, %sub3A_523 : vector<16xi32>
        %ge3A_525 = arith.constant 0 : i32
        %ge3A_526 = vector.broadcast %ge3A_525 : i32 to vector<16xi32>
        %ge3A_527 = arith.cmpi sge, %sub3A_524, %ge3A_526 : vector<16xi32>
        %lt3A_528 = arith.constant 25000 : i32
        %lt3A_529 = vector.broadcast %lt3A_528 : i32 to vector<16xi32>
        %lt3A_530 = arith.cmpi slt, %sub3A_524, %lt3A_529 : vector<16xi32>
        %and3A_531 = arith.andi %ge3A_527, %lt3A_530 : vector<16xi1>
        %broadcast_in_dim3A_532 = vector.broadcast %add3A_4 : i32 to vector<16xi32>
        %select_n3A_533 = arith.select %and3A_531, %sub3A_524, %broadcast_in_dim3A_532 : vector<16xi1>, vector<16xi32>
        %swap3A_534 = arith.constant 0 : i32
        %swap3A_535 = arith.constant 1 : i32
        %swap3A_536 = arith.index_cast %swap3A_534 : i32 to index
        %swap3A_537 = arith.index_cast %swap3A_535 : i32 to index
        %swap3A_538 = arith.constant 112 : index
        %swap3A_539 = tpu.vector_load %arg9[%swap3A_536, %swap3A_537, %swap3A_538] {strides = array<i32>} : memref<2x4x128xi32, #tpu.memory_space<vmem>>, vector<1x1x16xi32>,
        %swap3A_540 = vector.shape_cast %swap3A_539 : vector<1x1x16xi32> to vector<16xi32>
        %swap3A_541 = vector.shape_cast %select_n3A_533 : vector<16xi32> to vector<1x1x16xi32>
        tpu.vector_store %arg9[%swap3A_536, %swap3A_537, %swap3A_538], %swap3A_541 {strides = array<i32>} : memref<2x4x128xi32, #tpu.memory_space<vmem>>, vector<1x1x16xi32>,
        %get3A_542 = arith.constant 0 : i32
        %get3A_543 = arith.constant 2 : i32
        %get3A_544 = arith.index_cast %get3A_542 : i32 to index
        %get3A_545 = arith.index_cast %get3A_543 : i32 to index
        %get3A_546 = arith.constant 0 : index
        %get3A_547 = tpu.vector_load %arg9[%get3A_544, %get3A_545, %get3A_546] {strides = array<i32>} : memref<2x4x128xi32, #tpu.memory_space<vmem>>, vector<1x1x16xi32>,
        %get3A_548 = vector.shape_cast %get3A_547 : vector<1x1x16xi32> to vector<16xi32>
        %sub3A_549 = vector.broadcast %mul3A_2 : i32 to vector<16xi32>
        %sub3A_550 = arith.subi %get3A_548, %sub3A_549 : vector<16xi32>
        %ge3A_551 = arith.constant 0 : i32
        %ge3A_552 = vector.broadcast %ge3A_551 : i32 to vector<16xi32>
        %ge3A_553 = arith.cmpi sge, %sub3A_550, %ge3A_552 : vector<16xi32>
        %lt3A_554 = arith.constant 25000 : i32
        %lt3A_555 = vector.broadcast %lt3A_554 : i32 to vector<16xi32>
        %lt3A_556 = arith.cmpi slt, %sub3A_550, %lt3A_555 : vector<16xi32>
        %and3A_557 = arith.andi %ge3A_553, %lt3A_556 : vector<16xi1>
        %broadcast_in_dim3A_558 = vector.broadcast %add3A_4 : i32 to vector<16xi32>
        %select_n3A_559 = arith.select %and3A_557, %sub3A_550, %broadcast_in_dim3A_558 : vector<16xi1>, vector<16xi32>
        %swap3A_560 = arith.constant 0 : i32
        %swap3A_561 = arith.constant 2 : i32
        %swap3A_562 = arith.index_cast %swap3A_560 : i32 to index
        %swap3A_563 = arith.index_cast %swap3A_561 : i32 to index
        %swap3A_564 = arith.constant 0 : index
        %swap3A_565 = tpu.vector_load %arg9[%swap3A_562, %swap3A_563, %swap3A_564] {strides = array<i32>} : memref<2x4x128xi32, #tpu.memory_space<vmem>>, vector<1x1x16xi32>,
        %swap3A_566 = vector.shape_cast %swap3A_565 : vector<1x1x16xi32> to vector<16xi32>
        %swap3A_567 = vector.shape_cast %select_n3A_559 : vector<16xi32> to vector<1x1x16xi32>
        tpu.vector_store %arg9[%swap3A_562, %swap3A_563, %swap3A_564], %swap3A_567 {strides = array<i32>} : memref<2x4x128xi32, #tpu.memory_space<vmem>>, vector<1x1x16xi32>,
        %get3A_568 = arith.constant 0 : i32
        %get3A_569 = arith.constant 2 : i32
        %get3A_570 = arith.index_cast %get3A_568 : i32 to index
        %get3A_571 = arith.index_cast %get3A_569 : i32 to index
        %get3A_572 = arith.constant 16 : index
        %get3A_573 = tpu.vector_load %arg9[%get3A_570, %get3A_571, %get3A_572] {strides = array<i32>} : memref<2x4x128xi32, #tpu.memory_space<vmem>>, vector<1x1x16xi32>,
        %get3A_574 = vector.shape_cast %get3A_573 : vector<1x1x16xi32> to vector<16xi32>
        %sub3A_575 = vector.broadcast %mul3A_2 : i32 to vector<16xi32>
        %sub3A_576 = arith.subi %get3A_574, %sub3A_575 : vector<16xi32>
        %ge3A_577 = arith.constant 0 : i32
        %ge3A_578 = vector.broadcast %ge3A_577 : i32 to vector<16xi32>
        %ge3A_579 = arith.cmpi sge, %sub3A_576, %ge3A_578 : vector<16xi32>
        %lt3A_580 = arith.constant 25000 : i32
        %lt3A_581 = vector.broadcast %lt3A_580 : i32 to vector<16xi32>
        %lt3A_582 = arith.cmpi slt, %sub3A_576, %lt3A_581 : vector<16xi32>
        %and3A_583 = arith.andi %ge3A_579, %lt3A_582 : vector<16xi1>
        %broadcast_in_dim3A_584 = vector.broadcast %add3A_4 : i32 to vector<16xi32>
        %select_n3A_585 = arith.select %and3A_583, %sub3A_576, %broadcast_in_dim3A_584 : vector<16xi1>, vector<16xi32>
        %swap3A_586 = arith.constant 0 : i32
        %swap3A_587 = arith.constant 2 : i32
        %swap3A_588 = arith.index_cast %swap3A_586 : i32 to index
        %swap3A_589 = arith.index_cast %swap3A_587 : i32 to index
        %swap3A_590 = arith.constant 16 : index
        %swap3A_591 = tpu.vector_load %arg9[%swap3A_588, %swap3A_589, %swap3A_590] {strides = array<i32>} : memref<2x4x128xi32, #tpu.memory_space<vmem>>, vector<1x1x16xi32>,
        %swap3A_592 = vector.shape_cast %swap3A_591 : vector<1x1x16xi32> to vector<16xi32>
        %swap3A_593 = vector.shape_cast %select_n3A_585 : vector<16xi32> to vector<1x1x16xi32>
        tpu.vector_store %arg9[%swap3A_588, %swap3A_589, %swap3A_590], %swap3A_593 {strides = array<i32>} : memref<2x4x128xi32, #tpu.memory_space<vmem>>, vector<1x1x16xi32>,
        %get3A_594 = arith.constant 0 : i32
        %get3A_595 = arith.constant 2 : i32
        %get3A_596 = arith.index_cast %get3A_594 : i32 to index
        %get3A_597 = arith.index_cast %get3A_595 : i32 to index
        %get3A_598 = arith.constant 32 : index
        %get3A_599 = tpu.vector_load %arg9[%get3A_596, %get3A_597, %get3A_598] {strides = array<i32>} : memref<2x4x128xi32, #tpu.memory_space<vmem>>, vector<1x1x16xi32>,
        %get3A_600 = vector.shape_cast %get3A_599 : vector<1x1x16xi32> to vector<16xi32>
        %sub3A_601 = vector.broadcast %mul3A_2 : i32 to vector<16xi32>
        %sub3A_602 = arith.subi %get3A_600, %sub3A_601 : vector<16xi32>
        %ge3A_603 = arith.constant 0 : i32
        %ge3A_604 = vector.broadcast %ge3A_603 : i32 to vector<16xi32>
        %ge3A_605 = arith.cmpi sge, %sub3A_602, %ge3A_604 : vector<16xi32>
        %lt3A_606 = arith.constant 25000 : i32
        %lt3A_607 = vector.broadcast %lt3A_606 : i32 to vector<16xi32>
        %lt3A_608 = arith.cmpi slt, %sub3A_602, %lt3A_607 : vector<16xi32>
        %and3A_609 = arith.andi %ge3A_605, %lt3A_608 : vector<16xi1>
        %broadcast_in_dim3A_610 = vector.broadcast %add3A_4 : i32 to vector<16xi32>
        %select_n3A_611 = arith.select %and3A_609, %sub3A_602, %broadcast_in_dim3A_610 : vector<16xi1>, vector<16xi32>
        %swap3A_612 = arith.constant 0 : i32
        %swap3A_613 = arith.constant 2 : i32
        %swap3A_614 = arith.index_cast %swap3A_612 : i32 to index
        %swap3A_615 = arith.index_cast %swap3A_613 : i32 to index
        %swap3A_616 = arith.constant 32 : index
        %swap3A_617 = tpu.vector_load %arg9[%swap3A_614, %swap3A_615, %swap3A_616] {strides = array<i32>} : memref<2x4x128xi32, #tpu.memory_space<vmem>>, vector<1x1x16xi32>,
        %swap3A_618 = vector.shape_cast %swap3A_617 : vector<1x1x16xi32> to vector<16xi32>
        %swap3A_619 = vector.shape_cast %select_n3A_611 : vector<16xi32> to vector<1x1x16xi32>
        tpu.vector_store %arg9[%swap3A_614, %swap3A_615, %swap3A_616], %swap3A_619 {strides = array<i32>} : memref<2x4x128xi32, #tpu.memory_space<vmem>>, vector<1x1x16xi32>,
        %get3A_620 = arith.constant 0 : i32
        %get3A_621 = arith.constant 2 : i32
        %get3A_622 = arith.index_cast %get3A_620 : i32 to index
        %get3A_623 = arith.index_cast %get3A_621 : i32 to index
        %get3A_624 = arith.constant 48 : index
        %get3A_625 = tpu.vector_load %arg9[%get3A_622, %get3A_623, %get3A_624] {strides = array<i32>} : memref<2x4x128xi32, #tpu.memory_space<vmem>>, vector<1x1x16xi32>,
        %get3A_626 = vector.shape_cast %get3A_625 : vector<1x1x16xi32> to vector<16xi32>
        %sub3A_627 = vector.broadcast %mul3A_2 : i32 to vector<16xi32>
        %sub3A_628 = arith.subi %get3A_626, %sub3A_627 : vector<16xi32>
        %ge3A_629 = arith.constant 0 : i32
        %ge3A_630 = vector.broadcast %ge3A_629 : i32 to vector<16xi32>
        %ge3A_631 = arith.cmpi sge, %sub3A_628, %ge3A_630 : vector<16xi32>
        %lt3A_632 = arith.constant 25000 : i32
        %lt3A_633 = vector.broadcast %lt3A_632 : i32 to vector<16xi32>
        %lt3A_634 = arith.cmpi slt, %sub3A_628, %lt3A_633 : vector<16xi32>
        %and3A_635 = arith.andi %ge3A_631, %lt3A_634 : vector<16xi1>
        %broadcast_in_dim3A_636 = vector.broadcast %add3A_4 : i32 to vector<16xi32>
        %select_n3A_637 = arith.select %and3A_635, %sub3A_628, %broadcast_in_dim3A_636 : vector<16xi1>, vector<16xi32>
        %swap3A_638 = arith.constant 0 : i32
        %swap3A_639 = arith.constant 2 : i32
        %swap3A_640 = arith.index_cast %swap3A_638 : i32 to index
        %swap3A_641 = arith.index_cast %swap3A_639 : i32 to index
        %swap3A_642 = arith.constant 48 : index
        %swap3A_643 = tpu.vector_load %arg9[%swap3A_640, %swap3A_641, %swap3A_642] {strides = array<i32>} : memref<2x4x128xi32, #tpu.memory_space<vmem>>, vector<1x1x16xi32>,
        %swap3A_644 = vector.shape_cast %swap3A_643 : vector<1x1x16xi32> to vector<16xi32>
        %swap3A_645 = vector.shape_cast %select_n3A_637 : vector<16xi32> to vector<1x1x16xi32>
        tpu.vector_store %arg9[%swap3A_640, %swap3A_641, %swap3A_642], %swap3A_645 {strides = array<i32>} : memref<2x4x128xi32, #tpu.memory_space<vmem>>, vector<1x1x16xi32>,
        %get3A_646 = arith.constant 0 : i32
        %get3A_647 = arith.constant 2 : i32
        %get3A_648 = arith.index_cast %get3A_646 : i32 to index
        %get3A_649 = arith.index_cast %get3A_647 : i32 to index
        %get3A_650 = arith.constant 64 : index
        %get3A_651 = tpu.vector_load %arg9[%get3A_648, %get3A_649, %get3A_650] {strides = array<i32>} : memref<2x4x128xi32, #tpu.memory_space<vmem>>, vector<1x1x16xi32>,
        %get3A_652 = vector.shape_cast %get3A_651 : vector<1x1x16xi32> to vector<16xi32>
        %sub3A_653 = vector.broadcast %mul3A_2 : i32 to vector<16xi32>
        %sub3A_654 = arith.subi %get3A_652, %sub3A_653 : vector<16xi32>
        %ge3A_655 = arith.constant 0 : i32
        %ge3A_656 = vector.broadcast %ge3A_655 : i32 to vector<16xi32>
        %ge3A_657 = arith.cmpi sge, %sub3A_654, %ge3A_656 : vector<16xi32>
        %lt3A_658 = arith.constant 25000 : i32
        %lt3A_659 = vector.broadcast %lt3A_658 : i32 to vector<16xi32>
        %lt3A_660 = arith.cmpi slt, %sub3A_654, %lt3A_659 : vector<16xi32>
        %and3A_661 = arith.andi %ge3A_657, %lt3A_660 : vector<16xi1>
        %broadcast_in_dim3A_662 = vector.broadcast %add3A_4 : i32 to vector<16xi32>
        %select_n3A_663 = arith.select %and3A_661, %sub3A_654, %broadcast_in_dim3A_662 : vector<16xi1>, vector<16xi32>
        %swap3A_664 = arith.constant 0 : i32
        %swap3A_665 = arith.constant 2 : i32
        %swap3A_666 = arith.index_cast %swap3A_664 : i32 to index
        %swap3A_667 = arith.index_cast %swap3A_665 : i32 to index
        %swap3A_668 = arith.constant 64 : index
        %swap3A_669 = tpu.vector_load %arg9[%swap3A_666, %swap3A_667, %swap3A_668] {strides = array<i32>} : memref<2x4x128xi32, #tpu.memory_space<vmem>>, vector<1x1x16xi32>,
        %swap3A_670 = vector.shape_cast %swap3A_669 : vector<1x1x16xi32> to vector<16xi32>
        %swap3A_671 = vector.shape_cast %select_n3A_663 : vector<16xi32> to vector<1x1x16xi32>
        tpu.vector_store %arg9[%swap3A_666, %swap3A_667, %swap3A_668], %swap3A_671 {strides = array<i32>} : memref<2x4x128xi32, #tpu.memory_space<vmem>>, vector<1x1x16xi32>,
        %get3A_672 = arith.constant 0 : i32
        %get3A_673 = arith.constant 2 : i32
        %get3A_674 = arith.index_cast %get3A_672 : i32 to index
        %get3A_675 = arith.index_cast %get3A_673 : i32 to index
        %get3A_676 = arith.constant 80 : index
        %get3A_677 = tpu.vector_load %arg9[%get3A_674, %get3A_675, %get3A_676] {strides = array<i32>} : memref<2x4x128xi32, #tpu.memory_space<vmem>>, vector<1x1x16xi32>,
        %get3A_678 = vector.shape_cast %get3A_677 : vector<1x1x16xi32> to vector<16xi32>
        %sub3A_679 = vector.broadcast %mul3A_2 : i32 to vector<16xi32>
        %sub3A_680 = arith.subi %get3A_678, %sub3A_679 : vector<16xi32>
        %ge3A_681 = arith.constant 0 : i32
        %ge3A_682 = vector.broadcast %ge3A_681 : i32 to vector<16xi32>
        %ge3A_683 = arith.cmpi sge, %sub3A_680, %ge3A_682 : vector<16xi32>
        %lt3A_684 = arith.constant 25000 : i32
        %lt3A_685 = vector.broadcast %lt3A_684 : i32 to vector<16xi32>
        %lt3A_686 = arith.cmpi slt, %sub3A_680, %lt3A_685 : vector<16xi32>
        %and3A_687 = arith.andi %ge3A_683, %lt3A_686 : vector<16xi1>
        %broadcast_in_dim3A_688 = vector.broadcast %add3A_4 : i32 to vector<16xi32>
        %select_n3A_689 = arith.select %and3A_687, %sub3A_680, %broadcast_in_dim3A_688 : vector<16xi1>, vector<16xi32>
        %swap3A_690 = arith.constant 0 : i32
        %swap3A_691 = arith.constant 2 : i32
        %swap3A_692 = arith.index_cast %swap3A_690 : i32 to index
        %swap3A_693 = arith.index_cast %swap3A_691 : i32 to index
        %swap3A_694 = arith.constant 80 : index
        %swap3A_695 = tpu.vector_load %arg9[%swap3A_692, %swap3A_693, %swap3A_694] {strides = array<i32>} : memref<2x4x128xi32, #tpu.memory_space<vmem>>, vector<1x1x16xi32>,
        %swap3A_696 = vector.shape_cast %swap3A_695 : vector<1x1x16xi32> to vector<16xi32>
        %swap3A_697 = vector.shape_cast %select_n3A_689 : vector<16xi32> to vector<1x1x16xi32>
        tpu.vector_store %arg9[%swap3A_692, %swap3A_693, %swap3A_694], %swap3A_697 {strides = array<i32>} : memref<2x4x128xi32, #tpu.memory_space<vmem>>, vector<1x1x16xi32>,
        %get3A_698 = arith.constant 0 : i32
        %get3A_699 = arith.constant 2 : i32
        %get3A_700 = arith.index_cast %get3A_698 : i32 to index
        %get3A_701 = arith.index_cast %get3A_699 : i32 to index
        %get3A_702 = arith.constant 96 : index
        %get3A_703 = tpu.vector_load %arg9[%get3A_700, %get3A_701, %get3A_702] {strides = array<i32>} : memref<2x4x128xi32, #tpu.memory_space<vmem>>, vector<1x1x16xi32>,
        %get3A_704 = vector.shape_cast %get3A_703 : vector<1x1x16xi32> to vector<16xi32>
        %sub3A_705 = vector.broadcast %mul3A_2 : i32 to vector<16xi32>
        %sub3A_706 = arith.subi %get3A_704, %sub3A_705 : vector<16xi32>
        %ge3A_707 = arith.constant 0 : i32
        %ge3A_708 = vector.broadcast %ge3A_707 : i32 to vector<16xi32>
        %ge3A_709 = arith.cmpi sge, %sub3A_706, %ge3A_708 : vector<16xi32>
        %lt3A_710 = arith.constant 25000 : i32
        %lt3A_711 = vector.broadcast %lt3A_710 : i32 to vector<16xi32>
        %lt3A_712 = arith.cmpi slt, %sub3A_706, %lt3A_711 : vector<16xi32>
        %and3A_713 = arith.andi %ge3A_709, %lt3A_712 : vector<16xi1>
        %broadcast_in_dim3A_714 = vector.broadcast %add3A_4 : i32 to vector<16xi32>
        %select_n3A_715 = arith.select %and3A_713, %sub3A_706, %broadcast_in_dim3A_714 : vector<16xi1>, vector<16xi32>
        %swap3A_716 = arith.constant 0 : i32
        %swap3A_717 = arith.constant 2 : i32
        %swap3A_718 = arith.index_cast %swap3A_716 : i32 to index
        %swap3A_719 = arith.index_cast %swap3A_717 : i32 to index
        %swap3A_720 = arith.constant 96 : index
        %swap3A_721 = tpu.vector_load %arg9[%swap3A_718, %swap3A_719, %swap3A_720] {strides = array<i32>} : memref<2x4x128xi32, #tpu.memory_space<vmem>>, vector<1x1x16xi32>,
        %swap3A_722 = vector.shape_cast %swap3A_721 : vector<1x1x16xi32> to vector<16xi32>
        %swap3A_723 = vector.shape_cast %select_n3A_715 : vector<16xi32> to vector<1x1x16xi32>
        tpu.vector_store %arg9[%swap3A_718, %swap3A_719, %swap3A_720], %swap3A_723 {strides = array<i32>} : memref<2x4x128xi32, #tpu.memory_space<vmem>>, vector<1x1x16xi32>,
        %get3A_724 = arith.constant 0 : i32
        %get3A_725 = arith.constant 2 : i32
        %get3A_726 = arith.index_cast %get3A_724 : i32 to index
        %get3A_727 = arith.index_cast %get3A_725 : i32 to index
        %get3A_728 = arith.constant 112 : index
        %get3A_729 = tpu.vector_load %arg9[%get3A_726, %get3A_727, %get3A_728] {strides = array<i32>} : memref<2x4x128xi32, #tpu.memory_space<vmem>>, vector<1x1x16xi32>,
        %get3A_730 = vector.shape_cast %get3A_729 : vector<1x1x16xi32> to vector<16xi32>
        %sub3A_731 = vector.broadcast %mul3A_2 : i32 to vector<16xi32>
        %sub3A_732 = arith.subi %get3A_730, %sub3A_731 : vector<16xi32>
        %ge3A_733 = arith.constant 0 : i32
        %ge3A_734 = vector.broadcast %ge3A_733 : i32 to vector<16xi32>
        %ge3A_735 = arith.cmpi sge, %sub3A_732, %ge3A_734 : vector<16xi32>
        %lt3A_736 = arith.constant 25000 : i32
        %lt3A_737 = vector.broadcast %lt3A_736 : i32 to vector<16xi32>
        %lt3A_738 = arith.cmpi slt, %sub3A_732, %lt3A_737 : vector<16xi32>
        %and3A_739 = arith.andi %ge3A_735, %lt3A_738 : vector<16xi1>
        %broadcast_in_dim3A_740 = vector.broadcast %add3A_4 : i32 to vector<16xi32>
        %select_n3A_741 = arith.select %and3A_739, %sub3A_732, %broadcast_in_dim3A_740 : vector<16xi1>, vector<16xi32>
        %swap3A_742 = arith.constant 0 : i32
        %swap3A_743 = arith.constant 2 : i32
        %swap3A_744 = arith.index_cast %swap3A_742 : i32 to index
        %swap3A_745 = arith.index_cast %swap3A_743 : i32 to index
        %swap3A_746 = arith.constant 112 : index
        %swap3A_747 = tpu.vector_load %arg9[%swap3A_744, %swap3A_745, %swap3A_746] {strides = array<i32>} : memref<2x4x128xi32, #tpu.memory_space<vmem>>, vector<1x1x16xi32>,
        %swap3A_748 = vector.shape_cast %swap3A_747 : vector<1x1x16xi32> to vector<16xi32>
        %swap3A_749 = vector.shape_cast %select_n3A_741 : vector<16xi32> to vector<1x1x16xi32>
        tpu.vector_store %arg9[%swap3A_744, %swap3A_745, %swap3A_746], %swap3A_749 {strides = array<i32>} : memref<2x4x128xi32, #tpu.memory_space<vmem>>, vector<1x1x16xi32>,
        %get3A_750 = arith.constant 0 : i32
        %get3A_751 = arith.constant 3 : i32
        %get3A_752 = arith.index_cast %get3A_750 : i32 to index
        %get3A_753 = arith.index_cast %get3A_751 : i32 to index
        %get3A_754 = arith.constant 0 : index
        %get3A_755 = tpu.vector_load %arg9[%get3A_752, %get3A_753, %get3A_754] {strides = array<i32>} : memref<2x4x128xi32, #tpu.memory_space<vmem>>, vector<1x1x16xi32>,
        %get3A_756 = vector.shape_cast %get3A_755 : vector<1x1x16xi32> to vector<16xi32>
        %sub3A_757 = vector.broadcast %mul3A_2 : i32 to vector<16xi32>
        %sub3A_758 = arith.subi %get3A_756, %sub3A_757 : vector<16xi32>
        %ge3A_759 = arith.constant 0 : i32
        %ge3A_760 = vector.broadcast %ge3A_759 : i32 to vector<16xi32>
        %ge3A_761 = arith.cmpi sge, %sub3A_758, %ge3A_760 : vector<16xi32>
        %lt3A_762 = arith.constant 25000 : i32
        %lt3A_763 = vector.broadcast %lt3A_762 : i32 to vector<16xi32>
        %lt3A_764 = arith.cmpi slt, %sub3A_758, %lt3A_763 : vector<16xi32>
        %and3A_765 = arith.andi %ge3A_761, %lt3A_764 : vector<16xi1>
        %broadcast_in_dim3A_766 = vector.broadcast %add3A_4 : i32 to vector<16xi32>
        %select_n3A_767 = arith.select %and3A_765, %sub3A_758, %broadcast_in_dim3A_766 : vector<16xi1>, vector<16xi32>
        %swap3A_768 = arith.constant 0 : i32
        %swap3A_769 = arith.constant 3 : i32
        %swap3A_770 = arith.index_cast %swap3A_768 : i32 to index
        %swap3A_771 = arith.index_cast %swap3A_769 : i32 to index
        %swap3A_772 = arith.constant 0 : index
        %swap3A_773 = tpu.vector_load %arg9[%swap3A_770, %swap3A_771, %swap3A_772] {strides = array<i32>} : memref<2x4x128xi32, #tpu.memory_space<vmem>>, vector<1x1x16xi32>,
        %swap3A_774 = vector.shape_cast %swap3A_773 : vector<1x1x16xi32> to vector<16xi32>
        %swap3A_775 = vector.shape_cast %select_n3A_767 : vector<16xi32> to vector<1x1x16xi32>
        tpu.vector_store %arg9[%swap3A_770, %swap3A_771, %swap3A_772], %swap3A_775 {strides = array<i32>} : memref<2x4x128xi32, #tpu.memory_space<vmem>>, vector<1x1x16xi32>,
        %get3A_776 = arith.constant 0 : i32
        %get3A_777 = arith.constant 3 : i32
        %get3A_778 = arith.index_cast %get3A_776 : i32 to index
        %get3A_779 = arith.index_cast %get3A_777 : i32 to index
        %get3A_780 = arith.constant 16 : index
        %get3A_781 = tpu.vector_load %arg9[%get3A_778, %get3A_779, %get3A_780] {strides = array<i32>} : memref<2x4x128xi32, #tpu.memory_space<vmem>>, vector<1x1x16xi32>,
        %get3A_782 = vector.shape_cast %get3A_781 : vector<1x1x16xi32> to vector<16xi32>
        %sub3A_783 = vector.broadcast %mul3A_2 : i32 to vector<16xi32>
        %sub3A_784 = arith.subi %get3A_782, %sub3A_783 : vector<16xi32>
        %ge3A_785 = arith.constant 0 : i32
        %ge3A_786 = vector.broadcast %ge3A_785 : i32 to vector<16xi32>
        %ge3A_787 = arith.cmpi sge, %sub3A_784, %ge3A_786 : vector<16xi32>
        %lt3A_788 = arith.constant 25000 : i32
        %lt3A_789 = vector.broadcast %lt3A_788 : i32 to vector<16xi32>
        %lt3A_790 = arith.cmpi slt, %sub3A_784, %lt3A_789 : vector<16xi32>
        %and3A_791 = arith.andi %ge3A_787, %lt3A_790 : vector<16xi1>
        %broadcast_in_dim3A_792 = vector.broadcast %add3A_4 : i32 to vector<16xi32>
        %select_n3A_793 = arith.select %and3A_791, %sub3A_784, %broadcast_in_dim3A_792 : vector<16xi1>, vector<16xi32>
        %swap3A_794 = arith.constant 0 : i32
        %swap3A_795 = arith.constant 3 : i32
        %swap3A_796 = arith.index_cast %swap3A_794 : i32 to index
        %swap3A_797 = arith.index_cast %swap3A_795 : i32 to index
        %swap3A_798 = arith.constant 16 : index
        %swap3A_799 = tpu.vector_load %arg9[%swap3A_796, %swap3A_797, %swap3A_798] {strides = array<i32>} : memref<2x4x128xi32, #tpu.memory_space<vmem>>, vector<1x1x16xi32>,
        %swap3A_800 = vector.shape_cast %swap3A_799 : vector<1x1x16xi32> to vector<16xi32>
        %swap3A_801 = vector.shape_cast %select_n3A_793 : vector<16xi32> to vector<1x1x16xi32>
        tpu.vector_store %arg9[%swap3A_796, %swap3A_797, %swap3A_798], %swap3A_801 {strides = array<i32>} : memref<2x4x128xi32, #tpu.memory_space<vmem>>, vector<1x1x16xi32>,
        %get3A_802 = arith.constant 0 : i32
        %get3A_803 = arith.constant 3 : i32
        %get3A_804 = arith.index_cast %get3A_802 : i32 to index
        %get3A_805 = arith.index_cast %get3A_803 : i32 to index
        %get3A_806 = arith.constant 32 : index
        %get3A_807 = tpu.vector_load %arg9[%get3A_804, %get3A_805, %get3A_806] {strides = array<i32>} : memref<2x4x128xi32, #tpu.memory_space<vmem>>, vector<1x1x16xi32>,
        %get3A_808 = vector.shape_cast %get3A_807 : vector<1x1x16xi32> to vector<16xi32>
        %sub3A_809 = vector.broadcast %mul3A_2 : i32 to vector<16xi32>
        %sub3A_810 = arith.subi %get3A_808, %sub3A_809 : vector<16xi32>
        %ge3A_811 = arith.constant 0 : i32
        %ge3A_812 = vector.broadcast %ge3A_811 : i32 to vector<16xi32>
        %ge3A_813 = arith.cmpi sge, %sub3A_810, %ge3A_812 : vector<16xi32>
        %lt3A_814 = arith.constant 25000 : i32
        %lt3A_815 = vector.broadcast %lt3A_814 : i32 to vector<16xi32>
        %lt3A_816 = arith.cmpi slt, %sub3A_810, %lt3A_815 : vector<16xi32>
        %and3A_817 = arith.andi %ge3A_813, %lt3A_816 : vector<16xi1>
        %broadcast_in_dim3A_818 = vector.broadcast %add3A_4 : i32 to vector<16xi32>
        %select_n3A_819 = arith.select %and3A_817, %sub3A_810, %broadcast_in_dim3A_818 : vector<16xi1>, vector<16xi32>
        %swap3A_820 = arith.constant 0 : i32
        %swap3A_821 = arith.constant 3 : i32
        %swap3A_822 = arith.index_cast %swap3A_820 : i32 to index
        %swap3A_823 = arith.index_cast %swap3A_821 : i32 to index
        %swap3A_824 = arith.constant 32 : index
        %swap3A_825 = tpu.vector_load %arg9[%swap3A_822, %swap3A_823, %swap3A_824] {strides = array<i32>} : memref<2x4x128xi32, #tpu.memory_space<vmem>>, vector<1x1x16xi32>,
        %swap3A_826 = vector.shape_cast %swap3A_825 : vector<1x1x16xi32> to vector<16xi32>
        %swap3A_827 = vector.shape_cast %select_n3A_819 : vector<16xi32> to vector<1x1x16xi32>
        tpu.vector_store %arg9[%swap3A_822, %swap3A_823, %swap3A_824], %swap3A_827 {strides = array<i32>} : memref<2x4x128xi32, #tpu.memory_space<vmem>>, vector<1x1x16xi32>,
        %get3A_828 = arith.constant 0 : i32
        %get3A_829 = arith.constant 3 : i32
        %get3A_830 = arith.index_cast %get3A_828 : i32 to index
        %get3A_831 = arith.index_cast %get3A_829 : i32 to index
        %get3A_832 = arith.constant 48 : index
        %get3A_833 = tpu.vector_load %arg9[%get3A_830, %get3A_831, %get3A_832] {strides = array<i32>} : memref<2x4x128xi32, #tpu.memory_space<vmem>>, vector<1x1x16xi32>,
        %get3A_834 = vector.shape_cast %get3A_833 : vector<1x1x16xi32> to vector<16xi32>
        %sub3A_835 = vector.broadcast %mul3A_2 : i32 to vector<16xi32>
        %sub3A_836 = arith.subi %get3A_834, %sub3A_835 : vector<16xi32>
        %ge3A_837 = arith.constant 0 : i32
        %ge3A_838 = vector.broadcast %ge3A_837 : i32 to vector<16xi32>
        %ge3A_839 = arith.cmpi sge, %sub3A_836, %ge3A_838 : vector<16xi32>
        %lt3A_840 = arith.constant 25000 : i32
        %lt3A_841 = vector.broadcast %lt3A_840 : i32 to vector<16xi32>
        %lt3A_842 = arith.cmpi slt, %sub3A_836, %lt3A_841 : vector<16xi32>
        %and3A_843 = arith.andi %ge3A_839, %lt3A_842 : vector<16xi1>
        %broadcast_in_dim3A_844 = vector.broadcast %add3A_4 : i32 to vector<16xi32>
        %select_n3A_845 = arith.select %and3A_843, %sub3A_836, %broadcast_in_dim3A_844 : vector<16xi1>, vector<16xi32>
        %swap3A_846 = arith.constant 0 : i32
        %swap3A_847 = arith.constant 3 : i32
        %swap3A_848 = arith.index_cast %swap3A_846 : i32 to index
        %swap3A_849 = arith.index_cast %swap3A_847 : i32 to index
        %swap3A_850 = arith.constant 48 : index
        %swap3A_851 = tpu.vector_load %arg9[%swap3A_848, %swap3A_849, %swap3A_850] {strides = array<i32>} : memref<2x4x128xi32, #tpu.memory_space<vmem>>, vector<1x1x16xi32>,
        %swap3A_852 = vector.shape_cast %swap3A_851 : vector<1x1x16xi32> to vector<16xi32>
        %swap3A_853 = vector.shape_cast %select_n3A_845 : vector<16xi32> to vector<1x1x16xi32>
        tpu.vector_store %arg9[%swap3A_848, %swap3A_849, %swap3A_850], %swap3A_853 {strides = array<i32>} : memref<2x4x128xi32, #tpu.memory_space<vmem>>, vector<1x1x16xi32>,
        %get3A_854 = arith.constant 0 : i32
        %get3A_855 = arith.constant 3 : i32
        %get3A_856 = arith.index_cast %get3A_854 : i32 to index
        %get3A_857 = arith.index_cast %get3A_855 : i32 to index
        %get3A_858 = arith.constant 64 : index
        %get3A_859 = tpu.vector_load %arg9[%get3A_856, %get3A_857, %get3A_858] {strides = array<i32>} : memref<2x4x128xi32, #tpu.memory_space<vmem>>, vector<1x1x16xi32>,
        %get3A_860 = vector.shape_cast %get3A_859 : vector<1x1x16xi32> to vector<16xi32>
        %sub3A_861 = vector.broadcast %mul3A_2 : i32 to vector<16xi32>
        %sub3A_862 = arith.subi %get3A_860, %sub3A_861 : vector<16xi32>
        %ge3A_863 = arith.constant 0 : i32
        %ge3A_864 = vector.broadcast %ge3A_863 : i32 to vector<16xi32>
        %ge3A_865 = arith.cmpi sge, %sub3A_862, %ge3A_864 : vector<16xi32>
        %lt3A_866 = arith.constant 25000 : i32
        %lt3A_867 = vector.broadcast %lt3A_866 : i32 to vector<16xi32>
        %lt3A_868 = arith.cmpi slt, %sub3A_862, %lt3A_867 : vector<16xi32>
        %and3A_869 = arith.andi %ge3A_865, %lt3A_868 : vector<16xi1>
        %broadcast_in_dim3A_870 = vector.broadcast %add3A_4 : i32 to vector<16xi32>
        %select_n3A_871 = arith.select %and3A_869, %sub3A_862, %broadcast_in_dim3A_870 : vector<16xi1>, vector<16xi32>
        %swap3A_872 = arith.constant 0 : i32
        %swap3A_873 = arith.constant 3 : i32
        %swap3A_874 = arith.index_cast %swap3A_872 : i32 to index
        %swap3A_875 = arith.index_cast %swap3A_873 : i32 to index
        %swap3A_876 = arith.constant 64 : index
        %swap3A_877 = tpu.vector_load %arg9[%swap3A_874, %swap3A_875, %swap3A_876] {strides = array<i32>} : memref<2x4x128xi32, #tpu.memory_space<vmem>>, vector<1x1x16xi32>,
        %swap3A_878 = vector.shape_cast %swap3A_877 : vector<1x1x16xi32> to vector<16xi32>
        %swap3A_879 = vector.shape_cast %select_n3A_871 : vector<16xi32> to vector<1x1x16xi32>
        tpu.vector_store %arg9[%swap3A_874, %swap3A_875, %swap3A_876], %swap3A_879 {strides = array<i32>} : memref<2x4x128xi32, #tpu.memory_space<vmem>>, vector<1x1x16xi32>,
        %get3A_880 = arith.constant 0 : i32
        %get3A_881 = arith.constant 3 : i32
        %get3A_882 = arith.index_cast %get3A_880 : i32 to index
        %get3A_883 = arith.index_cast %get3A_881 : i32 to index
        %get3A_884 = arith.constant 80 : index
        %get3A_885 = tpu.vector_load %arg9[%get3A_882, %get3A_883, %get3A_884] {strides = array<i32>} : memref<2x4x128xi32, #tpu.memory_space<vmem>>, vector<1x1x16xi32>,
        %get3A_886 = vector.shape_cast %get3A_885 : vector<1x1x16xi32> to vector<16xi32>
        %sub3A_887 = vector.broadcast %mul3A_2 : i32 to vector<16xi32>
        %sub3A_888 = arith.subi %get3A_886, %sub3A_887 : vector<16xi32>
        %ge3A_889 = arith.constant 0 : i32
        %ge3A_890 = vector.broadcast %ge3A_889 : i32 to vector<16xi32>
        %ge3A_891 = arith.cmpi sge, %sub3A_888, %ge3A_890 : vector<16xi32>
        %lt3A_892 = arith.constant 25000 : i32
        %lt3A_893 = vector.broadcast %lt3A_892 : i32 to vector<16xi32>
        %lt3A_894 = arith.cmpi slt, %sub3A_888, %lt3A_893 : vector<16xi32>
        %and3A_895 = arith.andi %ge3A_891, %lt3A_894 : vector<16xi1>
        %broadcast_in_dim3A_896 = vector.broadcast %add3A_4 : i32 to vector<16xi32>
        %select_n3A_897 = arith.select %and3A_895, %sub3A_888, %broadcast_in_dim3A_896 : vector<16xi1>, vector<16xi32>
        %swap3A_898 = arith.constant 0 : i32
        %swap3A_899 = arith.constant 3 : i32
        %swap3A_900 = arith.index_cast %swap3A_898 : i32 to index
        %swap3A_901 = arith.index_cast %swap3A_899 : i32 to index
        %swap3A_902 = arith.constant 80 : index
        %swap3A_903 = tpu.vector_load %arg9[%swap3A_900, %swap3A_901, %swap3A_902] {strides = array<i32>} : memref<2x4x128xi32, #tpu.memory_space<vmem>>, vector<1x1x16xi32>,
        %swap3A_904 = vector.shape_cast %swap3A_903 : vector<1x1x16xi32> to vector<16xi32>
        %swap3A_905 = vector.shape_cast %select_n3A_897 : vector<16xi32> to vector<1x1x16xi32>
        tpu.vector_store %arg9[%swap3A_900, %swap3A_901, %swap3A_902], %swap3A_905 {strides = array<i32>} : memref<2x4x128xi32, #tpu.memory_space<vmem>>, vector<1x1x16xi32>,
        %get3A_906 = arith.constant 0 : i32
        %get3A_907 = arith.constant 3 : i32
        %get3A_908 = arith.index_cast %get3A_906 : i32 to index
        %get3A_909 = arith.index_cast %get3A_907 : i32 to index
        %get3A_910 = arith.constant 96 : index
        %get3A_911 = tpu.vector_load %arg9[%get3A_908, %get3A_909, %get3A_910] {strides = array<i32>} : memref<2x4x128xi32, #tpu.memory_space<vmem>>, vector<1x1x16xi32>,
        %get3A_912 = vector.shape_cast %get3A_911 : vector<1x1x16xi32> to vector<16xi32>
        %sub3A_913 = vector.broadcast %mul3A_2 : i32 to vector<16xi32>
        %sub3A_914 = arith.subi %get3A_912, %sub3A_913 : vector<16xi32>
        %ge3A_915 = arith.constant 0 : i32
        %ge3A_916 = vector.broadcast %ge3A_915 : i32 to vector<16xi32>
        %ge3A_917 = arith.cmpi sge, %sub3A_914, %ge3A_916 : vector<16xi32>
        %lt3A_918 = arith.constant 25000 : i32
        %lt3A_919 = vector.broadcast %lt3A_918 : i32 to vector<16xi32>
        %lt3A_920 = arith.cmpi slt, %sub3A_914, %lt3A_919 : vector<16xi32>
        %and3A_921 = arith.andi %ge3A_917, %lt3A_920 : vector<16xi1>
        %broadcast_in_dim3A_922 = vector.broadcast %add3A_4 : i32 to vector<16xi32>
        %select_n3A_923 = arith.select %and3A_921, %sub3A_914, %broadcast_in_dim3A_922 : vector<16xi1>, vector<16xi32>
        %swap3A_924 = arith.constant 0 : i32
        %swap3A_925 = arith.constant 3 : i32
        %swap3A_926 = arith.index_cast %swap3A_924 : i32 to index
        %swap3A_927 = arith.index_cast %swap3A_925 : i32 to index
        %swap3A_928 = arith.constant 96 : index
        %swap3A_929 = tpu.vector_load %arg9[%swap3A_926, %swap3A_927, %swap3A_928] {strides = array<i32>} : memref<2x4x128xi32, #tpu.memory_space<vmem>>, vector<1x1x16xi32>,
        %swap3A_930 = vector.shape_cast %swap3A_929 : vector<1x1x16xi32> to vector<16xi32>
        %swap3A_931 = vector.shape_cast %select_n3A_923 : vector<16xi32> to vector<1x1x16xi32>
        tpu.vector_store %arg9[%swap3A_926, %swap3A_927, %swap3A_928], %swap3A_931 {strides = array<i32>} : memref<2x4x128xi32, #tpu.memory_space<vmem>>, vector<1x1x16xi32>,
        %get3A_932 = arith.constant 0 : i32
        %get3A_933 = arith.constant 3 : i32
        %get3A_934 = arith.index_cast %get3A_932 : i32 to index
        %get3A_935 = arith.index_cast %get3A_933 : i32 to index
        %get3A_936 = arith.constant 112 : index
        %get3A_937 = tpu.vector_load %arg9[%get3A_934, %get3A_935, %get3A_936] {strides = array<i32>} : memref<2x4x128xi32, #tpu.memory_space<vmem>>, vector<1x1x16xi32>,
        %get3A_938 = vector.shape_cast %get3A_937 : vector<1x1x16xi32> to vector<16xi32>
        %sub3A_939 = vector.broadcast %mul3A_2 : i32 to vector<16xi32>
        %sub3A_940 = arith.subi %get3A_938, %sub3A_939 : vector<16xi32>
        %ge3A_941 = arith.constant 0 : i32
        %ge3A_942 = vector.broadcast %ge3A_941 : i32 to vector<16xi32>
        %ge3A_943 = arith.cmpi sge, %sub3A_940, %ge3A_942 : vector<16xi32>
        %lt3A_944 = arith.constant 25000 : i32
        %lt3A_945 = vector.broadcast %lt3A_944 : i32 to vector<16xi32>
        %lt3A_946 = arith.cmpi slt, %sub3A_940, %lt3A_945 : vector<16xi32>
        %and3A_947 = arith.andi %ge3A_943, %lt3A_946 : vector<16xi1>
        %broadcast_in_dim3A_948 = vector.broadcast %add3A_4 : i32 to vector<16xi32>
        %select_n3A_949 = arith.select %and3A_947, %sub3A_940, %broadcast_in_dim3A_948 : vector<16xi1>, vector<16xi32>
        %swap3A_950 = arith.constant 0 : i32
        %swap3A_951 = arith.constant 3 : i32
        %swap3A_952 = arith.index_cast %swap3A_950 : i32 to index
        %swap3A_953 = arith.index_cast %swap3A_951 : i32 to index
        %swap3A_954 = arith.constant 112 : index
        %swap3A_955 = tpu.vector_load %arg9[%swap3A_952, %swap3A_953, %swap3A_954] {strides = array<i32>} : memref<2x4x128xi32, #tpu.memory_space<vmem>>, vector<1x1x16xi32>,
        %swap3A_956 = vector.shape_cast %swap3A_955 : vector<1x1x16xi32> to vector<16xi32>
        %swap3A_957 = vector.shape_cast %select_n3A_949 : vector<16xi32> to vector<1x1x16xi32>
        tpu.vector_store %arg9[%swap3A_952, %swap3A_953, %swap3A_954], %swap3A_957 {strides = array<i32>} : memref<2x4x128xi32, #tpu.memory_space<vmem>>, vector<1x1x16xi32>,
        %dma_start3A = arith.constant 0 : i32
        %dma_start3A_958 = arith.constant 0 : i32
        %dma_start3A_959 = arith.constant 0 : i32
        %dma_start3A_960 = arith.constant 0 : i32
        %dma_start3A_961 = arith.constant 0 : i32
        %dma_start3A_962 = tpu.memref_slice %arg8[%dma_start3A, %dma_start3A_960, %dma_start3A_961] : memref<2x512x48xf32, #tpu.memory_space<vmem>> -> memref<1x128x48xf32, #tpu.memory_space<vmem>>
        %dma_start3A_963 = tpu.memref_squeeze %dma_start3A_962 : memref<1x128x48xf32, #tpu.memory_space<vmem>> -> memref<128x48xf32, #tpu.memory_space<vmem>>
        %dma_start3A_964 = arith.constant 0 : i32
        %dma_start3A_965 = tpu.memref_slice %arg9[%dma_start3A_958, %dma_start3A_959, %dma_start3A_964] : memref<2x4x128xi32, #tpu.memory_space<vmem>> -> memref<1x1x128xi32, #tpu.memory_space<vmem>>
        %dma_start3A_966 = tpu.memref_squeeze %dma_start3A_965 : memref<1x1x128xi32, #tpu.memory_space<vmem>> -> memref<128xi32, #tpu.memory_space<vmem>>
        %dma_start3A_967 = arith.constant 0 : i32
        %dma_start3A_968 = arith.constant 0 : i32
        %dma_start3A_969 = tpu.memref_slice %arg7[%dma_start3A_967, %dma_start3A_968] : memref<25088x48xf32, #tpu.memory_space<vmem_shared>> -> memref<25088x48xf32, #tpu.memory_space<vmem_shared>>
        tpu.enqueue_indirect_dma source(%dma_start3A_963 : memref<128x48xf32, #tpu.memory_space<vmem>>) target(%dma_start3A_969 : memref<25088x48xf32, #tpu.memory_space<vmem_shared>>) offsets(%dma_start3A_966 : memref<128xi32, #tpu.memory_space<vmem>>) semaphore(%arg12 : memref<!tpu.dma_semaphore, #tpu.memory_space<semaphore_mem>>) {add = true}
        %dma_start3A_970 = arith.constant 0 : i32
        %dma_start3A_971 = arith.constant 0 : i32
        %dma_start3A_972 = arith.constant 1 : i32
        %dma_start3A_973 = arith.constant 128 : i32
        %dma_start3A_974 = arith.constant 0 : i32
        %dma_start3A_975 = tpu.memref_slice %arg8[%dma_start3A_970, %dma_start3A_973, %dma_start3A_974] : memref<2x512x48xf32, #tpu.memory_space<vmem>> -> memref<1x128x48xf32, #tpu.memory_space<vmem>>
        %dma_start3A_976 = tpu.memref_squeeze %dma_start3A_975 : memref<1x128x48xf32, #tpu.memory_space<vmem>> -> memref<128x48xf32, #tpu.memory_space<vmem>>
        %dma_start3A_977 = arith.constant 0 : i32
        %dma_start3A_978 = tpu.memref_slice %arg9[%dma_start3A_971, %dma_start3A_972, %dma_start3A_977] : memref<2x4x128xi32, #tpu.memory_space<vmem>> -> memref<1x1x128xi32, #tpu.memory_space<vmem>>
        %dma_start3A_979 = tpu.memref_squeeze %dma_start3A_978 : memref<1x1x128xi32, #tpu.memory_space<vmem>> -> memref<128xi32, #tpu.memory_space<vmem>>
        %dma_start3A_980 = arith.constant 0 : i32
        %dma_start3A_981 = arith.constant 0 : i32
        %dma_start3A_982 = tpu.memref_slice %arg7[%dma_start3A_980, %dma_start3A_981] : memref<25088x48xf32, #tpu.memory_space<vmem_shared>> -> memref<25088x48xf32, #tpu.memory_space<vmem_shared>>
        tpu.enqueue_indirect_dma source(%dma_start3A_976 : memref<128x48xf32, #tpu.memory_space<vmem>>) target(%dma_start3A_982 : memref<25088x48xf32, #tpu.memory_space<vmem_shared>>) offsets(%dma_start3A_979 : memref<128xi32, #tpu.memory_space<vmem>>) semaphore(%arg12 : memref<!tpu.dma_semaphore, #tpu.memory_space<semaphore_mem>>) {add = true}
        %dma_start3A_983 = arith.constant 0 : i32
        %dma_start3A_984 = arith.constant 0 : i32
        %dma_start3A_985 = arith.constant 2 : i32
        %dma_start3A_986 = arith.constant 256 : i32
        %dma_start3A_987 = arith.constant 0 : i32
        %dma_start3A_988 = tpu.memref_slice %arg8[%dma_start3A_983, %dma_start3A_986, %dma_start3A_987] : memref<2x512x48xf32, #tpu.memory_space<vmem>> -> memref<1x128x48xf32, #tpu.memory_space<vmem>>
        %dma_start3A_989 = tpu.memref_squeeze %dma_start3A_988 : memref<1x128x48xf32, #tpu.memory_space<vmem>> -> memref<128x48xf32, #tpu.memory_space<vmem>>
        %dma_start3A_990 = arith.constant 0 : i32
        %dma_start3A_991 = tpu.memref_slice %arg9[%dma_start3A_984, %dma_start3A_985, %dma_start3A_990] : memref<2x4x128xi32, #tpu.memory_space<vmem>> -> memref<1x1x128xi32, #tpu.memory_space<vmem>>
        %dma_start3A_992 = tpu.memref_squeeze %dma_start3A_991 : memref<1x1x128xi32, #tpu.memory_space<vmem>> -> memref<128xi32, #tpu.memory_space<vmem>>
        %dma_start3A_993 = arith.constant 0 : i32
        %dma_start3A_994 = arith.constant 0 : i32
        %dma_start3A_995 = tpu.memref_slice %arg7[%dma_start3A_993, %dma_start3A_994] : memref<25088x48xf32, #tpu.memory_space<vmem_shared>> -> memref<25088x48xf32, #tpu.memory_space<vmem_shared>>
        tpu.enqueue_indirect_dma source(%dma_start3A_989 : memref<128x48xf32, #tpu.memory_space<vmem>>) target(%dma_start3A_995 : memref<25088x48xf32, #tpu.memory_space<vmem_shared>>) offsets(%dma_start3A_992 : memref<128xi32, #tpu.memory_space<vmem>>) semaphore(%arg12 : memref<!tpu.dma_semaphore, #tpu.memory_space<semaphore_mem>>) {add = true}
        %dma_start3A_996 = arith.constant 0 : i32
        %dma_start3A_997 = arith.constant 0 : i32
        %dma_start3A_998 = arith.constant 3 : i32
        %dma_start3A_999 = arith.constant 384 : i32
        %dma_start3A_1000 = arith.constant 0 : i32
        %dma_start3A_1001 = tpu.memref_slice %arg8[%dma_start3A_996, %dma_start3A_999, %dma_start3A_1000] : memref<2x512x48xf32, #tpu.memory_space<vmem>> -> memref<1x128x48xf32, #tpu.memory_space<vmem>>
        %dma_start3A_1002 = tpu.memref_squeeze %dma_start3A_1001 : memref<1x128x48xf32, #tpu.memory_space<vmem>> -> memref<128x48xf32, #tpu.memory_space<vmem>>
        %dma_start3A_1003 = arith.constant 0 : i32
        %dma_start3A_1004 = tpu.memref_slice %arg9[%dma_start3A_997, %dma_start3A_998, %dma_start3A_1003] : memref<2x4x128xi32, #tpu.memory_space<vmem>> -> memref<1x1x128xi32, #tpu.memory_space<vmem>>
        %dma_start3A_1005 = tpu.memref_squeeze %dma_start3A_1004 : memref<1x1x128xi32, #tpu.memory_space<vmem>> -> memref<128xi32, #tpu.memory_space<vmem>>
        %dma_start3A_1006 = arith.constant 0 : i32
        %dma_start3A_1007 = arith.constant 0 : i32
        %dma_start3A_1008 = tpu.memref_slice %arg7[%dma_start3A_1006, %dma_start3A_1007] : memref<25088x48xf32, #tpu.memory_space<vmem_shared>> -> memref<25088x48xf32, #tpu.memory_space<vmem_shared>>
        tpu.enqueue_indirect_dma source(%dma_start3A_1002 : memref<128x48xf32, #tpu.memory_space<vmem>>) target(%dma_start3A_1008 : memref<25088x48xf32, #tpu.memory_space<vmem_shared>>) offsets(%dma_start3A_1005 : memref<128xi32, #tpu.memory_space<vmem>>) semaphore(%arg12 : memref<!tpu.dma_semaphore, #tpu.memory_space<semaphore_mem>>) {add = true}
      } else {
      }
      %mul3A_72 = arith.constant 2 : i32
      %mul3A_73 = arith.muli %mul3A_72, %scan3A_43 : i32
      %add3A_74 = arith.constant 1 : i32
      %add3A_75 = arith.addi %mul3A_73, %add3A_74 : i32
      %mul3A_76 = arith.constant 16 : i32
      %mul3A_77 = arith.muli %mul3A_76, %add3A_75 : i32
      %add3A_78 = arith.addi %arg1, %mul3A_77 : i32
      %sub3A_79 = arith.constant 16 : i32
      %sub3A_80 = arith.subi %add3A_78, %sub3A_79 : i32
      %ge3A_81 = arith.constant 0 : i32
      %ge3A_82 = arith.cmpi sge, %sub3A_80, %ge3A_81 : i32
      %lt3A_83 = arith.constant 3125 : i32
      %lt3A_84 = arith.cmpi slt, %sub3A_80, %lt3A_83 : i32
      %and3A_85 = arith.andi %ge3A_82, %lt3A_84 : i1
      %convert_element_type3A_86 = arith.extui %and3A_85 : i1 to i32
      %cond3A_87 = arith.constant 0 : i32
      %cond3A_88 = arith.cmpi ne, %convert_element_type3A_86, %cond3A_87 : i32
      scf.if %cond3A_88 {
        %dma_wait3A = arith.constant 0 : i32
        %dma_wait3A_101 = arith.constant 0 : i32
        %dma_wait3A_102 = arith.constant 0 : i32
        %dma_wait3A_103 = arith.constant 0 : i32
        %dma_wait3A_104 = arith.constant 0 : i32
        %dma_wait3A_105 = tpu.memref_slice %arg8[%dma_wait3A, %dma_wait3A_103, %dma_wait3A_104] : memref<2x512x48xf32, #tpu.memory_space<vmem>> -> memref<1x128x48xf32, #tpu.memory_space<vmem>>
        %dma_wait3A_106 = tpu.memref_squeeze %dma_wait3A_105 : memref<1x128x48xf32, #tpu.memory_space<vmem>> -> memref<128x48xf32, #tpu.memory_space<vmem>>
        %dma_wait3A_107 = arith.constant 0 : i32
        %dma_wait3A_108 = tpu.memref_slice %arg9[%dma_wait3A_101, %dma_wait3A_102, %dma_wait3A_107] : memref<2x4x128xi32, #tpu.memory_space<vmem>> -> memref<1x1x128xi32, #tpu.memory_space<vmem>>
        %dma_wait3A_109 = tpu.memref_squeeze %dma_wait3A_108 : memref<1x1x128xi32, #tpu.memory_space<vmem>> -> memref<128xi32, #tpu.memory_space<vmem>>
        %dma_wait3A_110 = arith.constant 0 : i32
        %dma_wait3A_111 = arith.constant 0 : i32
        %dma_wait3A_112 = tpu.memref_slice %arg7[%dma_wait3A_110, %dma_wait3A_111] : memref<25088x48xf32, #tpu.memory_space<vmem_shared>> -> memref<25088x48xf32, #tpu.memory_space<vmem_shared>>
        tpu.wait_indirect_dma semaphore(%arg12 : memref<!tpu.dma_semaphore, #tpu.memory_space<semaphore_mem>>) src(%dma_wait3A_106 : memref<128x48xf32, #tpu.memory_space<vmem>>) dst(%dma_wait3A_112 : memref<25088x48xf32, #tpu.memory_space<vmem_shared>>)
        %dma_wait3A_113 = arith.constant 0 : i32
        %dma_wait3A_114 = arith.constant 0 : i32
        %dma_wait3A_115 = arith.constant 1 : i32
        %dma_wait3A_116 = arith.constant 128 : i32
        %dma_wait3A_117 = arith.constant 0 : i32
        %dma_wait3A_118 = tpu.memref_slice %arg8[%dma_wait3A_113, %dma_wait3A_116, %dma_wait3A_117] : memref<2x512x48xf32, #tpu.memory_space<vmem>> -> memref<1x128x48xf32, #tpu.memory_space<vmem>>
        %dma_wait3A_119 = tpu.memref_squeeze %dma_wait3A_118 : memref<1x128x48xf32, #tpu.memory_space<vmem>> -> memref<128x48xf32, #tpu.memory_space<vmem>>
        %dma_wait3A_120 = arith.constant 0 : i32
        %dma_wait3A_121 = tpu.memref_slice %arg9[%dma_wait3A_114, %dma_wait3A_115, %dma_wait3A_120] : memref<2x4x128xi32, #tpu.memory_space<vmem>> -> memref<1x1x128xi32, #tpu.memory_space<vmem>>
        %dma_wait3A_122 = tpu.memref_squeeze %dma_wait3A_121 : memref<1x1x128xi32, #tpu.memory_space<vmem>> -> memref<128xi32, #tpu.memory_space<vmem>>
        %dma_wait3A_123 = arith.constant 0 : i32
        %dma_wait3A_124 = arith.constant 0 : i32
        %dma_wait3A_125 = tpu.memref_slice %arg7[%dma_wait3A_123, %dma_wait3A_124] : memref<25088x48xf32, #tpu.memory_space<vmem_shared>> -> memref<25088x48xf32, #tpu.memory_space<vmem_shared>>
        tpu.wait_indirect_dma semaphore(%arg12 : memref<!tpu.dma_semaphore, #tpu.memory_space<semaphore_mem>>) src(%dma_wait3A_119 : memref<128x48xf32, #tpu.memory_space<vmem>>) dst(%dma_wait3A_125 : memref<25088x48xf32, #tpu.memory_space<vmem_shared>>)
        %dma_wait3A_126 = arith.constant 0 : i32
        %dma_wait3A_127 = arith.constant 0 : i32
        %dma_wait3A_128 = arith.constant 2 : i32
        %dma_wait3A_129 = arith.constant 256 : i32
        %dma_wait3A_130 = arith.constant 0 : i32
        %dma_wait3A_131 = tpu.memref_slice %arg8[%dma_wait3A_126, %dma_wait3A_129, %dma_wait3A_130] : memref<2x512x48xf32, #tpu.memory_space<vmem>> -> memref<1x128x48xf32, #tpu.memory_space<vmem>>
        %dma_wait3A_132 = tpu.memref_squeeze %dma_wait3A_131 : memref<1x128x48xf32, #tpu.memory_space<vmem>> -> memref<128x48xf32, #tpu.memory_space<vmem>>
        %dma_wait3A_133 = arith.constant 0 : i32
        %dma_wait3A_134 = tpu.memref_slice %arg9[%dma_wait3A_127, %dma_wait3A_128, %dma_wait3A_133] : memref<2x4x128xi32, #tpu.memory_space<vmem>> -> memref<1x1x128xi32, #tpu.memory_space<vmem>>
        %dma_wait3A_135 = tpu.memref_squeeze %dma_wait3A_134 : memref<1x1x128xi32, #tpu.memory_space<vmem>> -> memref<128xi32, #tpu.memory_space<vmem>>
        %dma_wait3A_136 = arith.constant 0 : i32
        %dma_wait3A_137 = arith.constant 0 : i32
        %dma_wait3A_138 = tpu.memref_slice %arg7[%dma_wait3A_136, %dma_wait3A_137] : memref<25088x48xf32, #tpu.memory_space<vmem_shared>> -> memref<25088x48xf32, #tpu.memory_space<vmem_shared>>
        tpu.wait_indirect_dma semaphore(%arg12 : memref<!tpu.dma_semaphore, #tpu.memory_space<semaphore_mem>>) src(%dma_wait3A_132 : memref<128x48xf32, #tpu.memory_space<vmem>>) dst(%dma_wait3A_138 : memref<25088x48xf32, #tpu.memory_space<vmem_shared>>)
        %dma_wait3A_139 = arith.constant 0 : i32
        %dma_wait3A_140 = arith.constant 0 : i32
        %dma_wait3A_141 = arith.constant 3 : i32
        %dma_wait3A_142 = arith.constant 384 : i32
        %dma_wait3A_143 = arith.constant 0 : i32
        %dma_wait3A_144 = tpu.memref_slice %arg8[%dma_wait3A_139, %dma_wait3A_142, %dma_wait3A_143] : memref<2x512x48xf32, #tpu.memory_space<vmem>> -> memref<1x128x48xf32, #tpu.memory_space<vmem>>
        %dma_wait3A_145 = tpu.memref_squeeze %dma_wait3A_144 : memref<1x128x48xf32, #tpu.memory_space<vmem>> -> memref<128x48xf32, #tpu.memory_space<vmem>>
        %dma_wait3A_146 = arith.constant 0 : i32
        %dma_wait3A_147 = tpu.memref_slice %arg9[%dma_wait3A_140, %dma_wait3A_141, %dma_wait3A_146] : memref<2x4x128xi32, #tpu.memory_space<vmem>> -> memref<1x1x128xi32, #tpu.memory_space<vmem>>
        %dma_wait3A_148 = tpu.memref_squeeze %dma_wait3A_147 : memref<1x1x128xi32, #tpu.memory_space<vmem>> -> memref<128xi32, #tpu.memory_space<vmem>>
        %dma_wait3A_149 = arith.constant 0 : i32
        %dma_wait3A_150 = arith.constant 0 : i32
        %dma_wait3A_151 = tpu.memref_slice %arg7[%dma_wait3A_149, %dma_wait3A_150] : memref<25088x48xf32, #tpu.memory_space<vmem_shared>> -> memref<25088x48xf32, #tpu.memory_space<vmem_shared>>
        tpu.wait_indirect_dma semaphore(%arg12 : memref<!tpu.dma_semaphore, #tpu.memory_space<semaphore_mem>>) src(%dma_wait3A_145 : memref<128x48xf32, #tpu.memory_space<vmem>>) dst(%dma_wait3A_151 : memref<25088x48xf32, #tpu.memory_space<vmem_shared>>)
      } else {
      }
      %add3A_89 = arith.constant 16 : i32
      %add3A_90 = arith.addi %add3A_78, %add3A_89 : i32
      %lt3A_91 = arith.constant 3125 : i32
      %lt3A_92 = arith.cmpi slt, %add3A_90, %lt3A_91 : i32
      %convert_element_type3A_93 = arith.extui %lt3A_92 : i1 to i32
      %cond3A_94 = arith.constant 0 : i32
      %cond3A_95 = arith.cmpi ne, %convert_element_type3A_93, %cond3A_94 : i32
      scf.if %cond3A_95 {
        %mul3A_101 = arith.constant 512 : i32
        %mul3A_102 = arith.muli %add3A_90, %mul3A_101 : i32
        %dma_start3A = arith.constant 0 : i32
        %dma_start3A_103 = arith.constant 0 : i32
        %dma_start3A_104 = arith.constant 0 : i32
        %dma_start3A_105 = tpu.memref_slice %arg8[%dma_start3A, %dma_start3A_103, %dma_start3A_104] : memref<2x512x48xf32, #tpu.memory_space<vmem>> -> memref<1x512x48xf32, #tpu.memory_space<vmem>>
        %dma_start3A_106 = tpu.memref_squeeze %dma_start3A_105 : memref<1x512x48xf32, #tpu.memory_space<vmem>> -> memref<512x48xf32, #tpu.memory_space<vmem>>
        %dma_start3A_107 = arith.constant 0 : i32
        %dma_start3A_108 = tpu.memref_slice %arg2[%mul3A_102, %dma_start3A_107] : memref<1600000x128xf32, #tpu.memory_space<hbm>> -> memref<512x48xf32, #tpu.memory_space<hbm>>
        %dma_start3A_109 = arith.constant 0 : i32
        %dma_start3A_110 = arith.constant 0 : i32
        %dma_start3A_111 = tpu.memref_slice %arg8[%dma_start3A, %dma_start3A_109, %dma_start3A_110] : memref<2x512x48xf32, #tpu.memory_space<vmem>> -> memref<1x512x48xf32, #tpu.memory_space<vmem>>
        %dma_start3A_112 = tpu.memref_squeeze %dma_start3A_111 : memref<1x512x48xf32, #tpu.memory_space<vmem>> -> memref<512x48xf32, #tpu.memory_space<vmem>>
        %dma_start3A_113 = arith.constant 0 : i32
        %dma_start3A_114 = tpu.memref_slice %arg2[%mul3A_102, %dma_start3A_113] : memref<1600000x128xf32, #tpu.memory_space<hbm>> -> memref<512x48xf32, #tpu.memory_space<hbm>>
        tpu.enqueue_dma source(%dma_start3A_114 : memref<512x48xf32, #tpu.memory_space<hbm>>) target(%dma_start3A_112 : memref<512x48xf32, #tpu.memory_space<vmem>>) target_semaphore(%arg10 : memref<!tpu.dma_semaphore, #tpu.memory_space<semaphore_mem>>)
        %mul3A_115 = arith.constant 4 : i32
        %mul3A_116 = arith.muli %add3A_90, %mul3A_115 : i32
        %dma_start3A_117 = arith.constant 0 : i32
        %dma_start3A_118 = arith.constant 0 : i32
        %dma_start3A_119 = arith.constant 0 : i32
        %dma_start3A_120 = tpu.memref_slice %arg9[%dma_start3A_117, %dma_start3A_118, %dma_start3A_119] : memref<2x4x128xi32, #tpu.memory_space<vmem>> -> memref<1x4x128xi32, #tpu.memory_space<vmem>>
        %dma_start3A_121 = tpu.memref_squeeze %dma_start3A_120 : memref<1x4x128xi32, #tpu.memory_space<vmem>> -> memref<4x128xi32, #tpu.memory_space<vmem>>
        %dma_start3A_122 = arith.constant 0 : i32
        %dma_start3A_123 = tpu.memref_slice %arg4[%mul3A_116, %dma_start3A_122] : memref<12500x128xi32, #tpu.memory_space<hbm>> -> memref<4x128xi32, #tpu.memory_space<hbm>>
        %dma_start3A_124 = arith.constant 0 : i32
        %dma_start3A_125 = arith.constant 0 : i32
        %dma_start3A_126 = tpu.memref_slice %arg9[%dma_start3A_117, %dma_start3A_124, %dma_start3A_125] : memref<2x4x128xi32, #tpu.memory_space<vmem>> -> memref<1x4x128xi32, #tpu.memory_space<vmem>>
        %dma_start3A_127 = tpu.memref_squeeze %dma_start3A_126 : memref<1x4x128xi32, #tpu.memory_space<vmem>> -> memref<4x128xi32, #tpu.memory_space<vmem>>
        %dma_start3A_128 = arith.constant 0 : i32
        %dma_start3A_129 = tpu.memref_slice %arg4[%mul3A_116, %dma_start3A_128] : memref<12500x128xi32, #tpu.memory_space<hbm>> -> memref<4x128xi32, #tpu.memory_space<hbm>>
        tpu.enqueue_dma source(%dma_start3A_129 : memref<4x128xi32, #tpu.memory_space<hbm>>) target(%dma_start3A_127 : memref<4x128xi32, #tpu.memory_space<vmem>>) target_semaphore(%arg10 : memref<!tpu.dma_semaphore, #tpu.memory_space<semaphore_mem>>)
      } else {
      }
      %lt3A_96 = arith.constant 3125 : i32
      %lt3A_97 = arith.cmpi slt, %add3A_78, %lt3A_96 : i32
      %convert_element_type3A_98 = arith.extui %lt3A_97 : i1 to i32
      %cond3A_99 = arith.constant 0 : i32
      %cond3A_100 = arith.cmpi ne, %convert_element_type3A_98, %cond3A_99 : i32
      scf.if %cond3A_100 {
        %dma_wait3A = arith.constant 1 : i32
        %dma_wait3A_101 = arith.constant 0 : i32
        %dma_wait3A_102 = arith.constant 0 : i32
        %dma_wait3A_103 = tpu.memref_slice %arg8[%dma_wait3A, %dma_wait3A_101, %dma_wait3A_102] : memref<2x512x48xf32, #tpu.memory_space<vmem>> -> memref<1x512x48xf32, #tpu.memory_space<vmem>>
        %dma_wait3A_104 = tpu.memref_squeeze %dma_wait3A_103 : memref<1x512x48xf32, #tpu.memory_space<vmem>> -> memref<512x48xf32, #tpu.memory_space<vmem>>
        %dma_wait3A_105 = arith.constant 0 : i32
        %dma_wait3A_106 = arith.constant 0 : i32
        %dma_wait3A_107 = tpu.memref_slice %arg2[%dma_wait3A_105, %dma_wait3A_106] : memref<1600000x128xf32, #tpu.memory_space<hbm>> -> memref<512x48xf32, #tpu.memory_space<hbm>>
        %dma_wait3A_108 = arith.constant 0 : i32
        %dma_wait3A_109 = arith.constant 0 : i32
        %dma_wait3A_110 = tpu.memref_slice %arg8[%dma_wait3A, %dma_wait3A_108, %dma_wait3A_109] : memref<2x512x48xf32, #tpu.memory_space<vmem>> -> memref<1x512x48xf32, #tpu.memory_space<vmem>>
        %dma_wait3A_111 = tpu.memref_squeeze %dma_wait3A_110 : memref<1x512x48xf32, #tpu.memory_space<vmem>> -> memref<512x48xf32, #tpu.memory_space<vmem>>
        %dma_wait3A_112 = arith.constant 0 : i32
        %dma_wait3A_113 = arith.constant 0 : i32
        %dma_wait3A_114 = tpu.memref_slice %arg2[%dma_wait3A_112, %dma_wait3A_113] : memref<1600000x128xf32, #tpu.memory_space<hbm>> -> memref<512x48xf32, #tpu.memory_space<hbm>>
        tpu.wait_dma2 semaphore(%arg11 : memref<!tpu.dma_semaphore, #tpu.memory_space<semaphore_mem>>) src(%dma_wait3A_114 : memref<512x48xf32, #tpu.memory_space<hbm>>) dst(%dma_wait3A_111 : memref<512x48xf32, #tpu.memory_space<vmem>>)
        %dma_wait3A_115 = arith.constant 1 : i32
        %dma_wait3A_116 = arith.constant 0 : i32
        %dma_wait3A_117 = arith.constant 0 : i32
        %dma_wait3A_118 = tpu.memref_slice %arg9[%dma_wait3A_115, %dma_wait3A_116, %dma_wait3A_117] : memref<2x4x128xi32, #tpu.memory_space<vmem>> -> memref<1x4x128xi32, #tpu.memory_space<vmem>>
        %dma_wait3A_119 = tpu.memref_squeeze %dma_wait3A_118 : memref<1x4x128xi32, #tpu.memory_space<vmem>> -> memref<4x128xi32, #tpu.memory_space<vmem>>
        %dma_wait3A_120 = arith.constant 0 : i32
        %dma_wait3A_121 = arith.constant 0 : i32
        %dma_wait3A_122 = tpu.memref_slice %arg3[%dma_wait3A_120, %dma_wait3A_121] : memref<12500x128xi32, #tpu.memory_space<hbm>> -> memref<4x128xi32, #tpu.memory_space<hbm>>
        %dma_wait3A_123 = arith.constant 0 : i32
        %dma_wait3A_124 = arith.constant 0 : i32
        %dma_wait3A_125 = tpu.memref_slice %arg9[%dma_wait3A_115, %dma_wait3A_123, %dma_wait3A_124] : memref<2x4x128xi32, #tpu.memory_space<vmem>> -> memref<1x4x128xi32, #tpu.memory_space<vmem>>
        %dma_wait3A_126 = tpu.memref_squeeze %dma_wait3A_125 : memref<1x4x128xi32, #tpu.memory_space<vmem>> -> memref<4x128xi32, #tpu.memory_space<vmem>>
        %dma_wait3A_127 = arith.constant 0 : i32
        %dma_wait3A_128 = arith.constant 0 : i32
        %dma_wait3A_129 = tpu.memref_slice %arg3[%dma_wait3A_127, %dma_wait3A_128] : memref<12500x128xi32, #tpu.memory_space<hbm>> -> memref<4x128xi32, #tpu.memory_space<hbm>>
        tpu.wait_dma2 semaphore(%arg11 : memref<!tpu.dma_semaphore, #tpu.memory_space<semaphore_mem>>) src(%dma_wait3A_129 : memref<4x128xi32, #tpu.memory_space<hbm>>) dst(%dma_wait3A_126 : memref<4x128xi32, #tpu.memory_space<vmem>>)
        %get3A = arith.constant 1 : i32
        %get3A_130 = arith.constant 0 : i32
        %get3A_131 = arith.index_cast %get3A : i32 to index
        %get3A_132 = arith.index_cast %get3A_130 : i32 to index
        %get3A_133 = arith.constant 0 : index
        %get3A_134 = tpu.vector_load %arg9[%get3A_131, %get3A_132, %get3A_133] {strides = array<i32>} : memref<2x4x128xi32, #tpu.memory_space<vmem>>, vector<1x1x16xi32>,
        %get3A_135 = vector.shape_cast %get3A_134 : vector<1x1x16xi32> to vector<16xi32>
        %sub3A_136 = vector.broadcast %mul3A_2 : i32 to vector<16xi32>
        %sub3A_137 = arith.subi %get3A_135, %sub3A_136 : vector<16xi32>
        %ge3A_138 = arith.constant 0 : i32
        %ge3A_139 = vector.broadcast %ge3A_138 : i32 to vector<16xi32>
        %ge3A_140 = arith.cmpi sge, %sub3A_137, %ge3A_139 : vector<16xi32>
        %lt3A_141 = arith.constant 25000 : i32
        %lt3A_142 = vector.broadcast %lt3A_141 : i32 to vector<16xi32>
        %lt3A_143 = arith.cmpi slt, %sub3A_137, %lt3A_142 : vector<16xi32>
        %and3A_144 = arith.andi %ge3A_140, %lt3A_143 : vector<16xi1>
        %broadcast_in_dim3A = vector.broadcast %add3A_4 : i32 to vector<16xi32>
        %select_n3A = arith.select %and3A_144, %sub3A_137, %broadcast_in_dim3A : vector<16xi1>, vector<16xi32>
        %swap3A = arith.constant 1 : i32
        %swap3A_145 = arith.constant 0 : i32
        %swap3A_146 = arith.index_cast %swap3A : i32 to index
        %swap3A_147 = arith.index_cast %swap3A_145 : i32 to index
        %swap3A_148 = arith.constant 0 : index
        %swap3A_149 = tpu.vector_load %arg9[%swap3A_146, %swap3A_147, %swap3A_148] {strides = array<i32>} : memref<2x4x128xi32, #tpu.memory_space<vmem>>, vector<1x1x16xi32>,
        %swap3A_150 = vector.shape_cast %swap3A_149 : vector<1x1x16xi32> to vector<16xi32>
        %swap3A_151 = vector.shape_cast %select_n3A : vector<16xi32> to vector<1x1x16xi32>
        tpu.vector_store %arg9[%swap3A_146, %swap3A_147, %swap3A_148], %swap3A_151 {strides = array<i32>} : memref<2x4x128xi32, #tpu.memory_space<vmem>>, vector<1x1x16xi32>,
        %get3A_152 = arith.constant 1 : i32
        %get3A_153 = arith.constant 0 : i32
        %get3A_154 = arith.index_cast %get3A_152 : i32 to index
        %get3A_155 = arith.index_cast %get3A_153 : i32 to index
        %get3A_156 = arith.constant 16 : index
        %get3A_157 = tpu.vector_load %arg9[%get3A_154, %get3A_155, %get3A_156] {strides = array<i32>} : memref<2x4x128xi32, #tpu.memory_space<vmem>>, vector<1x1x16xi32>,
        %get3A_158 = vector.shape_cast %get3A_157 : vector<1x1x16xi32> to vector<16xi32>
        %sub3A_159 = vector.broadcast %mul3A_2 : i32 to vector<16xi32>
        %sub3A_160 = arith.subi %get3A_158, %sub3A_159 : vector<16xi32>
        %ge3A_161 = arith.constant 0 : i32
        %ge3A_162 = vector.broadcast %ge3A_161 : i32 to vector<16xi32>
        %ge3A_163 = arith.cmpi sge, %sub3A_160, %ge3A_162 : vector<16xi32>
        %lt3A_164 = arith.constant 25000 : i32
        %lt3A_165 = vector.broadcast %lt3A_164 : i32 to vector<16xi32>
        %lt3A_166 = arith.cmpi slt, %sub3A_160, %lt3A_165 : vector<16xi32>
        %and3A_167 = arith.andi %ge3A_163, %lt3A_166 : vector<16xi1>
        %broadcast_in_dim3A_168 = vector.broadcast %add3A_4 : i32 to vector<16xi32>
        %select_n3A_169 = arith.select %and3A_167, %sub3A_160, %broadcast_in_dim3A_168 : vector<16xi1>, vector<16xi32>
        %swap3A_170 = arith.constant 1 : i32
        %swap3A_171 = arith.constant 0 : i32
        %swap3A_172 = arith.index_cast %swap3A_170 : i32 to index
        %swap3A_173 = arith.index_cast %swap3A_171 : i32 to index
        %swap3A_174 = arith.constant 16 : index
        %swap3A_175 = tpu.vector_load %arg9[%swap3A_172, %swap3A_173, %swap3A_174] {strides = array<i32>} : memref<2x4x128xi32, #tpu.memory_space<vmem>>, vector<1x1x16xi32>,
        %swap3A_176 = vector.shape_cast %swap3A_175 : vector<1x1x16xi32> to vector<16xi32>
        %swap3A_177 = vector.shape_cast %select_n3A_169 : vector<16xi32> to vector<1x1x16xi32>
        tpu.vector_store %arg9[%swap3A_172, %swap3A_173, %swap3A_174], %swap3A_177 {strides = array<i32>} : memref<2x4x128xi32, #tpu.memory_space<vmem>>, vector<1x1x16xi32>,
        %get3A_178 = arith.constant 1 : i32
        %get3A_179 = arith.constant 0 : i32
        %get3A_180 = arith.index_cast %get3A_178 : i32 to index
        %get3A_181 = arith.index_cast %get3A_179 : i32 to index
        %get3A_182 = arith.constant 32 : index
        %get3A_183 = tpu.vector_load %arg9[%get3A_180, %get3A_181, %get3A_182] {strides = array<i32>} : memref<2x4x128xi32, #tpu.memory_space<vmem>>, vector<1x1x16xi32>,
        %get3A_184 = vector.shape_cast %get3A_183 : vector<1x1x16xi32> to vector<16xi32>
        %sub3A_185 = vector.broadcast %mul3A_2 : i32 to vector<16xi32>
        %sub3A_186 = arith.subi %get3A_184, %sub3A_185 : vector<16xi32>
        %ge3A_187 = arith.constant 0 : i32
        %ge3A_188 = vector.broadcast %ge3A_187 : i32 to vector<16xi32>
        %ge3A_189 = arith.cmpi sge, %sub3A_186, %ge3A_188 : vector<16xi32>
        %lt3A_190 = arith.constant 25000 : i32
        %lt3A_191 = vector.broadcast %lt3A_190 : i32 to vector<16xi32>
        %lt3A_192 = arith.cmpi slt, %sub3A_186, %lt3A_191 : vector<16xi32>
        %and3A_193 = arith.andi %ge3A_189, %lt3A_192 : vector<16xi1>
        %broadcast_in_dim3A_194 = vector.broadcast %add3A_4 : i32 to vector<16xi32>
        %select_n3A_195 = arith.select %and3A_193, %sub3A_186, %broadcast_in_dim3A_194 : vector<16xi1>, vector<16xi32>
        %swap3A_196 = arith.constant 1 : i32
        %swap3A_197 = arith.constant 0 : i32
        %swap3A_198 = arith.index_cast %swap3A_196 : i32 to index
        %swap3A_199 = arith.index_cast %swap3A_197 : i32 to index
        %swap3A_200 = arith.constant 32 : index
        %swap3A_201 = tpu.vector_load %arg9[%swap3A_198, %swap3A_199, %swap3A_200] {strides = array<i32>} : memref<2x4x128xi32, #tpu.memory_space<vmem>>, vector<1x1x16xi32>,
        %swap3A_202 = vector.shape_cast %swap3A_201 : vector<1x1x16xi32> to vector<16xi32>
        %swap3A_203 = vector.shape_cast %select_n3A_195 : vector<16xi32> to vector<1x1x16xi32>
        tpu.vector_store %arg9[%swap3A_198, %swap3A_199, %swap3A_200], %swap3A_203 {strides = array<i32>} : memref<2x4x128xi32, #tpu.memory_space<vmem>>, vector<1x1x16xi32>,
        %get3A_204 = arith.constant 1 : i32
        %get3A_205 = arith.constant 0 : i32
        %get3A_206 = arith.index_cast %get3A_204 : i32 to index
        %get3A_207 = arith.index_cast %get3A_205 : i32 to index
        %get3A_208 = arith.constant 48 : index
        %get3A_209 = tpu.vector_load %arg9[%get3A_206, %get3A_207, %get3A_208] {strides = array<i32>} : memref<2x4x128xi32, #tpu.memory_space<vmem>>, vector<1x1x16xi32>,
        %get3A_210 = vector.shape_cast %get3A_209 : vector<1x1x16xi32> to vector<16xi32>
        %sub3A_211 = vector.broadcast %mul3A_2 : i32 to vector<16xi32>
        %sub3A_212 = arith.subi %get3A_210, %sub3A_211 : vector<16xi32>
        %ge3A_213 = arith.constant 0 : i32
        %ge3A_214 = vector.broadcast %ge3A_213 : i32 to vector<16xi32>
        %ge3A_215 = arith.cmpi sge, %sub3A_212, %ge3A_214 : vector<16xi32>
        %lt3A_216 = arith.constant 25000 : i32
        %lt3A_217 = vector.broadcast %lt3A_216 : i32 to vector<16xi32>
        %lt3A_218 = arith.cmpi slt, %sub3A_212, %lt3A_217 : vector<16xi32>
        %and3A_219 = arith.andi %ge3A_215, %lt3A_218 : vector<16xi1>
        %broadcast_in_dim3A_220 = vector.broadcast %add3A_4 : i32 to vector<16xi32>
        %select_n3A_221 = arith.select %and3A_219, %sub3A_212, %broadcast_in_dim3A_220 : vector<16xi1>, vector<16xi32>
        %swap3A_222 = arith.constant 1 : i32
        %swap3A_223 = arith.constant 0 : i32
        %swap3A_224 = arith.index_cast %swap3A_222 : i32 to index
        %swap3A_225 = arith.index_cast %swap3A_223 : i32 to index
        %swap3A_226 = arith.constant 48 : index
        %swap3A_227 = tpu.vector_load %arg9[%swap3A_224, %swap3A_225, %swap3A_226] {strides = array<i32>} : memref<2x4x128xi32, #tpu.memory_space<vmem>>, vector<1x1x16xi32>,
        %swap3A_228 = vector.shape_cast %swap3A_227 : vector<1x1x16xi32> to vector<16xi32>
        %swap3A_229 = vector.shape_cast %select_n3A_221 : vector<16xi32> to vector<1x1x16xi32>
        tpu.vector_store %arg9[%swap3A_224, %swap3A_225, %swap3A_226], %swap3A_229 {strides = array<i32>} : memref<2x4x128xi32, #tpu.memory_space<vmem>>, vector<1x1x16xi32>,
        %get3A_230 = arith.constant 1 : i32
        %get3A_231 = arith.constant 0 : i32
        %get3A_232 = arith.index_cast %get3A_230 : i32 to index
        %get3A_233 = arith.index_cast %get3A_231 : i32 to index
        %get3A_234 = arith.constant 64 : index
        %get3A_235 = tpu.vector_load %arg9[%get3A_232, %get3A_233, %get3A_234] {strides = array<i32>} : memref<2x4x128xi32, #tpu.memory_space<vmem>>, vector<1x1x16xi32>,
        %get3A_236 = vector.shape_cast %get3A_235 : vector<1x1x16xi32> to vector<16xi32>
        %sub3A_237 = vector.broadcast %mul3A_2 : i32 to vector<16xi32>
        %sub3A_238 = arith.subi %get3A_236, %sub3A_237 : vector<16xi32>
        %ge3A_239 = arith.constant 0 : i32
        %ge3A_240 = vector.broadcast %ge3A_239 : i32 to vector<16xi32>
        %ge3A_241 = arith.cmpi sge, %sub3A_238, %ge3A_240 : vector<16xi32>
        %lt3A_242 = arith.constant 25000 : i32
        %lt3A_243 = vector.broadcast %lt3A_242 : i32 to vector<16xi32>
        %lt3A_244 = arith.cmpi slt, %sub3A_238, %lt3A_243 : vector<16xi32>
        %and3A_245 = arith.andi %ge3A_241, %lt3A_244 : vector<16xi1>
        %broadcast_in_dim3A_246 = vector.broadcast %add3A_4 : i32 to vector<16xi32>
        %select_n3A_247 = arith.select %and3A_245, %sub3A_238, %broadcast_in_dim3A_246 : vector<16xi1>, vector<16xi32>
        %swap3A_248 = arith.constant 1 : i32
        %swap3A_249 = arith.constant 0 : i32
        %swap3A_250 = arith.index_cast %swap3A_248 : i32 to index
        %swap3A_251 = arith.index_cast %swap3A_249 : i32 to index
        %swap3A_252 = arith.constant 64 : index
        %swap3A_253 = tpu.vector_load %arg9[%swap3A_250, %swap3A_251, %swap3A_252] {strides = array<i32>} : memref<2x4x128xi32, #tpu.memory_space<vmem>>, vector<1x1x16xi32>,
        %swap3A_254 = vector.shape_cast %swap3A_253 : vector<1x1x16xi32> to vector<16xi32>
        %swap3A_255 = vector.shape_cast %select_n3A_247 : vector<16xi32> to vector<1x1x16xi32>
        tpu.vector_store %arg9[%swap3A_250, %swap3A_251, %swap3A_252], %swap3A_255 {strides = array<i32>} : memref<2x4x128xi32, #tpu.memory_space<vmem>>, vector<1x1x16xi32>,
        %get3A_256 = arith.constant 1 : i32
        %get3A_257 = arith.constant 0 : i32
        %get3A_258 = arith.index_cast %get3A_256 : i32 to index
        %get3A_259 = arith.index_cast %get3A_257 : i32 to index
        %get3A_260 = arith.constant 80 : index
        %get3A_261 = tpu.vector_load %arg9[%get3A_258, %get3A_259, %get3A_260] {strides = array<i32>} : memref<2x4x128xi32, #tpu.memory_space<vmem>>, vector<1x1x16xi32>,
        %get3A_262 = vector.shape_cast %get3A_261 : vector<1x1x16xi32> to vector<16xi32>
        %sub3A_263 = vector.broadcast %mul3A_2 : i32 to vector<16xi32>
        %sub3A_264 = arith.subi %get3A_262, %sub3A_263 : vector<16xi32>
        %ge3A_265 = arith.constant 0 : i32
        %ge3A_266 = vector.broadcast %ge3A_265 : i32 to vector<16xi32>
        %ge3A_267 = arith.cmpi sge, %sub3A_264, %ge3A_266 : vector<16xi32>
        %lt3A_268 = arith.constant 25000 : i32
        %lt3A_269 = vector.broadcast %lt3A_268 : i32 to vector<16xi32>
        %lt3A_270 = arith.cmpi slt, %sub3A_264, %lt3A_269 : vector<16xi32>
        %and3A_271 = arith.andi %ge3A_267, %lt3A_270 : vector<16xi1>
        %broadcast_in_dim3A_272 = vector.broadcast %add3A_4 : i32 to vector<16xi32>
        %select_n3A_273 = arith.select %and3A_271, %sub3A_264, %broadcast_in_dim3A_272 : vector<16xi1>, vector<16xi32>
        %swap3A_274 = arith.constant 1 : i32
        %swap3A_275 = arith.constant 0 : i32
        %swap3A_276 = arith.index_cast %swap3A_274 : i32 to index
        %swap3A_277 = arith.index_cast %swap3A_275 : i32 to index
        %swap3A_278 = arith.constant 80 : index
        %swap3A_279 = tpu.vector_load %arg9[%swap3A_276, %swap3A_277, %swap3A_278] {strides = array<i32>} : memref<2x4x128xi32, #tpu.memory_space<vmem>>, vector<1x1x16xi32>,
        %swap3A_280 = vector.shape_cast %swap3A_279 : vector<1x1x16xi32> to vector<16xi32>
        %swap3A_281 = vector.shape_cast %select_n3A_273 : vector<16xi32> to vector<1x1x16xi32>
        tpu.vector_store %arg9[%swap3A_276, %swap3A_277, %swap3A_278], %swap3A_281 {strides = array<i32>} : memref<2x4x128xi32, #tpu.memory_space<vmem>>, vector<1x1x16xi32>,
        %get3A_282 = arith.constant 1 : i32
        %get3A_283 = arith.constant 0 : i32
        %get3A_284 = arith.index_cast %get3A_282 : i32 to index
        %get3A_285 = arith.index_cast %get3A_283 : i32 to index
        %get3A_286 = arith.constant 96 : index
        %get3A_287 = tpu.vector_load %arg9[%get3A_284, %get3A_285, %get3A_286] {strides = array<i32>} : memref<2x4x128xi32, #tpu.memory_space<vmem>>, vector<1x1x16xi32>,
        %get3A_288 = vector.shape_cast %get3A_287 : vector<1x1x16xi32> to vector<16xi32>
        %sub3A_289 = vector.broadcast %mul3A_2 : i32 to vector<16xi32>
        %sub3A_290 = arith.subi %get3A_288, %sub3A_289 : vector<16xi32>
        %ge3A_291 = arith.constant 0 : i32
        %ge3A_292 = vector.broadcast %ge3A_291 : i32 to vector<16xi32>
        %ge3A_293 = arith.cmpi sge, %sub3A_290, %ge3A_292 : vector<16xi32>
        %lt3A_294 = arith.constant 25000 : i32
        %lt3A_295 = vector.broadcast %lt3A_294 : i32 to vector<16xi32>
        %lt3A_296 = arith.cmpi slt, %sub3A_290, %lt3A_295 : vector<16xi32>
        %and3A_297 = arith.andi %ge3A_293, %lt3A_296 : vector<16xi1>
        %broadcast_in_dim3A_298 = vector.broadcast %add3A_4 : i32 to vector<16xi32>
        %select_n3A_299 = arith.select %and3A_297, %sub3A_290, %broadcast_in_dim3A_298 : vector<16xi1>, vector<16xi32>
        %swap3A_300 = arith.constant 1 : i32
        %swap3A_301 = arith.constant 0 : i32
        %swap3A_302 = arith.index_cast %swap3A_300 : i32 to index
        %swap3A_303 = arith.index_cast %swap3A_301 : i32 to index
        %swap3A_304 = arith.constant 96 : index
        %swap3A_305 = tpu.vector_load %arg9[%swap3A_302, %swap3A_303, %swap3A_304] {strides = array<i32>} : memref<2x4x128xi32, #tpu.memory_space<vmem>>, vector<1x1x16xi32>,
        %swap3A_306 = vector.shape_cast %swap3A_305 : vector<1x1x16xi32> to vector<16xi32>
        %swap3A_307 = vector.shape_cast %select_n3A_299 : vector<16xi32> to vector<1x1x16xi32>
        tpu.vector_store %arg9[%swap3A_302, %swap3A_303, %swap3A_304], %swap3A_307 {strides = array<i32>} : memref<2x4x128xi32, #tpu.memory_space<vmem>>, vector<1x1x16xi32>,
        %get3A_308 = arith.constant 1 : i32
        %get3A_309 = arith.constant 0 : i32
        %get3A_310 = arith.index_cast %get3A_308 : i32 to index
        %get3A_311 = arith.index_cast %get3A_309 : i32 to index
        %get3A_312 = arith.constant 112 : index
        %get3A_313 = tpu.vector_load %arg9[%get3A_310, %get3A_311, %get3A_312] {strides = array<i32>} : memref<2x4x128xi32, #tpu.memory_space<vmem>>, vector<1x1x16xi32>,
        %get3A_314 = vector.shape_cast %get3A_313 : vector<1x1x16xi32> to vector<16xi32>
        %sub3A_315 = vector.broadcast %mul3A_2 : i32 to vector<16xi32>
        %sub3A_316 = arith.subi %get3A_314, %sub3A_315 : vector<16xi32>
        %ge3A_317 = arith.constant 0 : i32
        %ge3A_318 = vector.broadcast %ge3A_317 : i32 to vector<16xi32>
        %ge3A_319 = arith.cmpi sge, %sub3A_316, %ge3A_318 : vector<16xi32>
        %lt3A_320 = arith.constant 25000 : i32
        %lt3A_321 = vector.broadcast %lt3A_320 : i32 to vector<16xi32>
        %lt3A_322 = arith.cmpi slt, %sub3A_316, %lt3A_321 : vector<16xi32>
        %and3A_323 = arith.andi %ge3A_319, %lt3A_322 : vector<16xi1>
        %broadcast_in_dim3A_324 = vector.broadcast %add3A_4 : i32 to vector<16xi32>
        %select_n3A_325 = arith.select %and3A_323, %sub3A_316, %broadcast_in_dim3A_324 : vector<16xi1>, vector<16xi32>
        %swap3A_326 = arith.constant 1 : i32
        %swap3A_327 = arith.constant 0 : i32
        %swap3A_328 = arith.index_cast %swap3A_326 : i32 to index
        %swap3A_329 = arith.index_cast %swap3A_327 : i32 to index
        %swap3A_330 = arith.constant 112 : index
        %swap3A_331 = tpu.vector_load %arg9[%swap3A_328, %swap3A_329, %swap3A_330] {strides = array<i32>} : memref<2x4x128xi32, #tpu.memory_space<vmem>>, vector<1x1x16xi32>,
        %swap3A_332 = vector.shape_cast %swap3A_331 : vector<1x1x16xi32> to vector<16xi32>
        %swap3A_333 = vector.shape_cast %select_n3A_325 : vector<16xi32> to vector<1x1x16xi32>
        tpu.vector_store %arg9[%swap3A_328, %swap3A_329, %swap3A_330], %swap3A_333 {strides = array<i32>} : memref<2x4x128xi32, #tpu.memory_space<vmem>>, vector<1x1x16xi32>,
        %get3A_334 = arith.constant 1 : i32
        %get3A_335 = arith.constant 1 : i32
        %get3A_336 = arith.index_cast %get3A_334 : i32 to index
        %get3A_337 = arith.index_cast %get3A_335 : i32 to index
        %get3A_338 = arith.constant 0 : index
        %get3A_339 = tpu.vector_load %arg9[%get3A_336, %get3A_337, %get3A_338] {strides = array<i32>} : memref<2x4x128xi32, #tpu.memory_space<vmem>>, vector<1x1x16xi32>,
        %get3A_340 = vector.shape_cast %get3A_339 : vector<1x1x16xi32> to vector<16xi32>
        %sub3A_341 = vector.broadcast %mul3A_2 : i32 to vector<16xi32>
        %sub3A_342 = arith.subi %get3A_340, %sub3A_341 : vector<16xi32>
        %ge3A_343 = arith.constant 0 : i32
        %ge3A_344 = vector.broadcast %ge3A_343 : i32 to vector<16xi32>
        %ge3A_345 = arith.cmpi sge, %sub3A_342, %ge3A_344 : vector<16xi32>
        %lt3A_346 = arith.constant 25000 : i32
        %lt3A_347 = vector.broadcast %lt3A_346 : i32 to vector<16xi32>
        %lt3A_348 = arith.cmpi slt, %sub3A_342, %lt3A_347 : vector<16xi32>
        %and3A_349 = arith.andi %ge3A_345, %lt3A_348 : vector<16xi1>
        %broadcast_in_dim3A_350 = vector.broadcast %add3A_4 : i32 to vector<16xi32>
        %select_n3A_351 = arith.select %and3A_349, %sub3A_342, %broadcast_in_dim3A_350 : vector<16xi1>, vector<16xi32>
        %swap3A_352 = arith.constant 1 : i32
        %swap3A_353 = arith.constant 1 : i32
        %swap3A_354 = arith.index_cast %swap3A_352 : i32 to index
        %swap3A_355 = arith.index_cast %swap3A_353 : i32 to index
        %swap3A_356 = arith.constant 0 : index
        %swap3A_357 = tpu.vector_load %arg9[%swap3A_354, %swap3A_355, %swap3A_356] {strides = array<i32>} : memref<2x4x128xi32, #tpu.memory_space<vmem>>, vector<1x1x16xi32>,
        %swap3A_358 = vector.shape_cast %swap3A_357 : vector<1x1x16xi32> to vector<16xi32>
        %swap3A_359 = vector.shape_cast %select_n3A_351 : vector<16xi32> to vector<1x1x16xi32>
        tpu.vector_store %arg9[%swap3A_354, %swap3A_355, %swap3A_356], %swap3A_359 {strides = array<i32>} : memref<2x4x128xi32, #tpu.memory_space<vmem>>, vector<1x1x16xi32>,
        %get3A_360 = arith.constant 1 : i32
        %get3A_361 = arith.constant 1 : i32
        %get3A_362 = arith.index_cast %get3A_360 : i32 to index
        %get3A_363 = arith.index_cast %get3A_361 : i32 to index
        %get3A_364 = arith.constant 16 : index
        %get3A_365 = tpu.vector_load %arg9[%get3A_362, %get3A_363, %get3A_364] {strides = array<i32>} : memref<2x4x128xi32, #tpu.memory_space<vmem>>, vector<1x1x16xi32>,
        %get3A_366 = vector.shape_cast %get3A_365 : vector<1x1x16xi32> to vector<16xi32>
        %sub3A_367 = vector.broadcast %mul3A_2 : i32 to vector<16xi32>
        %sub3A_368 = arith.subi %get3A_366, %sub3A_367 : vector<16xi32>
        %ge3A_369 = arith.constant 0 : i32
        %ge3A_370 = vector.broadcast %ge3A_369 : i32 to vector<16xi32>
        %ge3A_371 = arith.cmpi sge, %sub3A_368, %ge3A_370 : vector<16xi32>
        %lt3A_372 = arith.constant 25000 : i32
        %lt3A_373 = vector.broadcast %lt3A_372 : i32 to vector<16xi32>
        %lt3A_374 = arith.cmpi slt, %sub3A_368, %lt3A_373 : vector<16xi32>
        %and3A_375 = arith.andi %ge3A_371, %lt3A_374 : vector<16xi1>
        %broadcast_in_dim3A_376 = vector.broadcast %add3A_4 : i32 to vector<16xi32>
        %select_n3A_377 = arith.select %and3A_375, %sub3A_368, %broadcast_in_dim3A_376 : vector<16xi1>, vector<16xi32>
        %swap3A_378 = arith.constant 1 : i32
        %swap3A_379 = arith.constant 1 : i32
        %swap3A_380 = arith.index_cast %swap3A_378 : i32 to index
        %swap3A_381 = arith.index_cast %swap3A_379 : i32 to index
        %swap3A_382 = arith.constant 16 : index
        %swap3A_383 = tpu.vector_load %arg9[%swap3A_380, %swap3A_381, %swap3A_382] {strides = array<i32>} : memref<2x4x128xi32, #tpu.memory_space<vmem>>, vector<1x1x16xi32>,
        %swap3A_384 = vector.shape_cast %swap3A_383 : vector<1x1x16xi32> to vector<16xi32>
        %swap3A_385 = vector.shape_cast %select_n3A_377 : vector<16xi32> to vector<1x1x16xi32>
        tpu.vector_store %arg9[%swap3A_380, %swap3A_381, %swap3A_382], %swap3A_385 {strides = array<i32>} : memref<2x4x128xi32, #tpu.memory_space<vmem>>, vector<1x1x16xi32>,
        %get3A_386 = arith.constant 1 : i32
        %get3A_387 = arith.constant 1 : i32
        %get3A_388 = arith.index_cast %get3A_386 : i32 to index
        %get3A_389 = arith.index_cast %get3A_387 : i32 to index
        %get3A_390 = arith.constant 32 : index
        %get3A_391 = tpu.vector_load %arg9[%get3A_388, %get3A_389, %get3A_390] {strides = array<i32>} : memref<2x4x128xi32, #tpu.memory_space<vmem>>, vector<1x1x16xi32>,
        %get3A_392 = vector.shape_cast %get3A_391 : vector<1x1x16xi32> to vector<16xi32>
        %sub3A_393 = vector.broadcast %mul3A_2 : i32 to vector<16xi32>
        %sub3A_394 = arith.subi %get3A_392, %sub3A_393 : vector<16xi32>
        %ge3A_395 = arith.constant 0 : i32
        %ge3A_396 = vector.broadcast %ge3A_395 : i32 to vector<16xi32>
        %ge3A_397 = arith.cmpi sge, %sub3A_394, %ge3A_396 : vector<16xi32>
        %lt3A_398 = arith.constant 25000 : i32
        %lt3A_399 = vector.broadcast %lt3A_398 : i32 to vector<16xi32>
        %lt3A_400 = arith.cmpi slt, %sub3A_394, %lt3A_399 : vector<16xi32>
        %and3A_401 = arith.andi %ge3A_397, %lt3A_400 : vector<16xi1>
        %broadcast_in_dim3A_402 = vector.broadcast %add3A_4 : i32 to vector<16xi32>
        %select_n3A_403 = arith.select %and3A_401, %sub3A_394, %broadcast_in_dim3A_402 : vector<16xi1>, vector<16xi32>
        %swap3A_404 = arith.constant 1 : i32
        %swap3A_405 = arith.constant 1 : i32
        %swap3A_406 = arith.index_cast %swap3A_404 : i32 to index
        %swap3A_407 = arith.index_cast %swap3A_405 : i32 to index
        %swap3A_408 = arith.constant 32 : index
        %swap3A_409 = tpu.vector_load %arg9[%swap3A_406, %swap3A_407, %swap3A_408] {strides = array<i32>} : memref<2x4x128xi32, #tpu.memory_space<vmem>>, vector<1x1x16xi32>,
        %swap3A_410 = vector.shape_cast %swap3A_409 : vector<1x1x16xi32> to vector<16xi32>
        %swap3A_411 = vector.shape_cast %select_n3A_403 : vector<16xi32> to vector<1x1x16xi32>
        tpu.vector_store %arg9[%swap3A_406, %swap3A_407, %swap3A_408], %swap3A_411 {strides = array<i32>} : memref<2x4x128xi32, #tpu.memory_space<vmem>>, vector<1x1x16xi32>,
        %get3A_412 = arith.constant 1 : i32
        %get3A_413 = arith.constant 1 : i32
        %get3A_414 = arith.index_cast %get3A_412 : i32 to index
        %get3A_415 = arith.index_cast %get3A_413 : i32 to index
        %get3A_416 = arith.constant 48 : index
        %get3A_417 = tpu.vector_load %arg9[%get3A_414, %get3A_415, %get3A_416] {strides = array<i32>} : memref<2x4x128xi32, #tpu.memory_space<vmem>>, vector<1x1x16xi32>,
        %get3A_418 = vector.shape_cast %get3A_417 : vector<1x1x16xi32> to vector<16xi32>
        %sub3A_419 = vector.broadcast %mul3A_2 : i32 to vector<16xi32>
        %sub3A_420 = arith.subi %get3A_418, %sub3A_419 : vector<16xi32>
        %ge3A_421 = arith.constant 0 : i32
        %ge3A_422 = vector.broadcast %ge3A_421 : i32 to vector<16xi32>
        %ge3A_423 = arith.cmpi sge, %sub3A_420, %ge3A_422 : vector<16xi32>
        %lt3A_424 = arith.constant 25000 : i32
        %lt3A_425 = vector.broadcast %lt3A_424 : i32 to vector<16xi32>
        %lt3A_426 = arith.cmpi slt, %sub3A_420, %lt3A_425 : vector<16xi32>
        %and3A_427 = arith.andi %ge3A_423, %lt3A_426 : vector<16xi1>
        %broadcast_in_dim3A_428 = vector.broadcast %add3A_4 : i32 to vector<16xi32>
        %select_n3A_429 = arith.select %and3A_427, %sub3A_420, %broadcast_in_dim3A_428 : vector<16xi1>, vector<16xi32>
        %swap3A_430 = arith.constant 1 : i32
        %swap3A_431 = arith.constant 1 : i32
        %swap3A_432 = arith.index_cast %swap3A_430 : i32 to index
        %swap3A_433 = arith.index_cast %swap3A_431 : i32 to index
        %swap3A_434 = arith.constant 48 : index
        %swap3A_435 = tpu.vector_load %arg9[%swap3A_432, %swap3A_433, %swap3A_434] {strides = array<i32>} : memref<2x4x128xi32, #tpu.memory_space<vmem>>, vector<1x1x16xi32>,
        %swap3A_436 = vector.shape_cast %swap3A_435 : vector<1x1x16xi32> to vector<16xi32>
        %swap3A_437 = vector.shape_cast %select_n3A_429 : vector<16xi32> to vector<1x1x16xi32>
        tpu.vector_store %arg9[%swap3A_432, %swap3A_433, %swap3A_434], %swap3A_437 {strides = array<i32>} : memref<2x4x128xi32, #tpu.memory_space<vmem>>, vector<1x1x16xi32>,
        %get3A_438 = arith.constant 1 : i32
        %get3A_439 = arith.constant 1 : i32
        %get3A_440 = arith.index_cast %get3A_438 : i32 to index
        %get3A_441 = arith.index_cast %get3A_439 : i32 to index
        %get3A_442 = arith.constant 64 : index
        %get3A_443 = tpu.vector_load %arg9[%get3A_440, %get3A_441, %get3A_442] {strides = array<i32>} : memref<2x4x128xi32, #tpu.memory_space<vmem>>, vector<1x1x16xi32>,
        %get3A_444 = vector.shape_cast %get3A_443 : vector<1x1x16xi32> to vector<16xi32>
        %sub3A_445 = vector.broadcast %mul3A_2 : i32 to vector<16xi32>
        %sub3A_446 = arith.subi %get3A_444, %sub3A_445 : vector<16xi32>
        %ge3A_447 = arith.constant 0 : i32
        %ge3A_448 = vector.broadcast %ge3A_447 : i32 to vector<16xi32>
        %ge3A_449 = arith.cmpi sge, %sub3A_446, %ge3A_448 : vector<16xi32>
        %lt3A_450 = arith.constant 25000 : i32
        %lt3A_451 = vector.broadcast %lt3A_450 : i32 to vector<16xi32>
        %lt3A_452 = arith.cmpi slt, %sub3A_446, %lt3A_451 : vector<16xi32>
        %and3A_453 = arith.andi %ge3A_449, %lt3A_452 : vector<16xi1>
        %broadcast_in_dim3A_454 = vector.broadcast %add3A_4 : i32 to vector<16xi32>
        %select_n3A_455 = arith.select %and3A_453, %sub3A_446, %broadcast_in_dim3A_454 : vector<16xi1>, vector<16xi32>
        %swap3A_456 = arith.constant 1 : i32
        %swap3A_457 = arith.constant 1 : i32
        %swap3A_458 = arith.index_cast %swap3A_456 : i32 to index
        %swap3A_459 = arith.index_cast %swap3A_457 : i32 to index
        %swap3A_460 = arith.constant 64 : index
        %swap3A_461 = tpu.vector_load %arg9[%swap3A_458, %swap3A_459, %swap3A_460] {strides = array<i32>} : memref<2x4x128xi32, #tpu.memory_space<vmem>>, vector<1x1x16xi32>,
        %swap3A_462 = vector.shape_cast %swap3A_461 : vector<1x1x16xi32> to vector<16xi32>
        %swap3A_463 = vector.shape_cast %select_n3A_455 : vector<16xi32> to vector<1x1x16xi32>
        tpu.vector_store %arg9[%swap3A_458, %swap3A_459, %swap3A_460], %swap3A_463 {strides = array<i32>} : memref<2x4x128xi32, #tpu.memory_space<vmem>>, vector<1x1x16xi32>,
        %get3A_464 = arith.constant 1 : i32
        %get3A_465 = arith.constant 1 : i32
        %get3A_466 = arith.index_cast %get3A_464 : i32 to index
        %get3A_467 = arith.index_cast %get3A_465 : i32 to index
        %get3A_468 = arith.constant 80 : index
        %get3A_469 = tpu.vector_load %arg9[%get3A_466, %get3A_467, %get3A_468] {strides = array<i32>} : memref<2x4x128xi32, #tpu.memory_space<vmem>>, vector<1x1x16xi32>,
        %get3A_470 = vector.shape_cast %get3A_469 : vector<1x1x16xi32> to vector<16xi32>
        %sub3A_471 = vector.broadcast %mul3A_2 : i32 to vector<16xi32>
        %sub3A_472 = arith.subi %get3A_470, %sub3A_471 : vector<16xi32>
        %ge3A_473 = arith.constant 0 : i32
        %ge3A_474 = vector.broadcast %ge3A_473 : i32 to vector<16xi32>
        %ge3A_475 = arith.cmpi sge, %sub3A_472, %ge3A_474 : vector<16xi32>
        %lt3A_476 = arith.constant 25000 : i32
        %lt3A_477 = vector.broadcast %lt3A_476 : i32 to vector<16xi32>
        %lt3A_478 = arith.cmpi slt, %sub3A_472, %lt3A_477 : vector<16xi32>
        %and3A_479 = arith.andi %ge3A_475, %lt3A_478 : vector<16xi1>
        %broadcast_in_dim3A_480 = vector.broadcast %add3A_4 : i32 to vector<16xi32>
        %select_n3A_481 = arith.select %and3A_479, %sub3A_472, %broadcast_in_dim3A_480 : vector<16xi1>, vector<16xi32>
        %swap3A_482 = arith.constant 1 : i32
        %swap3A_483 = arith.constant 1 : i32
        %swap3A_484 = arith.index_cast %swap3A_482 : i32 to index
        %swap3A_485 = arith.index_cast %swap3A_483 : i32 to index
        %swap3A_486 = arith.constant 80 : index
        %swap3A_487 = tpu.vector_load %arg9[%swap3A_484, %swap3A_485, %swap3A_486] {strides = array<i32>} : memref<2x4x128xi32, #tpu.memory_space<vmem>>, vector<1x1x16xi32>,
        %swap3A_488 = vector.shape_cast %swap3A_487 : vector<1x1x16xi32> to vector<16xi32>
        %swap3A_489 = vector.shape_cast %select_n3A_481 : vector<16xi32> to vector<1x1x16xi32>
        tpu.vector_store %arg9[%swap3A_484, %swap3A_485, %swap3A_486], %swap3A_489 {strides = array<i32>} : memref<2x4x128xi32, #tpu.memory_space<vmem>>, vector<1x1x16xi32>,
        %get3A_490 = arith.constant 1 : i32
        %get3A_491 = arith.constant 1 : i32
        %get3A_492 = arith.index_cast %get3A_490 : i32 to index
        %get3A_493 = arith.index_cast %get3A_491 : i32 to index
        %get3A_494 = arith.constant 96 : index
        %get3A_495 = tpu.vector_load %arg9[%get3A_492, %get3A_493, %get3A_494] {strides = array<i32>} : memref<2x4x128xi32, #tpu.memory_space<vmem>>, vector<1x1x16xi32>,
        %get3A_496 = vector.shape_cast %get3A_495 : vector<1x1x16xi32> to vector<16xi32>
        %sub3A_497 = vector.broadcast %mul3A_2 : i32 to vector<16xi32>
        %sub3A_498 = arith.subi %get3A_496, %sub3A_497 : vector<16xi32>
        %ge3A_499 = arith.constant 0 : i32
        %ge3A_500 = vector.broadcast %ge3A_499 : i32 to vector<16xi32>
        %ge3A_501 = arith.cmpi sge, %sub3A_498, %ge3A_500 : vector<16xi32>
        %lt3A_502 = arith.constant 25000 : i32
        %lt3A_503 = vector.broadcast %lt3A_502 : i32 to vector<16xi32>
        %lt3A_504 = arith.cmpi slt, %sub3A_498, %lt3A_503 : vector<16xi32>
        %and3A_505 = arith.andi %ge3A_501, %lt3A_504 : vector<16xi1>
        %broadcast_in_dim3A_506 = vector.broadcast %add3A_4 : i32 to vector<16xi32>
        %select_n3A_507 = arith.select %and3A_505, %sub3A_498, %broadcast_in_dim3A_506 : vector<16xi1>, vector<16xi32>
        %swap3A_508 = arith.constant 1 : i32
        %swap3A_509 = arith.constant 1 : i32
        %swap3A_510 = arith.index_cast %swap3A_508 : i32 to index
        %swap3A_511 = arith.index_cast %swap3A_509 : i32 to index
        %swap3A_512 = arith.constant 96 : index
        %swap3A_513 = tpu.vector_load %arg9[%swap3A_510, %swap3A_511, %swap3A_512] {strides = array<i32>} : memref<2x4x128xi32, #tpu.memory_space<vmem>>, vector<1x1x16xi32>,
        %swap3A_514 = vector.shape_cast %swap3A_513 : vector<1x1x16xi32> to vector<16xi32>
        %swap3A_515 = vector.shape_cast %select_n3A_507 : vector<16xi32> to vector<1x1x16xi32>
        tpu.vector_store %arg9[%swap3A_510, %swap3A_511, %swap3A_512], %swap3A_515 {strides = array<i32>} : memref<2x4x128xi32, #tpu.memory_space<vmem>>, vector<1x1x16xi32>,
        %get3A_516 = arith.constant 1 : i32
        %get3A_517 = arith.constant 1 : i32
        %get3A_518 = arith.index_cast %get3A_516 : i32 to index
        %get3A_519 = arith.index_cast %get3A_517 : i32 to index
        %get3A_520 = arith.constant 112 : index
        %get3A_521 = tpu.vector_load %arg9[%get3A_518, %get3A_519, %get3A_520] {strides = array<i32>} : memref<2x4x128xi32, #tpu.memory_space<vmem>>, vector<1x1x16xi32>,
        %get3A_522 = vector.shape_cast %get3A_521 : vector<1x1x16xi32> to vector<16xi32>
        %sub3A_523 = vector.broadcast %mul3A_2 : i32 to vector<16xi32>
        %sub3A_524 = arith.subi %get3A_522, %sub3A_523 : vector<16xi32>
        %ge3A_525 = arith.constant 0 : i32
        %ge3A_526 = vector.broadcast %ge3A_525 : i32 to vector<16xi32>
        %ge3A_527 = arith.cmpi sge, %sub3A_524, %ge3A_526 : vector<16xi32>
        %lt3A_528 = arith.constant 25000 : i32
        %lt3A_529 = vector.broadcast %lt3A_528 : i32 to vector<16xi32>
        %lt3A_530 = arith.cmpi slt, %sub3A_524, %lt3A_529 : vector<16xi32>
        %and3A_531 = arith.andi %ge3A_527, %lt3A_530 : vector<16xi1>
        %broadcast_in_dim3A_532 = vector.broadcast %add3A_4 : i32 to vector<16xi32>
        %select_n3A_533 = arith.select %and3A_531, %sub3A_524, %broadcast_in_dim3A_532 : vector<16xi1>, vector<16xi32>
        %swap3A_534 = arith.constant 1 : i32
        %swap3A_535 = arith.constant 1 : i32
        %swap3A_536 = arith.index_cast %swap3A_534 : i32 to index
        %swap3A_537 = arith.index_cast %swap3A_535 : i32 to index
        %swap3A_538 = arith.constant 112 : index
        %swap3A_539 = tpu.vector_load %arg9[%swap3A_536, %swap3A_537, %swap3A_538] {strides = array<i32>} : memref<2x4x128xi32, #tpu.memory_space<vmem>>, vector<1x1x16xi32>,
        %swap3A_540 = vector.shape_cast %swap3A_539 : vector<1x1x16xi32> to vector<16xi32>
        %swap3A_541 = vector.shape_cast %select_n3A_533 : vector<16xi32> to vector<1x1x16xi32>
        tpu.vector_store %arg9[%swap3A_536, %swap3A_537, %swap3A_538], %swap3A_541 {strides = array<i32>} : memref<2x4x128xi32, #tpu.memory_space<vmem>>, vector<1x1x16xi32>,
        %get3A_542 = arith.constant 1 : i32
        %get3A_543 = arith.constant 2 : i32
        %get3A_544 = arith.index_cast %get3A_542 : i32 to index
        %get3A_545 = arith.index_cast %get3A_543 : i32 to index
        %get3A_546 = arith.constant 0 : index
        %get3A_547 = tpu.vector_load %arg9[%get3A_544, %get3A_545, %get3A_546] {strides = array<i32>} : memref<2x4x128xi32, #tpu.memory_space<vmem>>, vector<1x1x16xi32>,
        %get3A_548 = vector.shape_cast %get3A_547 : vector<1x1x16xi32> to vector<16xi32>
        %sub3A_549 = vector.broadcast %mul3A_2 : i32 to vector<16xi32>
        %sub3A_550 = arith.subi %get3A_548, %sub3A_549 : vector<16xi32>
        %ge3A_551 = arith.constant 0 : i32
        %ge3A_552 = vector.broadcast %ge3A_551 : i32 to vector<16xi32>
        %ge3A_553 = arith.cmpi sge, %sub3A_550, %ge3A_552 : vector<16xi32>
        %lt3A_554 = arith.constant 25000 : i32
        %lt3A_555 = vector.broadcast %lt3A_554 : i32 to vector<16xi32>
        %lt3A_556 = arith.cmpi slt, %sub3A_550, %lt3A_555 : vector<16xi32>
        %and3A_557 = arith.andi %ge3A_553, %lt3A_556 : vector<16xi1>
        %broadcast_in_dim3A_558 = vector.broadcast %add3A_4 : i32 to vector<16xi32>
        %select_n3A_559 = arith.select %and3A_557, %sub3A_550, %broadcast_in_dim3A_558 : vector<16xi1>, vector<16xi32>
        %swap3A_560 = arith.constant 1 : i32
        %swap3A_561 = arith.constant 2 : i32
        %swap3A_562 = arith.index_cast %swap3A_560 : i32 to index
        %swap3A_563 = arith.index_cast %swap3A_561 : i32 to index
        %swap3A_564 = arith.constant 0 : index
        %swap3A_565 = tpu.vector_load %arg9[%swap3A_562, %swap3A_563, %swap3A_564] {strides = array<i32>} : memref<2x4x128xi32, #tpu.memory_space<vmem>>, vector<1x1x16xi32>,
        %swap3A_566 = vector.shape_cast %swap3A_565 : vector<1x1x16xi32> to vector<16xi32>
        %swap3A_567 = vector.shape_cast %select_n3A_559 : vector<16xi32> to vector<1x1x16xi32>
        tpu.vector_store %arg9[%swap3A_562, %swap3A_563, %swap3A_564], %swap3A_567 {strides = array<i32>} : memref<2x4x128xi32, #tpu.memory_space<vmem>>, vector<1x1x16xi32>,
        %get3A_568 = arith.constant 1 : i32
        %get3A_569 = arith.constant 2 : i32
        %get3A_570 = arith.index_cast %get3A_568 : i32 to index
        %get3A_571 = arith.index_cast %get3A_569 : i32 to index
        %get3A_572 = arith.constant 16 : index
        %get3A_573 = tpu.vector_load %arg9[%get3A_570, %get3A_571, %get3A_572] {strides = array<i32>} : memref<2x4x128xi32, #tpu.memory_space<vmem>>, vector<1x1x16xi32>,
        %get3A_574 = vector.shape_cast %get3A_573 : vector<1x1x16xi32> to vector<16xi32>
        %sub3A_575 = vector.broadcast %mul3A_2 : i32 to vector<16xi32>
        %sub3A_576 = arith.subi %get3A_574, %sub3A_575 : vector<16xi32>
        %ge3A_577 = arith.constant 0 : i32
        %ge3A_578 = vector.broadcast %ge3A_577 : i32 to vector<16xi32>
        %ge3A_579 = arith.cmpi sge, %sub3A_576, %ge3A_578 : vector<16xi32>
        %lt3A_580 = arith.constant 25000 : i32
        %lt3A_581 = vector.broadcast %lt3A_580 : i32 to vector<16xi32>
        %lt3A_582 = arith.cmpi slt, %sub3A_576, %lt3A_581 : vector<16xi32>
        %and3A_583 = arith.andi %ge3A_579, %lt3A_582 : vector<16xi1>
        %broadcast_in_dim3A_584 = vector.broadcast %add3A_4 : i32 to vector<16xi32>
        %select_n3A_585 = arith.select %and3A_583, %sub3A_576, %broadcast_in_dim3A_584 : vector<16xi1>, vector<16xi32>
        %swap3A_586 = arith.constant 1 : i32
        %swap3A_587 = arith.constant 2 : i32
        %swap3A_588 = arith.index_cast %swap3A_586 : i32 to index
        %swap3A_589 = arith.index_cast %swap3A_587 : i32 to index
        %swap3A_590 = arith.constant 16 : index
        %swap3A_591 = tpu.vector_load %arg9[%swap3A_588, %swap3A_589, %swap3A_590] {strides = array<i32>} : memref<2x4x128xi32, #tpu.memory_space<vmem>>, vector<1x1x16xi32>,
        %swap3A_592 = vector.shape_cast %swap3A_591 : vector<1x1x16xi32> to vector<16xi32>
        %swap3A_593 = vector.shape_cast %select_n3A_585 : vector<16xi32> to vector<1x1x16xi32>
        tpu.vector_store %arg9[%swap3A_588, %swap3A_589, %swap3A_590], %swap3A_593 {strides = array<i32>} : memref<2x4x128xi32, #tpu.memory_space<vmem>>, vector<1x1x16xi32>,
        %get3A_594 = arith.constant 1 : i32
        %get3A_595 = arith.constant 2 : i32
        %get3A_596 = arith.index_cast %get3A_594 : i32 to index
        %get3A_597 = arith.index_cast %get3A_595 : i32 to index
        %get3A_598 = arith.constant 32 : index
        %get3A_599 = tpu.vector_load %arg9[%get3A_596, %get3A_597, %get3A_598] {strides = array<i32>} : memref<2x4x128xi32, #tpu.memory_space<vmem>>, vector<1x1x16xi32>,
        %get3A_600 = vector.shape_cast %get3A_599 : vector<1x1x16xi32> to vector<16xi32>
        %sub3A_601 = vector.broadcast %mul3A_2 : i32 to vector<16xi32>
        %sub3A_602 = arith.subi %get3A_600, %sub3A_601 : vector<16xi32>
        %ge3A_603 = arith.constant 0 : i32
        %ge3A_604 = vector.broadcast %ge3A_603 : i32 to vector<16xi32>
        %ge3A_605 = arith.cmpi sge, %sub3A_602, %ge3A_604 : vector<16xi32>
        %lt3A_606 = arith.constant 25000 : i32
        %lt3A_607 = vector.broadcast %lt3A_606 : i32 to vector<16xi32>
        %lt3A_608 = arith.cmpi slt, %sub3A_602, %lt3A_607 : vector<16xi32>
        %and3A_609 = arith.andi %ge3A_605, %lt3A_608 : vector<16xi1>
        %broadcast_in_dim3A_610 = vector.broadcast %add3A_4 : i32 to vector<16xi32>
        %select_n3A_611 = arith.select %and3A_609, %sub3A_602, %broadcast_in_dim3A_610 : vector<16xi1>, vector<16xi32>
        %swap3A_612 = arith.constant 1 : i32
        %swap3A_613 = arith.constant 2 : i32
        %swap3A_614 = arith.index_cast %swap3A_612 : i32 to index
        %swap3A_615 = arith.index_cast %swap3A_613 : i32 to index
        %swap3A_616 = arith.constant 32 : index
        %swap3A_617 = tpu.vector_load %arg9[%swap3A_614, %swap3A_615, %swap3A_616] {strides = array<i32>} : memref<2x4x128xi32, #tpu.memory_space<vmem>>, vector<1x1x16xi32>,
        %swap3A_618 = vector.shape_cast %swap3A_617 : vector<1x1x16xi32> to vector<16xi32>
        %swap3A_619 = vector.shape_cast %select_n3A_611 : vector<16xi32> to vector<1x1x16xi32>
        tpu.vector_store %arg9[%swap3A_614, %swap3A_615, %swap3A_616], %swap3A_619 {strides = array<i32>} : memref<2x4x128xi32, #tpu.memory_space<vmem>>, vector<1x1x16xi32>,
        %get3A_620 = arith.constant 1 : i32
        %get3A_621 = arith.constant 2 : i32
        %get3A_622 = arith.index_cast %get3A_620 : i32 to index
        %get3A_623 = arith.index_cast %get3A_621 : i32 to index
        %get3A_624 = arith.constant 48 : index
        %get3A_625 = tpu.vector_load %arg9[%get3A_622, %get3A_623, %get3A_624] {strides = array<i32>} : memref<2x4x128xi32, #tpu.memory_space<vmem>>, vector<1x1x16xi32>,
        %get3A_626 = vector.shape_cast %get3A_625 : vector<1x1x16xi32> to vector<16xi32>
        %sub3A_627 = vector.broadcast %mul3A_2 : i32 to vector<16xi32>
        %sub3A_628 = arith.subi %get3A_626, %sub3A_627 : vector<16xi32>
        %ge3A_629 = arith.constant 0 : i32
        %ge3A_630 = vector.broadcast %ge3A_629 : i32 to vector<16xi32>
        %ge3A_631 = arith.cmpi sge, %sub3A_628, %ge3A_630 : vector<16xi32>
        %lt3A_632 = arith.constant 25000 : i32
        %lt3A_633 = vector.broadcast %lt3A_632 : i32 to vector<16xi32>
        %lt3A_634 = arith.cmpi slt, %sub3A_628, %lt3A_633 : vector<16xi32>
        %and3A_635 = arith.andi %ge3A_631, %lt3A_634 : vector<16xi1>
        %broadcast_in_dim3A_636 = vector.broadcast %add3A_4 : i32 to vector<16xi32>
        %select_n3A_637 = arith.select %and3A_635, %sub3A_628, %broadcast_in_dim3A_636 : vector<16xi1>, vector<16xi32>
        %swap3A_638 = arith.constant 1 : i32
        %swap3A_639 = arith.constant 2 : i32
        %swap3A_640 = arith.index_cast %swap3A_638 : i32 to index
        %swap3A_641 = arith.index_cast %swap3A_639 : i32 to index
        %swap3A_642 = arith.constant 48 : index
        %swap3A_643 = tpu.vector_load %arg9[%swap3A_640, %swap3A_641, %swap3A_642] {strides = array<i32>} : memref<2x4x128xi32, #tpu.memory_space<vmem>>, vector<1x1x16xi32>,
        %swap3A_644 = vector.shape_cast %swap3A_643 : vector<1x1x16xi32> to vector<16xi32>
        %swap3A_645 = vector.shape_cast %select_n3A_637 : vector<16xi32> to vector<1x1x16xi32>
        tpu.vector_store %arg9[%swap3A_640, %swap3A_641, %swap3A_642], %swap3A_645 {strides = array<i32>} : memref<2x4x128xi32, #tpu.memory_space<vmem>>, vector<1x1x16xi32>,
        %get3A_646 = arith.constant 1 : i32
        %get3A_647 = arith.constant 2 : i32
        %get3A_648 = arith.index_cast %get3A_646 : i32 to index
        %get3A_649 = arith.index_cast %get3A_647 : i32 to index
        %get3A_650 = arith.constant 64 : index
        %get3A_651 = tpu.vector_load %arg9[%get3A_648, %get3A_649, %get3A_650] {strides = array<i32>} : memref<2x4x128xi32, #tpu.memory_space<vmem>>, vector<1x1x16xi32>,
        %get3A_652 = vector.shape_cast %get3A_651 : vector<1x1x16xi32> to vector<16xi32>
        %sub3A_653 = vector.broadcast %mul3A_2 : i32 to vector<16xi32>
        %sub3A_654 = arith.subi %get3A_652, %sub3A_653 : vector<16xi32>
        %ge3A_655 = arith.constant 0 : i32
        %ge3A_656 = vector.broadcast %ge3A_655 : i32 to vector<16xi32>
        %ge3A_657 = arith.cmpi sge, %sub3A_654, %ge3A_656 : vector<16xi32>
        %lt3A_658 = arith.constant 25000 : i32
        %lt3A_659 = vector.broadcast %lt3A_658 : i32 to vector<16xi32>
        %lt3A_660 = arith.cmpi slt, %sub3A_654, %lt3A_659 : vector<16xi32>
        %and3A_661 = arith.andi %ge3A_657, %lt3A_660 : vector<16xi1>
        %broadcast_in_dim3A_662 = vector.broadcast %add3A_4 : i32 to vector<16xi32>
        %select_n3A_663 = arith.select %and3A_661, %sub3A_654, %broadcast_in_dim3A_662 : vector<16xi1>, vector<16xi32>
        %swap3A_664 = arith.constant 1 : i32
        %swap3A_665 = arith.constant 2 : i32
        %swap3A_666 = arith.index_cast %swap3A_664 : i32 to index
        %swap3A_667 = arith.index_cast %swap3A_665 : i32 to index
        %swap3A_668 = arith.constant 64 : index
        %swap3A_669 = tpu.vector_load %arg9[%swap3A_666, %swap3A_667, %swap3A_668] {strides = array<i32>} : memref<2x4x128xi32, #tpu.memory_space<vmem>>, vector<1x1x16xi32>,
        %swap3A_670 = vector.shape_cast %swap3A_669 : vector<1x1x16xi32> to vector<16xi32>
        %swap3A_671 = vector.shape_cast %select_n3A_663 : vector<16xi32> to vector<1x1x16xi32>
        tpu.vector_store %arg9[%swap3A_666, %swap3A_667, %swap3A_668], %swap3A_671 {strides = array<i32>} : memref<2x4x128xi32, #tpu.memory_space<vmem>>, vector<1x1x16xi32>,
        %get3A_672 = arith.constant 1 : i32
        %get3A_673 = arith.constant 2 : i32
        %get3A_674 = arith.index_cast %get3A_672 : i32 to index
        %get3A_675 = arith.index_cast %get3A_673 : i32 to index
        %get3A_676 = arith.constant 80 : index
        %get3A_677 = tpu.vector_load %arg9[%get3A_674, %get3A_675, %get3A_676] {strides = array<i32>} : memref<2x4x128xi32, #tpu.memory_space<vmem>>, vector<1x1x16xi32>,
        %get3A_678 = vector.shape_cast %get3A_677 : vector<1x1x16xi32> to vector<16xi32>
        %sub3A_679 = vector.broadcast %mul3A_2 : i32 to vector<16xi32>
        %sub3A_680 = arith.subi %get3A_678, %sub3A_679 : vector<16xi32>
        %ge3A_681 = arith.constant 0 : i32
        %ge3A_682 = vector.broadcast %ge3A_681 : i32 to vector<16xi32>
        %ge3A_683 = arith.cmpi sge, %sub3A_680, %ge3A_682 : vector<16xi32>
        %lt3A_684 = arith.constant 25000 : i32
        %lt3A_685 = vector.broadcast %lt3A_684 : i32 to vector<16xi32>
        %lt3A_686 = arith.cmpi slt, %sub3A_680, %lt3A_685 : vector<16xi32>
        %and3A_687 = arith.andi %ge3A_683, %lt3A_686 : vector<16xi1>
        %broadcast_in_dim3A_688 = vector.broadcast %add3A_4 : i32 to vector<16xi32>
        %select_n3A_689 = arith.select %and3A_687, %sub3A_680, %broadcast_in_dim3A_688 : vector<16xi1>, vector<16xi32>
        %swap3A_690 = arith.constant 1 : i32
        %swap3A_691 = arith.constant 2 : i32
        %swap3A_692 = arith.index_cast %swap3A_690 : i32 to index
        %swap3A_693 = arith.index_cast %swap3A_691 : i32 to index
        %swap3A_694 = arith.constant 80 : index
        %swap3A_695 = tpu.vector_load %arg9[%swap3A_692, %swap3A_693, %swap3A_694] {strides = array<i32>} : memref<2x4x128xi32, #tpu.memory_space<vmem>>, vector<1x1x16xi32>,
        %swap3A_696 = vector.shape_cast %swap3A_695 : vector<1x1x16xi32> to vector<16xi32>
        %swap3A_697 = vector.shape_cast %select_n3A_689 : vector<16xi32> to vector<1x1x16xi32>
        tpu.vector_store %arg9[%swap3A_692, %swap3A_693, %swap3A_694], %swap3A_697 {strides = array<i32>} : memref<2x4x128xi32, #tpu.memory_space<vmem>>, vector<1x1x16xi32>,
        %get3A_698 = arith.constant 1 : i32
        %get3A_699 = arith.constant 2 : i32
        %get3A_700 = arith.index_cast %get3A_698 : i32 to index
        %get3A_701 = arith.index_cast %get3A_699 : i32 to index
        %get3A_702 = arith.constant 96 : index
        %get3A_703 = tpu.vector_load %arg9[%get3A_700, %get3A_701, %get3A_702] {strides = array<i32>} : memref<2x4x128xi32, #tpu.memory_space<vmem>>, vector<1x1x16xi32>,
        %get3A_704 = vector.shape_cast %get3A_703 : vector<1x1x16xi32> to vector<16xi32>
        %sub3A_705 = vector.broadcast %mul3A_2 : i32 to vector<16xi32>
        %sub3A_706 = arith.subi %get3A_704, %sub3A_705 : vector<16xi32>
        %ge3A_707 = arith.constant 0 : i32
        %ge3A_708 = vector.broadcast %ge3A_707 : i32 to vector<16xi32>
        %ge3A_709 = arith.cmpi sge, %sub3A_706, %ge3A_708 : vector<16xi32>
        %lt3A_710 = arith.constant 25000 : i32
        %lt3A_711 = vector.broadcast %lt3A_710 : i32 to vector<16xi32>
        %lt3A_712 = arith.cmpi slt, %sub3A_706, %lt3A_711 : vector<16xi32>
        %and3A_713 = arith.andi %ge3A_709, %lt3A_712 : vector<16xi1>
        %broadcast_in_dim3A_714 = vector.broadcast %add3A_4 : i32 to vector<16xi32>
        %select_n3A_715 = arith.select %and3A_713, %sub3A_706, %broadcast_in_dim3A_714 : vector<16xi1>, vector<16xi32>
        %swap3A_716 = arith.constant 1 : i32
        %swap3A_717 = arith.constant 2 : i32
        %swap3A_718 = arith.index_cast %swap3A_716 : i32 to index
        %swap3A_719 = arith.index_cast %swap3A_717 : i32 to index
        %swap3A_720 = arith.constant 96 : index
        %swap3A_721 = tpu.vector_load %arg9[%swap3A_718, %swap3A_719, %swap3A_720] {strides = array<i32>} : memref<2x4x128xi32, #tpu.memory_space<vmem>>, vector<1x1x16xi32>,
        %swap3A_722 = vector.shape_cast %swap3A_721 : vector<1x1x16xi32> to vector<16xi32>
        %swap3A_723 = vector.shape_cast %select_n3A_715 : vector<16xi32> to vector<1x1x16xi32>
        tpu.vector_store %arg9[%swap3A_718, %swap3A_719, %swap3A_720], %swap3A_723 {strides = array<i32>} : memref<2x4x128xi32, #tpu.memory_space<vmem>>, vector<1x1x16xi32>,
        %get3A_724 = arith.constant 1 : i32
        %get3A_725 = arith.constant 2 : i32
        %get3A_726 = arith.index_cast %get3A_724 : i32 to index
        %get3A_727 = arith.index_cast %get3A_725 : i32 to index
        %get3A_728 = arith.constant 112 : index
        %get3A_729 = tpu.vector_load %arg9[%get3A_726, %get3A_727, %get3A_728] {strides = array<i32>} : memref<2x4x128xi32, #tpu.memory_space<vmem>>, vector<1x1x16xi32>,
        %get3A_730 = vector.shape_cast %get3A_729 : vector<1x1x16xi32> to vector<16xi32>
        %sub3A_731 = vector.broadcast %mul3A_2 : i32 to vector<16xi32>
        %sub3A_732 = arith.subi %get3A_730, %sub3A_731 : vector<16xi32>
        %ge3A_733 = arith.constant 0 : i32
        %ge3A_734 = vector.broadcast %ge3A_733 : i32 to vector<16xi32>
        %ge3A_735 = arith.cmpi sge, %sub3A_732, %ge3A_734 : vector<16xi32>
        %lt3A_736 = arith.constant 25000 : i32
        %lt3A_737 = vector.broadcast %lt3A_736 : i32 to vector<16xi32>
        %lt3A_738 = arith.cmpi slt, %sub3A_732, %lt3A_737 : vector<16xi32>
        %and3A_739 = arith.andi %ge3A_735, %lt3A_738 : vector<16xi1>
        %broadcast_in_dim3A_740 = vector.broadcast %add3A_4 : i32 to vector<16xi32>
        %select_n3A_741 = arith.select %and3A_739, %sub3A_732, %broadcast_in_dim3A_740 : vector<16xi1>, vector<16xi32>
        %swap3A_742 = arith.constant 1 : i32
        %swap3A_743 = arith.constant 2 : i32
        %swap3A_744 = arith.index_cast %swap3A_742 : i32 to index
        %swap3A_745 = arith.index_cast %swap3A_743 : i32 to index
        %swap3A_746 = arith.constant 112 : index
        %swap3A_747 = tpu.vector_load %arg9[%swap3A_744, %swap3A_745, %swap3A_746] {strides = array<i32>} : memref<2x4x128xi32, #tpu.memory_space<vmem>>, vector<1x1x16xi32>,
        %swap3A_748 = vector.shape_cast %swap3A_747 : vector<1x1x16xi32> to vector<16xi32>
        %swap3A_749 = vector.shape_cast %select_n3A_741 : vector<16xi32> to vector<1x1x16xi32>
        tpu.vector_store %arg9[%swap3A_744, %swap3A_745, %swap3A_746], %swap3A_749 {strides = array<i32>} : memref<2x4x128xi32, #tpu.memory_space<vmem>>, vector<1x1x16xi32>,
        %get3A_750 = arith.constant 1 : i32
        %get3A_751 = arith.constant 3 : i32
        %get3A_752 = arith.index_cast %get3A_750 : i32 to index
        %get3A_753 = arith.index_cast %get3A_751 : i32 to index
        %get3A_754 = arith.constant 0 : index
        %get3A_755 = tpu.vector_load %arg9[%get3A_752, %get3A_753, %get3A_754] {strides = array<i32>} : memref<2x4x128xi32, #tpu.memory_space<vmem>>, vector<1x1x16xi32>,
        %get3A_756 = vector.shape_cast %get3A_755 : vector<1x1x16xi32> to vector<16xi32>
        %sub3A_757 = vector.broadcast %mul3A_2 : i32 to vector<16xi32>
        %sub3A_758 = arith.subi %get3A_756, %sub3A_757 : vector<16xi32>
        %ge3A_759 = arith.constant 0 : i32
        %ge3A_760 = vector.broadcast %ge3A_759 : i32 to vector<16xi32>
        %ge3A_761 = arith.cmpi sge, %sub3A_758, %ge3A_760 : vector<16xi32>
        %lt3A_762 = arith.constant 25000 : i32
        %lt3A_763 = vector.broadcast %lt3A_762 : i32 to vector<16xi32>
        %lt3A_764 = arith.cmpi slt, %sub3A_758, %lt3A_763 : vector<16xi32>
        %and3A_765 = arith.andi %ge3A_761, %lt3A_764 : vector<16xi1>
        %broadcast_in_dim3A_766 = vector.broadcast %add3A_4 : i32 to vector<16xi32>
        %select_n3A_767 = arith.select %and3A_765, %sub3A_758, %broadcast_in_dim3A_766 : vector<16xi1>, vector<16xi32>
        %swap3A_768 = arith.constant 1 : i32
        %swap3A_769 = arith.constant 3 : i32
        %swap3A_770 = arith.index_cast %swap3A_768 : i32 to index
        %swap3A_771 = arith.index_cast %swap3A_769 : i32 to index
        %swap3A_772 = arith.constant 0 : index
        %swap3A_773 = tpu.vector_load %arg9[%swap3A_770, %swap3A_771, %swap3A_772] {strides = array<i32>} : memref<2x4x128xi32, #tpu.memory_space<vmem>>, vector<1x1x16xi32>,
        %swap3A_774 = vector.shape_cast %swap3A_773 : vector<1x1x16xi32> to vector<16xi32>
        %swap3A_775 = vector.shape_cast %select_n3A_767 : vector<16xi32> to vector<1x1x16xi32>
        tpu.vector_store %arg9[%swap3A_770, %swap3A_771, %swap3A_772], %swap3A_775 {strides = array<i32>} : memref<2x4x128xi32, #tpu.memory_space<vmem>>, vector<1x1x16xi32>,
        %get3A_776 = arith.constant 1 : i32
        %get3A_777 = arith.constant 3 : i32
        %get3A_778 = arith.index_cast %get3A_776 : i32 to index
        %get3A_779 = arith.index_cast %get3A_777 : i32 to index
        %get3A_780 = arith.constant 16 : index
        %get3A_781 = tpu.vector_load %arg9[%get3A_778, %get3A_779, %get3A_780] {strides = array<i32>} : memref<2x4x128xi32, #tpu.memory_space<vmem>>, vector<1x1x16xi32>,
        %get3A_782 = vector.shape_cast %get3A_781 : vector<1x1x16xi32> to vector<16xi32>
        %sub3A_783 = vector.broadcast %mul3A_2 : i32 to vector<16xi32>
        %sub3A_784 = arith.subi %get3A_782, %sub3A_783 : vector<16xi32>
        %ge3A_785 = arith.constant 0 : i32
        %ge3A_786 = vector.broadcast %ge3A_785 : i32 to vector<16xi32>
        %ge3A_787 = arith.cmpi sge, %sub3A_784, %ge3A_786 : vector<16xi32>
        %lt3A_788 = arith.constant 25000 : i32
        %lt3A_789 = vector.broadcast %lt3A_788 : i32 to vector<16xi32>
        %lt3A_790 = arith.cmpi slt, %sub3A_784, %lt3A_789 : vector<16xi32>
        %and3A_791 = arith.andi %ge3A_787, %lt3A_790 : vector<16xi1>
        %broadcast_in_dim3A_792 = vector.broadcast %add3A_4 : i32 to vector<16xi32>
        %select_n3A_793 = arith.select %and3A_791, %sub3A_784, %broadcast_in_dim3A_792 : vector<16xi1>, vector<16xi32>
        %swap3A_794 = arith.constant 1 : i32
        %swap3A_795 = arith.constant 3 : i32
        %swap3A_796 = arith.index_cast %swap3A_794 : i32 to index
        %swap3A_797 = arith.index_cast %swap3A_795 : i32 to index
        %swap3A_798 = arith.constant 16 : index
        %swap3A_799 = tpu.vector_load %arg9[%swap3A_796, %swap3A_797, %swap3A_798] {strides = array<i32>} : memref<2x4x128xi32, #tpu.memory_space<vmem>>, vector<1x1x16xi32>,
        %swap3A_800 = vector.shape_cast %swap3A_799 : vector<1x1x16xi32> to vector<16xi32>
        %swap3A_801 = vector.shape_cast %select_n3A_793 : vector<16xi32> to vector<1x1x16xi32>
        tpu.vector_store %arg9[%swap3A_796, %swap3A_797, %swap3A_798], %swap3A_801 {strides = array<i32>} : memref<2x4x128xi32, #tpu.memory_space<vmem>>, vector<1x1x16xi32>,
        %get3A_802 = arith.constant 1 : i32
        %get3A_803 = arith.constant 3 : i32
        %get3A_804 = arith.index_cast %get3A_802 : i32 to index
        %get3A_805 = arith.index_cast %get3A_803 : i32 to index
        %get3A_806 = arith.constant 32 : index
        %get3A_807 = tpu.vector_load %arg9[%get3A_804, %get3A_805, %get3A_806] {strides = array<i32>} : memref<2x4x128xi32, #tpu.memory_space<vmem>>, vector<1x1x16xi32>,
        %get3A_808 = vector.shape_cast %get3A_807 : vector<1x1x16xi32> to vector<16xi32>
        %sub3A_809 = vector.broadcast %mul3A_2 : i32 to vector<16xi32>
        %sub3A_810 = arith.subi %get3A_808, %sub3A_809 : vector<16xi32>
        %ge3A_811 = arith.constant 0 : i32
        %ge3A_812 = vector.broadcast %ge3A_811 : i32 to vector<16xi32>
        %ge3A_813 = arith.cmpi sge, %sub3A_810, %ge3A_812 : vector<16xi32>
        %lt3A_814 = arith.constant 25000 : i32
        %lt3A_815 = vector.broadcast %lt3A_814 : i32 to vector<16xi32>
        %lt3A_816 = arith.cmpi slt, %sub3A_810, %lt3A_815 : vector<16xi32>
        %and3A_817 = arith.andi %ge3A_813, %lt3A_816 : vector<16xi1>
        %broadcast_in_dim3A_818 = vector.broadcast %add3A_4 : i32 to vector<16xi32>
        %select_n3A_819 = arith.select %and3A_817, %sub3A_810, %broadcast_in_dim3A_818 : vector<16xi1>, vector<16xi32>
        %swap3A_820 = arith.constant 1 : i32
        %swap3A_821 = arith.constant 3 : i32
        %swap3A_822 = arith.index_cast %swap3A_820 : i32 to index
        %swap3A_823 = arith.index_cast %swap3A_821 : i32 to index
        %swap3A_824 = arith.constant 32 : index
        %swap3A_825 = tpu.vector_load %arg9[%swap3A_822, %swap3A_823, %swap3A_824] {strides = array<i32>} : memref<2x4x128xi32, #tpu.memory_space<vmem>>, vector<1x1x16xi32>,
        %swap3A_826 = vector.shape_cast %swap3A_825 : vector<1x1x16xi32> to vector<16xi32>
        %swap3A_827 = vector.shape_cast %select_n3A_819 : vector<16xi32> to vector<1x1x16xi32>
        tpu.vector_store %arg9[%swap3A_822, %swap3A_823, %swap3A_824], %swap3A_827 {strides = array<i32>} : memref<2x4x128xi32, #tpu.memory_space<vmem>>, vector<1x1x16xi32>,
        %get3A_828 = arith.constant 1 : i32
        %get3A_829 = arith.constant 3 : i32
        %get3A_830 = arith.index_cast %get3A_828 : i32 to index
        %get3A_831 = arith.index_cast %get3A_829 : i32 to index
        %get3A_832 = arith.constant 48 : index
        %get3A_833 = tpu.vector_load %arg9[%get3A_830, %get3A_831, %get3A_832] {strides = array<i32>} : memref<2x4x128xi32, #tpu.memory_space<vmem>>, vector<1x1x16xi32>,
        %get3A_834 = vector.shape_cast %get3A_833 : vector<1x1x16xi32> to vector<16xi32>
        %sub3A_835 = vector.broadcast %mul3A_2 : i32 to vector<16xi32>
        %sub3A_836 = arith.subi %get3A_834, %sub3A_835 : vector<16xi32>
        %ge3A_837 = arith.constant 0 : i32
        %ge3A_838 = vector.broadcast %ge3A_837 : i32 to vector<16xi32>
        %ge3A_839 = arith.cmpi sge, %sub3A_836, %ge3A_838 : vector<16xi32>
        %lt3A_840 = arith.constant 25000 : i32
        %lt3A_841 = vector.broadcast %lt3A_840 : i32 to vector<16xi32>
        %lt3A_842 = arith.cmpi slt, %sub3A_836, %lt3A_841 : vector<16xi32>
        %and3A_843 = arith.andi %ge3A_839, %lt3A_842 : vector<16xi1>
        %broadcast_in_dim3A_844 = vector.broadcast %add3A_4 : i32 to vector<16xi32>
        %select_n3A_845 = arith.select %and3A_843, %sub3A_836, %broadcast_in_dim3A_844 : vector<16xi1>, vector<16xi32>
        %swap3A_846 = arith.constant 1 : i32
        %swap3A_847 = arith.constant 3 : i32
        %swap3A_848 = arith.index_cast %swap3A_846 : i32 to index
        %swap3A_849 = arith.index_cast %swap3A_847 : i32 to index
        %swap3A_850 = arith.constant 48 : index
        %swap3A_851 = tpu.vector_load %arg9[%swap3A_848, %swap3A_849, %swap3A_850] {strides = array<i32>} : memref<2x4x128xi32, #tpu.memory_space<vmem>>, vector<1x1x16xi32>,
        %swap3A_852 = vector.shape_cast %swap3A_851 : vector<1x1x16xi32> to vector<16xi32>
        %swap3A_853 = vector.shape_cast %select_n3A_845 : vector<16xi32> to vector<1x1x16xi32>
        tpu.vector_store %arg9[%swap3A_848, %swap3A_849, %swap3A_850], %swap3A_853 {strides = array<i32>} : memref<2x4x128xi32, #tpu.memory_space<vmem>>, vector<1x1x16xi32>,
        %get3A_854 = arith.constant 1 : i32
        %get3A_855 = arith.constant 3 : i32
        %get3A_856 = arith.index_cast %get3A_854 : i32 to index
        %get3A_857 = arith.index_cast %get3A_855 : i32 to index
        %get3A_858 = arith.constant 64 : index
        %get3A_859 = tpu.vector_load %arg9[%get3A_856, %get3A_857, %get3A_858] {strides = array<i32>} : memref<2x4x128xi32, #tpu.memory_space<vmem>>, vector<1x1x16xi32>,
        %get3A_860 = vector.shape_cast %get3A_859 : vector<1x1x16xi32> to vector<16xi32>
        %sub3A_861 = vector.broadcast %mul3A_2 : i32 to vector<16xi32>
        %sub3A_862 = arith.subi %get3A_860, %sub3A_861 : vector<16xi32>
        %ge3A_863 = arith.constant 0 : i32
        %ge3A_864 = vector.broadcast %ge3A_863 : i32 to vector<16xi32>
        %ge3A_865 = arith.cmpi sge, %sub3A_862, %ge3A_864 : vector<16xi32>
        %lt3A_866 = arith.constant 25000 : i32
        %lt3A_867 = vector.broadcast %lt3A_866 : i32 to vector<16xi32>
        %lt3A_868 = arith.cmpi slt, %sub3A_862, %lt3A_867 : vector<16xi32>
        %and3A_869 = arith.andi %ge3A_865, %lt3A_868 : vector<16xi1>
        %broadcast_in_dim3A_870 = vector.broadcast %add3A_4 : i32 to vector<16xi32>
        %select_n3A_871 = arith.select %and3A_869, %sub3A_862, %broadcast_in_dim3A_870 : vector<16xi1>, vector<16xi32>
        %swap3A_872 = arith.constant 1 : i32
        %swap3A_873 = arith.constant 3 : i32
        %swap3A_874 = arith.index_cast %swap3A_872 : i32 to index
        %swap3A_875 = arith.index_cast %swap3A_873 : i32 to index
        %swap3A_876 = arith.constant 64 : index
        %swap3A_877 = tpu.vector_load %arg9[%swap3A_874, %swap3A_875, %swap3A_876] {strides = array<i32>} : memref<2x4x128xi32, #tpu.memory_space<vmem>>, vector<1x1x16xi32>,
        %swap3A_878 = vector.shape_cast %swap3A_877 : vector<1x1x16xi32> to vector<16xi32>
        %swap3A_879 = vector.shape_cast %select_n3A_871 : vector<16xi32> to vector<1x1x16xi32>
        tpu.vector_store %arg9[%swap3A_874, %swap3A_875, %swap3A_876], %swap3A_879 {strides = array<i32>} : memref<2x4x128xi32, #tpu.memory_space<vmem>>, vector<1x1x16xi32>,
        %get3A_880 = arith.constant 1 : i32
        %get3A_881 = arith.constant 3 : i32
        %get3A_882 = arith.index_cast %get3A_880 : i32 to index
        %get3A_883 = arith.index_cast %get3A_881 : i32 to index
        %get3A_884 = arith.constant 80 : index
        %get3A_885 = tpu.vector_load %arg9[%get3A_882, %get3A_883, %get3A_884] {strides = array<i32>} : memref<2x4x128xi32, #tpu.memory_space<vmem>>, vector<1x1x16xi32>,
        %get3A_886 = vector.shape_cast %get3A_885 : vector<1x1x16xi32> to vector<16xi32>
        %sub3A_887 = vector.broadcast %mul3A_2 : i32 to vector<16xi32>
        %sub3A_888 = arith.subi %get3A_886, %sub3A_887 : vector<16xi32>
        %ge3A_889 = arith.constant 0 : i32
        %ge3A_890 = vector.broadcast %ge3A_889 : i32 to vector<16xi32>
        %ge3A_891 = arith.cmpi sge, %sub3A_888, %ge3A_890 : vector<16xi32>
        %lt3A_892 = arith.constant 25000 : i32
        %lt3A_893 = vector.broadcast %lt3A_892 : i32 to vector<16xi32>
        %lt3A_894 = arith.cmpi slt, %sub3A_888, %lt3A_893 : vector<16xi32>
        %and3A_895 = arith.andi %ge3A_891, %lt3A_894 : vector<16xi1>
        %broadcast_in_dim3A_896 = vector.broadcast %add3A_4 : i32 to vector<16xi32>
        %select_n3A_897 = arith.select %and3A_895, %sub3A_888, %broadcast_in_dim3A_896 : vector<16xi1>, vector<16xi32>
        %swap3A_898 = arith.constant 1 : i32
        %swap3A_899 = arith.constant 3 : i32
        %swap3A_900 = arith.index_cast %swap3A_898 : i32 to index
        %swap3A_901 = arith.index_cast %swap3A_899 : i32 to index
        %swap3A_902 = arith.constant 80 : index
        %swap3A_903 = tpu.vector_load %arg9[%swap3A_900, %swap3A_901, %swap3A_902] {strides = array<i32>} : memref<2x4x128xi32, #tpu.memory_space<vmem>>, vector<1x1x16xi32>,
        %swap3A_904 = vector.shape_cast %swap3A_903 : vector<1x1x16xi32> to vector<16xi32>
        %swap3A_905 = vector.shape_cast %select_n3A_897 : vector<16xi32> to vector<1x1x16xi32>
        tpu.vector_store %arg9[%swap3A_900, %swap3A_901, %swap3A_902], %swap3A_905 {strides = array<i32>} : memref<2x4x128xi32, #tpu.memory_space<vmem>>, vector<1x1x16xi32>,
        %get3A_906 = arith.constant 1 : i32
        %get3A_907 = arith.constant 3 : i32
        %get3A_908 = arith.index_cast %get3A_906 : i32 to index
        %get3A_909 = arith.index_cast %get3A_907 : i32 to index
        %get3A_910 = arith.constant 96 : index
        %get3A_911 = tpu.vector_load %arg9[%get3A_908, %get3A_909, %get3A_910] {strides = array<i32>} : memref<2x4x128xi32, #tpu.memory_space<vmem>>, vector<1x1x16xi32>,
        %get3A_912 = vector.shape_cast %get3A_911 : vector<1x1x16xi32> to vector<16xi32>
        %sub3A_913 = vector.broadcast %mul3A_2 : i32 to vector<16xi32>
        %sub3A_914 = arith.subi %get3A_912, %sub3A_913 : vector<16xi32>
        %ge3A_915 = arith.constant 0 : i32
        %ge3A_916 = vector.broadcast %ge3A_915 : i32 to vector<16xi32>
        %ge3A_917 = arith.cmpi sge, %sub3A_914, %ge3A_916 : vector<16xi32>
        %lt3A_918 = arith.constant 25000 : i32
        %lt3A_919 = vector.broadcast %lt3A_918 : i32 to vector<16xi32>
        %lt3A_920 = arith.cmpi slt, %sub3A_914, %lt3A_919 : vector<16xi32>
        %and3A_921 = arith.andi %ge3A_917, %lt3A_920 : vector<16xi1>
        %broadcast_in_dim3A_922 = vector.broadcast %add3A_4 : i32 to vector<16xi32>
        %select_n3A_923 = arith.select %and3A_921, %sub3A_914, %broadcast_in_dim3A_922 : vector<16xi1>, vector<16xi32>
        %swap3A_924 = arith.constant 1 : i32
        %swap3A_925 = arith.constant 3 : i32
        %swap3A_926 = arith.index_cast %swap3A_924 : i32 to index
        %swap3A_927 = arith.index_cast %swap3A_925 : i32 to index
        %swap3A_928 = arith.constant 96 : index
        %swap3A_929 = tpu.vector_load %arg9[%swap3A_926, %swap3A_927, %swap3A_928] {strides = array<i32>} : memref<2x4x128xi32, #tpu.memory_space<vmem>>, vector<1x1x16xi32>,
        %swap3A_930 = vector.shape_cast %swap3A_929 : vector<1x1x16xi32> to vector<16xi32>
        %swap3A_931 = vector.shape_cast %select_n3A_923 : vector<16xi32> to vector<1x1x16xi32>
        tpu.vector_store %arg9[%swap3A_926, %swap3A_927, %swap3A_928], %swap3A_931 {strides = array<i32>} : memref<2x4x128xi32, #tpu.memory_space<vmem>>, vector<1x1x16xi32>,
        %get3A_932 = arith.constant 1 : i32
        %get3A_933 = arith.constant 3 : i32
        %get3A_934 = arith.index_cast %get3A_932 : i32 to index
        %get3A_935 = arith.index_cast %get3A_933 : i32 to index
        %get3A_936 = arith.constant 112 : index
        %get3A_937 = tpu.vector_load %arg9[%get3A_934, %get3A_935, %get3A_936] {strides = array<i32>} : memref<2x4x128xi32, #tpu.memory_space<vmem>>, vector<1x1x16xi32>,
        %get3A_938 = vector.shape_cast %get3A_937 : vector<1x1x16xi32> to vector<16xi32>
        %sub3A_939 = vector.broadcast %mul3A_2 : i32 to vector<16xi32>
        %sub3A_940 = arith.subi %get3A_938, %sub3A_939 : vector<16xi32>
        %ge3A_941 = arith.constant 0 : i32
        %ge3A_942 = vector.broadcast %ge3A_941 : i32 to vector<16xi32>
        %ge3A_943 = arith.cmpi sge, %sub3A_940, %ge3A_942 : vector<16xi32>
        %lt3A_944 = arith.constant 25000 : i32
        %lt3A_945 = vector.broadcast %lt3A_944 : i32 to vector<16xi32>
        %lt3A_946 = arith.cmpi slt, %sub3A_940, %lt3A_945 : vector<16xi32>
        %and3A_947 = arith.andi %ge3A_943, %lt3A_946 : vector<16xi1>
        %broadcast_in_dim3A_948 = vector.broadcast %add3A_4 : i32 to vector<16xi32>
        %select_n3A_949 = arith.select %and3A_947, %sub3A_940, %broadcast_in_dim3A_948 : vector<16xi1>, vector<16xi32>
        %swap3A_950 = arith.constant 1 : i32
        %swap3A_951 = arith.constant 3 : i32
        %swap3A_952 = arith.index_cast %swap3A_950 : i32 to index
        %swap3A_953 = arith.index_cast %swap3A_951 : i32 to index
        %swap3A_954 = arith.constant 112 : index
        %swap3A_955 = tpu.vector_load %arg9[%swap3A_952, %swap3A_953, %swap3A_954] {strides = array<i32>} : memref<2x4x128xi32, #tpu.memory_space<vmem>>, vector<1x1x16xi32>,
        %swap3A_956 = vector.shape_cast %swap3A_955 : vector<1x1x16xi32> to vector<16xi32>
        %swap3A_957 = vector.shape_cast %select_n3A_949 : vector<16xi32> to vector<1x1x16xi32>
        tpu.vector_store %arg9[%swap3A_952, %swap3A_953, %swap3A_954], %swap3A_957 {strides = array<i32>} : memref<2x4x128xi32, #tpu.memory_space<vmem>>, vector<1x1x16xi32>,
        %dma_start3A = arith.constant 1 : i32
        %dma_start3A_958 = arith.constant 1 : i32
        %dma_start3A_959 = arith.constant 0 : i32
        %dma_start3A_960 = arith.constant 0 : i32
        %dma_start3A_961 = arith.constant 0 : i32
        %dma_start3A_962 = tpu.memref_slice %arg8[%dma_start3A, %dma_start3A_960, %dma_start3A_961] : memref<2x512x48xf32, #tpu.memory_space<vmem>> -> memref<1x128x48xf32, #tpu.memory_space<vmem>>
        %dma_start3A_963 = tpu.memref_squeeze %dma_start3A_962 : memref<1x128x48xf32, #tpu.memory_space<vmem>> -> memref<128x48xf32, #tpu.memory_space<vmem>>
        %dma_start3A_964 = arith.constant 0 : i32
        %dma_start3A_965 = tpu.memref_slice %arg9[%dma_start3A_958, %dma_start3A_959, %dma_start3A_964] : memref<2x4x128xi32, #tpu.memory_space<vmem>> -> memref<1x1x128xi32, #tpu.memory_space<vmem>>
        %dma_start3A_966 = tpu.memref_squeeze %dma_start3A_965 : memref<1x1x128xi32, #tpu.memory_space<vmem>> -> memref<128xi32, #tpu.memory_space<vmem>>
        %dma_start3A_967 = arith.constant 0 : i32
        %dma_start3A_968 = arith.constant 0 : i32
        %dma_start3A_969 = tpu.memref_slice %arg7[%dma_start3A_967, %dma_start3A_968] : memref<25088x48xf32, #tpu.memory_space<vmem_shared>> -> memref<25088x48xf32, #tpu.memory_space<vmem_shared>>
        tpu.enqueue_indirect_dma source(%dma_start3A_963 : memref<128x48xf32, #tpu.memory_space<vmem>>) target(%dma_start3A_969 : memref<25088x48xf32, #tpu.memory_space<vmem_shared>>) offsets(%dma_start3A_966 : memref<128xi32, #tpu.memory_space<vmem>>) semaphore(%arg13 : memref<!tpu.dma_semaphore, #tpu.memory_space<semaphore_mem>>) {add = true}
        %dma_start3A_970 = arith.constant 1 : i32
        %dma_start3A_971 = arith.constant 1 : i32
        %dma_start3A_972 = arith.constant 1 : i32
        %dma_start3A_973 = arith.constant 128 : i32
        %dma_start3A_974 = arith.constant 0 : i32
        %dma_start3A_975 = tpu.memref_slice %arg8[%dma_start3A_970, %dma_start3A_973, %dma_start3A_974] : memref<2x512x48xf32, #tpu.memory_space<vmem>> -> memref<1x128x48xf32, #tpu.memory_space<vmem>>
        %dma_start3A_976 = tpu.memref_squeeze %dma_start3A_975 : memref<1x128x48xf32, #tpu.memory_space<vmem>> -> memref<128x48xf32, #tpu.memory_space<vmem>>
        %dma_start3A_977 = arith.constant 0 : i32
        %dma_start3A_978 = tpu.memref_slice %arg9[%dma_start3A_971, %dma_start3A_972, %dma_start3A_977] : memref<2x4x128xi32, #tpu.memory_space<vmem>> -> memref<1x1x128xi32, #tpu.memory_space<vmem>>
        %dma_start3A_979 = tpu.memref_squeeze %dma_start3A_978 : memref<1x1x128xi32, #tpu.memory_space<vmem>> -> memref<128xi32, #tpu.memory_space<vmem>>
        %dma_start3A_980 = arith.constant 0 : i32
        %dma_start3A_981 = arith.constant 0 : i32
        %dma_start3A_982 = tpu.memref_slice %arg7[%dma_start3A_980, %dma_start3A_981] : memref<25088x48xf32, #tpu.memory_space<vmem_shared>> -> memref<25088x48xf32, #tpu.memory_space<vmem_shared>>
        tpu.enqueue_indirect_dma source(%dma_start3A_976 : memref<128x48xf32, #tpu.memory_space<vmem>>) target(%dma_start3A_982 : memref<25088x48xf32, #tpu.memory_space<vmem_shared>>) offsets(%dma_start3A_979 : memref<128xi32, #tpu.memory_space<vmem>>) semaphore(%arg13 : memref<!tpu.dma_semaphore, #tpu.memory_space<semaphore_mem>>) {add = true}
        %dma_start3A_983 = arith.constant 1 : i32
        %dma_start3A_984 = arith.constant 1 : i32
        %dma_start3A_985 = arith.constant 2 : i32
        %dma_start3A_986 = arith.constant 256 : i32
        %dma_start3A_987 = arith.constant 0 : i32
        %dma_start3A_988 = tpu.memref_slice %arg8[%dma_start3A_983, %dma_start3A_986, %dma_start3A_987] : memref<2x512x48xf32, #tpu.memory_space<vmem>> -> memref<1x128x48xf32, #tpu.memory_space<vmem>>
        %dma_start3A_989 = tpu.memref_squeeze %dma_start3A_988 : memref<1x128x48xf32, #tpu.memory_space<vmem>> -> memref<128x48xf32, #tpu.memory_space<vmem>>
        %dma_start3A_990 = arith.constant 0 : i32
        %dma_start3A_991 = tpu.memref_slice %arg9[%dma_start3A_984, %dma_start3A_985, %dma_start3A_990] : memref<2x4x128xi32, #tpu.memory_space<vmem>> -> memref<1x1x128xi32, #tpu.memory_space<vmem>>
        %dma_start3A_992 = tpu.memref_squeeze %dma_start3A_991 : memref<1x1x128xi32, #tpu.memory_space<vmem>> -> memref<128xi32, #tpu.memory_space<vmem>>
        %dma_start3A_993 = arith.constant 0 : i32
        %dma_start3A_994 = arith.constant 0 : i32
        %dma_start3A_995 = tpu.memref_slice %arg7[%dma_start3A_993, %dma_start3A_994] : memref<25088x48xf32, #tpu.memory_space<vmem_shared>> -> memref<25088x48xf32, #tpu.memory_space<vmem_shared>>
        tpu.enqueue_indirect_dma source(%dma_start3A_989 : memref<128x48xf32, #tpu.memory_space<vmem>>) target(%dma_start3A_995 : memref<25088x48xf32, #tpu.memory_space<vmem_shared>>) offsets(%dma_start3A_992 : memref<128xi32, #tpu.memory_space<vmem>>) semaphore(%arg13 : memref<!tpu.dma_semaphore, #tpu.memory_space<semaphore_mem>>) {add = true}
        %dma_start3A_996 = arith.constant 1 : i32
        %dma_start3A_997 = arith.constant 1 : i32
        %dma_start3A_998 = arith.constant 3 : i32
        %dma_start3A_999 = arith.constant 384 : i32
        %dma_start3A_1000 = arith.constant 0 : i32
        %dma_start3A_1001 = tpu.memref_slice %arg8[%dma_start3A_996, %dma_start3A_999, %dma_start3A_1000] : memref<2x512x48xf32, #tpu.memory_space<vmem>> -> memref<1x128x48xf32, #tpu.memory_space<vmem>>
        %dma_start3A_1002 = tpu.memref_squeeze %dma_start3A_1001 : memref<1x128x48xf32, #tpu.memory_space<vmem>> -> memref<128x48xf32, #tpu.memory_space<vmem>>
        %dma_start3A_1003 = arith.constant 0 : i32
        %dma_start3A_1004 = tpu.memref_slice %arg9[%dma_start3A_997, %dma_start3A_998, %dma_start3A_1003] : memref<2x4x128xi32, #tpu.memory_space<vmem>> -> memref<1x1x128xi32, #tpu.memory_space<vmem>>
        %dma_start3A_1005 = tpu.memref_squeeze %dma_start3A_1004 : memref<1x1x128xi32, #tpu.memory_space<vmem>> -> memref<128xi32, #tpu.memory_space<vmem>>
        %dma_start3A_1006 = arith.constant 0 : i32
        %dma_start3A_1007 = arith.constant 0 : i32
        %dma_start3A_1008 = tpu.memref_slice %arg7[%dma_start3A_1006, %dma_start3A_1007] : memref<25088x48xf32, #tpu.memory_space<vmem_shared>> -> memref<25088x48xf32, #tpu.memory_space<vmem_shared>>
        tpu.enqueue_indirect_dma source(%dma_start3A_1002 : memref<128x48xf32, #tpu.memory_space<vmem>>) target(%dma_start3A_1008 : memref<25088x48xf32, #tpu.memory_space<vmem_shared>>) offsets(%dma_start3A_1005 : memref<128xi32, #tpu.memory_space<vmem>>) semaphore(%arg13 : memref<!tpu.dma_semaphore, #tpu.memory_space<semaphore_mem>>) {add = true}
      } else {
      }
    }
    %scan3A_30 = arith.constant 98 : i32
    %add3A_31 = arith.constant 3120 : i32
    %add3A_32 = arith.addi %arg1, %add3A_31 : i32
    %ge3A_33 = arith.constant 0 : i32
    %ge3A_34 = arith.cmpi sge, %add3A_32, %ge3A_33 : i32
    %lt3A_35 = arith.constant 3125 : i32
    %lt3A_36 = arith.cmpi slt, %add3A_32, %lt3A_35 : i32
    %and3A_37 = arith.andi %ge3A_34, %lt3A_36 : i1
    %convert_element_type3A_38 = arith.extui %and3A_37 : i1 to i32
    %cond3A_39 = arith.constant 0 : i32
    %cond3A_40 = arith.cmpi ne, %convert_element_type3A_38, %cond3A_39 : i32
    scf.if %cond3A_40 {
      %dma_wait3A = arith.constant 1 : i32
      %dma_wait3A_43 = arith.constant 1 : i32
      %dma_wait3A_44 = arith.constant 0 : i32
      %dma_wait3A_45 = arith.constant 0 : i32
      %dma_wait3A_46 = arith.constant 0 : i32
      %dma_wait3A_47 = tpu.memref_slice %arg8[%dma_wait3A, %dma_wait3A_45, %dma_wait3A_46] : memref<2x512x48xf32, #tpu.memory_space<vmem>> -> memref<1x128x48xf32, #tpu.memory_space<vmem>>
      %dma_wait3A_48 = tpu.memref_squeeze %dma_wait3A_47 : memref<1x128x48xf32, #tpu.memory_space<vmem>> -> memref<128x48xf32, #tpu.memory_space<vmem>>
      %dma_wait3A_49 = arith.constant 0 : i32
      %dma_wait3A_50 = tpu.memref_slice %arg9[%dma_wait3A_43, %dma_wait3A_44, %dma_wait3A_49] : memref<2x4x128xi32, #tpu.memory_space<vmem>> -> memref<1x1x128xi32, #tpu.memory_space<vmem>>
      %dma_wait3A_51 = tpu.memref_squeeze %dma_wait3A_50 : memref<1x1x128xi32, #tpu.memory_space<vmem>> -> memref<128xi32, #tpu.memory_space<vmem>>
      %dma_wait3A_52 = arith.constant 0 : i32
      %dma_wait3A_53 = arith.constant 0 : i32
      %dma_wait3A_54 = tpu.memref_slice %arg7[%dma_wait3A_52, %dma_wait3A_53] : memref<25088x48xf32, #tpu.memory_space<vmem_shared>> -> memref<25088x48xf32, #tpu.memory_space<vmem_shared>>
      tpu.wait_indirect_dma semaphore(%arg13 : memref<!tpu.dma_semaphore, #tpu.memory_space<semaphore_mem>>) src(%dma_wait3A_48 : memref<128x48xf32, #tpu.memory_space<vmem>>) dst(%dma_wait3A_54 : memref<25088x48xf32, #tpu.memory_space<vmem_shared>>)
      %dma_wait3A_55 = arith.constant 1 : i32
      %dma_wait3A_56 = arith.constant 1 : i32
      %dma_wait3A_57 = arith.constant 1 : i32
      %dma_wait3A_58 = arith.constant 128 : i32
      %dma_wait3A_59 = arith.constant 0 : i32
      %dma_wait3A_60 = tpu.memref_slice %arg8[%dma_wait3A_55, %dma_wait3A_58, %dma_wait3A_59] : memref<2x512x48xf32, #tpu.memory_space<vmem>> -> memref<1x128x48xf32, #tpu.memory_space<vmem>>
      %dma_wait3A_61 = tpu.memref_squeeze %dma_wait3A_60 : memref<1x128x48xf32, #tpu.memory_space<vmem>> -> memref<128x48xf32, #tpu.memory_space<vmem>>
      %dma_wait3A_62 = arith.constant 0 : i32
      %dma_wait3A_63 = tpu.memref_slice %arg9[%dma_wait3A_56, %dma_wait3A_57, %dma_wait3A_62] : memref<2x4x128xi32, #tpu.memory_space<vmem>> -> memref<1x1x128xi32, #tpu.memory_space<vmem>>
      %dma_wait3A_64 = tpu.memref_squeeze %dma_wait3A_63 : memref<1x1x128xi32, #tpu.memory_space<vmem>> -> memref<128xi32, #tpu.memory_space<vmem>>
      %dma_wait3A_65 = arith.constant 0 : i32
      %dma_wait3A_66 = arith.constant 0 : i32
      %dma_wait3A_67 = tpu.memref_slice %arg7[%dma_wait3A_65, %dma_wait3A_66] : memref<25088x48xf32, #tpu.memory_space<vmem_shared>> -> memref<25088x48xf32, #tpu.memory_space<vmem_shared>>
      tpu.wait_indirect_dma semaphore(%arg13 : memref<!tpu.dma_semaphore, #tpu.memory_space<semaphore_mem>>) src(%dma_wait3A_61 : memref<128x48xf32, #tpu.memory_space<vmem>>) dst(%dma_wait3A_67 : memref<25088x48xf32, #tpu.memory_space<vmem_shared>>)
      %dma_wait3A_68 = arith.constant 1 : i32
      %dma_wait3A_69 = arith.constant 1 : i32
      %dma_wait3A_70 = arith.constant 2 : i32
      %dma_wait3A_71 = arith.constant 256 : i32
      %dma_wait3A_72 = arith.constant 0 : i32
      %dma_wait3A_73 = tpu.memref_slice %arg8[%dma_wait3A_68, %dma_wait3A_71, %dma_wait3A_72] : memref<2x512x48xf32, #tpu.memory_space<vmem>> -> memref<1x128x48xf32, #tpu.memory_space<vmem>>
      %dma_wait3A_74 = tpu.memref_squeeze %dma_wait3A_73 : memref<1x128x48xf32, #tpu.memory_space<vmem>> -> memref<128x48xf32, #tpu.memory_space<vmem>>
      %dma_wait3A_75 = arith.constant 0 : i32
      %dma_wait3A_76 = tpu.memref_slice %arg9[%dma_wait3A_69, %dma_wait3A_70, %dma_wait3A_75] : memref<2x4x128xi32, #tpu.memory_space<vmem>> -> memref<1x1x128xi32, #tpu.memory_space<vmem>>
      %dma_wait3A_77 = tpu.memref_squeeze %dma_wait3A_76 : memref<1x1x128xi32, #tpu.memory_space<vmem>> -> memref<128xi32, #tpu.memory_space<vmem>>
      %dma_wait3A_78 = arith.constant 0 : i32
      %dma_wait3A_79 = arith.constant 0 : i32
      %dma_wait3A_80 = tpu.memref_slice %arg7[%dma_wait3A_78, %dma_wait3A_79] : memref<25088x48xf32, #tpu.memory_space<vmem_shared>> -> memref<25088x48xf32, #tpu.memory_space<vmem_shared>>
      tpu.wait_indirect_dma semaphore(%arg13 : memref<!tpu.dma_semaphore, #tpu.memory_space<semaphore_mem>>) src(%dma_wait3A_74 : memref<128x48xf32, #tpu.memory_space<vmem>>) dst(%dma_wait3A_80 : memref<25088x48xf32, #tpu.memory_space<vmem_shared>>)
      %dma_wait3A_81 = arith.constant 1 : i32
      %dma_wait3A_82 = arith.constant 1 : i32
      %dma_wait3A_83 = arith.constant 3 : i32
      %dma_wait3A_84 = arith.constant 384 : i32
      %dma_wait3A_85 = arith.constant 0 : i32
      %dma_wait3A_86 = tpu.memref_slice %arg8[%dma_wait3A_81, %dma_wait3A_84, %dma_wait3A_85] : memref<2x512x48xf32, #tpu.memory_space<vmem>> -> memref<1x128x48xf32, #tpu.memory_space<vmem>>
      %dma_wait3A_87 = tpu.memref_squeeze %dma_wait3A_86 : memref<1x128x48xf32, #tpu.memory_space<vmem>> -> memref<128x48xf32, #tpu.memory_space<vmem>>
      %dma_wait3A_88 = arith.constant 0 : i32
      %dma_wait3A_89 = tpu.memref_slice %arg9[%dma_wait3A_82, %dma_wait3A_83, %dma_wait3A_88] : memref<2x4x128xi32, #tpu.memory_space<vmem>> -> memref<1x1x128xi32, #tpu.memory_space<vmem>>
      %dma_wait3A_90 = tpu.memref_squeeze %dma_wait3A_89 : memref<1x1x128xi32, #tpu.memory_space<vmem>> -> memref<128xi32, #tpu.memory_space<vmem>>
      %dma_wait3A_91 = arith.constant 0 : i32
      %dma_wait3A_92 = arith.constant 0 : i32
      %dma_wait3A_93 = tpu.memref_slice %arg7[%dma_wait3A_91, %dma_wait3A_92] : memref<25088x48xf32, #tpu.memory_space<vmem_shared>> -> memref<25088x48xf32, #tpu.memory_space<vmem_shared>>
      tpu.wait_indirect_dma semaphore(%arg13 : memref<!tpu.dma_semaphore, #tpu.memory_space<semaphore_mem>>) src(%dma_wait3A_87 : memref<128x48xf32, #tpu.memory_space<vmem>>) dst(%dma_wait3A_93 : memref<25088x48xf32, #tpu.memory_space<vmem_shared>>)
    } else {
    }
    %barrier3A_41 = arith.constant 0 : index
    tpu.barrier barrier_id(%barrier3A_41)
    %run_scoped3A_42 = arith.constant 1 : i32
    "tpu.region"() ({
      %run_scoped3A_43 = tpu.sem_alloc : memref<!tpu.dma_semaphore, #tpu.memory_space<semaphore_mem>>
      %dma_start3A = arith.constant 0 : i32
      %dma_start3A_44 = tpu.memref_slice %arg6[%run_scoped3A_42, %arg0, %mul3A_0, %dma_start3A] : memref<2x2x25088x48xf32, #tpu.memory_space<hbm>> -> memref<1x1x1568x48xf32, #tpu.memory_space<hbm>>
      %dma_start3A_45 = tpu.memref_squeeze %dma_start3A_44 : memref<1x1x1568x48xf32, #tpu.memory_space<hbm>> -> memref<1568x48xf32, #tpu.memory_space<hbm>>
      %dma_start3A_46 = arith.constant 0 : i32
      %dma_start3A_47 = tpu.memref_slice %arg7[%mul3A_0, %dma_start3A_46] : memref<25088x48xf32, #tpu.memory_space<vmem_shared>> -> memref<1568x48xf32, #tpu.memory_space<vmem_shared>>
      tpu.enqueue_dma source(%dma_start3A_47 : memref<1568x48xf32, #tpu.memory_space<vmem_shared>>) target(%dma_start3A_45 : memref<1568x48xf32, #tpu.memory_space<hbm>>) target_semaphore(%run_scoped3A_43 : memref<!tpu.dma_semaphore, #tpu.memory_space<semaphore_mem>>)
      %dma_wait3A = arith.constant 0 : i32
      %dma_wait3A_48 = tpu.memref_slice %arg6[%run_scoped3A_42, %arg0, %mul3A_0, %dma_wait3A] : memref<2x2x25088x48xf32, #tpu.memory_space<hbm>> -> memref<1x1x1568x48xf32, #tpu.memory_space<hbm>>
      %dma_wait3A_49 = tpu.memref_squeeze %dma_wait3A_48 : memref<1x1x1568x48xf32, #tpu.memory_space<hbm>> -> memref<1568x48xf32, #tpu.memory_space<hbm>>
      %dma_wait3A_50 = arith.constant 0 : i32
      %dma_wait3A_51 = tpu.memref_slice %arg7[%mul3A_0, %dma_wait3A_50] : memref<25088x48xf32, #tpu.memory_space<vmem_shared>> -> memref<1568x48xf32, #tpu.memory_space<vmem_shared>>
      tpu.wait_dma2 semaphore(%run_scoped3A_43 : memref<!tpu.dma_semaphore, #tpu.memory_space<semaphore_mem>>) src(%dma_wait3A_51 : memref<1568x48xf32, #tpu.memory_space<vmem_shared>>) dst(%dma_wait3A_49 : memref<1568x48xf32, #tpu.memory_space<hbm>>)
      tpu.yield
    }) : () -> ()
    return
  }
}

module attributes {stable_mosaic.version = 14 : i64} {
  func.func @body(%arg0: i32, %arg1: memref<48x6400xf32, #tpu.memory_space<vmem>>, %arg2: memref<48x128xf32, #tpu.memory_space<vmem>>, %arg3: memref<6400x128xf32, #tpu.memory_space<vmem>>) attributes {dimension_semantics = [#tpu.dimension_semantics<arbitrary>], iteration_bounds = array<i64: 250>, scalar_prefetch = 0 : i64, scratch_operands = 0 : i64, tpu.core_type = #tpu.core_type<tc>, window_params = [{transform_indices = @transform_0, window_bounds = array<i64: 48, 6400>}, {pipeline_mode = #tpu.pipeline_mode<synchronous>, transform_indices = @transform_1, window_bounds = array<i64: 48, 128>}, {transform_indices = @transform_2, window_bounds = array<i64: 6400, 128>}]} {
    %get3A = arith.constant 0 : index
    %get3A_0 = arith.constant 0 : index
    %get3A_1 = vector.load %arg1[%get3A, %get3A_0] : memref<48x6400xf32, #tpu.memory_space<vmem>>, vector<48x6400xf32>
    %get3A_2 = arith.constant 0 : index
    %get3A_3 = arith.constant 0 : index
    %get3A_4 = vector.load %arg2[%get3A_2, %get3A_3] : memref<48x128xf32, #tpu.memory_space<vmem>>, vector<48x128xf32>
    %dot_general3A = arith.constant dense<0.000000e+00> : vector<6400x128xf32>
    %dot_general3A_5 = tpu.matmul %get3A_1, %get3A_4, %dot_general3A {dimension_numbers = #tpu.dot_dimension_numbers<[0], [0], [1], [1], [0, 1, 1, 1], [], []>, transpose_lhs_hint = false} : vector<48x6400xf32>, vector<48x128xf32>, vector<6400x128xf32> -> vector<6400x128xf32>
    %swap3A = arith.constant 0 : index
    %swap3A_6 = arith.constant 0 : index
    %swap3A_7 = vector.load %arg3[%swap3A, %swap3A_6] : memref<6400x128xf32, #tpu.memory_space<vmem>>, vector<6400x128xf32>
    tpu.vector_store %arg3[%swap3A, %swap3A_6], %dot_general3A_5 {strides = array<i32>} : memref<6400x128xf32, #tpu.memory_space<vmem>>, vector<6400x128xf32>,
    return
  }
  func.func @transform_0(%arg0: i32) -> (i32, i32) {
    %c0_i32 = arith.constant 0 : i32
    %c0_i32_0 = arith.constant 0 : i32
    return %c0_i32, %arg0 : i32, i32
  }
  func.func @transform_1(%arg0: i32) -> (i32, i32) {
    %c0_i32 = arith.constant 0 : i32
    %c0_i32_0 = arith.constant 0 : i32
    %c0_i32_1 = arith.constant 0 : i32
    return %c0_i32, %c0_i32_0 : i32, i32
  }
  func.func @transform_2(%arg0: i32) -> (i32, i32) {
    %c0_i32 = arith.constant 0 : i32
    %c0_i32_0 = arith.constant 0 : i32
    return %arg0, %c0_i32 : i32, i32
  }
}

module attributes {stable_mosaic.version = 14 : i64} {
  func.func @body(%arg0: i32, %arg1: memref<2x1x1000x48xf32, #tpu.memory_space<vmem>>, %arg2: memref<48x48xf32, #tpu.memory_space<vmem>>, %arg3: memref<48x48xf32, #tpu.memory_space<vmem>>, %arg4: memref<1000x1xf32, #tpu.memory_space<vmem>>, %arg5: memref<1000x48xf32, #tpu.memory_space<vmem>>) attributes {dimension_semantics = [#tpu.dimension_semantics<arbitrary>], iteration_bounds = array<i64: 50>, scalar_prefetch = 0 : i64, scratch_operands = 0 : i64, tpu.core_type = #tpu.core_type<tc>, window_params = [{transform_indices = @transform_0, window_bounds = array<i64: 2, 1, 1000, 48>}, {pipeline_mode = #tpu.pipeline_mode<synchronous>, transform_indices = @transform_1, window_bounds = array<i64: 48, 48>}, {pipeline_mode = #tpu.pipeline_mode<synchronous>, transform_indices = @transform_2, window_bounds = array<i64: 48, 48>}, {transform_indices = @transform_3, window_bounds = array<i64: 1000, 1>}, {transform_indices = @transform_4, window_bounds = array<i64: 1000, 48>}]} {
    %get3A = arith.constant 0 : index
    %get3A_0 = arith.constant 0 : index
    %get3A_1 = arith.constant 0 : index
    %get3A_2 = arith.constant 0 : index
    %get3A_3 = vector.load %arg1[%get3A, %get3A_0, %get3A_1, %get3A_2] : memref<2x1x1000x48xf32, #tpu.memory_space<vmem>>, vector<2x1x1000x48xf32>
    %slice3A = vector.extract_strided_slice %get3A_3 {offsets = [0, 0, 0, 0], sizes = [1, 1, 1000, 48], strides = [1, 1, 1, 1]} : vector<2x1x1000x48xf32> to vector<1x1x1000x48xf32>
    %squeeze3A = vector.shape_cast %slice3A : vector<1x1x1000x48xf32> to vector<1000x48xf32>
    %get3A_4 = arith.constant 0 : index
    %get3A_5 = arith.constant 0 : index
    %get3A_6 = vector.load %arg2[%get3A_4, %get3A_5] : memref<48x48xf32, #tpu.memory_space<vmem>>, vector<48x48xf32>
    %dot_general3A = arith.constant dense<0.000000e+00> : vector<1000x48xf32>
    %dot_general3A_7 = tpu.matmul %squeeze3A, %get3A_6, %dot_general3A {dimension_numbers = #tpu.dot_dimension_numbers<[1], [0], [0], [1], [0, 0, 1, 1], [], []>, transpose_lhs_hint = false} : vector<1000x48xf32>, vector<48x48xf32>, vector<1000x48xf32> -> vector<1000x48xf32>
    %slice3A_8 = vector.extract_strided_slice %get3A_3 {offsets = [1, 0, 0, 0], sizes = [1, 1, 1000, 48], strides = [1, 1, 1, 1]} : vector<2x1x1000x48xf32> to vector<1x1x1000x48xf32>
    %squeeze3A_9 = vector.shape_cast %slice3A_8 : vector<1x1x1000x48xf32> to vector<1000x48xf32>
    %get3A_10 = arith.constant 0 : index
    %get3A_11 = arith.constant 0 : index
    %get3A_12 = vector.load %arg3[%get3A_10, %get3A_11] : memref<48x48xf32, #tpu.memory_space<vmem>>, vector<48x48xf32>
    %dot_general3A_13 = arith.constant dense<0.000000e+00> : vector<1000x48xf32>
    %dot_general3A_14 = tpu.matmul %squeeze3A_9, %get3A_12, %dot_general3A_13 {dimension_numbers = #tpu.dot_dimension_numbers<[1], [0], [0], [1], [0, 0, 1, 1], [], []>, transpose_lhs_hint = false} : vector<1000x48xf32>, vector<48x48xf32>, vector<1000x48xf32> -> vector<1000x48xf32>
    %add3A = arith.addf %dot_general3A_7, %dot_general3A_14 : vector<1000x48xf32>
    %get3A_15 = arith.constant 0 : index
    %get3A_16 = arith.constant 0 : index
    %get3A_17 = vector.load %arg4[%get3A_15, %get3A_16] : memref<1000x1xf32, #tpu.memory_space<vmem>>, vector<1000x1xf32>
    %mul3A = vector.broadcast %get3A_17 : vector<1000x1xf32> to vector<1000x48xf32>
    %mul3A_18 = arith.mulf %add3A, %mul3A : vector<1000x48xf32>
    %swap3A = arith.constant 0 : index
    %swap3A_19 = arith.constant 0 : index
    %swap3A_20 = vector.load %arg5[%swap3A, %swap3A_19] : memref<1000x48xf32, #tpu.memory_space<vmem>>, vector<1000x48xf32>
    tpu.vector_store %arg5[%swap3A, %swap3A_19], %mul3A_18 {strides = array<i32>} : memref<1000x48xf32, #tpu.memory_space<vmem>>, vector<1000x48xf32>,
    return
  }
  func.func @transform_0(%arg0: i32) -> (i32, i32, i32, i32) {
    %jit3A = arith.constant 25 : i32
    %div3A = arith.divsi %arg0, %jit3A : i32
    %sign3A = arith.constant 0 : i32
    %sign3A_0 = arith.cmpi sgt, %arg0, %sign3A : i32
    %sign3A_1 = arith.extui %sign3A_0 : i1 to i32
    %sign3A_2 = arith.constant 0 : i32
    %sign3A_3 = arith.cmpi slt, %arg0, %sign3A_2 : i32
    %sign3A_4 = arith.extui %sign3A_3 : i1 to i32
    %sign3A_5 = arith.subi %sign3A_1, %sign3A_4 : i32
    %sign3A_6 = arith.constant 0 : i32
    %sign3A_7 = arith.cmpi sgt, %jit3A, %sign3A_6 : i32
    %sign3A_8 = arith.extui %sign3A_7 : i1 to i32
    %sign3A_9 = arith.constant 0 : i32
    %sign3A_10 = arith.cmpi slt, %jit3A, %sign3A_9 : i32
    %sign3A_11 = arith.extui %sign3A_10 : i1 to i32
    %sign3A_12 = arith.subi %sign3A_8, %sign3A_11 : i32
    %ne3A = arith.cmpi ne, %sign3A_5, %sign3A_12 : i32
    %rem3A = arith.remsi %arg0, %jit3A : i32
    %ne3A_13 = arith.constant 0 : i32
    %ne3A_14 = arith.cmpi ne, %rem3A, %ne3A_13 : i32
    %and3A = arith.andi %ne3A, %ne3A_14 : i1
    %sub3A = arith.constant 1 : i32
    %sub3A_15 = arith.subi %div3A, %sub3A : i32
    %select_n3A = arith.select %and3A, %sub3A_15, %div3A : i32
    %jit3A_16 = arith.constant 25 : i32
    %eq3A = arith.constant 0 : i32
    %eq3A_17 = arith.cmpi eq, %jit3A_16, %eq3A : i32
    %jit3A_18 = arith.constant 1 : i32
    %select_n3A_19 = arith.select %eq3A_17, %jit3A_18, %jit3A_16 : i32
    %rem3A_20 = arith.remsi %arg0, %select_n3A_19 : i32
    %ne3A_21 = arith.constant 0 : i32
    %ne3A_22 = arith.cmpi ne, %rem3A_20, %ne3A_21 : i32
    %lt3A = arith.constant 0 : i32
    %lt3A_23 = arith.cmpi slt, %rem3A_20, %lt3A : i32
    %lt3A_24 = arith.constant 0 : i32
    %lt3A_25 = arith.cmpi slt, %select_n3A_19, %lt3A_24 : i32
    %ne3A_26 = arith.xori %lt3A_23, %lt3A_25 : i1
    %and3A_27 = arith.andi %ne3A_26, %ne3A_22 : i1
    %add3A = arith.addi %rem3A_20, %select_n3A_19 : i32
    %select_n3A_28 = arith.select %and3A_27, %add3A, %rem3A_20 : i32
    %c0_i32 = arith.constant 0 : i32
    %c0_i32_29 = arith.constant 0 : i32
    %c0_i32_30 = arith.constant 0 : i32
    return %c0_i32, %select_n3A, %select_n3A_28, %c0_i32_29 : i32, i32, i32, i32
  }
  func.func @transform_1(%arg0: i32) -> (i32, i32) {
    %c0_i32 = arith.constant 0 : i32
    %c0_i32_0 = arith.constant 0 : i32
    %c0_i32_1 = arith.constant 0 : i32
    return %c0_i32, %c0_i32_0 : i32, i32
  }
  func.func @transform_2(%arg0: i32) -> (i32, i32) {
    %c0_i32 = arith.constant 0 : i32
    %c0_i32_0 = arith.constant 0 : i32
    %c0_i32_1 = arith.constant 0 : i32
    return %c0_i32, %c0_i32_0 : i32, i32
  }
  func.func @transform_3(%arg0: i32) -> (i32, i32) {
    %c0_i32 = arith.constant 0 : i32
    %c0_i32_0 = arith.constant 0 : i32
    return %arg0, %c0_i32 : i32, i32
  }
  func.func @transform_4(%arg0: i32) -> (i32, i32) {
    %c0_i32 = arith.constant 0 : i32
    %c0_i32_0 = arith.constant 0 : i32
    return %arg0, %c0_i32 : i32, i32
  }
}

</mosaic_0001>

<sc_bundles>
// kernel: kernel.5.cloned.1.call-start
scs
__scs_entry_jumppad:
0x0: {  	(pc) =	sbr.rel $0x88, $3  }
0x1: {  	(tag) =	ssettag $0x0;
	lr =	simm.s32 $0x1  }
0x2: {  	[smem:$0x3F9A] =	sst lr;
	_ =	strace $0xD0000000  }
0x3: {  	_ = 	snop  }
0x4: {  	_ = 	snop  }
0x5: {  	_ = 	snop  }
0x6: {  	_ = 	snop  }
0x7: {  	_ = 	snop  }
__scs_overlays_trampoline_lowered:
0x8: {  	[smem:$0x3FA9] =	sst s0  }
0x9: {  	[smem:$0x3FAA] =	sst s1  }
0xa: {  	[smem:$0x3FAB] =	sst s2  }
0xb: {  	[smem:$0x3FAC] =	sst s3  }
0xc: {  	[smem:$0x3FAD] =	sst s4  }
0xd: {  	[smem:$0x3FAE] =	sst s5  }
0xe: {  	[smem:$0x3FAF] =	sst s6  }
0xf: {  	[smem:$0x3FB0] =	sst s7  }
0x10: {  	[smem:$0x3FB1] =	sst s8  }
0x11: {  	[smem:$0x3FB2] =	sst s9;
	s0 =	simm.s32 @!p0 $0x0  }
0x12: {  	s1 =	sld [smem:$0x3F98];
	s0 =	simm.s32 @p0 $0x1  }
0x13: {  	[smem:$0x3FB3] =	sst s0;
	s0 =	simm.s32 @!p1 $0x0  }
0x14: {  	s2 =	sld [smem:$0x3F97];
	s0 =	simm.s32 @p1 $0x1  }
0x15: {  	[smem:$0x3FB4] =	sst s0;
	s0 =	simm.s32 @!p2 $0x0  }
0x16: {  	s3 =	sld [smem:$0x3FDB];
	s0 =	simm.s32 @p2 $0x1  }
0x17: {  	s4 =	simm.s32 $0x1BF5;
	[smem:$0x3FB6] =	sst s0  }
0x18: {  	s0 =	sld [smem:$0x3F99];
	_ =	swait.ge [sflag:s4], $0x0  }
0x19: {  	s7 =	sld [smem:$0x3F9A]  }
0x1a: {  	s8 =	sadd.s32 $0xFFFFE003, lr  }
0x1b: {  	s9 =	sadd.s32 $0xFFFFFEF7, lr;
	s5 =	simm.s32 $0xFFFFFFFF;
	p2 =	slt.u32 s8, $0xFFFFF086  }
0x1c: {  	p1 =	slt.u32 s9, $0xF7A;
	s5 =	simm.s32 @!p2 $0x0  }
0x1d: {  	s5 =	simm.s32 @p1 $0x1;
	p0 =	seq.s32 s7, s2  }
0x1e: {  	s7 =	smul.u32 @!p0 $0xF7A, s2;
	p2 =	seq.s32 @!p0 s5, $0x0  }
0x1f: {  	s9 =	smul.u32 $0xF7A, s1;
	s8 =	simm.s32 @!p0 $0x1BF5;
	p2 =	por !p2, p0  }
0x20: {  	[sflag:s8] =	ssyncset.s32 @!p0 $0xFFFFF086;
	s6 =	sadd.s32 @!p0 s3, s7;
	s7 =	simm.s32 @!p0 $0x108  }
0x21: {  	s3 =	sadd.s32 s3, s9;
	s6 =	sadd.s32 @!p0 $0x88, s6;
	s7 =	simm.s32 @p2 $0x1082  }
0x22: {  	[simem:s7], [sflag:s8] =	dma.local @!p0 [hbm:s6], $0xF7A  }
0x23: {  	s9 =	sor.u32 $0xD0000000, s2;
	s6 =	simm.s32 $0x108;
	_ =	swait.ge @!p0 [sflag:s8], $0x0  }
0x24: {  	s3 =	sadd.s32 $0x88, s3;
	s6 =	simm.s32 @!p1 $0x1082;
	[sflag:s4] =	ssyncset.s32 $0xFFFFF086  }
0x25: {  	[simem:s6], [sflag:s4] =	dma.local [hbm:s3], $0xF7A  }
0x26: {  	[smem:$0x3F9A] =	sst s1;
	(tag) =	ssettag s2;
	_ =	strace s9  }
0x27: {  	s1 =	sld [smem:$0x3FAA]  }
0x28: {  	s2 =	sld [smem:$0x3FAB]  }
0x29: {  	s4 =	sld [smem:$0x3FAD]  }
0x2a: {  	p0 =	seq.s32 s5, $0x0;
	s5 =	sld [smem:$0x3FAE]  }
0x2b: {  	s6 =	sld [smem:$0x3FAF]  }
0x2c: {  	s7 =	sld [smem:$0x3FB0]  }
0x2d: {  	s3 =	simm.s32 $0x108;
	s8 =	sld [smem:$0x3FB1]  }
0x2e: {  	s3 =	simm.s32 @!p0 $0x1082;
	s9 =	sld [smem:$0x3FB2]  }
0x2f: {  	lr =	sadd.s32 s0, s3;
	s0 =	sld [smem:$0x3FA9]  }
0x30: {  	s3 =	sld [smem:$0x3FAC]  }
0x31: {  	[smem:$0x3FB5] =	sst s10  }
0x32: {  	s10 =	sld [smem:$0x3FB3];
	_ =	sdelay $0x3  }
0x33: {  	p0 =	seq.s32 s10, $0x1;
	s10 =	sld [smem:$0x3FB5];
	_ =	sdelay $0x3  }
0x34: {  	[smem:$0x3FB5] =	sst s10  }
0x35: {  	s10 =	sld [smem:$0x3FB4];
	_ =	sdelay $0x3  }
0x36: {  	p1 =	seq.s32 s10, $0x1;
	s10 =	sld [smem:$0x3FB5];
	_ =	sdelay $0x3  }
0x37: {  	[smem:$0x3FB5] =	sst s10  }
0x38: {  	s10 =	sld [smem:$0x3FB6]  }
0x39: {  	_ = 	snop;
	(pc) =	sbr.ind lr, $3  }
0x3a: {  	_ = 	snop  }
0x3b: {  	_ = 	snop  }
0x3c: {  	p2 =	seq.s32 s10, $0x1;
	s10 =	sld [smem:$0x3FB5]  }
0x3d: {  	_ =	shalt  }
0x3e: {  	_ =	shalt  }
0x3f: {  	_ =	shalt  }
0x40: {  	_ =	shalt  }
0x41: {  	_ =	shalt  }
0x42: {  	_ =	shalt  }
0x43: {  	_ =	shalt  }
0x44: {  	_ =	shalt  }
0x45: {  	_ =	shalt  }
0x46: {  	_ =	shalt  }
0x47: {  	_ =	shalt  }
0x48: {  	_ =	shalt  }
0x49: {  	_ =	shalt  }
0x4a: {  	_ =	shalt  }
0x4b: {  	_ =	shalt  }
0x4c: {  	_ =	shalt  }
0x4d: {  	_ =	shalt  }
0x4e: {  	_ =	shalt  }
0x4f: {  	_ =	shalt  }
0x50: {  	_ =	shalt  }
0x51: {  	_ =	shalt  }
0x52: {  	_ =	shalt  }
0x53: {  	_ =	shalt  }
0x54: {  	_ =	shalt  }
0x55: {  	_ =	shalt  }
0x56: {  	_ =	shalt  }
0x57: {  	_ =	shalt  }
0x58: {  	_ =	shalt  }
0x59: {  	_ =	shalt  }
0x5a: {  	_ =	shalt  }
0x5b: {  	_ =	shalt  }
0x5c: {  	_ =	shalt  }
0x5d: {  	_ =	shalt  }
0x5e: {  	_ =	shalt  }
0x5f: {  	_ =	shalt  }
0x60: {  	_ =	shalt  }
0x61: {  	_ =	shalt  }
0x62: {  	_ =	shalt  }
0x63: {  	_ =	shalt  }
0x64: {  	_ =	shalt  }
0x65: {  	_ =	shalt  }
0x66: {  	_ =	shalt  }
0x67: {  	_ =	shalt  }
0x68: {  	_ =	shalt  }
0x69: {  	_ =	shalt  }
0x6a: {  	_ =	shalt  }
0x6b: {  	_ =	shalt  }
0x6c: {  	_ =	shalt  }
0x6d: {  	_ =	shalt  }
0x6e: {  	_ =	shalt  }
0x6f: {  	_ =	shalt  }
0x70: {  	_ =	shalt  }
0x71: {  	_ =	shalt  }
0x72: {  	_ =	shalt  }
0x73: {  	_ =	shalt  }
0x74: {  	_ =	shalt  }
0x75: {  	_ =	shalt  }
0x76: {  	_ =	shalt  }
0x77: {  	_ =	shalt  }
0x78: {  	_ =	shalt  }
0x79: {  	_ =	shalt  }
0x7a: {  	_ =	shalt  }
0x7b: {  	_ =	shalt  }
0x7c: {  	_ =	shalt  }
0x7d: {  	_ =	shalt  }
0x7e: {  	_ =	shalt  }
0x7f: {  	_ =	shalt  }
0x80: {  	_ =	shalt  }
0x81: {  	_ =	shalt  }
0x82: {  	_ =	shalt  }
0x83: {  	_ =	shalt  }
0x84: {  	_ =	shalt  }
0x85: {  	_ =	shalt  }
0x86: {  	_ =	shalt  }
0x87: {  	_ =	shalt  }
.Lfunc_end0:
.L_simem_size_0:
called_computation_lowered:
.L_overlay_start_0:
0x88: {  	s2 =	sld [smem:$0x3FD9]  }
0x89: {  	s3 =	sld [smem:$0x3FFE];
	_ =	sdelay $0x1  }
0x8a: {  	s1 =	srdreg.scid  }
0x8b: {  	s0 =	sand.u32 $0x1, s1  }
0x8c: {  	s17 =	sshll.u32 s0, $0xA;
	s2 =	sadd.s32 s3, s2  }
0x8d: {  	s2 =	sadd.s32 s2, s17  }
0x8e: {  	[smem:$0x3FC1] =	sst s2  }
0x8f: {  	_ = 	snop  }
0x90: {  	s2 =	sld [smem:$0x3FC8]  }
0x91: {  	s18 =	sld [smem:$0x3FC7]  }
0x92: {  	s4 =	sld [smem:$0x3FD0];
	(tm) =	ssettm $0x1  }
0x93: {  	s5 =	sld [smem:$0x3FFB];
	_ =	sdelay $0x3  }
0x94: {  	_ =	strace s5  }
0x95: {  	s5 =	sld [smem:$0x3FFC];
	_ =	sdelay $0x3  }
0x96: {  	_ =	strace s5  }
0x97: {  	s5 =	sld [smem:$0x3FFD];
	_ =	sdelay $0x3  }
0x98: {  	_ =	strace s5  }
0x99: {  	_ =	strace $0x8FFFFFFF  }
0x9a: {  	s19 =	sld [smem:$0x3FDB];
	_ =	sdelay $0x1  }
0x9b: {  	s6 =	simm.s32 $_scs_section_size  }
0x9c: {  	s7 =	simm.s32 $_size__tile_overlayer_lowered;
	s8 =	simm.s32 $_tile_overlayer_lowered  }
0x9d: {  	s22 =	simm.s32 $0x1BFF;
	s21 =	sshll.u32 s8, $0x1;
	s5 =	sadd.s32 s6, s19  }
0x9e: {  	s9 =	simm.s32 $0x0;
	s20 =	sshll.u32 s7, $0x1;
	s7 =	sadd.s32 s21, s5  }
0x9f: {  	[timem:s9], [sflag:s22] =	dma.local [hbm:s7], s20  }
0xa0: {  	_ =	swait.ge [sflag:s22], s20  }
0xa1: {  	s6 =	ssub.s32 $0x0, s20;
	[sflag:s22] =	ssyncset.done $0x0  }
0xa2: {  	[sflag:s22] =	ssyncadd.s32 s6;
	_ =	sdelay $0x1  }
0xa3: {  	s23 =	simm.s32 $0x1B8B  }
0xa4: {  	_ =	swait.ge [sflag:s23], $0x1  }
0xa5: {  	[sflag:s23] =	ssyncset.done $0x0  }
0xa6: {  	s25 =	simm.s32 $0x1B8E;
	s24 =	sld [smem:$0x3FFE];
	[sflag:s23] =	ssyncadd.s32 $0xFFFFFFFF  }
0xa7: {  	s26 =	simm.s32 $execute0_lowered;
	[smem:$0x3FD2] =	sst s25  }
0xa8: {  	s7 =	sshll.u32 s26, $0x1;
	_ =	strace $0x80000046;
	[dreg:$0x1] =	wrdreg $0xFFFFFFFF  }
0xa9: {  	s28 =	simm.s32 $_size_execute0_lowered;
	s5 =	sadd.s32 s5, s7;
	[dreg:$0x0] =	wrdreg $0x0  }
0xaa: {  	s7 =	sshll.u32 s28, $0x1;
	[dreg:$0x2] =	wrdreg s5  }
0xab: {  	[dreg:$0x3] =	wrdreg s7  }
0xac: {  	[dreg:$0x4] =	wrdreg $0xC0  }
0xad: {  	_ =	task [dreg:s9], $0x5FFFF  }
0xae: {  	[dreg:$0x1] =	wrdreg $0xFFFFFFFF  }
0xaf: {  	[dreg:$0x0] =	wrdreg $0x60  }
0xb0: {  	[dreg:$0x2] =	wrdreg s24  }
0xb1: {  	[dreg:$0x3] =	wrdreg s2  }
0xb2: {  	[dreg:$0x4] =	wrdreg s18  }
0xb3: {  	[dreg:$0x5] =	wrdreg s4  }
0xb4: {  	[dreg:$0x6] =	wrdreg $0x0  }
0xb5: {  	[dreg:$0x7] =	wrdreg $0x9  }
0xb6: {  	_ =	task.clear_ibuf [dreg:s9], $0x8FFFF;
	_ =	strace $0x90000046  }
0xb7: {  	s29 =	simm.s32 $0x9;
	_ =	strace $0x80000048  }
0xb8: {  	_ =	swait.ge [sflag:s29], $0x1  }
0xb9: {  	[sflag:s29] =	ssyncadd.s32 $0xFFFFFFFF  }
0xba: {  	_ =	strace $0x90000048  }
0xbb: {  	_ =	sfence  }
0xbc: {  	s30 =	sld [smem:$0x0];
	_ =	sdelay $0x2  }
0xbd: {  	s31 =	sshll.u32 s1, $0xD;
	s1 =	sshrl.u32 s1, $0x2  }
0xbe: {  	s3 =	sand.u32 $0x4000, s31;
	s1 =	sadd.s32 s1, s30  }
0xbf: {  	s0 =	sor.u32 s3, s0;
	s1 =	sshll.u32 s1, $0x11  }
0xc0: {  	s0 =	sor.u32 s1, s0  }
0xc1: {  	s0 =	sadd.s32 $0x8F2B, s0  }
0xc2: {  	[sflag:s0] =	ssyncadd.remote.s32 $0x1  }
0xc3: {  	_ =	sfence.sel $0xFFFF  }
0xc4: {  	[dreg:$0x0] =	wrdreg $0xFFFFFFFF;
	(pc) =	sbr.abs _section_cstart, $3  }
0xc5: {  	[dreg:$0x1] =	wrdreg $0xFFFFFFFF  }
0xc6: {  	_ =	task.clear_ibuf [dreg:s9], $0x2FFFF;
	_ =	strace $0x9FFFFFFF  }
0xc7: {  	(tm) =	ssettm $0x7FFFFFFF  }
tec
execute0_lowered:
.L_overlay_start_1:
0x0: {  	(tag) =	ssettag $0x1  }
0x1: {  	s0 =	rddreg [dreg:$0x0]  }
0x2: {  	s1 =	rddreg [dreg:$0x1]  }
0x3: {  	s2 =	rddreg [dreg:$0x2];
	s12 =	stileid.u32  }
0x4: {  	s4 =	srdreg.scid;
	s3 =	rddreg [dreg:$0x4];
	s19 =	simm.s32 $0x0  }
0x5: {  	s14 =	simm.s32 $0x5;
	s16 =	simm.s32 $0x30;
	s17 =	simm.s32 $0x80  }
0x6: {  	s18 =	simm.s32 $0x12600;
	s28 =	simm.s32 $0x3;
	s29 =	simm.s32 $0x2  }
0x7: {  	s30 =	simm.s32 $0x1E800;
	s31 =	simm.s32 $0x18600;
	s5 =	sand.u32 $0x1, s4  }
0x8: {  	s6 =	smul.u32 $0x12600, s12;
	[smem:$0x7FF] =	sst s19;
	s8 =	sshll.u32 s12, $0xD  }
0x9: {  	s21 =	sshll.u32 s12, $0x6;
	s11 =	sor.u32 $0x61A8, s12;
	s26 =	sor.u32 $0x10, s12  }
0xa: {  	s19 =	simm.s32 $0x1E600;
	p0 =	sgt.u32 s12, $0x4;
	s7 =	smul.u32 $0x126000, s5  }
0xb: {  	_ =	strace $0x80000047;
	s9 =	ssub.s32 $0x2, s5;
	s8 =	sadd.s32 s8, s0  }
0xc: {  	s5 =	smul.u32 $0x61A8, s5;
	s13 =	sor.u32 $0x1C05, s21;
	[dreg:$0xc] =	wrdreg s26  }
0xd: {  	s26 =	simm.s32 $0x16E00;
	v1 =	vmov s11;
	s11 =	simm.s32 $0x1CE00;
	s20 =	sshrl.u32 s9, $0x1  }
0xe: {  	s22 =	sadd.s32 $0xC00, s8;
	s25 =	sadd.s32 $0x40C00, s8;
	s8 =	simm.s32 $0x1B600  }
0xf: {  	[dreg:$0x6] =	wrdreg s13;
	s7 =	sadd.s32 s6, s7;
	s10 =	ssub.s32 s9, s20  }
0x10: {  	s6 =	sadd.s32 s6, s3;
	[dreg:$0x7] =	wrdreg s22;
	s9 =	sadd.s32 s2, s21  }
0x11: {  	[dreg:$0xb] =	wrdreg s25;
	s20 =	simm.s32 $0x1;
	s22 =	simm.s32 $0x13E00  }
0x12: {  	s25 =	simm.s32 $0x1E780;
	s2 =	simm.s32 $0x1E900;
	v0 =	vmov s5;
	s5 =	simm.s32 $0x0  }
0x13: {  	s7 =	sshrl.u32 s7, $0x3;
	s24 =	smax.u32 s10, $0x1;
	s6 =	sshrl.u32 s6, $0x3  }
.Ltmp0:
0x14: {  	s10 =	simm.s32 $0x1E980;
	s0 =	sadd.s32 s7, s0;
	(pc) =	sbr.rel .LBB2_1-.Ltmp0, $4  }
0x15: {  	s7 =	sadd.s32 s1, s21;
	[dreg:$0xa] =	wrdreg s24;
	s21 =	simm.s32 $0x1E680  }
0x16: {  	s24 =	simm.s32 $0x15600;
	[dreg:$0xd] =	wrdreg s6;
	s23 =	sadd.s32 $0x186AC00, s0  }
0x17: {  	s1 =	simm.s32 $0x1E880;
	s0 =	sadd.s32 $0x18B4400, s0;
	[dreg:$0x8] =	wrdreg s23  }
0x18: {  	[dreg:$0x9] =	wrdreg s0;
	s23 =	simm.s32 $0x1E700;
	s0 =	simm.s32 $0x19E00  }
.LBB2_13:
0x19: {  	s4 =	simm.s32 @!p0 $0x4  }
0x1a: {  	_ =	swait.ge @!p0 [sflag:s4], $0x1800  }
0x1b: {  	[sflag:s4] =	ssyncset.done @!p0 $0x0  }
0x1c: {  	[sflag:s4] =	ssyncadd.s32 @!p0 $0xFFFFE800  }
0x1d: {  	_ =	swait.ge @!p0 [sflag:s4], $0x1800  }
0x1e: {  	[sflag:s4] =	ssyncset.done @!p0 $0x0  }
0x1f: {  	[sflag:s4] =	ssyncadd.s32 @!p0 $0xFFFFE800  }
0x20: {  	_ =	swait.ge @!p0 [sflag:s4], $0x1800  }
0x21: {  	[sflag:s4] =	ssyncset.done @!p0 $0x0  }
0x22: {  	[sflag:s4] =	ssyncadd.s32 @!p0 $0xFFFFE800  }
0x23: {  	_ =	swait.ge @!p0 [sflag:s4], $0x1800  }
0x24: {  	[sflag:s4] =	ssyncset.done @!p0 $0x0  }
0x25: {  	[sflag:s4] =	ssyncadd.s32 @!p0 $0xFFFFE800  }
0x26: {  	[bflag:$0x0] =	sbarrier.arrive $0xFFFF  }
0x27: {  	s13 =	rddreg [dreg:$0x6]  }
0x28: {  	s14 =	rddreg [dreg:$0x9]  }
0x29: {  	s6 =	rddreg [dreg:$0xd]  }
0x2a: {  	[hbm:s14], [sflag:s13] =	dma.local [spmem:s6], $0x24C0  }
0x2b: {  	s14 =	simm.s32 $0x5  }
0x2c: {  	_ =	swait.ge [sflag:s14], $0x24C0  }
0x2d: {  	s5 =	rddreg [dreg:$0xe]  }
0x2e: {  	s15 =	rddreg [dreg:$0xa];
	s5 =	sadd.s32 $0x1, s5  }
0x2f: {  	p1 =	sne.s32 s5, s15  }
.Ltmp1:
0x30: {  	_ = 	snop;
	(pc) =	sbr.rel @!p1 .LBB2_14-.Ltmp1, $3  }
0x31: {  	_ =	sdelay $0x1  }
0x32: {  	[sflag:s14] =	ssyncset.done $0x0  }
0x33: {  	[sflag:s14] =	ssyncadd.s32 $0xFFFFDB40  }
.LBB2_1:
0x34: {  	[dreg:$0xe] =	wrdreg s5  }
0x35: {  	s4 =	rddreg [dreg:$0x3]  }
0x36: {  	[spmem:s6], [sflag:s13] =	dma.local [hbm:s4], $0x24C0  }
0x37: {  	_ =	swait.ge [sflag:s14], $0x24C0  }
0x38: {  	[sflag:s14] =	ssyncset.done $0x0  }
0x39: {  	[sflag:s14] =	ssyncadd.s32 $0xFFFFDB40  }
0x3a: {  	[bflag:$0x0] =	sbarrier.arrive $0xFFFF  }
.Ltmp2:
0x3b: {  	s14 =	rddreg [dreg:$0x7];
	(pc) =	sbr.rel .LBB2_2-.Ltmp2, $4  }
0x3c: {  	s12 =	rddreg [dreg:$0xc]  }
0x3d: {  	[tilespmem:s18], [sflag:$0x1] =	stream.strided.gather [hbm4b:s14+s16], $0x6000, s17, s16, $0x38;
	[tilespmem:$0x1EA00] =	vst v63  }
0x3e: {  	s15 =	simm.s32 $0x0;
	s5 =	simm.s32 $0x0;
	s13 =	rddreg [dreg:$0xb]  }
0x3f: {  	[tilespmem:s19], [sflag:$0x1] =	stream.linear.gather [hbm4b:s7+s15], $0x200, $0x38;
	[tilespmem:$0x1EA00] =	vst v63  }
.LBB2_3:
0x40: {  	[tilespmem:s18], [sflag:$0x1] =	stream.strided.gather [hbm4b:s13+s16], $0x6000, s17, s16, $0x38;
	[tilespmem:$0x1EA00] =	vst v63  }
0x41: {  	s4 =	sadd.s32 s5, s7  }
0x42: {  	s6 =	simm.s32 $0x0;
	s4 =	sadd.s32 $0x800, s4  }
0x43: {  	[tilespmem:s19], [sflag:$0x1] =	stream.linear.gather [hbm4b:s4+s6], $0x200, $0x38;
	[tilespmem:$0x1EA00] =	vst v63  }
.LBB2_5:
0x44: {  	_ =	swait.ge [sflag:s29], $0x6000  }
0x45: {  	[sflag:s29] =	ssyncset.done $0x0  }
0x46: {  	[sflag:s29] =	ssyncadd.s32 $0xFFFFA000  }
0x47: {  	_ =	swait.ge [sflag:s29], $0x200  }
0x48: {  	[sflag:s29] =	ssyncset.done $0x0  }
0x49: {  	[sflag:s29] =	ssyncadd.s32 $0xFFFFFE00  }
0x4a: {  	v2 =	vld [tilespmem:$0x1E800]  }
0x4b: {  	v3 =	vld [tilespmem:$0x1E810]  }
0x4c: {  	v4 =	vld [tilespmem:$0x1E820]  }
0x4d: {  	v5 =	vld [tilespmem:$0x1E830]  }
0x4e: {  	v6 =	vld [tilespmem:$0x1E840]  }
0x4f: {  	v7 =	vld [tilespmem:$0x1E850];
	v2 =	vsub.s32 v2, v0  }
0x50: {  	v8 =	vld [tilespmem:$0x1E860];
	v3 =	vsub.s32 v3, v0;
	vm0 =	vlt.u32 v2, $0x61A8  }
0x51: {  	v9 =	vld [tilespmem:$0x1E870];
	v4 =	vsub.s32 v4, v0;
	vm9 =	vlt.u32 v3, $0x61A8;
	v2 =	vsel vm0, v2, v1  }
0x52: {  	v26 =	vld [tilespmem:$0x1E880];
	vm10 =	vlt.u32 v4, $0x61A8;
	[tilespmem:$0x1E800] =	vst v2;
	v2 =	vsel vm9, v3, v1;
	v3 =	vsub.s32 v5, v0  }
0x53: {  	v28 =	vld [tilespmem:$0x1E890];
	v27 =	vsub.s32 v6, v0;
	[tilespmem:$0x1E810] =	vst v2;
	v2 =	vsel vm10, v4, v1;
	vm11 =	vlt.u32 v3, $0x61A8  }
0x54: {  	v29 =	vld [tilespmem:$0x1E8A0];
	vm12 =	vlt.u32 v27, $0x61A8;
	[tilespmem:$0x1E820] =	vst v2;
	v2 =	vsel vm11, v3, v1;
	v3 =	vsub.s32 v7, v0  }
0x55: {  	v31 =	vld [tilespmem:$0x1E8B0];
	v30 =	vsub.s32 v8, v0;
	[tilespmem:$0x1E830] =	vst v2;
	v2 =	vsel vm12, v27, v1;
	vm13 =	vlt.u32 v3, $0x61A8  }
0x56: {  	v32 =	vld [tilespmem:$0x1E8C0];
	vm14 =	vlt.u32 v30, $0x61A8;
	[tilespmem:$0x1E840] =	vst v2;
	v2 =	vsel vm13, v3, v1;
	v3 =	vsub.s32 v9, v0  }
0x57: {  	v34 =	vld [tilespmem:$0x1E8D0];
	v33 =	vsub.s32 v26, v0;
	[tilespmem:$0x1E850] =	vst v2;
	v2 =	vsel vm14, v30, v1;
	vm15 =	vlt.u32 v3, $0x61A8  }
0x58: {  	v35 =	vld [tilespmem:$0x1E8E0];
	vm4 =	vlt.u32 v33, $0x61A8;
	[tilespmem:$0x1E860] =	vst v2;
	v2 =	vsel vm15, v3, v1;
	v3 =	vsub.s32 v28, v0  }
0x59: {  	v37 =	vld [tilespmem:$0x1E8F0];
	v36 =	vsub.s32 v29, v0;
	[tilespmem:$0x1E870] =	vst v2;
	v2 =	vsel vm4, v33, v1;
	vm5 =	vlt.u32 v3, $0x61A8  }
0x5a: {  	v38 =	vld [tilespmem:$0x1E900];
	vm6 =	vlt.u32 v36, $0x61A8;
	[tilespmem:$0x1E880] =	vst v2;
	v2 =	vsel vm5, v3, v1;
	v3 =	vsub.s32 v31, v0  }
0x5b: {  	v40 =	vld [tilespmem:$0x1E910];
	v39 =	vsub.s32 v32, v0;
	[tilespmem:$0x1E890] =	vst v2;
	v2 =	vsel vm6, v36, v1;
	vm7 =	vlt.u32 v3, $0x61A8  }
0x5c: {  	v41 =	vld [tilespmem:$0x1E920];
	vm8 =	vlt.u32 v39, $0x61A8;
	[tilespmem:$0x1E8A0] =	vst v2;
	v2 =	vsel vm7, v3, v1;
	v3 =	vsub.s32 v34, v0  }
0x5d: {  	v43 =	vld [tilespmem:$0x1E930];
	v42 =	vsub.s32 v35, v0;
	[tilespmem:$0x1E8B0] =	vst v2;
	v2 =	vsel vm8, v39, v1;
	vm9 =	vlt.u32 v3, $0x61A8  }
0x5e: {  	v44 =	vld [tilespmem:$0x1E940];
	vm10 =	vlt.u32 v42, $0x61A8;
	[tilespmem:$0x1E8C0] =	vst v2;
	v2 =	vsel vm9, v3, v1;
	v3 =	vsub.s32 v37, v0  }
0x5f: {  	v46 =	vld [tilespmem:$0x1E950];
	v45 =	vsub.s32 v38, v0;
	[tilespmem:$0x1E8D0] =	vst v2;
	v2 =	vsel vm10, v42, v1;
	vm11 =	vlt.u32 v3, $0x61A8  }
0x60: {  	v47 =	vld [tilespmem:$0x1E960];
	vm12 =	vlt.u32 v45, $0x61A8;
	[tilespmem:$0x1E8E0] =	vst v2;
	v2 =	vsel vm11, v3, v1;
	v3 =	vsub.s32 v40, v0  }
0x61: {  	v49 =	vld [tilespmem:$0x1E970];
	v48 =	vsub.s32 v41, v0;
	[tilespmem:$0x1E8F0] =	vst v2;
	v2 =	vsel vm12, v45, v1;
	vm13 =	vlt.u32 v3, $0x61A8  }
0x62: {  	v50 =	vld [tilespmem:$0x1E980];
	vm14 =	vlt.u32 v48, $0x61A8;
	[tilespmem:$0x1E900] =	vst v2;
	v2 =	vsel vm13, v3, v1;
	v3 =	vsub.s32 v43, v0  }
0x63: {  	v52 =	vld [tilespmem:$0x1E990];
	v51 =	vsub.s32 v44, v0;
	[tilespmem:$0x1E910] =	vst v2;
	v2 =	vsel vm14, v48, v1;
	vm15 =	vlt.u32 v3, $0x61A8  }
0x64: {  	v53 =	vld [tilespmem:$0x1E9A0];
	vm4 =	vlt.u32 v51, $0x61A8;
	[tilespmem:$0x1E920] =	vst v2;
	v2 =	vsel vm15, v3, v1;
	v3 =	vsub.s32 v46, v0  }
0x65: {  	v55 =	vld [tilespmem:$0x1E9B0];
	v54 =	vsub.s32 v47, v0;
	[tilespmem:$0x1E930] =	vst v2;
	v2 =	vsel vm4, v51, v1;
	vm5 =	vlt.u32 v3, $0x61A8  }
0x66: {  	v56 =	vld [tilespmem:$0x1E9C0];
	vm6 =	vlt.u32 v54, $0x61A8;
	[tilespmem:$0x1E940] =	vst v2;
	v2 =	vsel vm5, v3, v1;
	v3 =	vsub.s32 v49, v0  }
0x67: {  	v58 =	vld [tilespmem:$0x1E9D0];
	v57 =	vsub.s32 v50, v0;
	[tilespmem:$0x1E950] =	vst v2;
	v2 =	vsel vm6, v54, v1;
	vm7 =	vlt.u32 v3, $0x61A8  }
0x68: {  	v59 =	vld [tilespmem:$0x1E9E0];
	vm8 =	vlt.u32 v57, $0x61A8;
	[tilespmem:$0x1E960] =	vst v2;
	v2 =	vsel vm7, v3, v1;
	v3 =	vsub.s32 v52, v0  }
0x69: {  	v61 =	vld [tilespmem:$0x1E9F0];
	v60 =	vsub.s32 v53, v0;
	[tilespmem:$0x1E970] =	vst v2;
	v2 =	vsel vm8, v57, v1;
	vm9 =	vlt.u32 v3, $0x61A8  }
0x6a: {  	vm10 =	vlt.u32 v60, $0x61A8;
	[tilespmem:$0x1E980] =	vst v2;
	v2 =	vsel vm9, v3, v1;
	v3 =	vsub.s32 v55, v0  }
0x6b: {  	v62 =	vsub.s32 v56, v0;
	[tilespmem:$0x1E990] =	vst v2;
	v2 =	vsel vm10, v60, v1;
	vm11 =	vlt.u32 v3, $0x61A8  }
0x6c: {  	vm12 =	vlt.u32 v62, $0x61A8;
	[tilespmem:$0x1E9A0] =	vst v2;
	v2 =	vsel vm11, v3, v1;
	v3 =	vsub.s32 v58, v0  }
0x6d: {  	v63 =	vsub.s32 v59, v0;
	[tilespmem:$0x1E9B0] =	vst v2;
	v2 =	vsel vm12, v62, v1;
	vm13 =	vlt.u32 v3, $0x61A8  }
0x6e: {  	vm14 =	vlt.u32 v63, $0x61A8;
	[tilespmem:$0x1E9C0] =	vst v2;
	v2 =	vsel vm13, v3, v1;
	v3 =	vsub.s32 v61, v0  }
0x6f: {  	[tilespmem:$0x1E9D0] =	vst v2;
	v2 =	vsel vm14, v63, v1;
	vm15 =	vlt.u32 v3, $0x61A8  }
0x70: {  	[tilespmem:$0x1E9E0] =	vst v2;
	v2 =	vsel vm15, v3, v1  }
0x71: {  	[tilespmem:$0x1E9F0] =	vst v2  }
0x72: {  	[spmem:s3] =	stream.indirect.scatter.add.f32 [tilespmem:s31], [sflag:$0x4], $0x30, s30, s17, $0xb8;
	[tilespmem:$0x1EA00] =	vst v63  }
0x73: {  	_ = 	snop  }
0x74: {  	[spmem:s3] =	stream.indirect.scatter.add.f32 [tilespmem:s0], [sflag:$0x4], $0x30, s1, s17, $0xb8;
	[tilespmem:$0x1EA00] =	vst v63  }
0x75: {  	_ = 	snop  }
0x76: {  	[spmem:s3] =	stream.indirect.scatter.add.f32 [tilespmem:s8], [sflag:$0x4], $0x30, s2, s17, $0xb8;
	[tilespmem:$0x1EA00] =	vst v63  }
0x77: {  	_ = 	snop  }
0x78: {  	[spmem:s3] =	stream.indirect.scatter.add.f32 [tilespmem:s11], [sflag:$0x4], $0x30, s10, s17, $0xb8;
	[tilespmem:$0x1EA00] =	vst v63  }
.LBB2_6:
0x79: {  	s5 =	sadd.s32 $0x800, s5  }
0x7a: {  	p1 =	sne.s32 s5, $0x31000  }
.Ltmp3:
0x7b: {  	_ = 	snop;
	(pc) =	sbr.rel @!p1 .LBB2_7-.Ltmp3, $2  }
0x7c: {  	_ =	sdelay $0x2  }
0x7d: {  	s13 =	sadd.s32 $0x40000, s13;
	s12 =	sadd.s32 $0x20, s12  }
.LBB2_2:
0x7e: {  	s14 =	sadd.s32 $0xFFFFFFE0, s12  }
0x7f: {  	p2 =	sgt.u32 s14, $0xC34  }
0x80: {  	s14 =	simm.s32 @!p2 $0x4  }
0x81: {  	_ =	swait.ge @!p2 [sflag:s14], $0x1800  }
0x82: {  	[sflag:s14] =	ssyncset.done @!p2 $0x0  }
0x83: {  	[sflag:s14] =	ssyncadd.s32 @!p2 $0xFFFFE800  }
0x84: {  	_ =	swait.ge @!p2 [sflag:s14], $0x1800  }
0x85: {  	[sflag:s14] =	ssyncset.done @!p2 $0x0  }
0x86: {  	[sflag:s14] =	ssyncadd.s32 @!p2 $0xFFFFE800  }
0x87: {  	_ =	swait.ge @!p2 [sflag:s14], $0x1800  }
0x88: {  	[sflag:s14] =	ssyncset.done @!p2 $0x0  }
0x89: {  	[sflag:s14] =	ssyncadd.s32 @!p2 $0xFFFFE800  }
0x8a: {  	p1 =	sgt.u32 s12, $0xC34;
	_ =	swait.ge @!p2 [sflag:s14], $0x1800  }
0x8b: {  	s15 =	simm.s32 @!p1 $0x30;
	s6 =	simm.s32 @!p1 $0x80;
	[sflag:s14] =	ssyncset.done @!p2 $0x0  }
0x8c: {  	s4 =	simm.s32 @!p1 $0x18600;
	[sflag:s14] =	ssyncadd.s32 @!p2 $0xFFFFE800;
	s14 =	sadd.s32 @!p1 $0xFFFE0000, s13  }
0x8d: {  	[tilespmem:s4], [sflag:$0x2] =	stream.strided.gather @!p1 [hbm4b:s14+s15], $0x6000, s6, s15, $0x38;
	[tilespmem:$0x1EA00] =	vst v63  }
0x8e: {  	s4 =	sadd.s32 @!p1 s5, s7  }
0x8f: {  	s6 =	simm.s32 @!p1 $0x0;
	s14 =	simm.s32 @!p1 $0x1E800;
	s4 =	sadd.s32 @!p1 $0x400, s4  }
0x90: {  	[tilespmem:s14], [sflag:$0x2] =	stream.linear.gather @!p1 [hbm4b:s4+s6], $0x200, $0x38;
	[tilespmem:$0x1EA00] =	vst v63  }
0x91: {  	_ =	swait.ge [sflag:s20], $0x6000  }
0x92: {  	[sflag:s20] =	ssyncset.done $0x0  }
0x93: {  	[sflag:s20] =	ssyncadd.s32 $0xFFFFA000  }
0x94: {  	_ =	swait.ge [sflag:s20], $0x200  }
0x95: {  	[sflag:s20] =	ssyncset.done $0x0  }
0x96: {  	[sflag:s20] =	ssyncadd.s32 $0xFFFFFE00  }
0x97: {  	v2 =	vld [tilespmem:$0x1E600]  }
0x98: {  	v3 =	vld [tilespmem:$0x1E610]  }
0x99: {  	v4 =	vld [tilespmem:$0x1E620]  }
0x9a: {  	v5 =	vld [tilespmem:$0x1E630]  }
0x9b: {  	v6 =	vld [tilespmem:$0x1E640]  }
0x9c: {  	v7 =	vld [tilespmem:$0x1E650];
	v2 =	vsub.s32 v2, v0  }
0x9d: {  	v8 =	vld [tilespmem:$0x1E660];
	v3 =	vsub.s32 v3, v0;
	vm0 =	vlt.u32 v2, $0x61A8  }
0x9e: {  	v9 =	vld [tilespmem:$0x1E670];
	v4 =	vsub.s32 v4, v0;
	vm9 =	vlt.u32 v3, $0x61A8;
	v2 =	vsel vm0, v2, v1  }
0x9f: {  	v26 =	vld [tilespmem:$0x1E680];
	vm10 =	vlt.u32 v4, $0x61A8;
	[tilespmem:$0x1E600] =	vst v2;
	v2 =	vsel vm9, v3, v1;
	v3 =	vsub.s32 v5, v0  }
0xa0: {  	v28 =	vld [tilespmem:$0x1E690];
	v27 =	vsub.s32 v6, v0;
	[tilespmem:$0x1E610] =	vst v2;
	v2 =	vsel vm10, v4, v1;
	vm11 =	vlt.u32 v3, $0x61A8  }
0xa1: {  	v29 =	vld [tilespmem:$0x1E6A0];
	vm12 =	vlt.u32 v27, $0x61A8;
	[tilespmem:$0x1E620] =	vst v2;
	v2 =	vsel vm11, v3, v1;
	v3 =	vsub.s32 v7, v0  }
0xa2: {  	v31 =	vld [tilespmem:$0x1E6B0];
	v30 =	vsub.s32 v8, v0;
	[tilespmem:$0x1E630] =	vst v2;
	v2 =	vsel vm12, v27, v1;
	vm13 =	vlt.u32 v3, $0x61A8  }
0xa3: {  	v32 =	vld [tilespmem:$0x1E6C0];
	vm14 =	vlt.u32 v30, $0x61A8;
	[tilespmem:$0x1E640] =	vst v2;
	v2 =	vsel vm13, v3, v1;
	v3 =	vsub.s32 v9, v0  }
0xa4: {  	v34 =	vld [tilespmem:$0x1E6D0];
	v33 =	vsub.s32 v26, v0;
	[tilespmem:$0x1E650] =	vst v2;
	v2 =	vsel vm14, v30, v1;
	vm15 =	vlt.u32 v3, $0x61A8  }
0xa5: {  	v35 =	vld [tilespmem:$0x1E6E0];
	vm4 =	vlt.u32 v33, $0x61A8;
	[tilespmem:$0x1E660] =	vst v2;
	v2 =	vsel vm15, v3, v1;
	v3 =	vsub.s32 v28, v0  }
0xa6: {  	v37 =	vld [tilespmem:$0x1E6F0];
	v36 =	vsub.s32 v29, v0;
	[tilespmem:$0x1E670] =	vst v2;
	v2 =	vsel vm4, v33, v1;
	vm5 =	vlt.u32 v3, $0x61A8  }
0xa7: {  	v38 =	vld [tilespmem:$0x1E700];
	vm6 =	vlt.u32 v36, $0x61A8;
	[tilespmem:$0x1E680] =	vst v2;
	v2 =	vsel vm5, v3, v1;
	v3 =	vsub.s32 v31, v0  }
0xa8: {  	v40 =	vld [tilespmem:$0x1E710];
	v39 =	vsub.s32 v32, v0;
	[tilespmem:$0x1E690] =	vst v2;
	v2 =	vsel vm6, v36, v1;
	vm7 =	vlt.u32 v3, $0x61A8  }
0xa9: {  	v41 =	vld [tilespmem:$0x1E720];
	vm8 =	vlt.u32 v39, $0x61A8;
	[tilespmem:$0x1E6A0] =	vst v2;
	v2 =	vsel vm7, v3, v1;
	v3 =	vsub.s32 v34, v0  }
0xaa: {  	v43 =	vld [tilespmem:$0x1E730];
	v42 =	vsub.s32 v35, v0;
	[tilespmem:$0x1E6B0] =	vst v2;
	v2 =	vsel vm8, v39, v1;
	vm9 =	vlt.u32 v3, $0x61A8  }
0xab: {  	v44 =	vld [tilespmem:$0x1E740];
	vm10 =	vlt.u32 v42, $0x61A8;
	[tilespmem:$0x1E6C0] =	vst v2;
	v2 =	vsel vm9, v3, v1;
	v3 =	vsub.s32 v37, v0  }
0xac: {  	v46 =	vld [tilespmem:$0x1E750];
	v45 =	vsub.s32 v38, v0;
	[tilespmem:$0x1E6D0] =	vst v2;
	v2 =	vsel vm10, v42, v1;
	vm11 =	vlt.u32 v3, $0x61A8  }
0xad: {  	v47 =	vld [tilespmem:$0x1E760];
	vm12 =	vlt.u32 v45, $0x61A8;
	[tilespmem:$0x1E6E0] =	vst v2;
	v2 =	vsel vm11, v3, v1;
	v3 =	vsub.s32 v40, v0  }
0xae: {  	v49 =	vld [tilespmem:$0x1E770];
	v48 =	vsub.s32 v41, v0;
	[tilespmem:$0x1E6F0] =	vst v2;
	v2 =	vsel vm12, v45, v1;
	vm13 =	vlt.u32 v3, $0x61A8  }
0xaf: {  	v50 =	vld [tilespmem:$0x1E780];
	vm14 =	vlt.u32 v48, $0x61A8;
	[tilespmem:$0x1E700] =	vst v2;
	v2 =	vsel vm13, v3, v1;
	v3 =	vsub.s32 v43, v0  }
0xb0: {  	v52 =	vld [tilespmem:$0x1E790];
	v51 =	vsub.s32 v44, v0;
	[tilespmem:$0x1E710] =	vst v2;
	v2 =	vsel vm14, v48, v1;
	vm15 =	vlt.u32 v3, $0x61A8  }
0xb1: {  	v53 =	vld [tilespmem:$0x1E7A0];
	vm4 =	vlt.u32 v51, $0x61A8;
	[tilespmem:$0x1E720] =	vst v2;
	v2 =	vsel vm15, v3, v1;
	v3 =	vsub.s32 v46, v0  }
0xb2: {  	v55 =	vld [tilespmem:$0x1E7B0];
	v54 =	vsub.s32 v47, v0;
	[tilespmem:$0x1E730] =	vst v2;
	v2 =	vsel vm4, v51, v1;
	vm5 =	vlt.u32 v3, $0x61A8  }
0xb3: {  	v56 =	vld [tilespmem:$0x1E7C0];
	vm6 =	vlt.u32 v54, $0x61A8;
	[tilespmem:$0x1E740] =	vst v2;
	v2 =	vsel vm5, v3, v1;
	v3 =	vsub.s32 v49, v0  }
0xb4: {  	v58 =	vld [tilespmem:$0x1E7D0];
	v57 =	vsub.s32 v50, v0;
	[tilespmem:$0x1E750] =	vst v2;
	v2 =	vsel vm6, v54, v1;
	vm7 =	vlt.u32 v3, $0x61A8  }
0xb5: {  	v59 =	vld [tilespmem:$0x1E7E0];
	vm8 =	vlt.u32 v57, $0x61A8;
	[tilespmem:$0x1E760] =	vst v2;
	v2 =	vsel vm7, v3, v1;
	v3 =	vsub.s32 v52, v0  }
0xb6: {  	v61 =	vld [tilespmem:$0x1E7F0];
	v60 =	vsub.s32 v53, v0;
	[tilespmem:$0x1E770] =	vst v2;
	v2 =	vsel vm8, v57, v1;
	vm9 =	vlt.u32 v3, $0x61A8  }
0xb7: {  	vm10 =	vlt.u32 v60, $0x61A8;
	[tilespmem:$0x1E780] =	vst v2;
	v2 =	vsel vm9, v3, v1;
	v3 =	vsub.s32 v55, v0  }
0xb8: {  	v62 =	vsub.s32 v56, v0;
	[tilespmem:$0x1E790] =	vst v2;
	v2 =	vsel vm10, v60, v1;
	vm11 =	vlt.u32 v3, $0x61A8  }
0xb9: {  	vm12 =	vlt.u32 v62, $0x61A8;
	[tilespmem:$0x1E7A0] =	vst v2;
	v2 =	vsel vm11, v3, v1;
	v3 =	vsub.s32 v58, v0  }
0xba: {  	v63 =	vsub.s32 v59, v0;
	[tilespmem:$0x1E7B0] =	vst v2;
	v2 =	vsel vm12, v62, v1;
	vm13 =	vlt.u32 v3, $0x61A8  }
0xbb: {  	vm14 =	vlt.u32 v63, $0x61A8;
	[tilespmem:$0x1E7C0] =	vst v2;
	v2 =	vsel vm13, v3, v1;
	v3 =	vsub.s32 v61, v0  }
0xbc: {  	[tilespmem:$0x1E7D0] =	vst v2;
	v2 =	vsel vm14, v63, v1;
	vm15 =	vlt.u32 v3, $0x61A8  }
0xbd: {  	[tilespmem:$0x1E7E0] =	vst v2;
	v2 =	vsel vm15, v3, v1  }
0xbe: {  	[tilespmem:$0x1E7F0] =	vst v2  }
0xbf: {  	[spmem:s3] =	stream.indirect.scatter.add.f32 [tilespmem:s18], [sflag:$0x3], $0x30, s19, s17, $0xb8;
	[tilespmem:$0x1EA00] =	vst v63  }
0xc0: {  	_ = 	snop  }
0xc1: {  	[spmem:s3] =	stream.indirect.scatter.add.f32 [tilespmem:s22], [sflag:$0x3], $0x30, s21, s17, $0xb8;
	[tilespmem:$0x1EA00] =	vst v63  }
0xc2: {  	_ = 	snop  }
0xc3: {  	[spmem:s3] =	stream.indirect.scatter.add.f32 [tilespmem:s24], [sflag:$0x3], $0x30, s23, s17, $0xb8;
	[tilespmem:$0x1EA00] =	vst v63  }
0xc4: {  	_ = 	snop  }
0xc5: {  	[spmem:s3] =	stream.indirect.scatter.add.f32 [tilespmem:s26], [sflag:$0x3], $0x30, s25, s17, $0xb8;
	[tilespmem:$0x1EA00] =	vst v63  }
0xc6: {  	_ =	swait.ge [sflag:s28], $0x1800  }
0xc7: {  	[sflag:s28] =	ssyncset.done $0x0  }
0xc8: {  	[sflag:s28] =	ssyncadd.s32 $0xFFFFE800  }
0xc9: {  	_ =	swait.ge [sflag:s28], $0x1800  }
0xca: {  	[sflag:s28] =	ssyncset.done $0x0  }
0xcb: {  	[sflag:s28] =	ssyncadd.s32 $0xFFFFE800  }
0xcc: {  	p2 =	sgt.u32 s12, $0xC24;
	_ =	swait.ge [sflag:s28], $0x1800  }
.Ltmp4:
0xcd: {  	[sflag:s28] =	ssyncset.done $0x0;
	(pc) =	sbr.rel @!p2 .LBB2_3-.Ltmp4, $4  }
0xce: {  	[sflag:s28] =	ssyncadd.s32 $0xFFFFE800  }
0xcf: {  	_ =	swait.ge [sflag:s28], $0x1800  }
0xd0: {  	[sflag:s28] =	ssyncset.done $0x0  }
0xd1: {  	[sflag:s28] =	ssyncadd.s32 $0xFFFFE800  }
.Ltmp5:
0xd2: {  	(pc) =	sbr.rel @p1 .LBB2_6-.Ltmp5, $4  }
.Ltmp6:
0xd3: {  	(pc) =	sbr.rel @!p1 .LBB2_5-.Ltmp6, $4  }
0xd4: {  	_ = 	snop  }
0xd5: {  	_ = 	snop  }
0xd6: {  	_ = 	snop  }
0xd7: {  	_ = 	snop  }
.LBB2_7:
0xd8: {  	s4 =	simm.s32 @!p0 $0x4  }
0xd9: {  	_ =	swait.ge @!p0 [sflag:s4], $0x1800  }
0xda: {  	[sflag:s4] =	ssyncset.done @!p0 $0x0  }
0xdb: {  	[sflag:s4] =	ssyncadd.s32 @!p0 $0xFFFFE800  }
0xdc: {  	_ =	swait.ge @!p0 [sflag:s4], $0x1800  }
0xdd: {  	[sflag:s4] =	ssyncset.done @!p0 $0x0  }
0xde: {  	[sflag:s4] =	ssyncadd.s32 @!p0 $0xFFFFE800  }
0xdf: {  	_ =	swait.ge @!p0 [sflag:s4], $0x1800  }
0xe0: {  	[sflag:s4] =	ssyncset.done @!p0 $0x0  }
0xe1: {  	[sflag:s4] =	ssyncadd.s32 @!p0 $0xFFFFE800  }
0xe2: {  	_ =	swait.ge @!p0 [sflag:s4], $0x1800  }
0xe3: {  	[sflag:s4] =	ssyncset.done @!p0 $0x0  }
0xe4: {  	[sflag:s4] =	ssyncadd.s32 @!p0 $0xFFFFE800  }
0xe5: {  	[bflag:$0x0] =	sbarrier.arrive $0xFFFF  }
0xe6: {  	s5 =	rddreg [dreg:$0x6]  }
0xe7: {  	s13 =	rddreg [dreg:$0x8]  }
0xe8: {  	s12 =	simm.s32 $0x5;
	s6 =	rddreg [dreg:$0xd]  }
0xe9: {  	[hbm:s13], [sflag:s5] =	dma.local [spmem:s6], $0x24C0  }
0xea: {  	_ =	swait.ge [sflag:s12], $0x24C0  }
0xeb: {  	[sflag:s12] =	ssyncset.done $0x0  }
0xec: {  	[sflag:s12] =	ssyncadd.s32 $0xFFFFDB40  }
0xed: {  	s14 =	rddreg [dreg:$0x3]  }
0xee: {  	[spmem:s6], [sflag:s5] =	dma.local [hbm:s14], $0x24C0  }
0xef: {  	_ =	swait.ge [sflag:s12], $0x24C0  }
0xf0: {  	[sflag:s12] =	ssyncset.done $0x0  }
0xf1: {  	[sflag:s12] =	ssyncadd.s32 $0xFFFFDB40  }
0xf2: {  	[bflag:$0x0] =	sbarrier.arrive $0xFFFF  }
.Ltmp7:
0xf3: {  	s15 =	rddreg [dreg:$0x7];
	(pc) =	sbr.rel .LBB2_8-.Ltmp7, $4  }
0xf4: {  	s13 =	rddreg [dreg:$0xc]  }
0xf5: {  	[tilespmem:s18], [sflag:$0x1] =	stream.strided.gather [hbm4b:s15+s16], $0x6000, s17, s16, $0x38;
	[tilespmem:$0x1EA00] =	vst v63  }
0xf6: {  	s12 =	simm.s32 $0x0;
	s5 =	rddreg [dreg:$0xb]  }
0xf7: {  	[tilespmem:s19], [sflag:$0x1] =	stream.linear.gather [hbm4b:s9+s12], $0x200, $0x38;
	[tilespmem:$0x1EA00] =	vst v63  }
.LBB2_9:
0xf8: {  	[tilespmem:s18], [sflag:$0x1] =	stream.strided.gather [hbm4b:s5+s16], $0x6000, s17, s16, $0x38;
	[tilespmem:$0x1EA00] =	vst v63  }
0xf9: {  	s4 =	sadd.s32 s12, s9  }
0xfa: {  	s6 =	simm.s32 $0x0;
	s4 =	sadd.s32 $0x800, s4  }
0xfb: {  	[tilespmem:s19], [sflag:$0x1] =	stream.linear.gather [hbm4b:s4+s6], $0x200, $0x38;
	[tilespmem:$0x1EA00] =	vst v63  }
.LBB2_11:
0xfc: {  	_ =	swait.ge [sflag:s29], $0x6000  }
0xfd: {  	[sflag:s29] =	ssyncset.done $0x0  }
0xfe: {  	[sflag:s29] =	ssyncadd.s32 $0xFFFFA000  }
0xff: {  	_ =	swait.ge [sflag:s29], $0x200  }
0x100: {  	[sflag:s29] =	ssyncset.done $0x0  }
0x101: {  	[sflag:s29] =	ssyncadd.s32 $0xFFFFFE00  }
0x102: {  	v2 =	vld [tilespmem:$0x1E800]  }
0x103: {  	v3 =	vld [tilespmem:$0x1E810]  }
0x104: {  	v4 =	vld [tilespmem:$0x1E820]  }
0x105: {  	v5 =	vld [tilespmem:$0x1E830]  }
0x106: {  	v6 =	vld [tilespmem:$0x1E840]  }
0x107: {  	v7 =	vld [tilespmem:$0x1E850];
	v2 =	vsub.s32 v2, v0  }
0x108: {  	v8 =	vld [tilespmem:$0x1E860];
	v3 =	vsub.s32 v3, v0;
	vm0 =	vlt.u32 v2, $0x61A8  }
0x109: {  	v9 =	vld [tilespmem:$0x1E870];
	v4 =	vsub.s32 v4, v0;
	vm9 =	vlt.u32 v3, $0x61A8;
	v2 =	vsel vm0, v2, v1  }
0x10a: {  	v26 =	vld [tilespmem:$0x1E880];
	vm10 =	vlt.u32 v4, $0x61A8;
	[tilespmem:$0x1E800] =	vst v2;
	v2 =	vsel vm9, v3, v1;
	v3 =	vsub.s32 v5, v0  }
0x10b: {  	v28 =	vld [tilespmem:$0x1E890];
	v27 =	vsub.s32 v6, v0;
	[tilespmem:$0x1E810] =	vst v2;
	v2 =	vsel vm10, v4, v1;
	vm11 =	vlt.u32 v3, $0x61A8  }
0x10c: {  	v29 =	vld [tilespmem:$0x1E8A0];
	vm12 =	vlt.u32 v27, $0x61A8;
	[tilespmem:$0x1E820] =	vst v2;
	v2 =	vsel vm11, v3, v1;
	v3 =	vsub.s32 v7, v0  }
0x10d: {  	v31 =	vld [tilespmem:$0x1E8B0];
	v30 =	vsub.s32 v8, v0;
	[tilespmem:$0x1E830] =	vst v2;
	v2 =	vsel vm12, v27, v1;
	vm13 =	vlt.u32 v3, $0x61A8  }
0x10e: {  	v32 =	vld [tilespmem:$0x1E8C0];
	vm14 =	vlt.u32 v30, $0x61A8;
	[tilespmem:$0x1E840] =	vst v2;
	v2 =	vsel vm13, v3, v1;
	v3 =	vsub.s32 v9, v0  }
0x10f: {  	v34 =	vld [tilespmem:$0x1E8D0];
	v33 =	vsub.s32 v26, v0;
	[tilespmem:$0x1E850] =	vst v2;
	v2 =	vsel vm14, v30, v1;
	vm15 =	vlt.u32 v3, $0x61A8  }
0x110: {  	v35 =	vld [tilespmem:$0x1E8E0];
	vm4 =	vlt.u32 v33, $0x61A8;
	[tilespmem:$0x1E860] =	vst v2;
	v2 =	vsel vm15, v3, v1;
	v3 =	vsub.s32 v28, v0  }
0x111: {  	v37 =	vld [tilespmem:$0x1E8F0];
	v36 =	vsub.s32 v29, v0;
	[tilespmem:$0x1E870] =	vst v2;
	v2 =	vsel vm4, v33, v1;
	vm5 =	vlt.u32 v3, $0x61A8  }
0x112: {  	v38 =	vld [tilespmem:$0x1E900];
	vm6 =	vlt.u32 v36, $0x61A8;
	[tilespmem:$0x1E880] =	vst v2;
	v2 =	vsel vm5, v3, v1;
	v3 =	vsub.s32 v31, v0  }
0x113: {  	v40 =	vld [tilespmem:$0x1E910];
	v39 =	vsub.s32 v32, v0;
	[tilespmem:$0x1E890] =	vst v2;
	v2 =	vsel vm6, v36, v1;
	vm7 =	vlt.u32 v3, $0x61A8  }
0x114: {  	v41 =	vld [tilespmem:$0x1E920];
	vm8 =	vlt.u32 v39, $0x61A8;
	[tilespmem:$0x1E8A0] =	vst v2;
	v2 =	vsel vm7, v3, v1;
	v3 =	vsub.s32 v34, v0  }
0x115: {  	v43 =	vld [tilespmem:$0x1E930];
	v42 =	vsub.s32 v35, v0;
	[tilespmem:$0x1E8B0] =	vst v2;
	v2 =	vsel vm8, v39, v1;
	vm9 =	vlt.u32 v3, $0x61A8  }
0x116: {  	v44 =	vld [tilespmem:$0x1E940];
	vm10 =	vlt.u32 v42, $0x61A8;
	[tilespmem:$0x1E8C0] =	vst v2;
	v2 =	vsel vm9, v3, v1;
	v3 =	vsub.s32 v37, v0  }
0x117: {  	v46 =	vld [tilespmem:$0x1E950];
	v45 =	vsub.s32 v38, v0;
	[tilespmem:$0x1E8D0] =	vst v2;
	v2 =	vsel vm10, v42, v1;
	vm11 =	vlt.u32 v3, $0x61A8  }
0x118: {  	v47 =	vld [tilespmem:$0x1E960];
	vm12 =	vlt.u32 v45, $0x61A8;
	[tilespmem:$0x1E8E0] =	vst v2;
	v2 =	vsel vm11, v3, v1;
	v3 =	vsub.s32 v40, v0  }
0x119: {  	v49 =	vld [tilespmem:$0x1E970];
	v48 =	vsub.s32 v41, v0;
	[tilespmem:$0x1E8F0] =	vst v2;
	v2 =	vsel vm12, v45, v1;
	vm13 =	vlt.u32 v3, $0x61A8  }
0x11a: {  	v50 =	vld [tilespmem:$0x1E980];
	vm14 =	vlt.u32 v48, $0x61A8;
	[tilespmem:$0x1E900] =	vst v2;
	v2 =	vsel vm13, v3, v1;
	v3 =	vsub.s32 v43, v0  }
0x11b: {  	v52 =	vld [tilespmem:$0x1E990];
	v51 =	vsub.s32 v44, v0;
	[tilespmem:$0x1E910] =	vst v2;
	v2 =	vsel vm14, v48, v1;
	vm15 =	vlt.u32 v3, $0x61A8  }
0x11c: {  	v53 =	vld [tilespmem:$0x1E9A0];
	vm4 =	vlt.u32 v51, $0x61A8;
	[tilespmem:$0x1E920] =	vst v2;
	v2 =	vsel vm15, v3, v1;
	v3 =	vsub.s32 v46, v0  }
0x11d: {  	v55 =	vld [tilespmem:$0x1E9B0];
	v54 =	vsub.s32 v47, v0;
	[tilespmem:$0x1E930] =	vst v2;
	v2 =	vsel vm4, v51, v1;
	vm5 =	vlt.u32 v3, $0x61A8  }
0x11e: {  	v56 =	vld [tilespmem:$0x1E9C0];
	vm6 =	vlt.u32 v54, $0x61A8;
	[tilespmem:$0x1E940] =	vst v2;
	v2 =	vsel vm5, v3, v1;
	v3 =	vsub.s32 v49, v0  }
0x11f: {  	v58 =	vld [tilespmem:$0x1E9D0];
	v57 =	vsub.s32 v50, v0;
	[tilespmem:$0x1E950] =	vst v2;
	v2 =	vsel vm6, v54, v1;
	vm7 =	vlt.u32 v3, $0x61A8  }
0x120: {  	v59 =	vld [tilespmem:$0x1E9E0];
	vm8 =	vlt.u32 v57, $0x61A8;
	[tilespmem:$0x1E960] =	vst v2;
	v2 =	vsel vm7, v3, v1;
	v3 =	vsub.s32 v52, v0  }
0x121: {  	v61 =	vld [tilespmem:$0x1E9F0];
	v60 =	vsub.s32 v53, v0;
	[tilespmem:$0x1E970] =	vst v2;
	v2 =	vsel vm8, v57, v1;
	vm9 =	vlt.u32 v3, $0x61A8  }
0x122: {  	vm10 =	vlt.u32 v60, $0x61A8;
	[tilespmem:$0x1E980] =	vst v2;
	v2 =	vsel vm9, v3, v1;
	v3 =	vsub.s32 v55, v0  }
0x123: {  	v62 =	vsub.s32 v56, v0;
	[tilespmem:$0x1E990] =	vst v2;
	v2 =	vsel vm10, v60, v1;
	vm11 =	vlt.u32 v3, $0x61A8  }
0x124: {  	vm12 =	vlt.u32 v62, $0x61A8;
	[tilespmem:$0x1E9A0] =	vst v2;
	v2 =	vsel vm11, v3, v1;
	v3 =	vsub.s32 v58, v0  }
0x125: {  	v63 =	vsub.s32 v59, v0;
	[tilespmem:$0x1E9B0] =	vst v2;
	v2 =	vsel vm12, v62, v1;
	vm13 =	vlt.u32 v3, $0x61A8  }
0x126: {  	vm14 =	vlt.u32 v63, $0x61A8;
	[tilespmem:$0x1E9C0] =	vst v2;
	v2 =	vsel vm13, v3, v1;
	v3 =	vsub.s32 v61, v0  }
0x127: {  	[tilespmem:$0x1E9D0] =	vst v2;
	v2 =	vsel vm14, v63, v1;
	vm15 =	vlt.u32 v3, $0x61A8  }
0x128: {  	[tilespmem:$0x1E9E0] =	vst v2;
	v2 =	vsel vm15, v3, v1  }
0x129: {  	[tilespmem:$0x1E9F0] =	vst v2  }
0x12a: {  	[spmem:s3] =	stream.indirect.scatter.add.f32 [tilespmem:s31], [sflag:$0x4], $0x30, s30, s17, $0xb8;
	[tilespmem:$0x1EA00] =	vst v63  }
0x12b: {  	_ = 	snop  }
0x12c: {  	[spmem:s3] =	stream.indirect.scatter.add.f32 [tilespmem:s0], [sflag:$0x4], $0x30, s1, s17, $0xb8;
	[tilespmem:$0x1EA00] =	vst v63  }
0x12d: {  	_ = 	snop  }
0x12e: {  	[spmem:s3] =	stream.indirect.scatter.add.f32 [tilespmem:s8], [sflag:$0x4], $0x30, s2, s17, $0xb8;
	[tilespmem:$0x1EA00] =	vst v63  }
0x12f: {  	_ = 	snop  }
0x130: {  	[spmem:s3] =	stream.indirect.scatter.add.f32 [tilespmem:s11], [sflag:$0x4], $0x30, s10, s17, $0xb8;
	[tilespmem:$0x1EA00] =	vst v63  }
.LBB2_12:
0x131: {  	s12 =	sadd.s32 $0x800, s12  }
0x132: {  	p1 =	sne.s32 s12, $0x31000  }
.Ltmp8:
0x133: {  	_ = 	snop;
	(pc) =	sbr.rel @!p1 .LBB2_13-.Ltmp8, $2  }
0x134: {  	_ =	sdelay $0x2  }
0x135: {  	s5 =	sadd.s32 $0x40000, s5;
	s13 =	sadd.s32 $0x20, s13  }
.LBB2_8:
0x136: {  	s4 =	sadd.s32 $0xFFFFFFE0, s13  }
0x137: {  	p2 =	sgt.u32 s4, $0xC34  }
0x138: {  	s4 =	simm.s32 @!p2 $0x4  }
0x139: {  	_ =	swait.ge @!p2 [sflag:s4], $0x1800  }
0x13a: {  	[sflag:s4] =	ssyncset.done @!p2 $0x0  }
0x13b: {  	[sflag:s4] =	ssyncadd.s32 @!p2 $0xFFFFE800  }
0x13c: {  	_ =	swait.ge @!p2 [sflag:s4], $0x1800  }
0x13d: {  	[sflag:s4] =	ssyncset.done @!p2 $0x0  }
0x13e: {  	[sflag:s4] =	ssyncadd.s32 @!p2 $0xFFFFE800  }
0x13f: {  	_ =	swait.ge @!p2 [sflag:s4], $0x1800  }
0x140: {  	[sflag:s4] =	ssyncset.done @!p2 $0x0  }
0x141: {  	[sflag:s4] =	ssyncadd.s32 @!p2 $0xFFFFE800  }
0x142: {  	p1 =	sgt.u32 s13, $0xC34;
	_ =	swait.ge @!p2 [sflag:s4], $0x1800  }
0x143: {  	s6 =	simm.s32 @!p1 $0x30;
	s14 =	simm.s32 @!p1 $0x80;
	[sflag:s4] =	ssyncset.done @!p2 $0x0  }
0x144: {  	s15 =	simm.s32 @!p1 $0x18600;
	[sflag:s4] =	ssyncadd.s32 @!p2 $0xFFFFE800;
	s4 =	sadd.s32 @!p1 $0xFFFE0000, s5  }
0x145: {  	[tilespmem:s15], [sflag:$0x2] =	stream.strided.gather @!p1 [hbm4b:s4+s6], $0x6000, s14, s6, $0x38;
	[tilespmem:$0x1EA00] =	vst v63  }
0x146: {  	s4 =	sadd.s32 @!p1 s12, s9  }
0x147: {  	s6 =	simm.s32 @!p1 $0x0;
	s14 =	simm.s32 @!p1 $0x1E800;
	s4 =	sadd.s32 @!p1 $0x400, s4  }
0x148: {  	[tilespmem:s14], [sflag:$0x2] =	stream.linear.gather @!p1 [hbm4b:s4+s6], $0x200, $0x38;
	[tilespmem:$0x1EA00] =	vst v63  }
0x149: {  	_ =	swait.ge [sflag:s20], $0x6000  }
0x14a: {  	[sflag:s20] =	ssyncset.done $0x0  }
0x14b: {  	[sflag:s20] =	ssyncadd.s32 $0xFFFFA000  }
0x14c: {  	_ =	swait.ge [sflag:s20], $0x200  }
0x14d: {  	[sflag:s20] =	ssyncset.done $0x0  }
0x14e: {  	[sflag:s20] =	ssyncadd.s32 $0xFFFFFE00  }
0x14f: {  	v2 =	vld [tilespmem:$0x1E600]  }
0x150: {  	v3 =	vld [tilespmem:$0x1E610]  }
0x151: {  	v4 =	vld [tilespmem:$0x1E620]  }
0x152: {  	v5 =	vld [tilespmem:$0x1E630]  }
0x153: {  	v6 =	vld [tilespmem:$0x1E640]  }
0x154: {  	v7 =	vld [tilespmem:$0x1E650];
	v2 =	vsub.s32 v2, v0  }
0x155: {  	v8 =	vld [tilespmem:$0x1E660];
	v3 =	vsub.s32 v3, v0;
	vm0 =	vlt.u32 v2, $0x61A8  }
0x156: {  	v9 =	vld [tilespmem:$0x1E670];
	v4 =	vsub.s32 v4, v0;
	vm9 =	vlt.u32 v3, $0x61A8;
	v2 =	vsel vm0, v2, v1  }
0x157: {  	v26 =	vld [tilespmem:$0x1E680];
	vm10 =	vlt.u32 v4, $0x61A8;
	[tilespmem:$0x1E600] =	vst v2;
	v2 =	vsel vm9, v3, v1;
	v3 =	vsub.s32 v5, v0  }
0x158: {  	v28 =	vld [tilespmem:$0x1E690];
	v27 =	vsub.s32 v6, v0;
	[tilespmem:$0x1E610] =	vst v2;
	v2 =	vsel vm10, v4, v1;
	vm11 =	vlt.u32 v3, $0x61A8  }
0x159: {  	v29 =	vld [tilespmem:$0x1E6A0];
	vm12 =	vlt.u32 v27, $0x61A8;
	[tilespmem:$0x1E620] =	vst v2;
	v2 =	vsel vm11, v3, v1;
	v3 =	vsub.s32 v7, v0  }
0x15a: {  	v31 =	vld [tilespmem:$0x1E6B0];
	v30 =	vsub.s32 v8, v0;
	[tilespmem:$0x1E630] =	vst v2;
	v2 =	vsel vm12, v27, v1;
	vm13 =	vlt.u32 v3, $0x61A8  }
0x15b: {  	v32 =	vld [tilespmem:$0x1E6C0];
	vm14 =	vlt.u32 v30, $0x61A8;
	[tilespmem:$0x1E640] =	vst v2;
	v2 =	vsel vm13, v3, v1;
	v3 =	vsub.s32 v9, v0  }
0x15c: {  	v34 =	vld [tilespmem:$0x1E6D0];
	v33 =	vsub.s32 v26, v0;
	[tilespmem:$0x1E650] =	vst v2;
	v2 =	vsel vm14, v30, v1;
	vm15 =	vlt.u32 v3, $0x61A8  }
0x15d: {  	v35 =	vld [tilespmem:$0x1E6E0];
	vm4 =	vlt.u32 v33, $0x61A8;
	[tilespmem:$0x1E660] =	vst v2;
	v2 =	vsel vm15, v3, v1;
	v3 =	vsub.s32 v28, v0  }
0x15e: {  	v37 =	vld [tilespmem:$0x1E6F0];
	v36 =	vsub.s32 v29, v0;
	[tilespmem:$0x1E670] =	vst v2;
	v2 =	vsel vm4, v33, v1;
	vm5 =	vlt.u32 v3, $0x61A8  }
0x15f: {  	v38 =	vld [tilespmem:$0x1E700];
	vm6 =	vlt.u32 v36, $0x61A8;
	[tilespmem:$0x1E680] =	vst v2;
	v2 =	vsel vm5, v3, v1;
	v3 =	vsub.s32 v31, v0  }
0x160: {  	v40 =	vld [tilespmem:$0x1E710];
	v39 =	vsub.s32 v32, v0;
	[tilespmem:$0x1E690] =	vst v2;
	v2 =	vsel vm6, v36, v1;
	vm7 =	vlt.u32 v3, $0x61A8  }
0x161: {  	v41 =	vld [tilespmem:$0x1E720];
	vm8 =	vlt.u32 v39, $0x61A8;
	[tilespmem:$0x1E6A0] =	vst v2;
	v2 =	vsel vm7, v3, v1;
	v3 =	vsub.s32 v34, v0  }
0x162: {  	v43 =	vld [tilespmem:$0x1E730];
	v42 =	vsub.s32 v35, v0;
	[tilespmem:$0x1E6B0] =	vst v2;
	v2 =	vsel vm8, v39, v1;
	vm9 =	vlt.u32 v3, $0x61A8  }
0x163: {  	v44 =	vld [tilespmem:$0x1E740];
	vm10 =	vlt.u32 v42, $0x61A8;
	[tilespmem:$0x1E6C0] =	vst v2;
	v2 =	vsel vm9, v3, v1;
	v3 =	vsub.s32 v37, v0  }
0x164: {  	v46 =	vld [tilespmem:$0x1E750];
	v45 =	vsub.s32 v38, v0;
	[tilespmem:$0x1E6D0] =	vst v2;
	v2 =	vsel vm10, v42, v1;
	vm11 =	vlt.u32 v3, $0x61A8  }
0x165: {  	v47 =	vld [tilespmem:$0x1E760];
	vm12 =	vlt.u32 v45, $0x61A8;
	[tilespmem:$0x1E6E0] =	vst v2;
	v2 =	vsel vm11, v3, v1;
	v3 =	vsub.s32 v40, v0  }
0x166: {  	v49 =	vld [tilespmem:$0x1E770];
	v48 =	vsub.s32 v41, v0;
	[tilespmem:$0x1E6F0] =	vst v2;
	v2 =	vsel vm12, v45, v1;
	vm13 =	vlt.u32 v3, $0x61A8  }
0x167: {  	v50 =	vld [tilespmem:$0x1E780];
	vm14 =	vlt.u32 v48, $0x61A8;
	[tilespmem:$0x1E700] =	vst v2;
	v2 =	vsel vm13, v3, v1;
	v3 =	vsub.s32 v43, v0  }
0x168: {  	v52 =	vld [tilespmem:$0x1E790];
	v51 =	vsub.s32 v44, v0;
	[tilespmem:$0x1E710] =	vst v2;
	v2 =	vsel vm14, v48, v1;
	vm15 =	vlt.u32 v3, $0x61A8  }
0x169: {  	v53 =	vld [tilespmem:$0x1E7A0];
	vm4 =	vlt.u32 v51, $0x61A8;
	[tilespmem:$0x1E720] =	vst v2;
	v2 =	vsel vm15, v3, v1;
	v3 =	vsub.s32 v46, v0  }
0x16a: {  	v55 =	vld [tilespmem:$0x1E7B0];
	v54 =	vsub.s32 v47, v0;
	[tilespmem:$0x1E730] =	vst v2;
	v2 =	vsel vm4, v51, v1;
	vm5 =	vlt.u32 v3, $0x61A8  }
0x16b: {  	v56 =	vld [tilespmem:$0x1E7C0];
	vm6 =	vlt.u32 v54, $0x61A8;
	[tilespmem:$0x1E740] =	vst v2;
	v2 =	vsel vm5, v3, v1;
	v3 =	vsub.s32 v49, v0  }
0x16c: {  	v58 =	vld [tilespmem:$0x1E7D0];
	v57 =	vsub.s32 v50, v0;
	[tilespmem:$0x1E750] =	vst v2;
	v2 =	vsel vm6, v54, v1;
	vm7 =	vlt.u32 v3, $0x61A8  }
0x16d: {  	v59 =	vld [tilespmem:$0x1E7E0];
	vm8 =	vlt.u32 v57, $0x61A8;
	[tilespmem:$0x1E760] =	vst v2;
	v2 =	vsel vm7, v3, v1;
	v3 =	vsub.s32 v52, v0  }
0x16e: {  	v61 =	vld [tilespmem:$0x1E7F0];
	v60 =	vsub.s32 v53, v0;
	[tilespmem:$0x1E770] =	vst v2;
	v2 =	vsel vm8, v57, v1;
	vm9 =	vlt.u32 v3, $0x61A8  }
0x16f: {  	vm10 =	vlt.u32 v60, $0x61A8;
	[tilespmem:$0x1E780] =	vst v2;
	v2 =	vsel vm9, v3, v1;
	v3 =	vsub.s32 v55, v0  }
0x170: {  	v62 =	vsub.s32 v56, v0;
	[tilespmem:$0x1E790] =	vst v2;
	v2 =	vsel vm10, v60, v1;
	vm11 =	vlt.u32 v3, $0x61A8  }
0x171: {  	vm12 =	vlt.u32 v62, $0x61A8;
	[tilespmem:$0x1E7A0] =	vst v2;
	v2 =	vsel vm11, v3, v1;
	v3 =	vsub.s32 v58, v0  }
0x172: {  	v63 =	vsub.s32 v59, v0;
	[tilespmem:$0x1E7B0] =	vst v2;
	v2 =	vsel vm12, v62, v1;
	vm13 =	vlt.u32 v3, $0x61A8  }
0x173: {  	vm14 =	vlt.u32 v63, $0x61A8;
	[tilespmem:$0x1E7C0] =	vst v2;
	v2 =	vsel vm13, v3, v1;
	v3 =	vsub.s32 v61, v0  }
0x174: {  	[tilespmem:$0x1E7D0] =	vst v2;
	v2 =	vsel vm14, v63, v1;
	vm15 =	vlt.u32 v3, $0x61A8  }
0x175: {  	[tilespmem:$0x1E7E0] =	vst v2;
	v2 =	vsel vm15, v3, v1  }
0x176: {  	[tilespmem:$0x1E7F0] =	vst v2  }
0x177: {  	[spmem:s3] =	stream.indirect.scatter.add.f32 [tilespmem:s18], [sflag:$0x3], $0x30, s19, s17, $0xb8;
	[tilespmem:$0x1EA00] =	vst v63  }
0x178: {  	_ = 	snop  }
0x179: {  	[spmem:s3] =	stream.indirect.scatter.add.f32 [tilespmem:s22], [sflag:$0x3], $0x30, s21, s17, $0xb8;
	[tilespmem:$0x1EA00] =	vst v63  }
0x17a: {  	_ = 	snop  }
0x17b: {  	[spmem:s3] =	stream.indirect.scatter.add.f32 [tilespmem:s24], [sflag:$0x3], $0x30, s23, s17, $0xb8;
	[tilespmem:$0x1EA00] =	vst v63  }
0x17c: {  	_ = 	snop  }
0x17d: {  	[spmem:s3] =	stream.indirect.scatter.add.f32 [tilespmem:s26], [sflag:$0x3], $0x30, s25, s17, $0xb8;
	[tilespmem:$0x1EA00] =	vst v63  }
0x17e: {  	_ =	swait.ge [sflag:s28], $0x1800  }
0x17f: {  	[sflag:s28] =	ssyncset.done $0x0  }
0x180: {  	[sflag:s28] =	ssyncadd.s32 $0xFFFFE800  }
0x181: {  	_ =	swait.ge [sflag:s28], $0x1800  }
0x182: {  	[sflag:s28] =	ssyncset.done $0x0  }
0x183: {  	[sflag:s28] =	ssyncadd.s32 $0xFFFFE800  }
0x184: {  	p2 =	sgt.u32 s13, $0xC24;
	_ =	swait.ge [sflag:s28], $0x1800  }
.Ltmp9:
0x185: {  	[sflag:s28] =	ssyncset.done $0x0;
	(pc) =	sbr.rel @!p2 .LBB2_9-.Ltmp9, $4  }
0x186: {  	[sflag:s28] =	ssyncadd.s32 $0xFFFFE800  }
0x187: {  	_ =	swait.ge [sflag:s28], $0x1800  }
0x188: {  	[sflag:s28] =	ssyncset.done $0x0  }
0x189: {  	[sflag:s28] =	ssyncadd.s32 $0xFFFFE800  }
.Ltmp10:
0x18a: {  	(pc) =	sbr.rel @p1 .LBB2_12-.Ltmp10, $4  }
.Ltmp11:
0x18b: {  	(pc) =	sbr.rel @!p1 .LBB2_11-.Ltmp11, $4  }
0x18c: {  	_ = 	snop  }
0x18d: {  	_ = 	snop  }
0x18e: {  	_ = 	snop  }
0x18f: {  	_ = 	snop  }
.LBB2_14:
0x190: {  	_ =	sfence.sel $0x180000  }
0x191: {  	[bflag:$0x0] =	sbarrier.arrive $0xFFFF  }
0x192: {  	_ =	strace $0x90000047  }
0x193: {  	s0 =	stileid.u32;
	[bflag:$0x2] =	sbarrier.arrive $0xFFFF  }
0x194: {  	p0 =	sne.s32 s0, $0x0;
	s0 =	rddreg [dreg:$0x5]  }
0x195: {  	s0 =	sadd.s32 @!p0 $0x100000, s0  }
0x196: {  	[sflag:s0] =	ssyncadd.tile.s32 @!p0 $0x1;
	_ =	shalt  }
.Lfunc_end2:
_tile_overlayer_lowered:
.L_overlay_start_2:
0x197: {  	(tag) =	ssettag $0x2  }
0x198: {  	s0 =	rddreg [dreg:$0x0];
	s2 =	stileid.u32  }
0x199: {  	s1 =	rddreg [dreg:$0x1];
	p0 =	sne.s32 s2, $0x0  }
0x19a: {  	s3 =	rddreg [dreg:$0x2];
	[bflag:$0x3] =	sbarrier.arrive $0xFFFF;
	s2 =	simm.s32 @!p0 $0x1C05  }
0x19b: {  	[timem:s3], [sflag:s2] =	dma.local @!p0 [hbm:s0], s1  }
0x19c: {  	s0 =	simm.s32 @!p0 $0x5  }
0x19d: {  	_ =	swait.ge @!p0 [sflag:s0], s1  }
0x19e: {  	s1 =	ssub.s32 @!p0 $0x0, s1;
	[sflag:s0] =	ssyncset.done @!p0 $0x0  }
0x19f: {  	[sflag:s0] =	ssyncadd.s32 @!p0 s1  }
0x1a0: {  	[bflag:$0x3] =	sbarrier.arrive $0xFFFF  }
0x1a1: {  	_ =	shalt  }

</sc_bundles>
